<compile_context>
chip_gen: v7x
topology: tpu7x:2x2x1
jax: 0.10.2.dev20260603
libtpu: 0.0.44.dev20260713+nightly
codegen_flags: <defaults>
</compile_context>

<pallas_src>
import functools

import jax
import jax.numpy as jnp
from jax import lax
from jax.experimental import pallas as pl
from jax.experimental.pallas import tpu as pltpu
from jax.experimental.pallas import tpu_sc as plsc

NW = 32
_PARAMS = pltpu.CompilerParams(
    use_tc_tiling_on_sc=False, needs_layout_passes=False)
_MESH = dict(core_axis_name="c", subcore_axis_name="s")


def _wid():
    return lax.axis_index("s") * 2 + lax.axis_index("c")


def _i16(v):
    return jnp.full((16,), v, jnp.int32)


def _expand_verts(verts_flat, Vp):
    mv = Vp // NW
    mesh = plsc.VectorSubcoreMesh(**_MESH)

    @functools.partial(
        pl.kernel,
        mesh=mesh,
        out_type=jax.ShapeDtypeStruct((Vp, 8), jnp.float32),
        compiler_params=_PARAMS,
        scratch_types=[
            pltpu.VMEM((3 * mv,), jnp.float32),
            pltpu.VMEM((mv, 8), jnp.float32),
        ],
    )
    def expand(vf_hbm, v8_hbm, vin_v, v8_v):
        base = _wid() * mv

        def group(g):
            lanes = g * 16 + lax.iota(jnp.int32, 16)
            for c in range(3):
                val = plsc.load_gather(vin_v, [3 * lanes + _i16(c)])
                plsc.store_scatter(v8_v, [lanes, _i16(c)], val)

        pltpu.sync_copy(vf_hbm.at[pl.ds(3 * base, 3 * mv)], vin_v)
        plsc.parallel_loop(0, mv // 16, unroll=4)(group)
        pltpu.sync_copy(v8_v, v8_hbm.at[pl.ds(base, mv)])

    return expand(verts_flat)


def _build_fv(faces_flat, verts8, Fp):
    mf = Fp // NW
    rows3 = 3 * mf
    hf = mf // 2
    mesh = plsc.VectorSubcoreMesh(**_MESH)

    @functools.partial(
        pl.kernel,
        mesh=mesh,
        out_type=jax.ShapeDtypeStruct((Fp, 16), jnp.float32),
        compiler_params=_PARAMS,
        scratch_types=[
            pltpu.VMEM((rows3,), jnp.int32),
            pltpu.VMEM((rows3, 8), jnp.float32),
            pltpu.VMEM((hf, 16), jnp.float32),
            pltpu.SemaphoreType.DMA,
        ],
    )
    def build(ff_hbm, v8_hbm, fv_hbm, idx_v, rows_v, fv_v, sem):
        base = _wid() * mf
        pltpu.sync_copy(ff_hbm.at[pl.ds(3 * base, rows3)], idx_v)
        pltpu.async_copy(v8_hbm.at[idx_v], rows_v, sem).wait()
        for h in range(2):
            def group(g):
                lanes = g * 16 + lax.iota(jnp.int32, 16)
                rbase = 3 * (h * hf + lanes)
                for j in range(3):
                    for c in range(3):
                        val = plsc.load_gather(rows_v, [rbase + _i16(j), _i16(c)])
                        plsc.store_scatter(fv_v, [lanes, _i16(3 * j + c)], val)
                    ids = plsc.load_gather(idx_v, [rbase + _i16(j)])
                    plsc.store_scatter(fv_v, [lanes, _i16(9 + j)],
                                       plsc.bitcast(ids, jnp.float32))

            plsc.parallel_loop(0, hf // 16, unroll=2)(group)
            pltpu.sync_copy(fv_v, fv_hbm.at[pl.ds(base + h * hf, hf)])

    return build(faces_flat, verts8)


def _shade(pix, bary_lin, fv, N, HW):
    m = 4096
    n_per = N // NW
    mesh = plsc.VectorSubcoreMesh(**_MESH)

    @functools.partial(
        pl.kernel,
        mesh=mesh,
        out_type=(
            jax.ShapeDtypeStruct((4 * N,), jnp.float32),
            jax.ShapeDtypeStruct((3 * N,), jnp.int32),
            jax.ShapeDtypeStruct((3 * N,), jnp.float32),
        ),
        compiler_params=_PARAMS,
        scratch_types=[
            pltpu.VMEM((m,), jnp.int32),
            pltpu.VMEM((m, 16), jnp.float32),
            pltpu.VMEM((3 * m,), jnp.float32),
            pltpu.VMEM((4 * m,), jnp.float32),
            pltpu.VMEM((3 * m,), jnp.int32),
            pltpu.VMEM((3 * m,), jnp.float32),
            pltpu.SemaphoreType.DMA,
            pltpu.SemaphoreType.DMA,
            pltpu.SemaphoreType.DMA,
        ],
    )
    def shade(pix_hbm, bary_hbm, fv_hbm, res_hbm, vfo_hbm, bq_hbm,
              pix_v, fv_v, bary_v, res_v, vf_v, bq_v, semA, semB, osem):
        wbase = _wid() * n_per
        hm = m // 2

        def out_copies(base):
            b_idx = base // HW
            inb = base % HW
            cps = [pltpu.make_async_copy(res_v, res_hbm.at[pl.ds(4 * base, 4 * m)],
                                         osem)]
            for j in range(3):
                dst = (3 * b_idx + j) * HW + inb
                cps.append(pltpu.make_async_copy(
                    vf_v.at[pl.ds(j * m, m)], vfo_hbm.at[pl.ds(dst, m)], osem))
                cps.append(pltpu.make_async_copy(
                    bq_v.at[pl.ds(j * m, m)], bq_hbm.at[pl.ds(dst, m)], osem))
            return cps

        def chunk(i, _):
            base = wbase + i * m
            pltpu.sync_copy(pix_hbm.at[pl.ds(base, m)], pix_v)
            pltpu.async_copy(fv_hbm.at[pix_v.at[pl.ds(0, hm)]],
                             fv_v.at[pl.ds(0, hm)], semA)
            pltpu.async_copy(fv_hbm.at[pix_v.at[pl.ds(hm, hm)]],
                             fv_v.at[pl.ds(hm, hm)], semB)
            pltpu.sync_copy(bary_hbm.at[pl.ds(3 * base, 3 * m)], bary_v)

            @pl.when(i > 0)
            def _drain_prev():
                for cp in out_copies(base - m):
                    cp.wait()

            def group(g):
                s = g * 16
                hh = s // 512
                sw = s % 512
                wt = sw // 128
                w7 = sw % 128
                rows = s + lax.iota(jnp.int32, 16)
                pv = pix_v[pl.ds(s, 16)]
                pl_off = wt * 1024 + hh * 128 + w7
                b = []
                for j in range(3):
                    bj = bary_v[pl.ds(hh * 1536 + j * 512 + sw, 16)]
                    b.append(bj)
                    bq_v[pl.ds(j * 4096 + pl_off, 16)] = bj
                for c in range(3):
                    acc = b[0] * plsc.load_gather(fv_v, [rows, _i16(c)])
                    for j in (1, 2):
                        acc = acc + b[j] * plsc.load_gather(
                            fv_v, [rows, _i16(3 * j + c)])
                    res_v[pl.ds(hh * 2048 + wt * 512 + c * 128 + w7, 16)] = acc
                alpha = jnp.where(pv != -1, 1.0, 0.0).astype(jnp.float32)
                res_v[pl.ds(hh * 2048 + wt * 512 + 3 * 128 + w7, 16)] = alpha
                for j in range(3):
                    ids = plsc.bitcast(
                        plsc.load_gather(fv_v, [rows, _i16(9 + j)]), jnp.int32)
                    vf_v[pl.ds(j * 4096 + pl_off, 16)] = ids

            pltpu.make_async_copy(
                fv_hbm.at[pix_v.at[pl.ds(0, hm)]],
                fv_v.at[pl.ds(0, hm)], semA).wait()
            plsc.parallel_loop(0, hm // 16, unroll=4)(group)
            pltpu.make_async_copy(
                fv_hbm.at[pix_v.at[pl.ds(hm, hm)]],
                fv_v.at[pl.ds(hm, hm)], semB).wait()
            plsc.parallel_loop(hm // 16, m // 16, unroll=4)(group)
            for cp in out_copies(base):
                cp.start()
            return 0

        nchunks = n_per // m
        lax.fori_loop(0, nchunks, chunk, 0)
        for cp in out_copies(wbase + (nchunks - 1) * m):
            cp.wait()

    return shade(pix, bary_lin, fv)


def kernel(pix_to_face, bary_coords, faces, verts):
    B, H, W, _ = pix_to_face.shape
    N = B * H * W
    HW = H * W
    Fn = faces.shape[0]
    Vn = verts.shape[0]

    pix = pix_to_face.reshape(N)
    bary_lin = bary_coords.transpose(0, 1, 4, 3, 2).reshape(3 * N)

    Fp = -(-Fn // (NW * 32)) * (NW * 32)
    Vp = -(-Vn // (NW * 32)) * (NW * 32)
    faces_flat = jnp.pad(faces, ((0, Fp - Fn), (0, 0))).reshape(3 * Fp)
    verts_flat = jnp.pad(verts, ((0, Vp - Vn), (0, 0))).reshape(3 * Vp)

    verts8 = _expand_verts(verts_flat, Vp)
    fv = _build_fv(faces_flat, verts8, Fp)
    res, vf, bq = _shade(pix, bary_lin, fv, N, HW)

    results = (res.reshape(B, H, 4, 4, 128)
               .transpose(0, 1, 2, 4, 3).reshape(B, H, W, 4))
    def unplanar(x):
        return (x.reshape(B, 3, H // 8, W // 128, 8, 128)
                .transpose(0, 2, 4, 3, 5, 1).reshape(B, H, W, 3))

    return (results, unplanar(vf), unplanar(bq))

# --- scband reference (transcript-rebuilt; emitter-appended) ---
"""Pipeline reference for scband-vertex-position-shader-16003048145100 (READ-ONLY COPY).

The authoritative reference and input builder live on the scoring server;
editing this copy changes nothing except your own understanding.
"""

import jax, jax.numpy as jnp
import numpy as np


def setup_inputs(seed: int = 0) -> dict:
    key = jax.random.key(seed)
    k1, k2, k3, k4 = jax.random.split(key, 4)
    B, H, W = 4, 512, 512
    F, V = 100000, 50000
    pix_to_face = jax.random.randint(k1, (B, H, W, 1), 0, F, dtype=jnp.int64) if jax.config.jax_enable_x64 else jax.random.randint(k1, (B, H, W, 1), 0, F).astype(jnp.int32)
    bary_coords = jax.random.uniform(k2, (B, H, W, 1, 3), dtype=jnp.float32)
    faces = jax.random.randint(k3, (F, 3), 0, V).astype(jnp.int32)
    verts = jax.random.normal(k4, (V, 3), dtype=jnp.float32)
    return {"pix_to_face": pix_to_face, "bary_coords": bary_coords, "faces": faces, "verts": verts}


def reference(pix_to_face, bary_coords, faces, verts):
    # Faithful translation of VertexPositionShader.forward
    # pix_to_face: [B,H,W,1] int; bary_coords: [B,H,W,1,3] float
    # faces: [F,3] int (meshes.faces_packed()); verts: [V,3] float (meshes.verts_packed())
    bary = jnp.squeeze(bary_coords, axis=-2)                      # [B,H,W,3]
    alpha = (pix_to_face != -1).astype(jnp.float32)               # [B,H,W,1]
    pix = jnp.squeeze(pix_to_face, axis=-1)                       # [B,H,W]
    vertex_faces = jnp.take(faces, pix, axis=0)                   # gather: [B,H,W,3]
    gathered_verts = jnp.take(verts, vertex_faces, axis=0)        # gather: [B,H,W,3,3]
    vertex_positions = (gathered_verts * bary[..., None]).sum(axis=-2)  # [B,H,W,3]
    results = jnp.concatenate([vertex_positions, alpha], axis=-1)  # [B,H,W,4]
    return (results, vertex_faces, bary)

if __name__ == "__main__":
    import jax
    _d = setup_inputs()
    print(jax.jit(kernel)(*tuple(_d.values())))

</pallas_src>

<mosaic_0001>
#map = affine_map<(d0, d1) -> (0)>
#map1 = affine_map<(d0, d1) -> (0, 0)>
module attributes {stable_mosaic.version = 14 : i64} {
  func.func @expand(%arg0: i32, %arg1: i32, %arg2: memref<150528xf32, #tpu.memory_space<hbm>>, %arg3: memref<50176x8xf32, #tpu.memory_space<hbm>>, %arg4: memref<4704xf32, #tpu.memory_space<vmem>>, %arg5: memref<1568x8xf32, #tpu.memory_space<vmem>>) attributes {dimension_semantics = [#tpu.dimension_semantics<core_parallel>, #tpu.dimension_semantics<subcore_parallel>], iteration_bounds = array<i64: 2, 16>, scalar_prefetch = 0 : i64, scratch_operands = 2 : i64, tpu.core_type = #tpu.core_type<sc_vector_subcore>, window_params = [{transform_indices = #map}, {transform_indices = #map1}]} {
    %mul3A = arith.constant 2 : i32
    %mul3A_0 = arith.muli %arg1, %mul3A : i32
    %add3A = arith.addi %mul3A_0, %arg0 : i32
    %mul3A_1 = arith.constant 1568 : i32
    %mul3A_2 = arith.muli %add3A, %mul3A_1 : i32
    %mul3A_3 = arith.constant 3 : i32
    %mul3A_4 = arith.muli %mul3A_3, %mul3A_2 : i32
    "tpu.region"() ({
      %run_scoped3A = tpu.sem_alloc : memref<!tpu.dma_semaphore, #tpu.memory_space<semaphore_mem>>
      %dma_start3A = tpu.memref_slice %arg2[%mul3A_4] : memref<150528xf32, #tpu.memory_space<hbm>> -> memref<4704xf32, #tpu.memory_space<hbm>>
      %dma_start3A_7 = tpu.memref_slice %arg2[%mul3A_4] : memref<150528xf32, #tpu.memory_space<hbm>> -> memref<4704xf32, #tpu.memory_space<hbm>>
      tpu.enqueue_dma source(%dma_start3A_7 : memref<4704xf32, #tpu.memory_space<hbm>>) target(%arg4 : memref<4704xf32, #tpu.memory_space<vmem>>) target_semaphore(%run_scoped3A : memref<!tpu.dma_semaphore, #tpu.memory_space<semaphore_mem>>)
      %dma_wait3A = tpu.memref_slice %arg2[%mul3A_4] : memref<150528xf32, #tpu.memory_space<hbm>> -> memref<4704xf32, #tpu.memory_space<hbm>>
      %dma_wait3A_8 = tpu.memref_slice %arg2[%mul3A_4] : memref<150528xf32, #tpu.memory_space<hbm>> -> memref<4704xf32, #tpu.memory_space<hbm>>
      tpu.wait_dma2 semaphore(%run_scoped3A : memref<!tpu.dma_semaphore, #tpu.memory_space<semaphore_mem>>) src(%dma_wait3A_8 : memref<4704xf32, #tpu.memory_space<hbm>>) dst(%arg4 : memref<4704xf32, #tpu.memory_space<vmem>>)
      tpu.yield
    }) : () -> ()
    %parallel_loop3A = arith.constant 0 : i32
    %parallel_loop3A_5 = arith.constant 98 : i32
    %parallel_loop3A_6 = arith.constant 1 : i32
    scf.for %parallel_loop3A_7 = %parallel_loop3A to %parallel_loop3A_5 step %parallel_loop3A_6  : i32 {
      %parallel_loop3A_8 = arith.constant 16 : i32
      %parallel_loop3A_9 = arith.muli %parallel_loop3A_7, %parallel_loop3A_8 : i32
      %parallel_loop3A_10 = tpu.iota {dimensions = array<i32: 0>} : vector<16xi32>
      %parallel_loop3A_11 = vector.broadcast %parallel_loop3A_9 : i32 to vector<16xi32>
      %parallel_loop3A_12 = arith.addi %parallel_loop3A_11, %parallel_loop3A_10 : vector<16xi32>
      %parallel_loop3A_13 = arith.constant 3 : i32
      %parallel_loop3A_14 = vector.broadcast %parallel_loop3A_13 : i32 to vector<16xi32>
      %parallel_loop3A_15 = arith.muli %parallel_loop3A_14, %parallel_loop3A_12 : vector<16xi32>
      %parallel_loop3A_16 = arith.constant 0 : i32
      %parallel_loop3A_17 = vector.broadcast %parallel_loop3A_16 : i32 to vector<16xi32>
      %parallel_loop3A_18 = arith.addi %parallel_loop3A_15, %parallel_loop3A_17 : vector<16xi32>
      %parallel_loop3A_19 = tpu.vector_load_idx %arg4[%parallel_loop3A_18] : memref<4704xf32, #tpu.memory_space<vmem>>[vector<16xi32>], vector<16xf32>,
      %parallel_loop3A_20 = arith.constant 0 : i32
      %parallel_loop3A_21 = vector.broadcast %parallel_loop3A_20 : i32 to vector<16xi32>
      tpu.vector_store_idx %arg5[%parallel_loop3A_12, %parallel_loop3A_21], %parallel_loop3A_19 : memref<1568x8xf32, #tpu.memory_space<vmem>>[vector<16xi32>, vector<16xi32>], vector<16xf32>,
      %parallel_loop3A_22 = arith.constant 3 : i32
      %parallel_loop3A_23 = vector.broadcast %parallel_loop3A_22 : i32 to vector<16xi32>
      %parallel_loop3A_24 = arith.muli %parallel_loop3A_23, %parallel_loop3A_12 : vector<16xi32>
      %parallel_loop3A_25 = arith.constant 1 : i32
      %parallel_loop3A_26 = vector.broadcast %parallel_loop3A_25 : i32 to vector<16xi32>
      %parallel_loop3A_27 = arith.addi %parallel_loop3A_24, %parallel_loop3A_26 : vector<16xi32>
      %parallel_loop3A_28 = tpu.vector_load_idx %arg4[%parallel_loop3A_27] : memref<4704xf32, #tpu.memory_space<vmem>>[vector<16xi32>], vector<16xf32>,
      %parallel_loop3A_29 = arith.constant 1 : i32
      %parallel_loop3A_30 = vector.broadcast %parallel_loop3A_29 : i32 to vector<16xi32>
      tpu.vector_store_idx %arg5[%parallel_loop3A_12, %parallel_loop3A_30], %parallel_loop3A_28 : memref<1568x8xf32, #tpu.memory_space<vmem>>[vector<16xi32>, vector<16xi32>], vector<16xf32>,
      %parallel_loop3A_31 = arith.constant 3 : i32
      %parallel_loop3A_32 = vector.broadcast %parallel_loop3A_31 : i32 to vector<16xi32>
      %parallel_loop3A_33 = arith.muli %parallel_loop3A_32, %parallel_loop3A_12 : vector<16xi32>
      %parallel_loop3A_34 = arith.constant 2 : i32
      %parallel_loop3A_35 = vector.broadcast %parallel_loop3A_34 : i32 to vector<16xi32>
      %parallel_loop3A_36 = arith.addi %parallel_loop3A_33, %parallel_loop3A_35 : vector<16xi32>
      %parallel_loop3A_37 = tpu.vector_load_idx %arg4[%parallel_loop3A_36] : memref<4704xf32, #tpu.memory_space<vmem>>[vector<16xi32>], vector<16xf32>,
      %parallel_loop3A_38 = arith.constant 2 : i32
      %parallel_loop3A_39 = vector.broadcast %parallel_loop3A_38 : i32 to vector<16xi32>
      tpu.vector_store_idx %arg5[%parallel_loop3A_12, %parallel_loop3A_39], %parallel_loop3A_37 : memref<1568x8xf32, #tpu.memory_space<vmem>>[vector<16xi32>, vector<16xi32>], vector<16xf32>,
    } {sc.loop_unroll_factor = 4 : i64, sc.parallel_access}
    "tpu.region"() ({
      %run_scoped3A = tpu.sem_alloc : memref<!tpu.dma_semaphore, #tpu.memory_space<semaphore_mem>>
      %dma_start3A = arith.constant 0 : i32
      %dma_start3A_7 = tpu.memref_slice %arg3[%mul3A_2, %dma_start3A] : memref<50176x8xf32, #tpu.memory_space<hbm>> -> memref<1568x8xf32, #tpu.memory_space<hbm>>
      %dma_start3A_8 = arith.constant 0 : i32
      %dma_start3A_9 = tpu.memref_slice %arg3[%mul3A_2, %dma_start3A_8] : memref<50176x8xf32, #tpu.memory_space<hbm>> -> memref<1568x8xf32, #tpu.memory_space<hbm>>
      tpu.enqueue_dma source(%arg5 : memref<1568x8xf32, #tpu.memory_space<vmem>>) target(%dma_start3A_9 : memref<1568x8xf32, #tpu.memory_space<hbm>>) target_semaphore(%run_scoped3A : memref<!tpu.dma_semaphore, #tpu.memory_space<semaphore_mem>>)
      %dma_wait3A = arith.constant 0 : i32
      %dma_wait3A_10 = tpu.memref_slice %arg3[%mul3A_2, %dma_wait3A] : memref<50176x8xf32, #tpu.memory_space<hbm>> -> memref<1568x8xf32, #tpu.memory_space<hbm>>
      %dma_wait3A_11 = arith.constant 0 : i32
      %dma_wait3A_12 = tpu.memref_slice %arg3[%mul3A_2, %dma_wait3A_11] : memref<50176x8xf32, #tpu.memory_space<hbm>> -> memref<1568x8xf32, #tpu.memory_space<hbm>>
      tpu.wait_dma2 semaphore(%run_scoped3A : memref<!tpu.dma_semaphore, #tpu.memory_space<semaphore_mem>>) src(%arg5 : memref<1568x8xf32, #tpu.memory_space<vmem>>) dst(%dma_wait3A_12 : memref<1568x8xf32, #tpu.memory_space<hbm>>)
      tpu.yield
    }) : () -> ()
    return
  }
}

#map = affine_map<(d0, d1) -> (0)>
#map1 = affine_map<(d0, d1) -> (0, 0)>
module attributes {stable_mosaic.version = 14 : i64} {
  func.func @build(%arg0: i32, %arg1: i32, %arg2: memref<301056xi32, #tpu.memory_space<hbm>>, %arg3: memref<50176x8xf32, #tpu.memory_space<hbm>>, %arg4: memref<100352x16xf32, #tpu.memory_space<hbm>>, %arg5: memref<9408xi32, #tpu.memory_space<vmem>>, %arg6: memref<9408x8xf32, #tpu.memory_space<vmem>>, %arg7: memref<1568x16xf32, #tpu.memory_space<vmem>>, %arg8: memref<!tpu.dma_semaphore, #tpu.memory_space<semaphore_mem>>) attributes {dimension_semantics = [#tpu.dimension_semantics<core_parallel>, #tpu.dimension_semantics<subcore_parallel>], iteration_bounds = array<i64: 2, 16>, scalar_prefetch = 0 : i64, scratch_operands = 4 : i64, tpu.core_type = #tpu.core_type<sc_vector_subcore>, window_params = [{transform_indices = #map}, {transform_indices = #map1}, {transform_indices = #map1}]} {
    %mul3A = arith.constant 2 : i32
    %mul3A_0 = arith.muli %arg1, %mul3A : i32
    %add3A = arith.addi %mul3A_0, %arg0 : i32
    %mul3A_1 = arith.constant 3136 : i32
    %mul3A_2 = arith.muli %add3A, %mul3A_1 : i32
    %mul3A_3 = arith.constant 3 : i32
    %mul3A_4 = arith.muli %mul3A_3, %mul3A_2 : i32
    "tpu.region"() ({
      %run_scoped3A = tpu.sem_alloc : memref<!tpu.dma_semaphore, #tpu.memory_space<semaphore_mem>>
      %dma_start3A_18 = tpu.memref_slice %arg2[%mul3A_4] : memref<301056xi32, #tpu.memory_space<hbm>> -> memref<9408xi32, #tpu.memory_space<hbm>>
      %dma_start3A_19 = tpu.memref_slice %arg2[%mul3A_4] : memref<301056xi32, #tpu.memory_space<hbm>> -> memref<9408xi32, #tpu.memory_space<hbm>>
      tpu.enqueue_dma source(%dma_start3A_19 : memref<9408xi32, #tpu.memory_space<hbm>>) target(%arg5 : memref<9408xi32, #tpu.memory_space<vmem>>) target_semaphore(%run_scoped3A : memref<!tpu.dma_semaphore, #tpu.memory_space<semaphore_mem>>)
      %dma_wait3A_20 = tpu.memref_slice %arg2[%mul3A_4] : memref<301056xi32, #tpu.memory_space<hbm>> -> memref<9408xi32, #tpu.memory_space<hbm>>
      %dma_wait3A_21 = tpu.memref_slice %arg2[%mul3A_4] : memref<301056xi32, #tpu.memory_space<hbm>> -> memref<9408xi32, #tpu.memory_space<hbm>>
      tpu.wait_dma2 semaphore(%run_scoped3A : memref<!tpu.dma_semaphore, #tpu.memory_space<semaphore_mem>>) src(%dma_wait3A_21 : memref<9408xi32, #tpu.memory_space<hbm>>) dst(%arg5 : memref<9408xi32, #tpu.memory_space<vmem>>)
      tpu.yield
    }) : () -> ()
    %dma_start3A = arith.constant 0 : i32
    %dma_start3A_5 = arith.constant 0 : i32
    %dma_start3A_6 = tpu.memref_slice %arg3[%dma_start3A, %dma_start3A_5] : memref<50176x8xf32, #tpu.memory_space<hbm>> -> memref<50176x8xf32, #tpu.memory_space<hbm>>
    tpu.enqueue_indirect_dma source(%dma_start3A_6 : memref<50176x8xf32, #tpu.memory_space<hbm>>) target(%arg6 : memref<9408x8xf32, #tpu.memory_space<vmem>>) offsets(%arg5 : memref<9408xi32, #tpu.memory_space<vmem>>) semaphore(%arg8 : memref<!tpu.dma_semaphore, #tpu.memory_space<semaphore_mem>>)
    %dma_wait3A = arith.constant 0 : i32
    %dma_wait3A_7 = arith.constant 0 : i32
    %dma_wait3A_8 = tpu.memref_slice %arg3[%dma_wait3A, %dma_wait3A_7] : memref<50176x8xf32, #tpu.memory_space<hbm>> -> memref<50176x8xf32, #tpu.memory_space<hbm>>
    tpu.wait_indirect_dma semaphore(%arg8 : memref<!tpu.dma_semaphore, #tpu.memory_space<semaphore_mem>>) src(%dma_wait3A_8 : memref<50176x8xf32, #tpu.memory_space<hbm>>) dst(%arg6 : memref<9408x8xf32, #tpu.memory_space<vmem>>)
    %parallel_loop3A = arith.constant 0 : i32
    %parallel_loop3A_9 = arith.constant 98 : i32
    %parallel_loop3A_10 = arith.constant 1 : i32
    scf.for %parallel_loop3A_18 = %parallel_loop3A to %parallel_loop3A_9 step %parallel_loop3A_10  : i32 {
      %parallel_loop3A_19 = arith.constant 16 : i32
      %parallel_loop3A_20 = arith.muli %parallel_loop3A_18, %parallel_loop3A_19 : i32
      %parallel_loop3A_21 = tpu.iota {dimensions = array<i32: 0>} : vector<16xi32>
      %parallel_loop3A_22 = vector.broadcast %parallel_loop3A_20 : i32 to vector<16xi32>
      %parallel_loop3A_23 = arith.addi %parallel_loop3A_22, %parallel_loop3A_21 : vector<16xi32>
      %parallel_loop3A_24 = arith.constant 0 : i32
      %parallel_loop3A_25 = vector.broadcast %parallel_loop3A_24 : i32 to vector<16xi32>
      %parallel_loop3A_26 = arith.addi %parallel_loop3A_25, %parallel_loop3A_23 : vector<16xi32>
      %parallel_loop3A_27 = arith.constant 3 : i32
      %parallel_loop3A_28 = vector.broadcast %parallel_loop3A_27 : i32 to vector<16xi32>
      %parallel_loop3A_29 = arith.muli %parallel_loop3A_28, %parallel_loop3A_26 : vector<16xi32>
      %parallel_loop3A_30 = arith.constant 0 : i32
      %parallel_loop3A_31 = vector.broadcast %parallel_loop3A_30 : i32 to vector<16xi32>
      %parallel_loop3A_32 = arith.addi %parallel_loop3A_29, %parallel_loop3A_31 : vector<16xi32>
      %parallel_loop3A_33 = arith.constant 0 : i32
      %parallel_loop3A_34 = vector.broadcast %parallel_loop3A_33 : i32 to vector<16xi32>
      %parallel_loop3A_35 = tpu.vector_load_idx %arg6[%parallel_loop3A_32, %parallel_loop3A_34] : memref<9408x8xf32, #tpu.memory_space<vmem>>[vector<16xi32>, vector<16xi32>], vector<16xf32>,
      %parallel_loop3A_36 = arith.constant 0 : i32
      %parallel_loop3A_37 = vector.broadcast %parallel_loop3A_36 : i32 to vector<16xi32>
      tpu.vector_store_idx %arg7[%parallel_loop3A_23, %parallel_loop3A_37], %parallel_loop3A_35 : memref<1568x16xf32, #tpu.memory_space<vmem>>[vector<16xi32>, vector<16xi32>], vector<16xf32>,
      %parallel_loop3A_38 = arith.constant 0 : i32
      %parallel_loop3A_39 = vector.broadcast %parallel_loop3A_38 : i32 to vector<16xi32>
      %parallel_loop3A_40 = arith.addi %parallel_loop3A_29, %parallel_loop3A_39 : vector<16xi32>
      %parallel_loop3A_41 = arith.constant 1 : i32
      %parallel_loop3A_42 = vector.broadcast %parallel_loop3A_41 : i32 to vector<16xi32>
      %parallel_loop3A_43 = tpu.vector_load_idx %arg6[%parallel_loop3A_40, %parallel_loop3A_42] : memref<9408x8xf32, #tpu.memory_space<vmem>>[vector<16xi32>, vector<16xi32>], vector<16xf32>,
      %parallel_loop3A_44 = arith.constant 1 : i32
      %parallel_loop3A_45 = vector.broadcast %parallel_loop3A_44 : i32 to vector<16xi32>
      tpu.vector_store_idx %arg7[%parallel_loop3A_23, %parallel_loop3A_45], %parallel_loop3A_43 : memref<1568x16xf32, #tpu.memory_space<vmem>>[vector<16xi32>, vector<16xi32>], vector<16xf32>,
      %parallel_loop3A_46 = arith.constant 0 : i32
      %parallel_loop3A_47 = vector.broadcast %parallel_loop3A_46 : i32 to vector<16xi32>
      %parallel_loop3A_48 = arith.addi %parallel_loop3A_29, %parallel_loop3A_47 : vector<16xi32>
      %parallel_loop3A_49 = arith.constant 2 : i32
      %parallel_loop3A_50 = vector.broadcast %parallel_loop3A_49 : i32 to vector<16xi32>
      %parallel_loop3A_51 = tpu.vector_load_idx %arg6[%parallel_loop3A_48, %parallel_loop3A_50] : memref<9408x8xf32, #tpu.memory_space<vmem>>[vector<16xi32>, vector<16xi32>], vector<16xf32>,
      %parallel_loop3A_52 = arith.constant 2 : i32
      %parallel_loop3A_53 = vector.broadcast %parallel_loop3A_52 : i32 to vector<16xi32>
      tpu.vector_store_idx %arg7[%parallel_loop3A_23, %parallel_loop3A_53], %parallel_loop3A_51 : memref<1568x16xf32, #tpu.memory_space<vmem>>[vector<16xi32>, vector<16xi32>], vector<16xf32>,
      %parallel_loop3A_54 = arith.constant 0 : i32
      %parallel_loop3A_55 = vector.broadcast %parallel_loop3A_54 : i32 to vector<16xi32>
      %parallel_loop3A_56 = arith.addi %parallel_loop3A_29, %parallel_loop3A_55 : vector<16xi32>
      %parallel_loop3A_57 = tpu.vector_load_idx %arg5[%parallel_loop3A_56] : memref<9408xi32, #tpu.memory_space<vmem>>[vector<16xi32>], vector<16xi32>,
      %parallel_loop3A_58 = arith.constant 9 : i32
      %parallel_loop3A_59 = vector.broadcast %parallel_loop3A_58 : i32 to vector<16xi32>
      %parallel_loop3A_60 = vector.bitcast %parallel_loop3A_57 : vector<16xi32> to vector<16xf32>
      tpu.vector_store_idx %arg7[%parallel_loop3A_23, %parallel_loop3A_59], %parallel_loop3A_60 : memref<1568x16xf32, #tpu.memory_space<vmem>>[vector<16xi32>, vector<16xi32>], vector<16xf32>,
      %parallel_loop3A_61 = arith.constant 1 : i32
      %parallel_loop3A_62 = vector.broadcast %parallel_loop3A_61 : i32 to vector<16xi32>
      %parallel_loop3A_63 = arith.addi %parallel_loop3A_29, %parallel_loop3A_62 : vector<16xi32>
      %parallel_loop3A_64 = arith.constant 0 : i32
      %parallel_loop3A_65 = vector.broadcast %parallel_loop3A_64 : i32 to vector<16xi32>
      %parallel_loop3A_66 = tpu.vector_load_idx %arg6[%parallel_loop3A_63, %parallel_loop3A_65] : memref<9408x8xf32, #tpu.memory_space<vmem>>[vector<16xi32>, vector<16xi32>], vector<16xf32>,
      %parallel_loop3A_67 = arith.constant 3 : i32
      %parallel_loop3A_68 = vector.broadcast %parallel_loop3A_67 : i32 to vector<16xi32>
      tpu.vector_store_idx %arg7[%parallel_loop3A_23, %parallel_loop3A_68], %parallel_loop3A_66 : memref<1568x16xf32, #tpu.memory_space<vmem>>[vector<16xi32>, vector<16xi32>], vector<16xf32>,
      %parallel_loop3A_69 = arith.constant 1 : i32
      %parallel_loop3A_70 = vector.broadcast %parallel_loop3A_69 : i32 to vector<16xi32>
      %parallel_loop3A_71 = arith.addi %parallel_loop3A_29, %parallel_loop3A_70 : vector<16xi32>
      %parallel_loop3A_72 = arith.constant 1 : i32
      %parallel_loop3A_73 = vector.broadcast %parallel_loop3A_72 : i32 to vector<16xi32>
      %parallel_loop3A_74 = tpu.vector_load_idx %arg6[%parallel_loop3A_71, %parallel_loop3A_73] : memref<9408x8xf32, #tpu.memory_space<vmem>>[vector<16xi32>, vector<16xi32>], vector<16xf32>,
      %parallel_loop3A_75 = arith.constant 4 : i32
      %parallel_loop3A_76 = vector.broadcast %parallel_loop3A_75 : i32 to vector<16xi32>
      tpu.vector_store_idx %arg7[%parallel_loop3A_23, %parallel_loop3A_76], %parallel_loop3A_74 : memref<1568x16xf32, #tpu.memory_space<vmem>>[vector<16xi32>, vector<16xi32>], vector<16xf32>,
      %parallel_loop3A_77 = arith.constant 1 : i32
      %parallel_loop3A_78 = vector.broadcast %parallel_loop3A_77 : i32 to vector<16xi32>
      %parallel_loop3A_79 = arith.addi %parallel_loop3A_29, %parallel_loop3A_78 : vector<16xi32>
      %parallel_loop3A_80 = arith.constant 2 : i32
      %parallel_loop3A_81 = vector.broadcast %parallel_loop3A_80 : i32 to vector<16xi32>
      %parallel_loop3A_82 = tpu.vector_load_idx %arg6[%parallel_loop3A_79, %parallel_loop3A_81] : memref<9408x8xf32, #tpu.memory_space<vmem>>[vector<16xi32>, vector<16xi32>], vector<16xf32>,
      %parallel_loop3A_83 = arith.constant 5 : i32
      %parallel_loop3A_84 = vector.broadcast %parallel_loop3A_83 : i32 to vector<16xi32>
      tpu.vector_store_idx %arg7[%parallel_loop3A_23, %parallel_loop3A_84], %parallel_loop3A_82 : memref<1568x16xf32, #tpu.memory_space<vmem>>[vector<16xi32>, vector<16xi32>], vector<16xf32>,
      %parallel_loop3A_85 = arith.constant 1 : i32
      %parallel_loop3A_86 = vector.broadcast %parallel_loop3A_85 : i32 to vector<16xi32>
      %parallel_loop3A_87 = arith.addi %parallel_loop3A_29, %parallel_loop3A_86 : vector<16xi32>
      %parallel_loop3A_88 = tpu.vector_load_idx %arg5[%parallel_loop3A_87] : memref<9408xi32, #tpu.memory_space<vmem>>[vector<16xi32>], vector<16xi32>,
      %parallel_loop3A_89 = arith.constant 10 : i32
      %parallel_loop3A_90 = vector.broadcast %parallel_loop3A_89 : i32 to vector<16xi32>
      %parallel_loop3A_91 = vector.bitcast %parallel_loop3A_88 : vector<16xi32> to vector<16xf32>
      tpu.vector_store_idx %arg7[%parallel_loop3A_23, %parallel_loop3A_90], %parallel_loop3A_91 : memref<1568x16xf32, #tpu.memory_space<vmem>>[vector<16xi32>, vector<16xi32>], vector<16xf32>,
      %parallel_loop3A_92 = arith.constant 2 : i32
      %parallel_loop3A_93 = vector.broadcast %parallel_loop3A_92 : i32 to vector<16xi32>
      %parallel_loop3A_94 = arith.addi %parallel_loop3A_29, %parallel_loop3A_93 : vector<16xi32>
      %parallel_loop3A_95 = arith.constant 0 : i32
      %parallel_loop3A_96 = vector.broadcast %parallel_loop3A_95 : i32 to vector<16xi32>
      %parallel_loop3A_97 = tpu.vector_load_idx %arg6[%parallel_loop3A_94, %parallel_loop3A_96] : memref<9408x8xf32, #tpu.memory_space<vmem>>[vector<16xi32>, vector<16xi32>], vector<16xf32>,
      %parallel_loop3A_98 = arith.constant 6 : i32
      %parallel_loop3A_99 = vector.broadcast %parallel_loop3A_98 : i32 to vector<16xi32>
      tpu.vector_store_idx %arg7[%parallel_loop3A_23, %parallel_loop3A_99], %parallel_loop3A_97 : memref<1568x16xf32, #tpu.memory_space<vmem>>[vector<16xi32>, vector<16xi32>], vector<16xf32>,
      %parallel_loop3A_100 = arith.constant 2 : i32
      %parallel_loop3A_101 = vector.broadcast %parallel_loop3A_100 : i32 to vector<16xi32>
      %parallel_loop3A_102 = arith.addi %parallel_loop3A_29, %parallel_loop3A_101 : vector<16xi32>
      %parallel_loop3A_103 = arith.constant 1 : i32
      %parallel_loop3A_104 = vector.broadcast %parallel_loop3A_103 : i32 to vector<16xi32>
      %parallel_loop3A_105 = tpu.vector_load_idx %arg6[%parallel_loop3A_102, %parallel_loop3A_104] : memref<9408x8xf32, #tpu.memory_space<vmem>>[vector<16xi32>, vector<16xi32>], vector<16xf32>,
      %parallel_loop3A_106 = arith.constant 7 : i32
      %parallel_loop3A_107 = vector.broadcast %parallel_loop3A_106 : i32 to vector<16xi32>
      tpu.vector_store_idx %arg7[%parallel_loop3A_23, %parallel_loop3A_107], %parallel_loop3A_105 : memref<1568x16xf32, #tpu.memory_space<vmem>>[vector<16xi32>, vector<16xi32>], vector<16xf32>,
      %parallel_loop3A_108 = arith.constant 2 : i32
      %parallel_loop3A_109 = vector.broadcast %parallel_loop3A_108 : i32 to vector<16xi32>
      %parallel_loop3A_110 = arith.addi %parallel_loop3A_29, %parallel_loop3A_109 : vector<16xi32>
      %parallel_loop3A_111 = arith.constant 2 : i32
      %parallel_loop3A_112 = vector.broadcast %parallel_loop3A_111 : i32 to vector<16xi32>
      %parallel_loop3A_113 = tpu.vector_load_idx %arg6[%parallel_loop3A_110, %parallel_loop3A_112] : memref<9408x8xf32, #tpu.memory_space<vmem>>[vector<16xi32>, vector<16xi32>], vector<16xf32>,
      %parallel_loop3A_114 = arith.constant 8 : i32
      %parallel_loop3A_115 = vector.broadcast %parallel_loop3A_114 : i32 to vector<16xi32>
      tpu.vector_store_idx %arg7[%parallel_loop3A_23, %parallel_loop3A_115], %parallel_loop3A_113 : memref<1568x16xf32, #tpu.memory_space<vmem>>[vector<16xi32>, vector<16xi32>], vector<16xf32>,
      %parallel_loop3A_116 = arith.constant 2 : i32
      %parallel_loop3A_117 = vector.broadcast %parallel_loop3A_116 : i32 to vector<16xi32>
      %parallel_loop3A_118 = arith.addi %parallel_loop3A_29, %parallel_loop3A_117 : vector<16xi32>
      %parallel_loop3A_119 = tpu.vector_load_idx %arg5[%parallel_loop3A_118] : memref<9408xi32, #tpu.memory_space<vmem>>[vector<16xi32>], vector<16xi32>,
      %parallel_loop3A_120 = arith.constant 11 : i32
      %parallel_loop3A_121 = vector.broadcast %parallel_loop3A_120 : i32 to vector<16xi32>
      %parallel_loop3A_122 = vector.bitcast %parallel_loop3A_119 : vector<16xi32> to vector<16xf32>
      tpu.vector_store_idx %arg7[%parallel_loop3A_23, %parallel_loop3A_121], %parallel_loop3A_122 : memref<1568x16xf32, #tpu.memory_space<vmem>>[vector<16xi32>, vector<16xi32>], vector<16xf32>,
    } {sc.loop_unroll_factor = 2 : i64, sc.parallel_access}
    %add3A_11 = arith.constant 0 : i32
    %add3A_12 = arith.addi %mul3A_2, %add3A_11 : i32
    "tpu.region"() ({
      %run_scoped3A = tpu.sem_alloc : memref<!tpu.dma_semaphore, #tpu.memory_space<semaphore_mem>>
      %dma_start3A_18 = arith.constant 0 : i32
      %dma_start3A_19 = tpu.memref_slice %arg4[%add3A_12, %dma_start3A_18] : memref<100352x16xf32, #tpu.memory_space<hbm>> -> memref<1568x16xf32, #tpu.memory_space<hbm>>
      %dma_start3A_20 = arith.constant 0 : i32
      %dma_start3A_21 = tpu.memref_slice %arg4[%add3A_12, %dma_start3A_20] : memref<100352x16xf32, #tpu.memory_space<hbm>> -> memref<1568x16xf32, #tpu.memory_space<hbm>>
      tpu.enqueue_dma source(%arg7 : memref<1568x16xf32, #tpu.memory_space<vmem>>) target(%dma_start3A_21 : memref<1568x16xf32, #tpu.memory_space<hbm>>) target_semaphore(%run_scoped3A : memref<!tpu.dma_semaphore, #tpu.memory_space<semaphore_mem>>)
      %dma_wait3A_22 = arith.constant 0 : i32
      %dma_wait3A_23 = tpu.memref_slice %arg4[%add3A_12, %dma_wait3A_22] : memref<100352x16xf32, #tpu.memory_space<hbm>> -> memref<1568x16xf32, #tpu.memory_space<hbm>>
      %dma_wait3A_24 = arith.constant 0 : i32
      %dma_wait3A_25 = tpu.memref_slice %arg4[%add3A_12, %dma_wait3A_24] : memref<100352x16xf32, #tpu.memory_space<hbm>> -> memref<1568x16xf32, #tpu.memory_space<hbm>>
      tpu.wait_dma2 semaphore(%run_scoped3A : memref<!tpu.dma_semaphore, #tpu.memory_space<semaphore_mem>>) src(%arg7 : memref<1568x16xf32, #tpu.memory_space<vmem>>) dst(%dma_wait3A_25 : memref<1568x16xf32, #tpu.memory_space<hbm>>)
      tpu.yield
    }) : () -> ()
    %parallel_loop3A_13 = arith.constant 0 : i32
    %parallel_loop3A_14 = arith.constant 98 : i32
    %parallel_loop3A_15 = arith.constant 1 : i32
    scf.for %parallel_loop3A_18 = %parallel_loop3A_13 to %parallel_loop3A_14 step %parallel_loop3A_15  : i32 {
      %parallel_loop3A_19 = arith.constant 16 : i32
      %parallel_loop3A_20 = arith.muli %parallel_loop3A_18, %parallel_loop3A_19 : i32
      %parallel_loop3A_21 = tpu.iota {dimensions = array<i32: 0>} : vector<16xi32>
      %parallel_loop3A_22 = vector.broadcast %parallel_loop3A_20 : i32 to vector<16xi32>
      %parallel_loop3A_23 = arith.addi %parallel_loop3A_22, %parallel_loop3A_21 : vector<16xi32>
      %parallel_loop3A_24 = arith.constant 1568 : i32
      %parallel_loop3A_25 = vector.broadcast %parallel_loop3A_24 : i32 to vector<16xi32>
      %parallel_loop3A_26 = arith.addi %parallel_loop3A_25, %parallel_loop3A_23 : vector<16xi32>
      %parallel_loop3A_27 = arith.constant 3 : i32
      %parallel_loop3A_28 = vector.broadcast %parallel_loop3A_27 : i32 to vector<16xi32>
      %parallel_loop3A_29 = arith.muli %parallel_loop3A_28, %parallel_loop3A_26 : vector<16xi32>
      %parallel_loop3A_30 = arith.constant 0 : i32
      %parallel_loop3A_31 = vector.broadcast %parallel_loop3A_30 : i32 to vector<16xi32>
      %parallel_loop3A_32 = arith.addi %parallel_loop3A_29, %parallel_loop3A_31 : vector<16xi32>
      %parallel_loop3A_33 = arith.constant 0 : i32
      %parallel_loop3A_34 = vector.broadcast %parallel_loop3A_33 : i32 to vector<16xi32>
      %parallel_loop3A_35 = tpu.vector_load_idx %arg6[%parallel_loop3A_32, %parallel_loop3A_34] : memref<9408x8xf32, #tpu.memory_space<vmem>>[vector<16xi32>, vector<16xi32>], vector<16xf32>,
      %parallel_loop3A_36 = arith.constant 0 : i32
      %parallel_loop3A_37 = vector.broadcast %parallel_loop3A_36 : i32 to vector<16xi32>
      tpu.vector_store_idx %arg7[%parallel_loop3A_23, %parallel_loop3A_37], %parallel_loop3A_35 : memref<1568x16xf32, #tpu.memory_space<vmem>>[vector<16xi32>, vector<16xi32>], vector<16xf32>,
      %parallel_loop3A_38 = arith.constant 0 : i32
      %parallel_loop3A_39 = vector.broadcast %parallel_loop3A_38 : i32 to vector<16xi32>
      %parallel_loop3A_40 = arith.addi %parallel_loop3A_29, %parallel_loop3A_39 : vector<16xi32>
      %parallel_loop3A_41 = arith.constant 1 : i32
      %parallel_loop3A_42 = vector.broadcast %parallel_loop3A_41 : i32 to vector<16xi32>
      %parallel_loop3A_43 = tpu.vector_load_idx %arg6[%parallel_loop3A_40, %parallel_loop3A_42] : memref<9408x8xf32, #tpu.memory_space<vmem>>[vector<16xi32>, vector<16xi32>], vector<16xf32>,
      %parallel_loop3A_44 = arith.constant 1 : i32
      %parallel_loop3A_45 = vector.broadcast %parallel_loop3A_44 : i32 to vector<16xi32>
      tpu.vector_store_idx %arg7[%parallel_loop3A_23, %parallel_loop3A_45], %parallel_loop3A_43 : memref<1568x16xf32, #tpu.memory_space<vmem>>[vector<16xi32>, vector<16xi32>], vector<16xf32>,
      %parallel_loop3A_46 = arith.constant 0 : i32
      %parallel_loop3A_47 = vector.broadcast %parallel_loop3A_46 : i32 to vector<16xi32>
      %parallel_loop3A_48 = arith.addi %parallel_loop3A_29, %parallel_loop3A_47 : vector<16xi32>
      %parallel_loop3A_49 = arith.constant 2 : i32
      %parallel_loop3A_50 = vector.broadcast %parallel_loop3A_49 : i32 to vector<16xi32>
      %parallel_loop3A_51 = tpu.vector_load_idx %arg6[%parallel_loop3A_48, %parallel_loop3A_50] : memref<9408x8xf32, #tpu.memory_space<vmem>>[vector<16xi32>, vector<16xi32>], vector<16xf32>,
      %parallel_loop3A_52 = arith.constant 2 : i32
      %parallel_loop3A_53 = vector.broadcast %parallel_loop3A_52 : i32 to vector<16xi32>
      tpu.vector_store_idx %arg7[%parallel_loop3A_23, %parallel_loop3A_53], %parallel_loop3A_51 : memref<1568x16xf32, #tpu.memory_space<vmem>>[vector<16xi32>, vector<16xi32>], vector<16xf32>,
      %parallel_loop3A_54 = arith.constant 0 : i32
      %parallel_loop3A_55 = vector.broadcast %parallel_loop3A_54 : i32 to vector<16xi32>
      %parallel_loop3A_56 = arith.addi %parallel_loop3A_29, %parallel_loop3A_55 : vector<16xi32>
      %parallel_loop3A_57 = tpu.vector_load_idx %arg5[%parallel_loop3A_56] : memref<9408xi32, #tpu.memory_space<vmem>>[vector<16xi32>], vector<16xi32>,
      %parallel_loop3A_58 = arith.constant 9 : i32
      %parallel_loop3A_59 = vector.broadcast %parallel_loop3A_58 : i32 to vector<16xi32>
      %parallel_loop3A_60 = vector.bitcast %parallel_loop3A_57 : vector<16xi32> to vector<16xf32>
      tpu.vector_store_idx %arg7[%parallel_loop3A_23, %parallel_loop3A_59], %parallel_loop3A_60 : memref<1568x16xf32, #tpu.memory_space<vmem>>[vector<16xi32>, vector<16xi32>], vector<16xf32>,
      %parallel_loop3A_61 = arith.constant 1 : i32
      %parallel_loop3A_62 = vector.broadcast %parallel_loop3A_61 : i32 to vector<16xi32>
      %parallel_loop3A_63 = arith.addi %parallel_loop3A_29, %parallel_loop3A_62 : vector<16xi32>
      %parallel_loop3A_64 = arith.constant 0 : i32
      %parallel_loop3A_65 = vector.broadcast %parallel_loop3A_64 : i32 to vector<16xi32>
      %parallel_loop3A_66 = tpu.vector_load_idx %arg6[%parallel_loop3A_63, %parallel_loop3A_65] : memref<9408x8xf32, #tpu.memory_space<vmem>>[vector<16xi32>, vector<16xi32>], vector<16xf32>,
      %parallel_loop3A_67 = arith.constant 3 : i32
      %parallel_loop3A_68 = vector.broadcast %parallel_loop3A_67 : i32 to vector<16xi32>
      tpu.vector_store_idx %arg7[%parallel_loop3A_23, %parallel_loop3A_68], %parallel_loop3A_66 : memref<1568x16xf32, #tpu.memory_space<vmem>>[vector<16xi32>, vector<16xi32>], vector<16xf32>,
      %parallel_loop3A_69 = arith.constant 1 : i32
      %parallel_loop3A_70 = vector.broadcast %parallel_loop3A_69 : i32 to vector<16xi32>
      %parallel_loop3A_71 = arith.addi %parallel_loop3A_29, %parallel_loop3A_70 : vector<16xi32>
      %parallel_loop3A_72 = arith.constant 1 : i32
      %parallel_loop3A_73 = vector.broadcast %parallel_loop3A_72 : i32 to vector<16xi32>
      %parallel_loop3A_74 = tpu.vector_load_idx %arg6[%parallel_loop3A_71, %parallel_loop3A_73] : memref<9408x8xf32, #tpu.memory_space<vmem>>[vector<16xi32>, vector<16xi32>], vector<16xf32>,
      %parallel_loop3A_75 = arith.constant 4 : i32
      %parallel_loop3A_76 = vector.broadcast %parallel_loop3A_75 : i32 to vector<16xi32>
      tpu.vector_store_idx %arg7[%parallel_loop3A_23, %parallel_loop3A_76], %parallel_loop3A_74 : memref<1568x16xf32, #tpu.memory_space<vmem>>[vector<16xi32>, vector<16xi32>], vector<16xf32>,
      %parallel_loop3A_77 = arith.constant 1 : i32
      %parallel_loop3A_78 = vector.broadcast %parallel_loop3A_77 : i32 to vector<16xi32>
      %parallel_loop3A_79 = arith.addi %parallel_loop3A_29, %parallel_loop3A_78 : vector<16xi32>
      %parallel_loop3A_80 = arith.constant 2 : i32
      %parallel_loop3A_81 = vector.broadcast %parallel_loop3A_80 : i32 to vector<16xi32>
      %parallel_loop3A_82 = tpu.vector_load_idx %arg6[%parallel_loop3A_79, %parallel_loop3A_81] : memref<9408x8xf32, #tpu.memory_space<vmem>>[vector<16xi32>, vector<16xi32>], vector<16xf32>,
      %parallel_loop3A_83 = arith.constant 5 : i32
      %parallel_loop3A_84 = vector.broadcast %parallel_loop3A_83 : i32 to vector<16xi32>
      tpu.vector_store_idx %arg7[%parallel_loop3A_23, %parallel_loop3A_84], %parallel_loop3A_82 : memref<1568x16xf32, #tpu.memory_space<vmem>>[vector<16xi32>, vector<16xi32>], vector<16xf32>,
      %parallel_loop3A_85 = arith.constant 1 : i32
      %parallel_loop3A_86 = vector.broadcast %parallel_loop3A_85 : i32 to vector<16xi32>
      %parallel_loop3A_87 = arith.addi %parallel_loop3A_29, %parallel_loop3A_86 : vector<16xi32>
      %parallel_loop3A_88 = tpu.vector_load_idx %arg5[%parallel_loop3A_87] : memref<9408xi32, #tpu.memory_space<vmem>>[vector<16xi32>], vector<16xi32>,
      %parallel_loop3A_89 = arith.constant 10 : i32
      %parallel_loop3A_90 = vector.broadcast %parallel_loop3A_89 : i32 to vector<16xi32>
      %parallel_loop3A_91 = vector.bitcast %parallel_loop3A_88 : vector<16xi32> to vector<16xf32>
      tpu.vector_store_idx %arg7[%parallel_loop3A_23, %parallel_loop3A_90], %parallel_loop3A_91 : memref<1568x16xf32, #tpu.memory_space<vmem>>[vector<16xi32>, vector<16xi32>], vector<16xf32>,
      %parallel_loop3A_92 = arith.constant 2 : i32
      %parallel_loop3A_93 = vector.broadcast %parallel_loop3A_92 : i32 to vector<16xi32>
      %parallel_loop3A_94 = arith.addi %parallel_loop3A_29, %parallel_loop3A_93 : vector<16xi32>
      %parallel_loop3A_95 = arith.constant 0 : i32
      %parallel_loop3A_96 = vector.broadcast %parallel_loop3A_95 : i32 to vector<16xi32>
      %parallel_loop3A_97 = tpu.vector_load_idx %arg6[%parallel_loop3A_94, %parallel_loop3A_96] : memref<9408x8xf32, #tpu.memory_space<vmem>>[vector<16xi32>, vector<16xi32>], vector<16xf32>,
      %parallel_loop3A_98 = arith.constant 6 : i32
      %parallel_loop3A_99 = vector.broadcast %parallel_loop3A_98 : i32 to vector<16xi32>
      tpu.vector_store_idx %arg7[%parallel_loop3A_23, %parallel_loop3A_99], %parallel_loop3A_97 : memref<1568x16xf32, #tpu.memory_space<vmem>>[vector<16xi32>, vector<16xi32>], vector<16xf32>,
      %parallel_loop3A_100 = arith.constant 2 : i32
      %parallel_loop3A_101 = vector.broadcast %parallel_loop3A_100 : i32 to vector<16xi32>
      %parallel_loop3A_102 = arith.addi %parallel_loop3A_29, %parallel_loop3A_101 : vector<16xi32>
      %parallel_loop3A_103 = arith.constant 1 : i32
      %parallel_loop3A_104 = vector.broadcast %parallel_loop3A_103 : i32 to vector<16xi32>
      %parallel_loop3A_105 = tpu.vector_load_idx %arg6[%parallel_loop3A_102, %parallel_loop3A_104] : memref<9408x8xf32, #tpu.memory_space<vmem>>[vector<16xi32>, vector<16xi32>], vector<16xf32>,
      %parallel_loop3A_106 = arith.constant 7 : i32
      %parallel_loop3A_107 = vector.broadcast %parallel_loop3A_106 : i32 to vector<16xi32>
      tpu.vector_store_idx %arg7[%parallel_loop3A_23, %parallel_loop3A_107], %parallel_loop3A_105 : memref<1568x16xf32, #tpu.memory_space<vmem>>[vector<16xi32>, vector<16xi32>], vector<16xf32>,
      %parallel_loop3A_108 = arith.constant 2 : i32
      %parallel_loop3A_109 = vector.broadcast %parallel_loop3A_108 : i32 to vector<16xi32>
      %parallel_loop3A_110 = arith.addi %parallel_loop3A_29, %parallel_loop3A_109 : vector<16xi32>
      %parallel_loop3A_111 = arith.constant 2 : i32
      %parallel_loop3A_112 = vector.broadcast %parallel_loop3A_111 : i32 to vector<16xi32>
      %parallel_loop3A_113 = tpu.vector_load_idx %arg6[%parallel_loop3A_110, %parallel_loop3A_112] : memref<9408x8xf32, #tpu.memory_space<vmem>>[vector<16xi32>, vector<16xi32>], vector<16xf32>,
      %parallel_loop3A_114 = arith.constant 8 : i32
      %parallel_loop3A_115 = vector.broadcast %parallel_loop3A_114 : i32 to vector<16xi32>
      tpu.vector_store_idx %arg7[%parallel_loop3A_23, %parallel_loop3A_115], %parallel_loop3A_113 : memref<1568x16xf32, #tpu.memory_space<vmem>>[vector<16xi32>, vector<16xi32>], vector<16xf32>,
      %parallel_loop3A_116 = arith.constant 2 : i32
      %parallel_loop3A_117 = vector.broadcast %parallel_loop3A_116 : i32 to vector<16xi32>
      %parallel_loop3A_118 = arith.addi %parallel_loop3A_29, %parallel_loop3A_117 : vector<16xi32>
      %parallel_loop3A_119 = tpu.vector_load_idx %arg5[%parallel_loop3A_118] : memref<9408xi32, #tpu.memory_space<vmem>>[vector<16xi32>], vector<16xi32>,
      %parallel_loop3A_120 = arith.constant 11 : i32
      %parallel_loop3A_121 = vector.broadcast %parallel_loop3A_120 : i32 to vector<16xi32>
      %parallel_loop3A_122 = vector.bitcast %parallel_loop3A_119 : vector<16xi32> to vector<16xf32>
      tpu.vector_store_idx %arg7[%parallel_loop3A_23, %parallel_loop3A_121], %parallel_loop3A_122 : memref<1568x16xf32, #tpu.memory_space<vmem>>[vector<16xi32>, vector<16xi32>], vector<16xf32>,
    } {sc.loop_unroll_factor = 2 : i64, sc.parallel_access}
    %add3A_16 = arith.constant 1568 : i32
    %add3A_17 = arith.addi %mul3A_2, %add3A_16 : i32
    "tpu.region"() ({
      %run_scoped3A = tpu.sem_alloc : memref<!tpu.dma_semaphore, #tpu.memory_space<semaphore_mem>>
      %dma_start3A_18 = arith.constant 0 : i32
      %dma_start3A_19 = tpu.memref_slice %arg4[%add3A_17, %dma_start3A_18] : memref<100352x16xf32, #tpu.memory_space<hbm>> -> memref<1568x16xf32, #tpu.memory_space<hbm>>
      %dma_start3A_20 = arith.constant 0 : i32
      %dma_start3A_21 = tpu.memref_slice %arg4[%add3A_17, %dma_start3A_20] : memref<100352x16xf32, #tpu.memory_space<hbm>> -> memref<1568x16xf32, #tpu.memory_space<hbm>>
      tpu.enqueue_dma source(%arg7 : memref<1568x16xf32, #tpu.memory_space<vmem>>) target(%dma_start3A_21 : memref<1568x16xf32, #tpu.memory_space<hbm>>) target_semaphore(%run_scoped3A : memref<!tpu.dma_semaphore, #tpu.memory_space<semaphore_mem>>)
      %dma_wait3A_22 = arith.constant 0 : i32
      %dma_wait3A_23 = tpu.memref_slice %arg4[%add3A_17, %dma_wait3A_22] : memref<100352x16xf32, #tpu.memory_space<hbm>> -> memref<1568x16xf32, #tpu.memory_space<hbm>>
      %dma_wait3A_24 = arith.constant 0 : i32
      %dma_wait3A_25 = tpu.memref_slice %arg4[%add3A_17, %dma_wait3A_24] : memref<100352x16xf32, #tpu.memory_space<hbm>> -> memref<1568x16xf32, #tpu.memory_space<hbm>>
      tpu.wait_dma2 semaphore(%run_scoped3A : memref<!tpu.dma_semaphore, #tpu.memory_space<semaphore_mem>>) src(%arg7 : memref<1568x16xf32, #tpu.memory_space<vmem>>) dst(%dma_wait3A_25 : memref<1568x16xf32, #tpu.memory_space<hbm>>)
      tpu.yield
    }) : () -> ()
    return
  }
}

#map = affine_map<(d0, d1) -> (0)>
#map1 = affine_map<(d0, d1) -> (0, 0)>
module attributes {stable_mosaic.version = 14 : i64} {
  func.func @shade(%arg0: i32, %arg1: i32, %arg2: memref<1048576xi32, #tpu.memory_space<hbm>>, %arg3: memref<3145728xf32, #tpu.memory_space<hbm>>, %arg4: memref<100352x16xf32, #tpu.memory_space<hbm>>, %arg5: memref<4194304xf32, #tpu.memory_space<hbm>>, %arg6: memref<3145728xi32, #tpu.memory_space<hbm>>, %arg7: memref<3145728xf32, #tpu.memory_space<hbm>>, %arg8: memref<4096xi32, #tpu.memory_space<vmem>>, %arg9: memref<4096x16xf32, #tpu.memory_space<vmem>>, %arg10: memref<12288xf32, #tpu.memory_space<vmem>>, %arg11: memref<16384xf32, #tpu.memory_space<vmem>>, %arg12: memref<12288xi32, #tpu.memory_space<vmem>>, %arg13: memref<12288xf32, #tpu.memory_space<vmem>>, %arg14: memref<!tpu.dma_semaphore, #tpu.memory_space<semaphore_mem>>, %arg15: memref<!tpu.dma_semaphore, #tpu.memory_space<semaphore_mem>>, %arg16: memref<!tpu.dma_semaphore, #tpu.memory_space<semaphore_mem>>) attributes {dimension_semantics = [#tpu.dimension_semantics<core_parallel>, #tpu.dimension_semantics<subcore_parallel>], iteration_bounds = array<i64: 2, 16>, scalar_prefetch = 0 : i64, scratch_operands = 9 : i64, tpu.core_type = #tpu.core_type<sc_vector_subcore>, window_params = [{transform_indices = #map}, {transform_indices = #map}, {transform_indices = #map1}, {transform_indices = #map}, {transform_indices = #map}, {transform_indices = #map}]} {
    %mul3A = arith.constant 2 : i32
    %mul3A_0 = arith.muli %arg1, %mul3A : i32
    %add3A = arith.addi %mul3A_0, %arg0 : i32
    %mul3A_1 = arith.constant 32768 : i32
    %mul3A_2 = arith.muli %add3A, %mul3A_1 : i32
    %scan3A = arith.constant 0 : i32
    %scan3A_3 = arith.constant 0 : i32
    %scan3A_4 = arith.constant 8 : i32
    %scan3A_5 = arith.addi %scan3A_3, %scan3A_4 : i32
    %scan3A_6 = arith.constant 1 : i32
    %scan3A_7 = scf.for %scan3A_101 = %scan3A_3 to %scan3A_5 step %scan3A_6 iter_args(%scan3A_102 = %scan3A) -> (i32)  : i32 {
      %mul3A_103 = arith.constant 4096 : i32
      %mul3A_104 = arith.muli %scan3A_101, %mul3A_103 : i32
      %add3A_105 = arith.addi %mul3A_2, %mul3A_104 : i32
      "tpu.region"() ({
        %run_scoped3A = tpu.sem_alloc : memref<!tpu.dma_semaphore, #tpu.memory_space<semaphore_mem>>
        %dma_start3A_248 = tpu.memref_slice %arg2[%add3A_105] : memref<1048576xi32, #tpu.memory_space<hbm>> -> memref<4096xi32, #tpu.memory_space<hbm>>
        %dma_start3A_249 = tpu.memref_slice %arg2[%add3A_105] : memref<1048576xi32, #tpu.memory_space<hbm>> -> memref<4096xi32, #tpu.memory_space<hbm>>
        tpu.enqueue_dma source(%dma_start3A_249 : memref<4096xi32, #tpu.memory_space<hbm>>) target(%arg8 : memref<4096xi32, #tpu.memory_space<vmem>>) target_semaphore(%run_scoped3A : memref<!tpu.dma_semaphore, #tpu.memory_space<semaphore_mem>>)
        %dma_wait3A_250 = tpu.memref_slice %arg2[%add3A_105] : memref<1048576xi32, #tpu.memory_space<hbm>> -> memref<4096xi32, #tpu.memory_space<hbm>>
        %dma_wait3A_251 = tpu.memref_slice %arg2[%add3A_105] : memref<1048576xi32, #tpu.memory_space<hbm>> -> memref<4096xi32, #tpu.memory_space<hbm>>
        tpu.wait_dma2 semaphore(%run_scoped3A : memref<!tpu.dma_semaphore, #tpu.memory_space<semaphore_mem>>) src(%dma_wait3A_251 : memref<4096xi32, #tpu.memory_space<hbm>>) dst(%arg8 : memref<4096xi32, #tpu.memory_space<vmem>>)
        tpu.yield
      }) : () -> ()
      %dma_start3A = arith.constant 0 : i32
      %dma_start3A_106 = arith.constant 0 : i32
      %dma_start3A_107 = tpu.memref_slice %arg9[%dma_start3A, %dma_start3A_106] : memref<4096x16xf32, #tpu.memory_space<vmem>> -> memref<2048x16xf32, #tpu.memory_space<vmem>>
      %dma_start3A_108 = arith.constant 0 : i32
      %dma_start3A_109 = tpu.memref_slice %arg8[%dma_start3A_108] : memref<4096xi32, #tpu.memory_space<vmem>> -> memref<2048xi32, #tpu.memory_space<vmem>>
      %dma_start3A_110 = arith.constant 0 : i32
      %dma_start3A_111 = arith.constant 0 : i32
      %dma_start3A_112 = tpu.memref_slice %arg4[%dma_start3A_110, %dma_start3A_111] : memref<100352x16xf32, #tpu.memory_space<hbm>> -> memref<100352x16xf32, #tpu.memory_space<hbm>>
      tpu.enqueue_indirect_dma source(%dma_start3A_112 : memref<100352x16xf32, #tpu.memory_space<hbm>>) target(%dma_start3A_107 : memref<2048x16xf32, #tpu.memory_space<vmem>>) offsets(%dma_start3A_109 : memref<2048xi32, #tpu.memory_space<vmem>>) semaphore(%arg14 : memref<!tpu.dma_semaphore, #tpu.memory_space<semaphore_mem>>)
      %dma_start3A_113 = arith.constant 2048 : i32
      %dma_start3A_114 = arith.constant 0 : i32
      %dma_start3A_115 = tpu.memref_slice %arg9[%dma_start3A_113, %dma_start3A_114] : memref<4096x16xf32, #tpu.memory_space<vmem>> -> memref<2048x16xf32, #tpu.memory_space<vmem>>
      %dma_start3A_116 = arith.constant 2048 : i32
      %dma_start3A_117 = tpu.memref_slice %arg8[%dma_start3A_116] : memref<4096xi32, #tpu.memory_space<vmem>> -> memref<2048xi32, #tpu.memory_space<vmem>>
      %dma_start3A_118 = arith.constant 0 : i32
      %dma_start3A_119 = arith.constant 0 : i32
      %dma_start3A_120 = tpu.memref_slice %arg4[%dma_start3A_118, %dma_start3A_119] : memref<100352x16xf32, #tpu.memory_space<hbm>> -> memref<100352x16xf32, #tpu.memory_space<hbm>>
      tpu.enqueue_indirect_dma source(%dma_start3A_120 : memref<100352x16xf32, #tpu.memory_space<hbm>>) target(%dma_start3A_115 : memref<2048x16xf32, #tpu.memory_space<vmem>>) offsets(%dma_start3A_117 : memref<2048xi32, #tpu.memory_space<vmem>>) semaphore(%arg15 : memref<!tpu.dma_semaphore, #tpu.memory_space<semaphore_mem>>)
      %mul3A_121 = arith.constant 3 : i32
      %mul3A_122 = arith.muli %mul3A_121, %add3A_105 : i32
      "tpu.region"() ({
        %run_scoped3A = tpu.sem_alloc : memref<!tpu.dma_semaphore, #tpu.memory_space<semaphore_mem>>
        %dma_start3A_248 = tpu.memref_slice %arg3[%mul3A_122] : memref<3145728xf32, #tpu.memory_space<hbm>> -> memref<12288xf32, #tpu.memory_space<hbm>>
        %dma_start3A_249 = tpu.memref_slice %arg3[%mul3A_122] : memref<3145728xf32, #tpu.memory_space<hbm>> -> memref<12288xf32, #tpu.memory_space<hbm>>
        tpu.enqueue_dma source(%dma_start3A_249 : memref<12288xf32, #tpu.memory_space<hbm>>) target(%arg10 : memref<12288xf32, #tpu.memory_space<vmem>>) target_semaphore(%run_scoped3A : memref<!tpu.dma_semaphore, #tpu.memory_space<semaphore_mem>>)
        %dma_wait3A_250 = tpu.memref_slice %arg3[%mul3A_122] : memref<3145728xf32, #tpu.memory_space<hbm>> -> memref<12288xf32, #tpu.memory_space<hbm>>
        %dma_wait3A_251 = tpu.memref_slice %arg3[%mul3A_122] : memref<3145728xf32, #tpu.memory_space<hbm>> -> memref<12288xf32, #tpu.memory_space<hbm>>
        tpu.wait_dma2 semaphore(%run_scoped3A : memref<!tpu.dma_semaphore, #tpu.memory_space<semaphore_mem>>) src(%dma_wait3A_251 : memref<12288xf32, #tpu.memory_space<hbm>>) dst(%arg10 : memref<12288xf32, #tpu.memory_space<vmem>>)
        tpu.yield
      }) : () -> ()
      %gt3A = arith.constant 0 : i32
      %gt3A_123 = arith.cmpi sgt, %scan3A_101, %gt3A : i32
      %convert_element_type3A = arith.extui %gt3A_123 : i1 to i32
      %cond3A = arith.constant 0 : i32
      %cond3A_124 = arith.cmpi ne, %convert_element_type3A, %cond3A : i32
      scf.if %cond3A_124 {
        %sub3A_248 = arith.constant 4096 : i32
        %sub3A_249 = arith.subi %add3A_105, %sub3A_248 : i32
        %jit3A_250 = arith.constant 262144 : i32
        %div3A_251 = arith.divsi %sub3A_249, %jit3A_250 : i32
        %sign3A_252 = arith.constant 0 : i32
        %sign3A_253 = arith.cmpi sgt, %sub3A_249, %sign3A_252 : i32
        %sign3A_254 = arith.extui %sign3A_253 : i1 to i32
        %sign3A_255 = arith.constant 0 : i32
        %sign3A_256 = arith.cmpi slt, %sub3A_249, %sign3A_255 : i32
        %sign3A_257 = arith.extui %sign3A_256 : i1 to i32
        %sign3A_258 = arith.subi %sign3A_254, %sign3A_257 : i32
        %sign3A_259 = arith.constant 0 : i32
        %sign3A_260 = arith.cmpi sgt, %jit3A_250, %sign3A_259 : i32
        %sign3A_261 = arith.extui %sign3A_260 : i1 to i32
        %sign3A_262 = arith.constant 0 : i32
        %sign3A_263 = arith.cmpi slt, %jit3A_250, %sign3A_262 : i32
        %sign3A_264 = arith.extui %sign3A_263 : i1 to i32
        %sign3A_265 = arith.subi %sign3A_261, %sign3A_264 : i32
        %ne3A_266 = arith.cmpi ne, %sign3A_258, %sign3A_265 : i32
        %rem3A_267 = arith.remsi %sub3A_249, %jit3A_250 : i32
        %ne3A_268 = arith.constant 0 : i32
        %ne3A_269 = arith.cmpi ne, %rem3A_267, %ne3A_268 : i32
        %and3A_270 = arith.andi %ne3A_266, %ne3A_269 : i1
        %sub3A_271 = arith.constant 1 : i32
        %sub3A_272 = arith.subi %div3A_251, %sub3A_271 : i32
        %select_n3A_273 = arith.select %and3A_270, %sub3A_272, %div3A_251 : i32
        %jit3A_274 = arith.constant 262144 : i32
        %eq3A_275 = arith.constant 0 : i32
        %eq3A_276 = arith.cmpi eq, %jit3A_274, %eq3A_275 : i32
        %jit3A_277 = arith.constant 1 : i32
        %select_n3A_278 = arith.select %eq3A_276, %jit3A_277, %jit3A_274 : i32
        %rem3A_279 = arith.remsi %sub3A_249, %select_n3A_278 : i32
        %ne3A_280 = arith.constant 0 : i32
        %ne3A_281 = arith.cmpi ne, %rem3A_279, %ne3A_280 : i32
        %lt3A_282 = arith.constant 0 : i32
        %lt3A_283 = arith.cmpi slt, %rem3A_279, %lt3A_282 : i32
        %lt3A_284 = arith.constant 0 : i32
        %lt3A_285 = arith.cmpi slt, %select_n3A_278, %lt3A_284 : i32
        %ne3A_286 = arith.xori %lt3A_283, %lt3A_285 : i1
        %and3A_287 = arith.andi %ne3A_286, %ne3A_281 : i1
        %add3A_288 = arith.addi %rem3A_279, %select_n3A_278 : i32
        %select_n3A_289 = arith.select %and3A_287, %add3A_288, %rem3A_279 : i32
        %mul3A_290 = arith.constant 4 : i32
        %mul3A_291 = arith.muli %mul3A_290, %sub3A_249 : i32
        %mul3A_292 = arith.constant 3 : i32
        %mul3A_293 = arith.muli %mul3A_292, %select_n3A_273 : i32
        %add3A_294 = arith.constant 0 : i32
        %add3A_295 = arith.addi %mul3A_293, %add3A_294 : i32
        %mul3A_296 = arith.constant 262144 : i32
        %mul3A_297 = arith.muli %add3A_295, %mul3A_296 : i32
        %add3A_298 = arith.addi %mul3A_297, %select_n3A_289 : i32
        %mul3A_299 = arith.constant 3 : i32
        %mul3A_300 = arith.muli %mul3A_299, %select_n3A_273 : i32
        %add3A_301 = arith.constant 1 : i32
        %add3A_302 = arith.addi %mul3A_300, %add3A_301 : i32
        %mul3A_303 = arith.constant 262144 : i32
        %mul3A_304 = arith.muli %add3A_302, %mul3A_303 : i32
        %add3A_305 = arith.addi %mul3A_304, %select_n3A_289 : i32
        %mul3A_306 = arith.constant 3 : i32
        %mul3A_307 = arith.muli %mul3A_306, %select_n3A_273 : i32
        %add3A_308 = arith.constant 2 : i32
        %add3A_309 = arith.addi %mul3A_307, %add3A_308 : i32
        %mul3A_310 = arith.constant 262144 : i32
        %mul3A_311 = arith.muli %add3A_309, %mul3A_310 : i32
        %add3A_312 = arith.addi %mul3A_311, %select_n3A_289 : i32
        %dma_wait3A_313 = tpu.memref_slice %arg5[%mul3A_291] : memref<4194304xf32, #tpu.memory_space<hbm>> -> memref<16384xf32, #tpu.memory_space<hbm>>
        %dma_wait3A_314 = tpu.memref_slice %arg5[%mul3A_291] : memref<4194304xf32, #tpu.memory_space<hbm>> -> memref<16384xf32, #tpu.memory_space<hbm>>
        tpu.wait_dma2 semaphore(%arg16 : memref<!tpu.dma_semaphore, #tpu.memory_space<semaphore_mem>>) src(%arg11 : memref<16384xf32, #tpu.memory_space<vmem>>) dst(%dma_wait3A_314 : memref<16384xf32, #tpu.memory_space<hbm>>)
        %dma_wait3A_315 = arith.constant 0 : i32
        %dma_wait3A_316 = tpu.memref_slice %arg12[%dma_wait3A_315] : memref<12288xi32, #tpu.memory_space<vmem>> -> memref<4096xi32, #tpu.memory_space<vmem>>
        %dma_wait3A_317 = tpu.memref_slice %arg6[%add3A_298] : memref<3145728xi32, #tpu.memory_space<hbm>> -> memref<4096xi32, #tpu.memory_space<hbm>>
        %dma_wait3A_318 = tpu.memref_slice %arg6[%add3A_298] : memref<3145728xi32, #tpu.memory_space<hbm>> -> memref<4096xi32, #tpu.memory_space<hbm>>
        %dma_wait3A_319 = arith.constant 0 : i32
        %dma_wait3A_320 = tpu.memref_slice %arg12[%dma_wait3A_319] : memref<12288xi32, #tpu.memory_space<vmem>> -> memref<4096xi32, #tpu.memory_space<vmem>>
        tpu.wait_dma2 semaphore(%arg16 : memref<!tpu.dma_semaphore, #tpu.memory_space<semaphore_mem>>) src(%dma_wait3A_320 : memref<4096xi32, #tpu.memory_space<vmem>>) dst(%dma_wait3A_318 : memref<4096xi32, #tpu.memory_space<hbm>>)
        %dma_wait3A_321 = arith.constant 0 : i32
        %dma_wait3A_322 = tpu.memref_slice %arg13[%dma_wait3A_321] : memref<12288xf32, #tpu.memory_space<vmem>> -> memref<4096xf32, #tpu.memory_space<vmem>>
        %dma_wait3A_323 = tpu.memref_slice %arg7[%add3A_298] : memref<3145728xf32, #tpu.memory_space<hbm>> -> memref<4096xf32, #tpu.memory_space<hbm>>
        %dma_wait3A_324 = tpu.memref_slice %arg7[%add3A_298] : memref<3145728xf32, #tpu.memory_space<hbm>> -> memref<4096xf32, #tpu.memory_space<hbm>>
        %dma_wait3A_325 = arith.constant 0 : i32
        %dma_wait3A_326 = tpu.memref_slice %arg13[%dma_wait3A_325] : memref<12288xf32, #tpu.memory_space<vmem>> -> memref<4096xf32, #tpu.memory_space<vmem>>
        tpu.wait_dma2 semaphore(%arg16 : memref<!tpu.dma_semaphore, #tpu.memory_space<semaphore_mem>>) src(%dma_wait3A_326 : memref<4096xf32, #tpu.memory_space<vmem>>) dst(%dma_wait3A_324 : memref<4096xf32, #tpu.memory_space<hbm>>)
        %dma_wait3A_327 = arith.constant 4096 : i32
        %dma_wait3A_328 = tpu.memref_slice %arg12[%dma_wait3A_327] : memref<12288xi32, #tpu.memory_space<vmem>> -> memref<4096xi32, #tpu.memory_space<vmem>>
        %dma_wait3A_329 = tpu.memref_slice %arg6[%add3A_305] : memref<3145728xi32, #tpu.memory_space<hbm>> -> memref<4096xi32, #tpu.memory_space<hbm>>
        %dma_wait3A_330 = tpu.memref_slice %arg6[%add3A_305] : memref<3145728xi32, #tpu.memory_space<hbm>> -> memref<4096xi32, #tpu.memory_space<hbm>>
        %dma_wait3A_331 = arith.constant 4096 : i32
        %dma_wait3A_332 = tpu.memref_slice %arg12[%dma_wait3A_331] : memref<12288xi32, #tpu.memory_space<vmem>> -> memref<4096xi32, #tpu.memory_space<vmem>>
        tpu.wait_dma2 semaphore(%arg16 : memref<!tpu.dma_semaphore, #tpu.memory_space<semaphore_mem>>) src(%dma_wait3A_332 : memref<4096xi32, #tpu.memory_space<vmem>>) dst(%dma_wait3A_330 : memref<4096xi32, #tpu.memory_space<hbm>>)
        %dma_wait3A_333 = arith.constant 4096 : i32
        %dma_wait3A_334 = tpu.memref_slice %arg13[%dma_wait3A_333] : memref<12288xf32, #tpu.memory_space<vmem>> -> memref<4096xf32, #tpu.memory_space<vmem>>
        %dma_wait3A_335 = tpu.memref_slice %arg7[%add3A_305] : memref<3145728xf32, #tpu.memory_space<hbm>> -> memref<4096xf32, #tpu.memory_space<hbm>>
        %dma_wait3A_336 = tpu.memref_slice %arg7[%add3A_305] : memref<3145728xf32, #tpu.memory_space<hbm>> -> memref<4096xf32, #tpu.memory_space<hbm>>
        %dma_wait3A_337 = arith.constant 4096 : i32
        %dma_wait3A_338 = tpu.memref_slice %arg13[%dma_wait3A_337] : memref<12288xf32, #tpu.memory_space<vmem>> -> memref<4096xf32, #tpu.memory_space<vmem>>
        tpu.wait_dma2 semaphore(%arg16 : memref<!tpu.dma_semaphore, #tpu.memory_space<semaphore_mem>>) src(%dma_wait3A_338 : memref<4096xf32, #tpu.memory_space<vmem>>) dst(%dma_wait3A_336 : memref<4096xf32, #tpu.memory_space<hbm>>)
        %dma_wait3A_339 = arith.constant 8192 : i32
        %dma_wait3A_340 = tpu.memref_slice %arg12[%dma_wait3A_339] : memref<12288xi32, #tpu.memory_space<vmem>> -> memref<4096xi32, #tpu.memory_space<vmem>>
        %dma_wait3A_341 = tpu.memref_slice %arg6[%add3A_312] : memref<3145728xi32, #tpu.memory_space<hbm>> -> memref<4096xi32, #tpu.memory_space<hbm>>
        %dma_wait3A_342 = tpu.memref_slice %arg6[%add3A_312] : memref<3145728xi32, #tpu.memory_space<hbm>> -> memref<4096xi32, #tpu.memory_space<hbm>>
        %dma_wait3A_343 = arith.constant 8192 : i32
        %dma_wait3A_344 = tpu.memref_slice %arg12[%dma_wait3A_343] : memref<12288xi32, #tpu.memory_space<vmem>> -> memref<4096xi32, #tpu.memory_space<vmem>>
        tpu.wait_dma2 semaphore(%arg16 : memref<!tpu.dma_semaphore, #tpu.memory_space<semaphore_mem>>) src(%dma_wait3A_344 : memref<4096xi32, #tpu.memory_space<vmem>>) dst(%dma_wait3A_342 : memref<4096xi32, #tpu.memory_space<hbm>>)
        %dma_wait3A_345 = arith.constant 8192 : i32
        %dma_wait3A_346 = tpu.memref_slice %arg13[%dma_wait3A_345] : memref<12288xf32, #tpu.memory_space<vmem>> -> memref<4096xf32, #tpu.memory_space<vmem>>
        %dma_wait3A_347 = tpu.memref_slice %arg7[%add3A_312] : memref<3145728xf32, #tpu.memory_space<hbm>> -> memref<4096xf32, #tpu.memory_space<hbm>>
        %dma_wait3A_348 = tpu.memref_slice %arg7[%add3A_312] : memref<3145728xf32, #tpu.memory_space<hbm>> -> memref<4096xf32, #tpu.memory_space<hbm>>
        %dma_wait3A_349 = arith.constant 8192 : i32
        %dma_wait3A_350 = tpu.memref_slice %arg13[%dma_wait3A_349] : memref<12288xf32, #tpu.memory_space<vmem>> -> memref<4096xf32, #tpu.memory_space<vmem>>
        tpu.wait_dma2 semaphore(%arg16 : memref<!tpu.dma_semaphore, #tpu.memory_space<semaphore_mem>>) src(%dma_wait3A_350 : memref<4096xf32, #tpu.memory_space<vmem>>) dst(%dma_wait3A_348 : memref<4096xf32, #tpu.memory_space<hbm>>)
      } else {
      }
      %dma_wait3A_125 = arith.constant 0 : i32
      %dma_wait3A_126 = arith.constant 0 : i32
      %dma_wait3A_127 = tpu.memref_slice %arg9[%dma_wait3A_125, %dma_wait3A_126] : memref<4096x16xf32, #tpu.memory_space<vmem>> -> memref<2048x16xf32, #tpu.memory_space<vmem>>
      %dma_wait3A_128 = arith.constant 0 : i32
      %dma_wait3A_129 = tpu.memref_slice %arg8[%dma_wait3A_128] : memref<4096xi32, #tpu.memory_space<vmem>> -> memref<2048xi32, #tpu.memory_space<vmem>>
      %dma_wait3A_130 = arith.constant 0 : i32
      %dma_wait3A_131 = arith.constant 0 : i32
      %dma_wait3A_132 = tpu.memref_slice %arg4[%dma_wait3A_130, %dma_wait3A_131] : memref<100352x16xf32, #tpu.memory_space<hbm>> -> memref<100352x16xf32, #tpu.memory_space<hbm>>
      tpu.wait_indirect_dma semaphore(%arg14 : memref<!tpu.dma_semaphore, #tpu.memory_space<semaphore_mem>>) src(%dma_wait3A_132 : memref<100352x16xf32, #tpu.memory_space<hbm>>) dst(%dma_wait3A_127 : memref<2048x16xf32, #tpu.memory_space<vmem>>)
      %parallel_loop3A = arith.constant 0 : i32
      %parallel_loop3A_133 = arith.constant 128 : i32
      %parallel_loop3A_134 = arith.constant 1 : i32
      scf.for %parallel_loop3A_248 = %parallel_loop3A to %parallel_loop3A_133 step %parallel_loop3A_134  : i32 {
        %parallel_loop3A_249 = arith.constant 16 : i32
        %parallel_loop3A_250 = arith.muli %parallel_loop3A_248, %parallel_loop3A_249 : i32
        %parallel_loop3A_251 = arith.constant 512 : i32
        %parallel_loop3A_252 = arith.divsi %parallel_loop3A_250, %parallel_loop3A_251 : i32
        %parallel_loop3A_253 = arith.constant 0 : i32
        %parallel_loop3A_254 = arith.cmpi sgt, %parallel_loop3A_250, %parallel_loop3A_253 : i32
        %parallel_loop3A_255 = arith.extui %parallel_loop3A_254 : i1 to i32
        %parallel_loop3A_256 = arith.constant 0 : i32
        %parallel_loop3A_257 = arith.cmpi slt, %parallel_loop3A_250, %parallel_loop3A_256 : i32
        %parallel_loop3A_258 = arith.extui %parallel_loop3A_257 : i1 to i32
        %parallel_loop3A_259 = arith.subi %parallel_loop3A_255, %parallel_loop3A_258 : i32
        %parallel_loop3A_260 = arith.constant 0 : i32
        %parallel_loop3A_261 = arith.cmpi sgt, %parallel_loop3A_251, %parallel_loop3A_260 : i32
        %parallel_loop3A_262 = arith.extui %parallel_loop3A_261 : i1 to i32
        %parallel_loop3A_263 = arith.constant 0 : i32
        %parallel_loop3A_264 = arith.cmpi slt, %parallel_loop3A_251, %parallel_loop3A_263 : i32
        %parallel_loop3A_265 = arith.extui %parallel_loop3A_264 : i1 to i32
        %parallel_loop3A_266 = arith.subi %parallel_loop3A_262, %parallel_loop3A_265 : i32
        %parallel_loop3A_267 = arith.cmpi ne, %parallel_loop3A_259, %parallel_loop3A_266 : i32
        %parallel_loop3A_268 = arith.remsi %parallel_loop3A_250, %parallel_loop3A_251 : i32
        %parallel_loop3A_269 = arith.constant 0 : i32
        %parallel_loop3A_270 = arith.cmpi ne, %parallel_loop3A_268, %parallel_loop3A_269 : i32
        %parallel_loop3A_271 = arith.andi %parallel_loop3A_267, %parallel_loop3A_270 : i1
        %parallel_loop3A_272 = arith.constant 1 : i32
        %parallel_loop3A_273 = arith.subi %parallel_loop3A_252, %parallel_loop3A_272 : i32
        %parallel_loop3A_274 = arith.select %parallel_loop3A_271, %parallel_loop3A_273, %parallel_loop3A_252 : i32
        %parallel_loop3A_275 = arith.constant 512 : i32
        %parallel_loop3A_276 = arith.constant 0 : i32
        %parallel_loop3A_277 = arith.cmpi eq, %parallel_loop3A_275, %parallel_loop3A_276 : i32
        %parallel_loop3A_278 = arith.constant 1 : i32
        %parallel_loop3A_279 = arith.select %parallel_loop3A_277, %parallel_loop3A_278, %parallel_loop3A_275 : i32
        %parallel_loop3A_280 = arith.remsi %parallel_loop3A_250, %parallel_loop3A_279 : i32
        %parallel_loop3A_281 = arith.constant 0 : i32
        %parallel_loop3A_282 = arith.cmpi ne, %parallel_loop3A_280, %parallel_loop3A_281 : i32
        %parallel_loop3A_283 = arith.constant 0 : i32
        %parallel_loop3A_284 = arith.cmpi slt, %parallel_loop3A_280, %parallel_loop3A_283 : i32
        %parallel_loop3A_285 = arith.constant 0 : i32
        %parallel_loop3A_286 = arith.cmpi slt, %parallel_loop3A_279, %parallel_loop3A_285 : i32
        %parallel_loop3A_287 = arith.xori %parallel_loop3A_284, %parallel_loop3A_286 : i1
        %parallel_loop3A_288 = arith.andi %parallel_loop3A_287, %parallel_loop3A_282 : i1
        %parallel_loop3A_289 = arith.addi %parallel_loop3A_280, %parallel_loop3A_279 : i32
        %parallel_loop3A_290 = arith.select %parallel_loop3A_288, %parallel_loop3A_289, %parallel_loop3A_280 : i32
        %parallel_loop3A_291 = arith.constant 128 : i32
        %parallel_loop3A_292 = arith.divsi %parallel_loop3A_290, %parallel_loop3A_291 : i32
        %parallel_loop3A_293 = arith.constant 0 : i32
        %parallel_loop3A_294 = arith.cmpi sgt, %parallel_loop3A_290, %parallel_loop3A_293 : i32
        %parallel_loop3A_295 = arith.extui %parallel_loop3A_294 : i1 to i32
        %parallel_loop3A_296 = arith.constant 0 : i32
        %parallel_loop3A_297 = arith.cmpi slt, %parallel_loop3A_290, %parallel_loop3A_296 : i32
        %parallel_loop3A_298 = arith.extui %parallel_loop3A_297 : i1 to i32
        %parallel_loop3A_299 = arith.subi %parallel_loop3A_295, %parallel_loop3A_298 : i32
        %parallel_loop3A_300 = arith.constant 0 : i32
        %parallel_loop3A_301 = arith.cmpi sgt, %parallel_loop3A_291, %parallel_loop3A_300 : i32
        %parallel_loop3A_302 = arith.extui %parallel_loop3A_301 : i1 to i32
        %parallel_loop3A_303 = arith.constant 0 : i32
        %parallel_loop3A_304 = arith.cmpi slt, %parallel_loop3A_291, %parallel_loop3A_303 : i32
        %parallel_loop3A_305 = arith.extui %parallel_loop3A_304 : i1 to i32
        %parallel_loop3A_306 = arith.subi %parallel_loop3A_302, %parallel_loop3A_305 : i32
        %parallel_loop3A_307 = arith.cmpi ne, %parallel_loop3A_299, %parallel_loop3A_306 : i32
        %parallel_loop3A_308 = arith.remsi %parallel_loop3A_290, %parallel_loop3A_291 : i32
        %parallel_loop3A_309 = arith.constant 0 : i32
        %parallel_loop3A_310 = arith.cmpi ne, %parallel_loop3A_308, %parallel_loop3A_309 : i32
        %parallel_loop3A_311 = arith.andi %parallel_loop3A_307, %parallel_loop3A_310 : i1
        %parallel_loop3A_312 = arith.constant 1 : i32
        %parallel_loop3A_313 = arith.subi %parallel_loop3A_292, %parallel_loop3A_312 : i32
        %parallel_loop3A_314 = arith.select %parallel_loop3A_311, %parallel_loop3A_313, %parallel_loop3A_292 : i32
        %parallel_loop3A_315 = arith.constant 128 : i32
        %parallel_loop3A_316 = arith.constant 0 : i32
        %parallel_loop3A_317 = arith.cmpi eq, %parallel_loop3A_315, %parallel_loop3A_316 : i32
        %parallel_loop3A_318 = arith.constant 1 : i32
        %parallel_loop3A_319 = arith.select %parallel_loop3A_317, %parallel_loop3A_318, %parallel_loop3A_315 : i32
        %parallel_loop3A_320 = arith.remsi %parallel_loop3A_290, %parallel_loop3A_319 : i32
        %parallel_loop3A_321 = arith.constant 0 : i32
        %parallel_loop3A_322 = arith.cmpi ne, %parallel_loop3A_320, %parallel_loop3A_321 : i32
        %parallel_loop3A_323 = arith.constant 0 : i32
        %parallel_loop3A_324 = arith.cmpi slt, %parallel_loop3A_320, %parallel_loop3A_323 : i32
        %parallel_loop3A_325 = arith.constant 0 : i32
        %parallel_loop3A_326 = arith.cmpi slt, %parallel_loop3A_319, %parallel_loop3A_325 : i32
        %parallel_loop3A_327 = arith.xori %parallel_loop3A_324, %parallel_loop3A_326 : i1
        %parallel_loop3A_328 = arith.andi %parallel_loop3A_327, %parallel_loop3A_322 : i1
        %parallel_loop3A_329 = arith.addi %parallel_loop3A_320, %parallel_loop3A_319 : i32
        %parallel_loop3A_330 = arith.select %parallel_loop3A_328, %parallel_loop3A_329, %parallel_loop3A_320 : i32
        %parallel_loop3A_331 = tpu.iota {dimensions = array<i32: 0>} : vector<16xi32>
        %parallel_loop3A_332 = vector.broadcast %parallel_loop3A_250 : i32 to vector<16xi32>
        %parallel_loop3A_333 = arith.addi %parallel_loop3A_332, %parallel_loop3A_331 : vector<16xi32>
        %parallel_loop3A_334 = arith.index_cast %parallel_loop3A_250 : i32 to index
        %parallel_loop3A_335 = tpu.vector_load %arg8[%parallel_loop3A_334] {strides = array<i32>} : memref<4096xi32, #tpu.memory_space<vmem>>, vector<16xi32>,
        %parallel_loop3A_336 = arith.constant 1024 : i32
        %parallel_loop3A_337 = arith.muli %parallel_loop3A_314, %parallel_loop3A_336 : i32
        %parallel_loop3A_338 = arith.constant 128 : i32
        %parallel_loop3A_339 = arith.muli %parallel_loop3A_274, %parallel_loop3A_338 : i32
        %parallel_loop3A_340 = arith.addi %parallel_loop3A_337, %parallel_loop3A_339 : i32
        %parallel_loop3A_341 = arith.addi %parallel_loop3A_340, %parallel_loop3A_330 : i32
        %parallel_loop3A_342 = arith.constant 1536 : i32
        %parallel_loop3A_343 = arith.muli %parallel_loop3A_274, %parallel_loop3A_342 : i32
        %parallel_loop3A_344 = arith.constant 0 : i32
        %parallel_loop3A_345 = arith.addi %parallel_loop3A_343, %parallel_loop3A_344 : i32
        %parallel_loop3A_346 = arith.addi %parallel_loop3A_345, %parallel_loop3A_290 : i32
        %parallel_loop3A_347 = arith.index_cast %parallel_loop3A_346 : i32 to index
        %parallel_loop3A_348 = tpu.vector_load %arg10[%parallel_loop3A_347] {strides = array<i32>} : memref<12288xf32, #tpu.memory_space<vmem>>, vector<16xf32>,
        %parallel_loop3A_349 = arith.constant 0 : i32
        %parallel_loop3A_350 = arith.addi %parallel_loop3A_349, %parallel_loop3A_341 : i32
        %parallel_loop3A_351 = arith.index_cast %parallel_loop3A_350 : i32 to index
        %parallel_loop3A_352 = tpu.vector_load %arg13[%parallel_loop3A_351] {strides = array<i32>} : memref<12288xf32, #tpu.memory_space<vmem>>, vector<16xf32>,
        tpu.vector_store %arg13[%parallel_loop3A_351], %parallel_loop3A_348 {strides = array<i32>} : memref<12288xf32, #tpu.memory_space<vmem>>, vector<16xf32>,
        %parallel_loop3A_353 = arith.constant 1536 : i32
        %parallel_loop3A_354 = arith.muli %parallel_loop3A_274, %parallel_loop3A_353 : i32
        %parallel_loop3A_355 = arith.constant 512 : i32
        %parallel_loop3A_356 = arith.addi %parallel_loop3A_354, %parallel_loop3A_355 : i32
        %parallel_loop3A_357 = arith.addi %parallel_loop3A_356, %parallel_loop3A_290 : i32
        %parallel_loop3A_358 = arith.index_cast %parallel_loop3A_357 : i32 to index
        %parallel_loop3A_359 = tpu.vector_load %arg10[%parallel_loop3A_358] {strides = array<i32>} : memref<12288xf32, #tpu.memory_space<vmem>>, vector<16xf32>,
        %parallel_loop3A_360 = arith.constant 4096 : i32
        %parallel_loop3A_361 = arith.addi %parallel_loop3A_360, %parallel_loop3A_341 : i32
        %parallel_loop3A_362 = arith.index_cast %parallel_loop3A_361 : i32 to index
        %parallel_loop3A_363 = tpu.vector_load %arg13[%parallel_loop3A_362] {strides = array<i32>} : memref<12288xf32, #tpu.memory_space<vmem>>, vector<16xf32>,
        tpu.vector_store %arg13[%parallel_loop3A_362], %parallel_loop3A_359 {strides = array<i32>} : memref<12288xf32, #tpu.memory_space<vmem>>, vector<16xf32>,
        %parallel_loop3A_364 = arith.constant 1536 : i32
        %parallel_loop3A_365 = arith.muli %parallel_loop3A_274, %parallel_loop3A_364 : i32
        %parallel_loop3A_366 = arith.constant 1024 : i32
        %parallel_loop3A_367 = arith.addi %parallel_loop3A_365, %parallel_loop3A_366 : i32
        %parallel_loop3A_368 = arith.addi %parallel_loop3A_367, %parallel_loop3A_290 : i32
        %parallel_loop3A_369 = arith.index_cast %parallel_loop3A_368 : i32 to index
        %parallel_loop3A_370 = tpu.vector_load %arg10[%parallel_loop3A_369] {strides = array<i32>} : memref<12288xf32, #tpu.memory_space<vmem>>, vector<16xf32>,
        %parallel_loop3A_371 = arith.constant 8192 : i32
        %parallel_loop3A_372 = arith.addi %parallel_loop3A_371, %parallel_loop3A_341 : i32
        %parallel_loop3A_373 = arith.index_cast %parallel_loop3A_372 : i32 to index
        %parallel_loop3A_374 = tpu.vector_load %arg13[%parallel_loop3A_373] {strides = array<i32>} : memref<12288xf32, #tpu.memory_space<vmem>>, vector<16xf32>,
        tpu.vector_store %arg13[%parallel_loop3A_373], %parallel_loop3A_370 {strides = array<i32>} : memref<12288xf32, #tpu.memory_space<vmem>>, vector<16xf32>,
        %parallel_loop3A_375 = arith.constant 0 : i32
        %parallel_loop3A_376 = vector.broadcast %parallel_loop3A_375 : i32 to vector<16xi32>
        %parallel_loop3A_377 = tpu.vector_load_idx %arg9[%parallel_loop3A_333, %parallel_loop3A_376] : memref<4096x16xf32, #tpu.memory_space<vmem>>[vector<16xi32>, vector<16xi32>], vector<16xf32>,
        %parallel_loop3A_378 = arith.mulf %parallel_loop3A_348, %parallel_loop3A_377 : vector<16xf32>
        %parallel_loop3A_379 = arith.constant 3 : i32
        %parallel_loop3A_380 = vector.broadcast %parallel_loop3A_379 : i32 to vector<16xi32>
        %parallel_loop3A_381 = tpu.vector_load_idx %arg9[%parallel_loop3A_333, %parallel_loop3A_380] : memref<4096x16xf32, #tpu.memory_space<vmem>>[vector<16xi32>, vector<16xi32>], vector<16xf32>,
        %parallel_loop3A_382 = arith.mulf %parallel_loop3A_359, %parallel_loop3A_381 : vector<16xf32>
        %parallel_loop3A_383 = arith.addf %parallel_loop3A_378, %parallel_loop3A_382 : vector<16xf32>
        %parallel_loop3A_384 = arith.constant 6 : i32
        %parallel_loop3A_385 = vector.broadcast %parallel_loop3A_384 : i32 to vector<16xi32>
        %parallel_loop3A_386 = tpu.vector_load_idx %arg9[%parallel_loop3A_333, %parallel_loop3A_385] : memref<4096x16xf32, #tpu.memory_space<vmem>>[vector<16xi32>, vector<16xi32>], vector<16xf32>,
        %parallel_loop3A_387 = arith.mulf %parallel_loop3A_370, %parallel_loop3A_386 : vector<16xf32>
        %parallel_loop3A_388 = arith.addf %parallel_loop3A_383, %parallel_loop3A_387 : vector<16xf32>
        %parallel_loop3A_389 = arith.constant 2048 : i32
        %parallel_loop3A_390 = arith.muli %parallel_loop3A_274, %parallel_loop3A_389 : i32
        %parallel_loop3A_391 = arith.constant 512 : i32
        %parallel_loop3A_392 = arith.muli %parallel_loop3A_314, %parallel_loop3A_391 : i32
        %parallel_loop3A_393 = arith.addi %parallel_loop3A_390, %parallel_loop3A_392 : i32
        %parallel_loop3A_394 = arith.constant 0 : i32
        %parallel_loop3A_395 = arith.addi %parallel_loop3A_393, %parallel_loop3A_394 : i32
        %parallel_loop3A_396 = arith.addi %parallel_loop3A_395, %parallel_loop3A_330 : i32
        %parallel_loop3A_397 = arith.index_cast %parallel_loop3A_396 : i32 to index
        %parallel_loop3A_398 = tpu.vector_load %arg11[%parallel_loop3A_397] {strides = array<i32>} : memref<16384xf32, #tpu.memory_space<vmem>>, vector<16xf32>,
        tpu.vector_store %arg11[%parallel_loop3A_397], %parallel_loop3A_388 {strides = array<i32>} : memref<16384xf32, #tpu.memory_space<vmem>>, vector<16xf32>,
        %parallel_loop3A_399 = arith.constant 1 : i32
        %parallel_loop3A_400 = vector.broadcast %parallel_loop3A_399 : i32 to vector<16xi32>
        %parallel_loop3A_401 = tpu.vector_load_idx %arg9[%parallel_loop3A_333, %parallel_loop3A_400] : memref<4096x16xf32, #tpu.memory_space<vmem>>[vector<16xi32>, vector<16xi32>], vector<16xf32>,
        %parallel_loop3A_402 = arith.mulf %parallel_loop3A_348, %parallel_loop3A_401 : vector<16xf32>
        %parallel_loop3A_403 = arith.constant 4 : i32
        %parallel_loop3A_404 = vector.broadcast %parallel_loop3A_403 : i32 to vector<16xi32>
        %parallel_loop3A_405 = tpu.vector_load_idx %arg9[%parallel_loop3A_333, %parallel_loop3A_404] : memref<4096x16xf32, #tpu.memory_space<vmem>>[vector<16xi32>, vector<16xi32>], vector<16xf32>,
        %parallel_loop3A_406 = arith.mulf %parallel_loop3A_359, %parallel_loop3A_405 : vector<16xf32>
        %parallel_loop3A_407 = arith.addf %parallel_loop3A_402, %parallel_loop3A_406 : vector<16xf32>
        %parallel_loop3A_408 = arith.constant 7 : i32
        %parallel_loop3A_409 = vector.broadcast %parallel_loop3A_408 : i32 to vector<16xi32>
        %parallel_loop3A_410 = tpu.vector_load_idx %arg9[%parallel_loop3A_333, %parallel_loop3A_409] : memref<4096x16xf32, #tpu.memory_space<vmem>>[vector<16xi32>, vector<16xi32>], vector<16xf32>,
        %parallel_loop3A_411 = arith.mulf %parallel_loop3A_370, %parallel_loop3A_410 : vector<16xf32>
        %parallel_loop3A_412 = arith.addf %parallel_loop3A_407, %parallel_loop3A_411 : vector<16xf32>
        %parallel_loop3A_413 = arith.constant 2048 : i32
        %parallel_loop3A_414 = arith.muli %parallel_loop3A_274, %parallel_loop3A_413 : i32
        %parallel_loop3A_415 = arith.constant 512 : i32
        %parallel_loop3A_416 = arith.muli %parallel_loop3A_314, %parallel_loop3A_415 : i32
        %parallel_loop3A_417 = arith.addi %parallel_loop3A_414, %parallel_loop3A_416 : i32
        %parallel_loop3A_418 = arith.constant 128 : i32
        %parallel_loop3A_419 = arith.addi %parallel_loop3A_417, %parallel_loop3A_418 : i32
        %parallel_loop3A_420 = arith.addi %parallel_loop3A_419, %parallel_loop3A_330 : i32
        %parallel_loop3A_421 = arith.index_cast %parallel_loop3A_420 : i32 to index
        %parallel_loop3A_422 = tpu.vector_load %arg11[%parallel_loop3A_421] {strides = array<i32>} : memref<16384xf32, #tpu.memory_space<vmem>>, vector<16xf32>,
        tpu.vector_store %arg11[%parallel_loop3A_421], %parallel_loop3A_412 {strides = array<i32>} : memref<16384xf32, #tpu.memory_space<vmem>>, vector<16xf32>,
        %parallel_loop3A_423 = arith.constant 2 : i32
        %parallel_loop3A_424 = vector.broadcast %parallel_loop3A_423 : i32 to vector<16xi32>
        %parallel_loop3A_425 = tpu.vector_load_idx %arg9[%parallel_loop3A_333, %parallel_loop3A_424] : memref<4096x16xf32, #tpu.memory_space<vmem>>[vector<16xi32>, vector<16xi32>], vector<16xf32>,
        %parallel_loop3A_426 = arith.mulf %parallel_loop3A_348, %parallel_loop3A_425 : vector<16xf32>
        %parallel_loop3A_427 = arith.constant 5 : i32
        %parallel_loop3A_428 = vector.broadcast %parallel_loop3A_427 : i32 to vector<16xi32>
        %parallel_loop3A_429 = tpu.vector_load_idx %arg9[%parallel_loop3A_333, %parallel_loop3A_428] : memref<4096x16xf32, #tpu.memory_space<vmem>>[vector<16xi32>, vector<16xi32>], vector<16xf32>,
        %parallel_loop3A_430 = arith.mulf %parallel_loop3A_359, %parallel_loop3A_429 : vector<16xf32>
        %parallel_loop3A_431 = arith.addf %parallel_loop3A_426, %parallel_loop3A_430 : vector<16xf32>
        %parallel_loop3A_432 = arith.constant 8 : i32
        %parallel_loop3A_433 = vector.broadcast %parallel_loop3A_432 : i32 to vector<16xi32>
        %parallel_loop3A_434 = tpu.vector_load_idx %arg9[%parallel_loop3A_333, %parallel_loop3A_433] : memref<4096x16xf32, #tpu.memory_space<vmem>>[vector<16xi32>, vector<16xi32>], vector<16xf32>,
        %parallel_loop3A_435 = arith.mulf %parallel_loop3A_370, %parallel_loop3A_434 : vector<16xf32>
        %parallel_loop3A_436 = arith.addf %parallel_loop3A_431, %parallel_loop3A_435 : vector<16xf32>
        %parallel_loop3A_437 = arith.constant 2048 : i32
        %parallel_loop3A_438 = arith.muli %parallel_loop3A_274, %parallel_loop3A_437 : i32
        %parallel_loop3A_439 = arith.constant 512 : i32
        %parallel_loop3A_440 = arith.muli %parallel_loop3A_314, %parallel_loop3A_439 : i32
        %parallel_loop3A_441 = arith.addi %parallel_loop3A_438, %parallel_loop3A_440 : i32
        %parallel_loop3A_442 = arith.constant 256 : i32
        %parallel_loop3A_443 = arith.addi %parallel_loop3A_441, %parallel_loop3A_442 : i32
        %parallel_loop3A_444 = arith.addi %parallel_loop3A_443, %parallel_loop3A_330 : i32
        %parallel_loop3A_445 = arith.index_cast %parallel_loop3A_444 : i32 to index
        %parallel_loop3A_446 = tpu.vector_load %arg11[%parallel_loop3A_445] {strides = array<i32>} : memref<16384xf32, #tpu.memory_space<vmem>>, vector<16xf32>,
        tpu.vector_store %arg11[%parallel_loop3A_445], %parallel_loop3A_436 {strides = array<i32>} : memref<16384xf32, #tpu.memory_space<vmem>>, vector<16xf32>,
        %parallel_loop3A_447 = arith.constant -1 : i32
        %parallel_loop3A_448 = vector.broadcast %parallel_loop3A_447 : i32 to vector<16xi32>
        %parallel_loop3A_449 = arith.cmpi ne, %parallel_loop3A_335, %parallel_loop3A_448 : vector<16xi32>
        %parallel_loop3A_450 = arith.constant 1.000000e+00 : f32
        %parallel_loop3A_451 = arith.constant 0.000000e+00 : f32
        %parallel_loop3A_452 = vector.broadcast %parallel_loop3A_450 : f32 to vector<16xf32>
        %parallel_loop3A_453 = vector.broadcast %parallel_loop3A_451 : f32 to vector<16xf32>
        %parallel_loop3A_454 = arith.select %parallel_loop3A_449, %parallel_loop3A_452, %parallel_loop3A_453 : vector<16xi1>, vector<16xf32>
        %parallel_loop3A_455 = arith.constant 2048 : i32
        %parallel_loop3A_456 = arith.muli %parallel_loop3A_274, %parallel_loop3A_455 : i32
        %parallel_loop3A_457 = arith.constant 512 : i32
        %parallel_loop3A_458 = arith.muli %parallel_loop3A_314, %parallel_loop3A_457 : i32
        %parallel_loop3A_459 = arith.addi %parallel_loop3A_456, %parallel_loop3A_458 : i32
        %parallel_loop3A_460 = arith.constant 384 : i32
        %parallel_loop3A_461 = arith.addi %parallel_loop3A_459, %parallel_loop3A_460 : i32
        %parallel_loop3A_462 = arith.addi %parallel_loop3A_461, %parallel_loop3A_330 : i32
        %parallel_loop3A_463 = arith.index_cast %parallel_loop3A_462 : i32 to index
        %parallel_loop3A_464 = tpu.vector_load %arg11[%parallel_loop3A_463] {strides = array<i32>} : memref<16384xf32, #tpu.memory_space<vmem>>, vector<16xf32>,
        tpu.vector_store %arg11[%parallel_loop3A_463], %parallel_loop3A_454 {strides = array<i32>} : memref<16384xf32, #tpu.memory_space<vmem>>, vector<16xf32>,
        %parallel_loop3A_465 = arith.constant 9 : i32
        %parallel_loop3A_466 = vector.broadcast %parallel_loop3A_465 : i32 to vector<16xi32>
        %parallel_loop3A_467 = tpu.vector_load_idx %arg9[%parallel_loop3A_333, %parallel_loop3A_466] : memref<4096x16xf32, #tpu.memory_space<vmem>>[vector<16xi32>, vector<16xi32>], vector<16xf32>,
        %parallel_loop3A_468 = vector.bitcast %parallel_loop3A_467 : vector<16xf32> to vector<16xi32>
        %parallel_loop3A_469 = arith.constant 0 : i32
        %parallel_loop3A_470 = arith.addi %parallel_loop3A_469, %parallel_loop3A_341 : i32
        %parallel_loop3A_471 = arith.index_cast %parallel_loop3A_470 : i32 to index
        %parallel_loop3A_472 = tpu.vector_load %arg12[%parallel_loop3A_471] {strides = array<i32>} : memref<12288xi32, #tpu.memory_space<vmem>>, vector<16xi32>,
        tpu.vector_store %arg12[%parallel_loop3A_471], %parallel_loop3A_468 {strides = array<i32>} : memref<12288xi32, #tpu.memory_space<vmem>>, vector<16xi32>,
        %parallel_loop3A_473 = arith.constant 10 : i32
        %parallel_loop3A_474 = vector.broadcast %parallel_loop3A_473 : i32 to vector<16xi32>
        %parallel_loop3A_475 = tpu.vector_load_idx %arg9[%parallel_loop3A_333, %parallel_loop3A_474] : memref<4096x16xf32, #tpu.memory_space<vmem>>[vector<16xi32>, vector<16xi32>], vector<16xf32>,
        %parallel_loop3A_476 = vector.bitcast %parallel_loop3A_475 : vector<16xf32> to vector<16xi32>
        %parallel_loop3A_477 = arith.constant 4096 : i32
        %parallel_loop3A_478 = arith.addi %parallel_loop3A_477, %parallel_loop3A_341 : i32
        %parallel_loop3A_479 = arith.index_cast %parallel_loop3A_478 : i32 to index
        %parallel_loop3A_480 = tpu.vector_load %arg12[%parallel_loop3A_479] {strides = array<i32>} : memref<12288xi32, #tpu.memory_space<vmem>>, vector<16xi32>,
        tpu.vector_store %arg12[%parallel_loop3A_479], %parallel_loop3A_476 {strides = array<i32>} : memref<12288xi32, #tpu.memory_space<vmem>>, vector<16xi32>,
        %parallel_loop3A_481 = arith.constant 11 : i32
        %parallel_loop3A_482 = vector.broadcast %parallel_loop3A_481 : i32 to vector<16xi32>
        %parallel_loop3A_483 = tpu.vector_load_idx %arg9[%parallel_loop3A_333, %parallel_loop3A_482] : memref<4096x16xf32, #tpu.memory_space<vmem>>[vector<16xi32>, vector<16xi32>], vector<16xf32>,
        %parallel_loop3A_484 = vector.bitcast %parallel_loop3A_483 : vector<16xf32> to vector<16xi32>
        %parallel_loop3A_485 = arith.constant 8192 : i32
        %parallel_loop3A_486 = arith.addi %parallel_loop3A_485, %parallel_loop3A_341 : i32
        %parallel_loop3A_487 = arith.index_cast %parallel_loop3A_486 : i32 to index
        %parallel_loop3A_488 = tpu.vector_load %arg12[%parallel_loop3A_487] {strides = array<i32>} : memref<12288xi32, #tpu.memory_space<vmem>>, vector<16xi32>,
        tpu.vector_store %arg12[%parallel_loop3A_487], %parallel_loop3A_484 {strides = array<i32>} : memref<12288xi32, #tpu.memory_space<vmem>>, vector<16xi32>,
      } {sc.loop_unroll_factor = 4 : i64, sc.parallel_access}
      %dma_wait3A_135 = arith.constant 2048 : i32
      %dma_wait3A_136 = arith.constant 0 : i32
      %dma_wait3A_137 = tpu.memref_slice %arg9[%dma_wait3A_135, %dma_wait3A_136] : memref<4096x16xf32, #tpu.memory_space<vmem>> -> memref<2048x16xf32, #tpu.memory_space<vmem>>
      %dma_wait3A_138 = arith.constant 2048 : i32
      %dma_wait3A_139 = tpu.memref_slice %arg8[%dma_wait3A_138] : memref<4096xi32, #tpu.memory_space<vmem>> -> memref<2048xi32, #tpu.memory_space<vmem>>
      %dma_wait3A_140 = arith.constant 0 : i32
      %dma_wait3A_141 = arith.constant 0 : i32
      %dma_wait3A_142 = tpu.memref_slice %arg4[%dma_wait3A_140, %dma_wait3A_141] : memref<100352x16xf32, #tpu.memory_space<hbm>> -> memref<100352x16xf32, #tpu.memory_space<hbm>>
      tpu.wait_indirect_dma semaphore(%arg15 : memref<!tpu.dma_semaphore, #tpu.memory_space<semaphore_mem>>) src(%dma_wait3A_142 : memref<100352x16xf32, #tpu.memory_space<hbm>>) dst(%dma_wait3A_137 : memref<2048x16xf32, #tpu.memory_space<vmem>>)
      %parallel_loop3A_143 = arith.constant 128 : i32
      %parallel_loop3A_144 = arith.constant 256 : i32
      %parallel_loop3A_145 = arith.constant 1 : i32
      scf.for %parallel_loop3A_248 = %parallel_loop3A_143 to %parallel_loop3A_144 step %parallel_loop3A_145  : i32 {
        %parallel_loop3A_249 = arith.constant 16 : i32
        %parallel_loop3A_250 = arith.muli %parallel_loop3A_248, %parallel_loop3A_249 : i32
        %parallel_loop3A_251 = arith.constant 512 : i32
        %parallel_loop3A_252 = arith.divsi %parallel_loop3A_250, %parallel_loop3A_251 : i32
        %parallel_loop3A_253 = arith.constant 0 : i32
        %parallel_loop3A_254 = arith.cmpi sgt, %parallel_loop3A_250, %parallel_loop3A_253 : i32
        %parallel_loop3A_255 = arith.extui %parallel_loop3A_254 : i1 to i32
        %parallel_loop3A_256 = arith.constant 0 : i32
        %parallel_loop3A_257 = arith.cmpi slt, %parallel_loop3A_250, %parallel_loop3A_256 : i32
        %parallel_loop3A_258 = arith.extui %parallel_loop3A_257 : i1 to i32
        %parallel_loop3A_259 = arith.subi %parallel_loop3A_255, %parallel_loop3A_258 : i32
        %parallel_loop3A_260 = arith.constant 0 : i32
        %parallel_loop3A_261 = arith.cmpi sgt, %parallel_loop3A_251, %parallel_loop3A_260 : i32
        %parallel_loop3A_262 = arith.extui %parallel_loop3A_261 : i1 to i32
        %parallel_loop3A_263 = arith.constant 0 : i32
        %parallel_loop3A_264 = arith.cmpi slt, %parallel_loop3A_251, %parallel_loop3A_263 : i32
        %parallel_loop3A_265 = arith.extui %parallel_loop3A_264 : i1 to i32
        %parallel_loop3A_266 = arith.subi %parallel_loop3A_262, %parallel_loop3A_265 : i32
        %parallel_loop3A_267 = arith.cmpi ne, %parallel_loop3A_259, %parallel_loop3A_266 : i32
        %parallel_loop3A_268 = arith.remsi %parallel_loop3A_250, %parallel_loop3A_251 : i32
        %parallel_loop3A_269 = arith.constant 0 : i32
        %parallel_loop3A_270 = arith.cmpi ne, %parallel_loop3A_268, %parallel_loop3A_269 : i32
        %parallel_loop3A_271 = arith.andi %parallel_loop3A_267, %parallel_loop3A_270 : i1
        %parallel_loop3A_272 = arith.constant 1 : i32
        %parallel_loop3A_273 = arith.subi %parallel_loop3A_252, %parallel_loop3A_272 : i32
        %parallel_loop3A_274 = arith.select %parallel_loop3A_271, %parallel_loop3A_273, %parallel_loop3A_252 : i32
        %parallel_loop3A_275 = arith.constant 512 : i32
        %parallel_loop3A_276 = arith.constant 0 : i32
        %parallel_loop3A_277 = arith.cmpi eq, %parallel_loop3A_275, %parallel_loop3A_276 : i32
        %parallel_loop3A_278 = arith.constant 1 : i32
        %parallel_loop3A_279 = arith.select %parallel_loop3A_277, %parallel_loop3A_278, %parallel_loop3A_275 : i32
        %parallel_loop3A_280 = arith.remsi %parallel_loop3A_250, %parallel_loop3A_279 : i32
        %parallel_loop3A_281 = arith.constant 0 : i32
        %parallel_loop3A_282 = arith.cmpi ne, %parallel_loop3A_280, %parallel_loop3A_281 : i32
        %parallel_loop3A_283 = arith.constant 0 : i32
        %parallel_loop3A_284 = arith.cmpi slt, %parallel_loop3A_280, %parallel_loop3A_283 : i32
        %parallel_loop3A_285 = arith.constant 0 : i32
        %parallel_loop3A_286 = arith.cmpi slt, %parallel_loop3A_279, %parallel_loop3A_285 : i32
        %parallel_loop3A_287 = arith.xori %parallel_loop3A_284, %parallel_loop3A_286 : i1
        %parallel_loop3A_288 = arith.andi %parallel_loop3A_287, %parallel_loop3A_282 : i1
        %parallel_loop3A_289 = arith.addi %parallel_loop3A_280, %parallel_loop3A_279 : i32
        %parallel_loop3A_290 = arith.select %parallel_loop3A_288, %parallel_loop3A_289, %parallel_loop3A_280 : i32
        %parallel_loop3A_291 = arith.constant 128 : i32
        %parallel_loop3A_292 = arith.divsi %parallel_loop3A_290, %parallel_loop3A_291 : i32
        %parallel_loop3A_293 = arith.constant 0 : i32
        %parallel_loop3A_294 = arith.cmpi sgt, %parallel_loop3A_290, %parallel_loop3A_293 : i32
        %parallel_loop3A_295 = arith.extui %parallel_loop3A_294 : i1 to i32
        %parallel_loop3A_296 = arith.constant 0 : i32
        %parallel_loop3A_297 = arith.cmpi slt, %parallel_loop3A_290, %parallel_loop3A_296 : i32
        %parallel_loop3A_298 = arith.extui %parallel_loop3A_297 : i1 to i32
        %parallel_loop3A_299 = arith.subi %parallel_loop3A_295, %parallel_loop3A_298 : i32
        %parallel_loop3A_300 = arith.constant 0 : i32
        %parallel_loop3A_301 = arith.cmpi sgt, %parallel_loop3A_291, %parallel_loop3A_300 : i32
        %parallel_loop3A_302 = arith.extui %parallel_loop3A_301 : i1 to i32
        %parallel_loop3A_303 = arith.constant 0 : i32
        %parallel_loop3A_304 = arith.cmpi slt, %parallel_loop3A_291, %parallel_loop3A_303 : i32
        %parallel_loop3A_305 = arith.extui %parallel_loop3A_304 : i1 to i32
        %parallel_loop3A_306 = arith.subi %parallel_loop3A_302, %parallel_loop3A_305 : i32
        %parallel_loop3A_307 = arith.cmpi ne, %parallel_loop3A_299, %parallel_loop3A_306 : i32
        %parallel_loop3A_308 = arith.remsi %parallel_loop3A_290, %parallel_loop3A_291 : i32
        %parallel_loop3A_309 = arith.constant 0 : i32
        %parallel_loop3A_310 = arith.cmpi ne, %parallel_loop3A_308, %parallel_loop3A_309 : i32
        %parallel_loop3A_311 = arith.andi %parallel_loop3A_307, %parallel_loop3A_310 : i1
        %parallel_loop3A_312 = arith.constant 1 : i32
        %parallel_loop3A_313 = arith.subi %parallel_loop3A_292, %parallel_loop3A_312 : i32
        %parallel_loop3A_314 = arith.select %parallel_loop3A_311, %parallel_loop3A_313, %parallel_loop3A_292 : i32
        %parallel_loop3A_315 = arith.constant 128 : i32
        %parallel_loop3A_316 = arith.constant 0 : i32
        %parallel_loop3A_317 = arith.cmpi eq, %parallel_loop3A_315, %parallel_loop3A_316 : i32
        %parallel_loop3A_318 = arith.constant 1 : i32
        %parallel_loop3A_319 = arith.select %parallel_loop3A_317, %parallel_loop3A_318, %parallel_loop3A_315 : i32
        %parallel_loop3A_320 = arith.remsi %parallel_loop3A_290, %parallel_loop3A_319 : i32
        %parallel_loop3A_321 = arith.constant 0 : i32
        %parallel_loop3A_322 = arith.cmpi ne, %parallel_loop3A_320, %parallel_loop3A_321 : i32
        %parallel_loop3A_323 = arith.constant 0 : i32
        %parallel_loop3A_324 = arith.cmpi slt, %parallel_loop3A_320, %parallel_loop3A_323 : i32
        %parallel_loop3A_325 = arith.constant 0 : i32
        %parallel_loop3A_326 = arith.cmpi slt, %parallel_loop3A_319, %parallel_loop3A_325 : i32
        %parallel_loop3A_327 = arith.xori %parallel_loop3A_324, %parallel_loop3A_326 : i1
        %parallel_loop3A_328 = arith.andi %parallel_loop3A_327, %parallel_loop3A_322 : i1
        %parallel_loop3A_329 = arith.addi %parallel_loop3A_320, %parallel_loop3A_319 : i32
        %parallel_loop3A_330 = arith.select %parallel_loop3A_328, %parallel_loop3A_329, %parallel_loop3A_320 : i32
        %parallel_loop3A_331 = tpu.iota {dimensions = array<i32: 0>} : vector<16xi32>
        %parallel_loop3A_332 = vector.broadcast %parallel_loop3A_250 : i32 to vector<16xi32>
        %parallel_loop3A_333 = arith.addi %parallel_loop3A_332, %parallel_loop3A_331 : vector<16xi32>
        %parallel_loop3A_334 = arith.index_cast %parallel_loop3A_250 : i32 to index
        %parallel_loop3A_335 = tpu.vector_load %arg8[%parallel_loop3A_334] {strides = array<i32>} : memref<4096xi32, #tpu.memory_space<vmem>>, vector<16xi32>,
        %parallel_loop3A_336 = arith.constant 1024 : i32
        %parallel_loop3A_337 = arith.muli %parallel_loop3A_314, %parallel_loop3A_336 : i32
        %parallel_loop3A_338 = arith.constant 128 : i32
        %parallel_loop3A_339 = arith.muli %parallel_loop3A_274, %parallel_loop3A_338 : i32
        %parallel_loop3A_340 = arith.addi %parallel_loop3A_337, %parallel_loop3A_339 : i32
        %parallel_loop3A_341 = arith.addi %parallel_loop3A_340, %parallel_loop3A_330 : i32
        %parallel_loop3A_342 = arith.constant 1536 : i32
        %parallel_loop3A_343 = arith.muli %parallel_loop3A_274, %parallel_loop3A_342 : i32
        %parallel_loop3A_344 = arith.constant 0 : i32
        %parallel_loop3A_345 = arith.addi %parallel_loop3A_343, %parallel_loop3A_344 : i32
        %parallel_loop3A_346 = arith.addi %parallel_loop3A_345, %parallel_loop3A_290 : i32
        %parallel_loop3A_347 = arith.index_cast %parallel_loop3A_346 : i32 to index
        %parallel_loop3A_348 = tpu.vector_load %arg10[%parallel_loop3A_347] {strides = array<i32>} : memref<12288xf32, #tpu.memory_space<vmem>>, vector<16xf32>,
        %parallel_loop3A_349 = arith.constant 0 : i32
        %parallel_loop3A_350 = arith.addi %parallel_loop3A_349, %parallel_loop3A_341 : i32
        %parallel_loop3A_351 = arith.index_cast %parallel_loop3A_350 : i32 to index
        %parallel_loop3A_352 = tpu.vector_load %arg13[%parallel_loop3A_351] {strides = array<i32>} : memref<12288xf32, #tpu.memory_space<vmem>>, vector<16xf32>,
        tpu.vector_store %arg13[%parallel_loop3A_351], %parallel_loop3A_348 {strides = array<i32>} : memref<12288xf32, #tpu.memory_space<vmem>>, vector<16xf32>,
        %parallel_loop3A_353 = arith.constant 1536 : i32
        %parallel_loop3A_354 = arith.muli %parallel_loop3A_274, %parallel_loop3A_353 : i32
        %parallel_loop3A_355 = arith.constant 512 : i32
        %parallel_loop3A_356 = arith.addi %parallel_loop3A_354, %parallel_loop3A_355 : i32
        %parallel_loop3A_357 = arith.addi %parallel_loop3A_356, %parallel_loop3A_290 : i32
        %parallel_loop3A_358 = arith.index_cast %parallel_loop3A_357 : i32 to index
        %parallel_loop3A_359 = tpu.vector_load %arg10[%parallel_loop3A_358] {strides = array<i32>} : memref<12288xf32, #tpu.memory_space<vmem>>, vector<16xf32>,
        %parallel_loop3A_360 = arith.constant 4096 : i32
        %parallel_loop3A_361 = arith.addi %parallel_loop3A_360, %parallel_loop3A_341 : i32
        %parallel_loop3A_362 = arith.index_cast %parallel_loop3A_361 : i32 to index
        %parallel_loop3A_363 = tpu.vector_load %arg13[%parallel_loop3A_362] {strides = array<i32>} : memref<12288xf32, #tpu.memory_space<vmem>>, vector<16xf32>,
        tpu.vector_store %arg13[%parallel_loop3A_362], %parallel_loop3A_359 {strides = array<i32>} : memref<12288xf32, #tpu.memory_space<vmem>>, vector<16xf32>,
        %parallel_loop3A_364 = arith.constant 1536 : i32
        %parallel_loop3A_365 = arith.muli %parallel_loop3A_274, %parallel_loop3A_364 : i32
        %parallel_loop3A_366 = arith.constant 1024 : i32
        %parallel_loop3A_367 = arith.addi %parallel_loop3A_365, %parallel_loop3A_366 : i32
        %parallel_loop3A_368 = arith.addi %parallel_loop3A_367, %parallel_loop3A_290 : i32
        %parallel_loop3A_369 = arith.index_cast %parallel_loop3A_368 : i32 to index
        %parallel_loop3A_370 = tpu.vector_load %arg10[%parallel_loop3A_369] {strides = array<i32>} : memref<12288xf32, #tpu.memory_space<vmem>>, vector<16xf32>,
        %parallel_loop3A_371 = arith.constant 8192 : i32
        %parallel_loop3A_372 = arith.addi %parallel_loop3A_371, %parallel_loop3A_341 : i32
        %parallel_loop3A_373 = arith.index_cast %parallel_loop3A_372 : i32 to index
        %parallel_loop3A_374 = tpu.vector_load %arg13[%parallel_loop3A_373] {strides = array<i32>} : memref<12288xf32, #tpu.memory_space<vmem>>, vector<16xf32>,
        tpu.vector_store %arg13[%parallel_loop3A_373], %parallel_loop3A_370 {strides = array<i32>} : memref<12288xf32, #tpu.memory_space<vmem>>, vector<16xf32>,
        %parallel_loop3A_375 = arith.constant 0 : i32
        %parallel_loop3A_376 = vector.broadcast %parallel_loop3A_375 : i32 to vector<16xi32>
        %parallel_loop3A_377 = tpu.vector_load_idx %arg9[%parallel_loop3A_333, %parallel_loop3A_376] : memref<4096x16xf32, #tpu.memory_space<vmem>>[vector<16xi32>, vector<16xi32>], vector<16xf32>,
        %parallel_loop3A_378 = arith.mulf %parallel_loop3A_348, %parallel_loop3A_377 : vector<16xf32>
        %parallel_loop3A_379 = arith.constant 3 : i32
        %parallel_loop3A_380 = vector.broadcast %parallel_loop3A_379 : i32 to vector<16xi32>
        %parallel_loop3A_381 = tpu.vector_load_idx %arg9[%parallel_loop3A_333, %parallel_loop3A_380] : memref<4096x16xf32, #tpu.memory_space<vmem>>[vector<16xi32>, vector<16xi32>], vector<16xf32>,
        %parallel_loop3A_382 = arith.mulf %parallel_loop3A_359, %parallel_loop3A_381 : vector<16xf32>
        %parallel_loop3A_383 = arith.addf %parallel_loop3A_378, %parallel_loop3A_382 : vector<16xf32>
        %parallel_loop3A_384 = arith.constant 6 : i32
        %parallel_loop3A_385 = vector.broadcast %parallel_loop3A_384 : i32 to vector<16xi32>
        %parallel_loop3A_386 = tpu.vector_load_idx %arg9[%parallel_loop3A_333, %parallel_loop3A_385] : memref<4096x16xf32, #tpu.memory_space<vmem>>[vector<16xi32>, vector<16xi32>], vector<16xf32>,
        %parallel_loop3A_387 = arith.mulf %parallel_loop3A_370, %parallel_loop3A_386 : vector<16xf32>
        %parallel_loop3A_388 = arith.addf %parallel_loop3A_383, %parallel_loop3A_387 : vector<16xf32>
        %parallel_loop3A_389 = arith.constant 2048 : i32
        %parallel_loop3A_390 = arith.muli %parallel_loop3A_274, %parallel_loop3A_389 : i32
        %parallel_loop3A_391 = arith.constant 512 : i32
        %parallel_loop3A_392 = arith.muli %parallel_loop3A_314, %parallel_loop3A_391 : i32
        %parallel_loop3A_393 = arith.addi %parallel_loop3A_390, %parallel_loop3A_392 : i32
        %parallel_loop3A_394 = arith.constant 0 : i32
        %parallel_loop3A_395 = arith.addi %parallel_loop3A_393, %parallel_loop3A_394 : i32
        %parallel_loop3A_396 = arith.addi %parallel_loop3A_395, %parallel_loop3A_330 : i32
        %parallel_loop3A_397 = arith.index_cast %parallel_loop3A_396 : i32 to index
        %parallel_loop3A_398 = tpu.vector_load %arg11[%parallel_loop3A_397] {strides = array<i32>} : memref<16384xf32, #tpu.memory_space<vmem>>, vector<16xf32>,
        tpu.vector_store %arg11[%parallel_loop3A_397], %parallel_loop3A_388 {strides = array<i32>} : memref<16384xf32, #tpu.memory_space<vmem>>, vector<16xf32>,
        %parallel_loop3A_399 = arith.constant 1 : i32
        %parallel_loop3A_400 = vector.broadcast %parallel_loop3A_399 : i32 to vector<16xi32>
        %parallel_loop3A_401 = tpu.vector_load_idx %arg9[%parallel_loop3A_333, %parallel_loop3A_400] : memref<4096x16xf32, #tpu.memory_space<vmem>>[vector<16xi32>, vector<16xi32>], vector<16xf32>,
        %parallel_loop3A_402 = arith.mulf %parallel_loop3A_348, %parallel_loop3A_401 : vector<16xf32>
        %parallel_loop3A_403 = arith.constant 4 : i32
        %parallel_loop3A_404 = vector.broadcast %parallel_loop3A_403 : i32 to vector<16xi32>
        %parallel_loop3A_405 = tpu.vector_load_idx %arg9[%parallel_loop3A_333, %parallel_loop3A_404] : memref<4096x16xf32, #tpu.memory_space<vmem>>[vector<16xi32>, vector<16xi32>], vector<16xf32>,
        %parallel_loop3A_406 = arith.mulf %parallel_loop3A_359, %parallel_loop3A_405 : vector<16xf32>
        %parallel_loop3A_407 = arith.addf %parallel_loop3A_402, %parallel_loop3A_406 : vector<16xf32>
        %parallel_loop3A_408 = arith.constant 7 : i32
        %parallel_loop3A_409 = vector.broadcast %parallel_loop3A_408 : i32 to vector<16xi32>
        %parallel_loop3A_410 = tpu.vector_load_idx %arg9[%parallel_loop3A_333, %parallel_loop3A_409] : memref<4096x16xf32, #tpu.memory_space<vmem>>[vector<16xi32>, vector<16xi32>], vector<16xf32>,
        %parallel_loop3A_411 = arith.mulf %parallel_loop3A_370, %parallel_loop3A_410 : vector<16xf32>
        %parallel_loop3A_412 = arith.addf %parallel_loop3A_407, %parallel_loop3A_411 : vector<16xf32>
        %parallel_loop3A_413 = arith.constant 2048 : i32
        %parallel_loop3A_414 = arith.muli %parallel_loop3A_274, %parallel_loop3A_413 : i32
        %parallel_loop3A_415 = arith.constant 512 : i32
        %parallel_loop3A_416 = arith.muli %parallel_loop3A_314, %parallel_loop3A_415 : i32
        %parallel_loop3A_417 = arith.addi %parallel_loop3A_414, %parallel_loop3A_416 : i32
        %parallel_loop3A_418 = arith.constant 128 : i32
        %parallel_loop3A_419 = arith.addi %parallel_loop3A_417, %parallel_loop3A_418 : i32
        %parallel_loop3A_420 = arith.addi %parallel_loop3A_419, %parallel_loop3A_330 : i32
        %parallel_loop3A_421 = arith.index_cast %parallel_loop3A_420 : i32 to index
        %parallel_loop3A_422 = tpu.vector_load %arg11[%parallel_loop3A_421] {strides = array<i32>} : memref<16384xf32, #tpu.memory_space<vmem>>, vector<16xf32>,
        tpu.vector_store %arg11[%parallel_loop3A_421], %parallel_loop3A_412 {strides = array<i32>} : memref<16384xf32, #tpu.memory_space<vmem>>, vector<16xf32>,
        %parallel_loop3A_423 = arith.constant 2 : i32
        %parallel_loop3A_424 = vector.broadcast %parallel_loop3A_423 : i32 to vector<16xi32>
        %parallel_loop3A_425 = tpu.vector_load_idx %arg9[%parallel_loop3A_333, %parallel_loop3A_424] : memref<4096x16xf32, #tpu.memory_space<vmem>>[vector<16xi32>, vector<16xi32>], vector<16xf32>,
        %parallel_loop3A_426 = arith.mulf %parallel_loop3A_348, %parallel_loop3A_425 : vector<16xf32>
        %parallel_loop3A_427 = arith.constant 5 : i32
        %parallel_loop3A_428 = vector.broadcast %parallel_loop3A_427 : i32 to vector<16xi32>
        %parallel_loop3A_429 = tpu.vector_load_idx %arg9[%parallel_loop3A_333, %parallel_loop3A_428] : memref<4096x16xf32, #tpu.memory_space<vmem>>[vector<16xi32>, vector<16xi32>], vector<16xf32>,
        %parallel_loop3A_430 = arith.mulf %parallel_loop3A_359, %parallel_loop3A_429 : vector<16xf32>
        %parallel_loop3A_431 = arith.addf %parallel_loop3A_426, %parallel_loop3A_430 : vector<16xf32>
        %parallel_loop3A_432 = arith.constant 8 : i32
        %parallel_loop3A_433 = vector.broadcast %parallel_loop3A_432 : i32 to vector<16xi32>
        %parallel_loop3A_434 = tpu.vector_load_idx %arg9[%parallel_loop3A_333, %parallel_loop3A_433] : memref<4096x16xf32, #tpu.memory_space<vmem>>[vector<16xi32>, vector<16xi32>], vector<16xf32>,
        %parallel_loop3A_435 = arith.mulf %parallel_loop3A_370, %parallel_loop3A_434 : vector<16xf32>
        %parallel_loop3A_436 = arith.addf %parallel_loop3A_431, %parallel_loop3A_435 : vector<16xf32>
        %parallel_loop3A_437 = arith.constant 2048 : i32
        %parallel_loop3A_438 = arith.muli %parallel_loop3A_274, %parallel_loop3A_437 : i32
        %parallel_loop3A_439 = arith.constant 512 : i32
        %parallel_loop3A_440 = arith.muli %parallel_loop3A_314, %parallel_loop3A_439 : i32
        %parallel_loop3A_441 = arith.addi %parallel_loop3A_438, %parallel_loop3A_440 : i32
        %parallel_loop3A_442 = arith.constant 256 : i32
        %parallel_loop3A_443 = arith.addi %parallel_loop3A_441, %parallel_loop3A_442 : i32
        %parallel_loop3A_444 = arith.addi %parallel_loop3A_443, %parallel_loop3A_330 : i32
        %parallel_loop3A_445 = arith.index_cast %parallel_loop3A_444 : i32 to index
        %parallel_loop3A_446 = tpu.vector_load %arg11[%parallel_loop3A_445] {strides = array<i32>} : memref<16384xf32, #tpu.memory_space<vmem>>, vector<16xf32>,
        tpu.vector_store %arg11[%parallel_loop3A_445], %parallel_loop3A_436 {strides = array<i32>} : memref<16384xf32, #tpu.memory_space<vmem>>, vector<16xf32>,
        %parallel_loop3A_447 = arith.constant -1 : i32
        %parallel_loop3A_448 = vector.broadcast %parallel_loop3A_447 : i32 to vector<16xi32>
        %parallel_loop3A_449 = arith.cmpi ne, %parallel_loop3A_335, %parallel_loop3A_448 : vector<16xi32>
        %parallel_loop3A_450 = arith.constant 1.000000e+00 : f32
        %parallel_loop3A_451 = arith.constant 0.000000e+00 : f32
        %parallel_loop3A_452 = vector.broadcast %parallel_loop3A_450 : f32 to vector<16xf32>
        %parallel_loop3A_453 = vector.broadcast %parallel_loop3A_451 : f32 to vector<16xf32>
        %parallel_loop3A_454 = arith.select %parallel_loop3A_449, %parallel_loop3A_452, %parallel_loop3A_453 : vector<16xi1>, vector<16xf32>
        %parallel_loop3A_455 = arith.constant 2048 : i32
        %parallel_loop3A_456 = arith.muli %parallel_loop3A_274, %parallel_loop3A_455 : i32
        %parallel_loop3A_457 = arith.constant 512 : i32
        %parallel_loop3A_458 = arith.muli %parallel_loop3A_314, %parallel_loop3A_457 : i32
        %parallel_loop3A_459 = arith.addi %parallel_loop3A_456, %parallel_loop3A_458 : i32
        %parallel_loop3A_460 = arith.constant 384 : i32
        %parallel_loop3A_461 = arith.addi %parallel_loop3A_459, %parallel_loop3A_460 : i32
        %parallel_loop3A_462 = arith.addi %parallel_loop3A_461, %parallel_loop3A_330 : i32
        %parallel_loop3A_463 = arith.index_cast %parallel_loop3A_462 : i32 to index
        %parallel_loop3A_464 = tpu.vector_load %arg11[%parallel_loop3A_463] {strides = array<i32>} : memref<16384xf32, #tpu.memory_space<vmem>>, vector<16xf32>,
        tpu.vector_store %arg11[%parallel_loop3A_463], %parallel_loop3A_454 {strides = array<i32>} : memref<16384xf32, #tpu.memory_space<vmem>>, vector<16xf32>,
        %parallel_loop3A_465 = arith.constant 9 : i32
        %parallel_loop3A_466 = vector.broadcast %parallel_loop3A_465 : i32 to vector<16xi32>
        %parallel_loop3A_467 = tpu.vector_load_idx %arg9[%parallel_loop3A_333, %parallel_loop3A_466] : memref<4096x16xf32, #tpu.memory_space<vmem>>[vector<16xi32>, vector<16xi32>], vector<16xf32>,
        %parallel_loop3A_468 = vector.bitcast %parallel_loop3A_467 : vector<16xf32> to vector<16xi32>
        %parallel_loop3A_469 = arith.constant 0 : i32
        %parallel_loop3A_470 = arith.addi %parallel_loop3A_469, %parallel_loop3A_341 : i32
        %parallel_loop3A_471 = arith.index_cast %parallel_loop3A_470 : i32 to index
        %parallel_loop3A_472 = tpu.vector_load %arg12[%parallel_loop3A_471] {strides = array<i32>} : memref<12288xi32, #tpu.memory_space<vmem>>, vector<16xi32>,
        tpu.vector_store %arg12[%parallel_loop3A_471], %parallel_loop3A_468 {strides = array<i32>} : memref<12288xi32, #tpu.memory_space<vmem>>, vector<16xi32>,
        %parallel_loop3A_473 = arith.constant 10 : i32
        %parallel_loop3A_474 = vector.broadcast %parallel_loop3A_473 : i32 to vector<16xi32>
        %parallel_loop3A_475 = tpu.vector_load_idx %arg9[%parallel_loop3A_333, %parallel_loop3A_474] : memref<4096x16xf32, #tpu.memory_space<vmem>>[vector<16xi32>, vector<16xi32>], vector<16xf32>,
        %parallel_loop3A_476 = vector.bitcast %parallel_loop3A_475 : vector<16xf32> to vector<16xi32>
        %parallel_loop3A_477 = arith.constant 4096 : i32
        %parallel_loop3A_478 = arith.addi %parallel_loop3A_477, %parallel_loop3A_341 : i32
        %parallel_loop3A_479 = arith.index_cast %parallel_loop3A_478 : i32 to index
        %parallel_loop3A_480 = tpu.vector_load %arg12[%parallel_loop3A_479] {strides = array<i32>} : memref<12288xi32, #tpu.memory_space<vmem>>, vector<16xi32>,
        tpu.vector_store %arg12[%parallel_loop3A_479], %parallel_loop3A_476 {strides = array<i32>} : memref<12288xi32, #tpu.memory_space<vmem>>, vector<16xi32>,
        %parallel_loop3A_481 = arith.constant 11 : i32
        %parallel_loop3A_482 = vector.broadcast %parallel_loop3A_481 : i32 to vector<16xi32>
        %parallel_loop3A_483 = tpu.vector_load_idx %arg9[%parallel_loop3A_333, %parallel_loop3A_482] : memref<4096x16xf32, #tpu.memory_space<vmem>>[vector<16xi32>, vector<16xi32>], vector<16xf32>,
        %parallel_loop3A_484 = vector.bitcast %parallel_loop3A_483 : vector<16xf32> to vector<16xi32>
        %parallel_loop3A_485 = arith.constant 8192 : i32
        %parallel_loop3A_486 = arith.addi %parallel_loop3A_485, %parallel_loop3A_341 : i32
        %parallel_loop3A_487 = arith.index_cast %parallel_loop3A_486 : i32 to index
        %parallel_loop3A_488 = tpu.vector_load %arg12[%parallel_loop3A_487] {strides = array<i32>} : memref<12288xi32, #tpu.memory_space<vmem>>, vector<16xi32>,
        tpu.vector_store %arg12[%parallel_loop3A_487], %parallel_loop3A_484 {strides = array<i32>} : memref<12288xi32, #tpu.memory_space<vmem>>, vector<16xi32>,
      } {sc.loop_unroll_factor = 4 : i64, sc.parallel_access}
      %jit3A_146 = arith.constant 262144 : i32
      %div3A_147 = arith.divsi %add3A_105, %jit3A_146 : i32
      %sign3A_148 = arith.constant 0 : i32
      %sign3A_149 = arith.cmpi sgt, %add3A_105, %sign3A_148 : i32
      %sign3A_150 = arith.extui %sign3A_149 : i1 to i32
      %sign3A_151 = arith.constant 0 : i32
      %sign3A_152 = arith.cmpi slt, %add3A_105, %sign3A_151 : i32
      %sign3A_153 = arith.extui %sign3A_152 : i1 to i32
      %sign3A_154 = arith.subi %sign3A_150, %sign3A_153 : i32
      %sign3A_155 = arith.constant 0 : i32
      %sign3A_156 = arith.cmpi sgt, %jit3A_146, %sign3A_155 : i32
      %sign3A_157 = arith.extui %sign3A_156 : i1 to i32
      %sign3A_158 = arith.constant 0 : i32
      %sign3A_159 = arith.cmpi slt, %jit3A_146, %sign3A_158 : i32
      %sign3A_160 = arith.extui %sign3A_159 : i1 to i32
      %sign3A_161 = arith.subi %sign3A_157, %sign3A_160 : i32
      %ne3A_162 = arith.cmpi ne, %sign3A_154, %sign3A_161 : i32
      %rem3A_163 = arith.remsi %add3A_105, %jit3A_146 : i32
      %ne3A_164 = arith.constant 0 : i32
      %ne3A_165 = arith.cmpi ne, %rem3A_163, %ne3A_164 : i32
      %and3A_166 = arith.andi %ne3A_162, %ne3A_165 : i1
      %sub3A_167 = arith.constant 1 : i32
      %sub3A_168 = arith.subi %div3A_147, %sub3A_167 : i32
      %select_n3A_169 = arith.select %and3A_166, %sub3A_168, %div3A_147 : i32
      %jit3A_170 = arith.constant 262144 : i32
      %eq3A_171 = arith.constant 0 : i32
      %eq3A_172 = arith.cmpi eq, %jit3A_170, %eq3A_171 : i32
      %jit3A_173 = arith.constant 1 : i32
      %select_n3A_174 = arith.select %eq3A_172, %jit3A_173, %jit3A_170 : i32
      %rem3A_175 = arith.remsi %add3A_105, %select_n3A_174 : i32
      %ne3A_176 = arith.constant 0 : i32
      %ne3A_177 = arith.cmpi ne, %rem3A_175, %ne3A_176 : i32
      %lt3A_178 = arith.constant 0 : i32
      %lt3A_179 = arith.cmpi slt, %rem3A_175, %lt3A_178 : i32
      %lt3A_180 = arith.constant 0 : i32
      %lt3A_181 = arith.cmpi slt, %select_n3A_174, %lt3A_180 : i32
      %ne3A_182 = arith.xori %lt3A_179, %lt3A_181 : i1
      %and3A_183 = arith.andi %ne3A_182, %ne3A_177 : i1
      %add3A_184 = arith.addi %rem3A_175, %select_n3A_174 : i32
      %select_n3A_185 = arith.select %and3A_183, %add3A_184, %rem3A_175 : i32
      %mul3A_186 = arith.constant 4 : i32
      %mul3A_187 = arith.muli %mul3A_186, %add3A_105 : i32
      %mul3A_188 = arith.constant 3 : i32
      %mul3A_189 = arith.muli %mul3A_188, %select_n3A_169 : i32
      %add3A_190 = arith.constant 0 : i32
      %add3A_191 = arith.addi %mul3A_189, %add3A_190 : i32
      %mul3A_192 = arith.constant 262144 : i32
      %mul3A_193 = arith.muli %add3A_191, %mul3A_192 : i32
      %add3A_194 = arith.addi %mul3A_193, %select_n3A_185 : i32
      %mul3A_195 = arith.constant 3 : i32
      %mul3A_196 = arith.muli %mul3A_195, %select_n3A_169 : i32
      %add3A_197 = arith.constant 1 : i32
      %add3A_198 = arith.addi %mul3A_196, %add3A_197 : i32
      %mul3A_199 = arith.constant 262144 : i32
      %mul3A_200 = arith.muli %add3A_198, %mul3A_199 : i32
      %add3A_201 = arith.addi %mul3A_200, %select_n3A_185 : i32
      %mul3A_202 = arith.constant 3 : i32
      %mul3A_203 = arith.muli %mul3A_202, %select_n3A_169 : i32
      %add3A_204 = arith.constant 2 : i32
      %add3A_205 = arith.addi %mul3A_203, %add3A_204 : i32
      %mul3A_206 = arith.constant 262144 : i32
      %mul3A_207 = arith.muli %add3A_205, %mul3A_206 : i32
      %add3A_208 = arith.addi %mul3A_207, %select_n3A_185 : i32
      %dma_start3A_209 = tpu.memref_slice %arg5[%mul3A_187] : memref<4194304xf32, #tpu.memory_space<hbm>> -> memref<16384xf32, #tpu.memory_space<hbm>>
      %dma_start3A_210 = tpu.memref_slice %arg5[%mul3A_187] : memref<4194304xf32, #tpu.memory_space<hbm>> -> memref<16384xf32, #tpu.memory_space<hbm>>
      tpu.enqueue_dma source(%arg11 : memref<16384xf32, #tpu.memory_space<vmem>>) target(%dma_start3A_210 : memref<16384xf32, #tpu.memory_space<hbm>>) target_semaphore(%arg16 : memref<!tpu.dma_semaphore, #tpu.memory_space<semaphore_mem>>)
      %dma_start3A_211 = arith.constant 0 : i32
      %dma_start3A_212 = tpu.memref_slice %arg12[%dma_start3A_211] : memref<12288xi32, #tpu.memory_space<vmem>> -> memref<4096xi32, #tpu.memory_space<vmem>>
      %dma_start3A_213 = tpu.memref_slice %arg6[%add3A_194] : memref<3145728xi32, #tpu.memory_space<hbm>> -> memref<4096xi32, #tpu.memory_space<hbm>>
      %dma_start3A_214 = tpu.memref_slice %arg6[%add3A_194] : memref<3145728xi32, #tpu.memory_space<hbm>> -> memref<4096xi32, #tpu.memory_space<hbm>>
      %dma_start3A_215 = arith.constant 0 : i32
      %dma_start3A_216 = tpu.memref_slice %arg12[%dma_start3A_215] : memref<12288xi32, #tpu.memory_space<vmem>> -> memref<4096xi32, #tpu.memory_space<vmem>>
      tpu.enqueue_dma source(%dma_start3A_216 : memref<4096xi32, #tpu.memory_space<vmem>>) target(%dma_start3A_214 : memref<4096xi32, #tpu.memory_space<hbm>>) target_semaphore(%arg16 : memref<!tpu.dma_semaphore, #tpu.memory_space<semaphore_mem>>)
      %dma_start3A_217 = arith.constant 0 : i32
      %dma_start3A_218 = tpu.memref_slice %arg13[%dma_start3A_217] : memref<12288xf32, #tpu.memory_space<vmem>> -> memref<4096xf32, #tpu.memory_space<vmem>>
      %dma_start3A_219 = tpu.memref_slice %arg7[%add3A_194] : memref<3145728xf32, #tpu.memory_space<hbm>> -> memref<4096xf32, #tpu.memory_space<hbm>>
      %dma_start3A_220 = tpu.memref_slice %arg7[%add3A_194] : memref<3145728xf32, #tpu.memory_space<hbm>> -> memref<4096xf32, #tpu.memory_space<hbm>>
      %dma_start3A_221 = arith.constant 0 : i32
      %dma_start3A_222 = tpu.memref_slice %arg13[%dma_start3A_221] : memref<12288xf32, #tpu.memory_space<vmem>> -> memref<4096xf32, #tpu.memory_space<vmem>>
      tpu.enqueue_dma source(%dma_start3A_222 : memref<4096xf32, #tpu.memory_space<vmem>>) target(%dma_start3A_220 : memref<4096xf32, #tpu.memory_space<hbm>>) target_semaphore(%arg16 : memref<!tpu.dma_semaphore, #tpu.memory_space<semaphore_mem>>)
      %dma_start3A_223 = arith.constant 4096 : i32
      %dma_start3A_224 = tpu.memref_slice %arg12[%dma_start3A_223] : memref<12288xi32, #tpu.memory_space<vmem>> -> memref<4096xi32, #tpu.memory_space<vmem>>
      %dma_start3A_225 = tpu.memref_slice %arg6[%add3A_201] : memref<3145728xi32, #tpu.memory_space<hbm>> -> memref<4096xi32, #tpu.memory_space<hbm>>
      %dma_start3A_226 = tpu.memref_slice %arg6[%add3A_201] : memref<3145728xi32, #tpu.memory_space<hbm>> -> memref<4096xi32, #tpu.memory_space<hbm>>
      %dma_start3A_227 = arith.constant 4096 : i32
      %dma_start3A_228 = tpu.memref_slice %arg12[%dma_start3A_227] : memref<12288xi32, #tpu.memory_space<vmem>> -> memref<4096xi32, #tpu.memory_space<vmem>>
      tpu.enqueue_dma source(%dma_start3A_228 : memref<4096xi32, #tpu.memory_space<vmem>>) target(%dma_start3A_226 : memref<4096xi32, #tpu.memory_space<hbm>>) target_semaphore(%arg16 : memref<!tpu.dma_semaphore, #tpu.memory_space<semaphore_mem>>)
      %dma_start3A_229 = arith.constant 4096 : i32
      %dma_start3A_230 = tpu.memref_slice %arg13[%dma_start3A_229] : memref<12288xf32, #tpu.memory_space<vmem>> -> memref<4096xf32, #tpu.memory_space<vmem>>
      %dma_start3A_231 = tpu.memref_slice %arg7[%add3A_201] : memref<3145728xf32, #tpu.memory_space<hbm>> -> memref<4096xf32, #tpu.memory_space<hbm>>
      %dma_start3A_232 = tpu.memref_slice %arg7[%add3A_201] : memref<3145728xf32, #tpu.memory_space<hbm>> -> memref<4096xf32, #tpu.memory_space<hbm>>
      %dma_start3A_233 = arith.constant 4096 : i32
      %dma_start3A_234 = tpu.memref_slice %arg13[%dma_start3A_233] : memref<12288xf32, #tpu.memory_space<vmem>> -> memref<4096xf32, #tpu.memory_space<vmem>>
      tpu.enqueue_dma source(%dma_start3A_234 : memref<4096xf32, #tpu.memory_space<vmem>>) target(%dma_start3A_232 : memref<4096xf32, #tpu.memory_space<hbm>>) target_semaphore(%arg16 : memref<!tpu.dma_semaphore, #tpu.memory_space<semaphore_mem>>)
      %dma_start3A_235 = arith.constant 8192 : i32
      %dma_start3A_236 = tpu.memref_slice %arg12[%dma_start3A_235] : memref<12288xi32, #tpu.memory_space<vmem>> -> memref<4096xi32, #tpu.memory_space<vmem>>
      %dma_start3A_237 = tpu.memref_slice %arg6[%add3A_208] : memref<3145728xi32, #tpu.memory_space<hbm>> -> memref<4096xi32, #tpu.memory_space<hbm>>
      %dma_start3A_238 = tpu.memref_slice %arg6[%add3A_208] : memref<3145728xi32, #tpu.memory_space<hbm>> -> memref<4096xi32, #tpu.memory_space<hbm>>
      %dma_start3A_239 = arith.constant 8192 : i32
      %dma_start3A_240 = tpu.memref_slice %arg12[%dma_start3A_239] : memref<12288xi32, #tpu.memory_space<vmem>> -> memref<4096xi32, #tpu.memory_space<vmem>>
      tpu.enqueue_dma source(%dma_start3A_240 : memref<4096xi32, #tpu.memory_space<vmem>>) target(%dma_start3A_238 : memref<4096xi32, #tpu.memory_space<hbm>>) target_semaphore(%arg16 : memref<!tpu.dma_semaphore, #tpu.memory_space<semaphore_mem>>)
      %dma_start3A_241 = arith.constant 8192 : i32
      %dma_start3A_242 = tpu.memref_slice %arg13[%dma_start3A_241] : memref<12288xf32, #tpu.memory_space<vmem>> -> memref<4096xf32, #tpu.memory_space<vmem>>
      %dma_start3A_243 = tpu.memref_slice %arg7[%add3A_208] : memref<3145728xf32, #tpu.memory_space<hbm>> -> memref<4096xf32, #tpu.memory_space<hbm>>
      %dma_start3A_244 = tpu.memref_slice %arg7[%add3A_208] : memref<3145728xf32, #tpu.memory_space<hbm>> -> memref<4096xf32, #tpu.memory_space<hbm>>
      %dma_start3A_245 = arith.constant 8192 : i32
      %dma_start3A_246 = tpu.memref_slice %arg13[%dma_start3A_245] : memref<12288xf32, #tpu.memory_space<vmem>> -> memref<4096xf32, #tpu.memory_space<vmem>>
      tpu.enqueue_dma source(%dma_start3A_246 : memref<4096xf32, #tpu.memory_space<vmem>>) target(%dma_start3A_244 : memref<4096xf32, #tpu.memory_space<hbm>>) target_semaphore(%arg16 : memref<!tpu.dma_semaphore, #tpu.memory_space<semaphore_mem>>)
      %scan3A_247 = arith.constant 0 : i32
      scf.yield %scan3A_247 : i32
    }
    %scan3A_8 = arith.constant 8 : i32
    %add3A_9 = arith.constant 28672 : i32
    %add3A_10 = arith.addi %mul3A_2, %add3A_9 : i32
    %jit3A = arith.constant 262144 : i32
    %div3A = arith.divsi %add3A_10, %jit3A : i32
    %sign3A = arith.constant 0 : i32
    %sign3A_11 = arith.cmpi sgt, %add3A_10, %sign3A : i32
    %sign3A_12 = arith.extui %sign3A_11 : i1 to i32
    %sign3A_13 = arith.constant 0 : i32
    %sign3A_14 = arith.cmpi slt, %add3A_10, %sign3A_13 : i32
    %sign3A_15 = arith.extui %sign3A_14 : i1 to i32
    %sign3A_16 = arith.subi %sign3A_12, %sign3A_15 : i32
    %sign3A_17 = arith.constant 0 : i32
    %sign3A_18 = arith.cmpi sgt, %jit3A, %sign3A_17 : i32
    %sign3A_19 = arith.extui %sign3A_18 : i1 to i32
    %sign3A_20 = arith.constant 0 : i32
    %sign3A_21 = arith.cmpi slt, %jit3A, %sign3A_20 : i32
    %sign3A_22 = arith.extui %sign3A_21 : i1 to i32
    %sign3A_23 = arith.subi %sign3A_19, %sign3A_22 : i32
    %ne3A = arith.cmpi ne, %sign3A_16, %sign3A_23 : i32
    %rem3A = arith.remsi %add3A_10, %jit3A : i32
    %ne3A_24 = arith.constant 0 : i32
    %ne3A_25 = arith.cmpi ne, %rem3A, %ne3A_24 : i32
    %and3A = arith.andi %ne3A, %ne3A_25 : i1
    %sub3A = arith.constant 1 : i32
    %sub3A_26 = arith.subi %div3A, %sub3A : i32
    %select_n3A = arith.select %and3A, %sub3A_26, %div3A : i32
    %jit3A_27 = arith.constant 262144 : i32
    %eq3A = arith.constant 0 : i32
    %eq3A_28 = arith.cmpi eq, %jit3A_27, %eq3A : i32
    %jit3A_29 = arith.constant 1 : i32
    %select_n3A_30 = arith.select %eq3A_28, %jit3A_29, %jit3A_27 : i32
    %rem3A_31 = arith.remsi %add3A_10, %select_n3A_30 : i32
    %ne3A_32 = arith.constant 0 : i32
    %ne3A_33 = arith.cmpi ne, %rem3A_31, %ne3A_32 : i32
    %lt3A = arith.constant 0 : i32
    %lt3A_34 = arith.cmpi slt, %rem3A_31, %lt3A : i32
    %lt3A_35 = arith.constant 0 : i32
    %lt3A_36 = arith.cmpi slt, %select_n3A_30, %lt3A_35 : i32
    %ne3A_37 = arith.xori %lt3A_34, %lt3A_36 : i1
    %and3A_38 = arith.andi %ne3A_37, %ne3A_33 : i1
    %add3A_39 = arith.addi %rem3A_31, %select_n3A_30 : i32
    %select_n3A_40 = arith.select %and3A_38, %add3A_39, %rem3A_31 : i32
    %mul3A_41 = arith.constant 4 : i32
    %mul3A_42 = arith.muli %mul3A_41, %add3A_10 : i32
    %mul3A_43 = arith.constant 3 : i32
    %mul3A_44 = arith.muli %mul3A_43, %select_n3A : i32
    %add3A_45 = arith.constant 0 : i32
    %add3A_46 = arith.addi %mul3A_44, %add3A_45 : i32
    %mul3A_47 = arith.constant 262144 : i32
    %mul3A_48 = arith.muli %add3A_46, %mul3A_47 : i32
    %add3A_49 = arith.addi %mul3A_48, %select_n3A_40 : i32
    %mul3A_50 = arith.constant 3 : i32
    %mul3A_51 = arith.muli %mul3A_50, %select_n3A : i32
    %add3A_52 = arith.constant 1 : i32
    %add3A_53 = arith.addi %mul3A_51, %add3A_52 : i32
    %mul3A_54 = arith.constant 262144 : i32
    %mul3A_55 = arith.muli %add3A_53, %mul3A_54 : i32
    %add3A_56 = arith.addi %mul3A_55, %select_n3A_40 : i32
    %mul3A_57 = arith.constant 3 : i32
    %mul3A_58 = arith.muli %mul3A_57, %select_n3A : i32
    %add3A_59 = arith.constant 2 : i32
    %add3A_60 = arith.addi %mul3A_58, %add3A_59 : i32
    %mul3A_61 = arith.constant 262144 : i32
    %mul3A_62 = arith.muli %add3A_60, %mul3A_61 : i32
    %add3A_63 = arith.addi %mul3A_62, %select_n3A_40 : i32
    %dma_wait3A = tpu.memref_slice %arg5[%mul3A_42] : memref<4194304xf32, #tpu.memory_space<hbm>> -> memref<16384xf32, #tpu.memory_space<hbm>>
    %dma_wait3A_64 = tpu.memref_slice %arg5[%mul3A_42] : memref<4194304xf32, #tpu.memory_space<hbm>> -> memref<16384xf32, #tpu.memory_space<hbm>>
    tpu.wait_dma2 semaphore(%arg16 : memref<!tpu.dma_semaphore, #tpu.memory_space<semaphore_mem>>) src(%arg11 : memref<16384xf32, #tpu.memory_space<vmem>>) dst(%dma_wait3A_64 : memref<16384xf32, #tpu.memory_space<hbm>>)
    %dma_wait3A_65 = arith.constant 0 : i32
    %dma_wait3A_66 = tpu.memref_slice %arg12[%dma_wait3A_65] : memref<12288xi32, #tpu.memory_space<vmem>> -> memref<4096xi32, #tpu.memory_space<vmem>>
    %dma_wait3A_67 = tpu.memref_slice %arg6[%add3A_49] : memref<3145728xi32, #tpu.memory_space<hbm>> -> memref<4096xi32, #tpu.memory_space<hbm>>
    %dma_wait3A_68 = tpu.memref_slice %arg6[%add3A_49] : memref<3145728xi32, #tpu.memory_space<hbm>> -> memref<4096xi32, #tpu.memory_space<hbm>>
    %dma_wait3A_69 = arith.constant 0 : i32
    %dma_wait3A_70 = tpu.memref_slice %arg12[%dma_wait3A_69] : memref<12288xi32, #tpu.memory_space<vmem>> -> memref<4096xi32, #tpu.memory_space<vmem>>
    tpu.wait_dma2 semaphore(%arg16 : memref<!tpu.dma_semaphore, #tpu.memory_space<semaphore_mem>>) src(%dma_wait3A_70 : memref<4096xi32, #tpu.memory_space<vmem>>) dst(%dma_wait3A_68 : memref<4096xi32, #tpu.memory_space<hbm>>)
    %dma_wait3A_71 = arith.constant 0 : i32
    %dma_wait3A_72 = tpu.memref_slice %arg13[%dma_wait3A_71] : memref<12288xf32, #tpu.memory_space<vmem>> -> memref<4096xf32, #tpu.memory_space<vmem>>
    %dma_wait3A_73 = tpu.memref_slice %arg7[%add3A_49] : memref<3145728xf32, #tpu.memory_space<hbm>> -> memref<4096xf32, #tpu.memory_space<hbm>>
    %dma_wait3A_74 = tpu.memref_slice %arg7[%add3A_49] : memref<3145728xf32, #tpu.memory_space<hbm>> -> memref<4096xf32, #tpu.memory_space<hbm>>
    %dma_wait3A_75 = arith.constant 0 : i32
    %dma_wait3A_76 = tpu.memref_slice %arg13[%dma_wait3A_75] : memref<12288xf32, #tpu.memory_space<vmem>> -> memref<4096xf32, #tpu.memory_space<vmem>>
    tpu.wait_dma2 semaphore(%arg16 : memref<!tpu.dma_semaphore, #tpu.memory_space<semaphore_mem>>) src(%dma_wait3A_76 : memref<4096xf32, #tpu.memory_space<vmem>>) dst(%dma_wait3A_74 : memref<4096xf32, #tpu.memory_space<hbm>>)
    %dma_wait3A_77 = arith.constant 4096 : i32
    %dma_wait3A_78 = tpu.memref_slice %arg12[%dma_wait3A_77] : memref<12288xi32, #tpu.memory_space<vmem>> -> memref<4096xi32, #tpu.memory_space<vmem>>
    %dma_wait3A_79 = tpu.memref_slice %arg6[%add3A_56] : memref<3145728xi32, #tpu.memory_space<hbm>> -> memref<4096xi32, #tpu.memory_space<hbm>>
    %dma_wait3A_80 = tpu.memref_slice %arg6[%add3A_56] : memref<3145728xi32, #tpu.memory_space<hbm>> -> memref<4096xi32, #tpu.memory_space<hbm>>
    %dma_wait3A_81 = arith.constant 4096 : i32
    %dma_wait3A_82 = tpu.memref_slice %arg12[%dma_wait3A_81] : memref<12288xi32, #tpu.memory_space<vmem>> -> memref<4096xi32, #tpu.memory_space<vmem>>
    tpu.wait_dma2 semaphore(%arg16 : memref<!tpu.dma_semaphore, #tpu.memory_space<semaphore_mem>>) src(%dma_wait3A_82 : memref<4096xi32, #tpu.memory_space<vmem>>) dst(%dma_wait3A_80 : memref<4096xi32, #tpu.memory_space<hbm>>)
    %dma_wait3A_83 = arith.constant 4096 : i32
    %dma_wait3A_84 = tpu.memref_slice %arg13[%dma_wait3A_83] : memref<12288xf32, #tpu.memory_space<vmem>> -> memref<4096xf32, #tpu.memory_space<vmem>>
    %dma_wait3A_85 = tpu.memref_slice %arg7[%add3A_56] : memref<3145728xf32, #tpu.memory_space<hbm>> -> memref<4096xf32, #tpu.memory_space<hbm>>
    %dma_wait3A_86 = tpu.memref_slice %arg7[%add3A_56] : memref<3145728xf32, #tpu.memory_space<hbm>> -> memref<4096xf32, #tpu.memory_space<hbm>>
    %dma_wait3A_87 = arith.constant 4096 : i32
    %dma_wait3A_88 = tpu.memref_slice %arg13[%dma_wait3A_87] : memref<12288xf32, #tpu.memory_space<vmem>> -> memref<4096xf32, #tpu.memory_space<vmem>>
    tpu.wait_dma2 semaphore(%arg16 : memref<!tpu.dma_semaphore, #tpu.memory_space<semaphore_mem>>) src(%dma_wait3A_88 : memref<4096xf32, #tpu.memory_space<vmem>>) dst(%dma_wait3A_86 : memref<4096xf32, #tpu.memory_space<hbm>>)
    %dma_wait3A_89 = arith.constant 8192 : i32
    %dma_wait3A_90 = tpu.memref_slice %arg12[%dma_wait3A_89] : memref<12288xi32, #tpu.memory_space<vmem>> -> memref<4096xi32, #tpu.memory_space<vmem>>
    %dma_wait3A_91 = tpu.memref_slice %arg6[%add3A_63] : memref<3145728xi32, #tpu.memory_space<hbm>> -> memref<4096xi32, #tpu.memory_space<hbm>>
    %dma_wait3A_92 = tpu.memref_slice %arg6[%add3A_63] : memref<3145728xi32, #tpu.memory_space<hbm>> -> memref<4096xi32, #tpu.memory_space<hbm>>
    %dma_wait3A_93 = arith.constant 8192 : i32
    %dma_wait3A_94 = tpu.memref_slice %arg12[%dma_wait3A_93] : memref<12288xi32, #tpu.memory_space<vmem>> -> memref<4096xi32, #tpu.memory_space<vmem>>
    tpu.wait_dma2 semaphore(%arg16 : memref<!tpu.dma_semaphore, #tpu.memory_space<semaphore_mem>>) src(%dma_wait3A_94 : memref<4096xi32, #tpu.memory_space<vmem>>) dst(%dma_wait3A_92 : memref<4096xi32, #tpu.memory_space<hbm>>)
    %dma_wait3A_95 = arith.constant 8192 : i32
    %dma_wait3A_96 = tpu.memref_slice %arg13[%dma_wait3A_95] : memref<12288xf32, #tpu.memory_space<vmem>> -> memref<4096xf32, #tpu.memory_space<vmem>>
    %dma_wait3A_97 = tpu.memref_slice %arg7[%add3A_63] : memref<3145728xf32, #tpu.memory_space<hbm>> -> memref<4096xf32, #tpu.memory_space<hbm>>
    %dma_wait3A_98 = tpu.memref_slice %arg7[%add3A_63] : memref<3145728xf32, #tpu.memory_space<hbm>> -> memref<4096xf32, #tpu.memory_space<hbm>>
    %dma_wait3A_99 = arith.constant 8192 : i32
    %dma_wait3A_100 = tpu.memref_slice %arg13[%dma_wait3A_99] : memref<12288xf32, #tpu.memory_space<vmem>> -> memref<4096xf32, #tpu.memory_space<vmem>>
    tpu.wait_dma2 semaphore(%arg16 : memref<!tpu.dma_semaphore, #tpu.memory_space<semaphore_mem>>) src(%dma_wait3A_100 : memref<4096xf32, #tpu.memory_space<vmem>>) dst(%dma_wait3A_98 : memref<4096xf32, #tpu.memory_space<hbm>>)
    return
  }
}

</mosaic_0001>

<sc_bundles>
// kernel: kernel.11.cloned.1.call-start
scs
__scs_entry_jumppad:
0x0: {  	(pc) =	sbr.rel $0x88, $3  }
0x1: {  	(tag) =	ssettag $0x0;
	lr =	simm.s32 $0x1  }
0x2: {  	[smem:$0x3F9D] =	sst lr;
	_ =	strace $0xD0000000  }
0x3: {  	_ = 	snop  }
0x4: {  	_ = 	snop  }
0x5: {  	_ = 	snop  }
0x6: {  	_ = 	snop  }
0x7: {  	_ = 	snop  }
__scs_overlays_trampoline_lowered:
0x8: {  	[smem:$0x3FAC] =	sst s0  }
0x9: {  	[smem:$0x3FAD] =	sst s1  }
0xa: {  	[smem:$0x3FAE] =	sst s2  }
0xb: {  	[smem:$0x3FAF] =	sst s3  }
0xc: {  	[smem:$0x3FB0] =	sst s4  }
0xd: {  	[smem:$0x3FB1] =	sst s5  }
0xe: {  	[smem:$0x3FB2] =	sst s6  }
0xf: {  	[smem:$0x3FB3] =	sst s7  }
0x10: {  	[smem:$0x3FB4] =	sst s8  }
0x11: {  	[smem:$0x3FB5] =	sst s9;
	s0 =	simm.s32 @!p0 $0x0  }
0x12: {  	s1 =	sld [smem:$0x3F9B];
	s0 =	simm.s32 @p0 $0x1  }
0x13: {  	[smem:$0x3FB6] =	sst s0;
	s0 =	simm.s32 @!p1 $0x0  }
0x14: {  	s2 =	sld [smem:$0x3F9A];
	s0 =	simm.s32 @p1 $0x1  }
0x15: {  	[smem:$0x3FB7] =	sst s0;
	s0 =	simm.s32 @!p2 $0x0  }
0x16: {  	s3 =	sld [smem:$0x3FDB];
	s0 =	simm.s32 @p2 $0x1  }
0x17: {  	s4 =	simm.s32 $0x1BF5;
	[smem:$0x3FB9] =	sst s0  }
0x18: {  	s0 =	sld [smem:$0x3F9C];
	_ =	swait.ge [sflag:s4], $0x0  }
0x19: {  	s7 =	sld [smem:$0x3F9D]  }
0x1a: {  	s8 =	sadd.s32 $0xFFFFE003, lr  }
0x1b: {  	s9 =	sadd.s32 $0xFFFFFEF7, lr;
	s5 =	simm.s32 $0xFFFFFFFF;
	p2 =	slt.u32 s8, $0xFFFFF086  }
0x1c: {  	p1 =	slt.u32 s9, $0xF7A;
	s5 =	simm.s32 @!p2 $0x0  }
0x1d: {  	s5 =	simm.s32 @p1 $0x1;
	p0 =	seq.s32 s7, s2  }
0x1e: {  	s7 =	smul.u32 @!p0 $0xF7A, s2;
	p2 =	seq.s32 @!p0 s5, $0x0  }
0x1f: {  	s9 =	smul.u32 $0xF7A, s1;
	s8 =	simm.s32 @!p0 $0x1BF5;
	p2 =	por !p2, p0  }
0x20: {  	[sflag:s8] =	ssyncset.s32 @!p0 $0xFFFFF086;
	s6 =	sadd.s32 @!p0 s3, s7;
	s7 =	simm.s32 @!p0 $0x108  }
0x21: {  	s3 =	sadd.s32 s3, s9;
	s6 =	sadd.s32 @!p0 $0x88, s6;
	s7 =	simm.s32 @p2 $0x1082  }
0x22: {  	[simem:s7], [sflag:s8] =	dma.local @!p0 [hbm:s6], $0xF7A  }
0x23: {  	s9 =	sor.u32 $0xD0000000, s2;
	s6 =	simm.s32 $0x108;
	_ =	swait.ge @!p0 [sflag:s8], $0x0  }
0x24: {  	s3 =	sadd.s32 $0x88, s3;
	s6 =	simm.s32 @!p1 $0x1082;
	[sflag:s4] =	ssyncset.s32 $0xFFFFF086  }
0x25: {  	[simem:s6], [sflag:s4] =	dma.local [hbm:s3], $0xF7A  }
0x26: {  	[smem:$0x3F9D] =	sst s1;
	(tag) =	ssettag s2;
	_ =	strace s9  }
0x27: {  	s1 =	sld [smem:$0x3FAD]  }
0x28: {  	s2 =	sld [smem:$0x3FAE]  }
0x29: {  	s4 =	sld [smem:$0x3FB0]  }
0x2a: {  	p0 =	seq.s32 s5, $0x0;
	s5 =	sld [smem:$0x3FB1]  }
0x2b: {  	s6 =	sld [smem:$0x3FB2]  }
0x2c: {  	s7 =	sld [smem:$0x3FB3]  }
0x2d: {  	s3 =	simm.s32 $0x108;
	s8 =	sld [smem:$0x3FB4]  }
0x2e: {  	s3 =	simm.s32 @!p0 $0x1082;
	s9 =	sld [smem:$0x3FB5]  }
0x2f: {  	lr =	sadd.s32 s0, s3;
	s0 =	sld [smem:$0x3FAC]  }
0x30: {  	s3 =	sld [smem:$0x3FAF]  }
0x31: {  	[smem:$0x3FB8] =	sst s10  }
0x32: {  	s10 =	sld [smem:$0x3FB6];
	_ =	sdelay $0x3  }
0x33: {  	p0 =	seq.s32 s10, $0x1;
	s10 =	sld [smem:$0x3FB8];
	_ =	sdelay $0x3  }
0x34: {  	[smem:$0x3FB8] =	sst s10  }
0x35: {  	s10 =	sld [smem:$0x3FB7];
	_ =	sdelay $0x3  }
0x36: {  	p1 =	seq.s32 s10, $0x1;
	s10 =	sld [smem:$0x3FB8];
	_ =	sdelay $0x3  }
0x37: {  	[smem:$0x3FB8] =	sst s10  }
0x38: {  	s10 =	sld [smem:$0x3FB9]  }
0x39: {  	_ = 	snop;
	(pc) =	sbr.ind lr, $3  }
0x3a: {  	_ = 	snop  }
0x3b: {  	_ = 	snop  }
0x3c: {  	p2 =	seq.s32 s10, $0x1;
	s10 =	sld [smem:$0x3FB8]  }
0x3d: {  	_ =	shalt  }
0x3e: {  	_ =	shalt  }
0x3f: {  	_ =	shalt  }
0x40: {  	_ =	shalt  }
0x41: {  	_ =	shalt  }
0x42: {  	_ =	shalt  }
0x43: {  	_ =	shalt  }
0x44: {  	_ =	shalt  }
0x45: {  	_ =	shalt  }
0x46: {  	_ =	shalt  }
0x47: {  	_ =	shalt  }
0x48: {  	_ =	shalt  }
0x49: {  	_ =	shalt  }
0x4a: {  	_ =	shalt  }
0x4b: {  	_ =	shalt  }
0x4c: {  	_ =	shalt  }
0x4d: {  	_ =	shalt  }
0x4e: {  	_ =	shalt  }
0x4f: {  	_ =	shalt  }
0x50: {  	_ =	shalt  }
0x51: {  	_ =	shalt  }
0x52: {  	_ =	shalt  }
0x53: {  	_ =	shalt  }
0x54: {  	_ =	shalt  }
0x55: {  	_ =	shalt  }
0x56: {  	_ =	shalt  }
0x57: {  	_ =	shalt  }
0x58: {  	_ =	shalt  }
0x59: {  	_ =	shalt  }
0x5a: {  	_ =	shalt  }
0x5b: {  	_ =	shalt  }
0x5c: {  	_ =	shalt  }
0x5d: {  	_ =	shalt  }
0x5e: {  	_ =	shalt  }
0x5f: {  	_ =	shalt  }
0x60: {  	_ =	shalt  }
0x61: {  	_ =	shalt  }
0x62: {  	_ =	shalt  }
0x63: {  	_ =	shalt  }
0x64: {  	_ =	shalt  }
0x65: {  	_ =	shalt  }
0x66: {  	_ =	shalt  }
0x67: {  	_ =	shalt  }
0x68: {  	_ =	shalt  }
0x69: {  	_ =	shalt  }
0x6a: {  	_ =	shalt  }
0x6b: {  	_ =	shalt  }
0x6c: {  	_ =	shalt  }
0x6d: {  	_ =	shalt  }
0x6e: {  	_ =	shalt  }
0x6f: {  	_ =	shalt  }
0x70: {  	_ =	shalt  }
0x71: {  	_ =	shalt  }
0x72: {  	_ =	shalt  }
0x73: {  	_ =	shalt  }
0x74: {  	_ =	shalt  }
0x75: {  	_ =	shalt  }
0x76: {  	_ =	shalt  }
0x77: {  	_ =	shalt  }
0x78: {  	_ =	shalt  }
0x79: {  	_ =	shalt  }
0x7a: {  	_ =	shalt  }
0x7b: {  	_ =	shalt  }
0x7c: {  	_ =	shalt  }
0x7d: {  	_ =	shalt  }
0x7e: {  	_ =	shalt  }
0x7f: {  	_ =	shalt  }
0x80: {  	_ =	shalt  }
0x81: {  	_ =	shalt  }
0x82: {  	_ =	shalt  }
0x83: {  	_ =	shalt  }
0x84: {  	_ =	shalt  }
0x85: {  	_ =	shalt  }
0x86: {  	_ =	shalt  }
0x87: {  	_ =	shalt  }
.Lfunc_end0:
.L_simem_size_0:
called_computation.2_lowered:
.L_overlay_start_0:
0x88: {  	s2 =	sld [smem:$0x3FD9]  }
0x89: {  	s3 =	sld [smem:$0x3FFE];
	_ =	sdelay $0x1  }
0x8a: {  	s1 =	srdreg.scid  }
0x8b: {  	s0 =	sand.u32 $0x1, s1  }
0x8c: {  	s14 =	sshll.u32 s0, $0xA;
	s2 =	sadd.s32 s3, s2  }
0x8d: {  	s2 =	sadd.s32 s2, s14  }
0x8e: {  	[smem:$0x3FC4] =	sst s2  }
0x8f: {  	_ = 	snop  }
0x90: {  	s2 =	sld [smem:$0x3FD0];
	_ =	sdelay $0x1  }
0x91: {  	s15 =	sld [smem:$0x3FC9]  }
0x92: {  	s5 =	simm.s32 $0xA;
	s6 =	simm.s32 $0x10;
	s4 =	sld [smem:$0x3FC8]  }
0x93: {  	[smem:s6], [sflag:s5] =	dma.local [hbm:s2], $0x1  }
0x94: {  	_ =	swait.eq [sflag:s5], $0x1  }
0x95: {  	s16 =	sld [smem:$0x10];
	[sflag:s5] =	ssyncset.done $0x0  }
0x96: {  	s17 =	sld [smem:$0x11];
	[sflag:s5] =	ssyncadd.s32 $0xFFFFFFFF  }
0x97: {  	s18 =	sld [smem:$0x12];
	(tm) =	ssettm $0x1  }
0x98: {  	s7 =	sld [smem:$0x3FFB];
	_ =	sdelay $0x3  }
0x99: {  	_ =	strace s7  }
0x9a: {  	s7 =	sld [smem:$0x3FFC];
	_ =	sdelay $0x3  }
0x9b: {  	_ =	strace s7  }
0x9c: {  	s7 =	sld [smem:$0x3FFD];
	_ =	sdelay $0x3  }
0x9d: {  	_ =	strace s7  }
0x9e: {  	_ =	strace $0x8FFFFFFF  }
0x9f: {  	s19 =	sld [smem:$0x3FDB];
	_ =	sdelay $0x1  }
0xa0: {  	s8 =	simm.s32 $_scs_section_size  }
0xa1: {  	s9 =	simm.s32 $_size__tile_overlayer_lowered;
	s10 =	simm.s32 $_tile_overlayer_lowered  }
0xa2: {  	s22 =	simm.s32 $0x1BFF;
	s21 =	sshll.u32 s10, $0x1;
	s7 =	sadd.s32 s8, s19  }
0xa3: {  	s11 =	simm.s32 $0x0;
	s20 =	sshll.u32 s9, $0x1;
	s9 =	sadd.s32 s21, s7  }
0xa4: {  	[timem:s11], [sflag:s22] =	dma.local [hbm:s9], s20  }
0xa5: {  	_ =	swait.ge [sflag:s22], s20  }
0xa6: {  	s8 =	ssub.s32 $0x0, s20;
	[sflag:s22] =	ssyncset.done $0x0  }
0xa7: {  	[sflag:s22] =	ssyncadd.s32 s8;
	_ =	sdelay $0x1  }
0xa8: {  	s23 =	simm.s32 $0x1B8B  }
0xa9: {  	_ =	swait.ge [sflag:s23], $0x1  }
0xaa: {  	[sflag:s23] =	ssyncset.done $0x0  }
0xab: {  	s25 =	simm.s32 $0x1B8E;
	s24 =	sld [smem:$0x3FFE];
	[sflag:s23] =	ssyncadd.s32 $0xFFFFFFFF  }
0xac: {  	s26 =	simm.s32 $execute0_lowered;
	[smem:$0x3FD2] =	sst s25  }
0xad: {  	s9 =	sshll.u32 s26, $0x1;
	_ =	strace $0x8000004C;
	[dreg:$0x1] =	wrdreg $0xFFFFFFFF  }
0xae: {  	s28 =	simm.s32 $_size_execute0_lowered;
	s7 =	sadd.s32 s7, s9;
	[dreg:$0x0] =	wrdreg $0x0  }
0xaf: {  	s9 =	sshll.u32 s28, $0x1;
	[dreg:$0x2] =	wrdreg s7  }
0xb0: {  	[dreg:$0x3] =	wrdreg s9  }
0xb1: {  	[dreg:$0x4] =	wrdreg $0xC0  }
0xb2: {  	_ =	task [dreg:s11], $0x5FFFF  }
0xb3: {  	[dreg:$0x1] =	wrdreg $0xFFFFFFFF  }
0xb4: {  	[dreg:$0x0] =	wrdreg $0x60  }
0xb5: {  	[dreg:$0x2] =	wrdreg s15  }
0xb6: {  	[dreg:$0x3] =	wrdreg s4  }
0xb7: {  	[dreg:$0x4] =	wrdreg s24  }
0xb8: {  	[dreg:$0x5] =	wrdreg s16  }
0xb9: {  	[dreg:$0x6] =	wrdreg s17  }
0xba: {  	[dreg:$0x7] =	wrdreg s18  }
0xbb: {  	[dreg:$0x8] =	wrdreg $0x9  }
0xbc: {  	_ =	task.clear_ibuf [dreg:s11], $0x9FFFF;
	_ =	strace $0x9000004C  }
0xbd: {  	s29 =	simm.s32 $0x9;
	_ =	strace $0x8000004E  }
0xbe: {  	_ =	swait.ge [sflag:s29], $0x1  }
0xbf: {  	[sflag:s29] =	ssyncadd.s32 $0xFFFFFFFF  }
0xc0: {  	_ =	strace $0x9000004E  }
0xc1: {  	_ =	sfence  }
0xc2: {  	s30 =	sld [smem:$0x0];
	_ =	sdelay $0x2  }
0xc3: {  	s31 =	sshll.u32 s1, $0xD;
	s1 =	sshrl.u32 s1, $0x2  }
0xc4: {  	s3 =	sand.u32 $0x4000, s31;
	s1 =	sadd.s32 s1, s30  }
0xc5: {  	s0 =	sor.u32 s3, s0;
	s1 =	sshll.u32 s1, $0x11  }
0xc6: {  	s0 =	sor.u32 s1, s0  }
0xc7: {  	s0 =	sadd.s32 $0x8F2B, s0  }
0xc8: {  	[sflag:s0] =	ssyncadd.remote.s32 $0x1  }
0xc9: {  	_ =	sfence.sel $0xFFFF  }
0xca: {  	[dreg:$0x0] =	wrdreg $0xFFFFFFFF;
	(pc) =	sbr.abs _section_cstart, $3  }
0xcb: {  	[dreg:$0x1] =	wrdreg $0xFFFFFFFF  }
0xcc: {  	_ =	task.clear_ibuf [dreg:s11], $0x2FFFF;
	_ =	strace $0x9FFFFFFF  }
0xcd: {  	(tm) =	ssettm $0x7FFFFFFF  }
tec
execute0_lowered:
.L_overlay_start_1:
0x0: {  	(tag) =	ssettag $0x1  }
0x1: {  	s0 =	rddreg [dreg:$0x2];
	s5 =	simm.s32 $0x0;
	s1 =	srdreg.scid  }
0x2: {  	s3 =	stileid.u32;
	[smem:$0x7FF] =	sst s5;
	s1 =	sand.u32 $0x1, s1  }
0x3: {  	s2 =	sshrl.u32 s3, $0x2;
	s0 =	sadd.s32 $0x1200, s0;
	s3 =	sshll.u32 s3, $0x10  }
0x4: {  	_ =	strace $0x8000004D;
	s28 =	ssub.s32 $0x2, s1;
	s1 =	sshll.u32 s1, $0xF  }
0x5: {  	[dreg:$0x16] =	wrdreg s0;
	s4 =	smul.u32 $0xC0000, s2;
	s1 =	sor.u32 s3, s1  }
0x6: {  	[dreg:$0x18] =	wrdreg s1  }
0x7: {  	v0 =	vlaneseq.u32;
	s29 =	sshrl.u32 s28, $0x1;
	s30 =	sadd.s32 $0x40000, s4;
	[dreg:$0x17] =	wrdreg s4  }
0x8: {  	v51 =	vmul.u32 $0x10, v0;
	s0 =	ssub.s32 s28, s29;
	s31 =	sadd.s32 $0x80000, s4;
	[dreg:$0x19] =	wrdreg s30  }
0x9: {  	[dreg:$0x1a] =	wrdreg s31;
	s0 =	smax.u32 s0, $0x1  }
0xa: {  	s16 =	simm.s32 $0x1000;
	s2 =	simm.s32 $0x0;
	[tilespmem:$0x1FFF0] =	vst v51;
	[dreg:$0x1b] =	wrdreg s0  }
.LBB2_1:
0xb: {  	[dreg:$0x1c] =	wrdreg s2;
	s6 =	simm.s32 $0x0  }
.LBB2_2:
0xc: {  	s0 =	sshll.u32 s6, $0xC;
	s1 =	rddreg [dreg:$0x18]  }
0xd: {  	s4 =	sadd.s32 s1, s0  }
0xe: {  	s12 =	rddreg [dreg:$0x0];
	s0 =	sshrl.u32 s4, $0x3  }
0xf: {  	s2 =	simm.s32 $0x4;
	s0 =	sadd.s32 s12, s0  }
0x10: {  	[tilespmem:s5], [sflag:$0x4] =	stream.linear.gather [hbm4b:s0+s5], $0x1000, $0x38;
	[tilespmem:$0x1E000] =	vst v63  }
0x11: {  	_ =	swait.ge [sflag:s2], $0x1000  }
0x12: {  	s3 =	simm.s32 $0x800;
	[sflag:s2] =	ssyncset.done $0x0  }
0x13: {  	s14 =	smul.u32 $0x3, s4;
	s13 =	rddreg [dreg:$0x16];
	[sflag:s2] =	ssyncadd.s32 $0xFFFFF000  }
0x14: {  	[tilespmem:s16], [sflag:$0x1] =	stream.indirect.gather [hbm4b:s13+s3], $0x10, s5, s3, $0xb8;
	[tilespmem:$0x1E000] =	vst v63  }
0x15: {  	s15 =	simm.s32 $0x9000;
	s0 =	sshrl.u32 s14, $0x3;
	s17 =	rddreg [dreg:$0x1]  }
0x16: {  	[tilespmem:s15], [sflag:$0x2] =	stream.indirect.gather [hbm4b:s13+s3], $0x10, s3, s3, $0xb8;
	[tilespmem:$0x1E000] =	vst v63  }
0x17: {  	s18 =	simm.s32 $0x11000;
	[dreg:$0x1e] =	wrdreg s4;
	s0 =	sadd.s32 s17, s0  }
0x18: {  	[tilespmem:s18], [sflag:$0x4] =	stream.linear.gather [hbm4b:s0+s5], $0x3000, $0x38;
	[tilespmem:$0x1E000] =	vst v63  }
0x19: {  	_ =	swait.ge [sflag:s2], $0x3000  }
0x1a: {  	p0 =	seq.s32 s6, $0x0;
	[sflag:s2] =	ssyncset.done $0x0  }
0x1b: {  	s0 =	simm.s32 @!p0 $0x3;
	[dreg:$0x1d] =	wrdreg s6;
	[sflag:s2] =	ssyncadd.s32 $0xFFFFD000  }
0x1c: {  	_ =	swait.ge @!p0 [sflag:s0], $0x4000  }
0x1d: {  	[sflag:s0] =	ssyncset.done @!p0 $0x0  }
0x1e: {  	[sflag:s0] =	ssyncadd.s32 @!p0 $0xFFFFC000  }
0x1f: {  	_ =	swait.ge @!p0 [sflag:s0], $0x1000  }
0x20: {  	[sflag:s0] =	ssyncset.done @!p0 $0x0  }
0x21: {  	[sflag:s0] =	ssyncadd.s32 @!p0 $0xFFFFF000  }
0x22: {  	_ =	swait.ge @!p0 [sflag:s0], $0x1000  }
0x23: {  	[sflag:s0] =	ssyncset.done @!p0 $0x0  }
0x24: {  	[sflag:s0] =	ssyncadd.s32 @!p0 $0xFFFFF000  }
0x25: {  	_ =	swait.ge @!p0 [sflag:s0], $0x1000  }
0x26: {  	[sflag:s0] =	ssyncset.done @!p0 $0x0  }
0x27: {  	[sflag:s0] =	ssyncadd.s32 @!p0 $0xFFFFF000  }
0x28: {  	_ =	swait.ge @!p0 [sflag:s0], $0x1000  }
0x29: {  	[sflag:s0] =	ssyncset.done @!p0 $0x0  }
0x2a: {  	[sflag:s0] =	ssyncadd.s32 @!p0 $0xFFFFF000  }
0x2b: {  	_ =	swait.ge @!p0 [sflag:s0], $0x1000  }
0x2c: {  	[sflag:s0] =	ssyncset.done @!p0 $0x0  }
0x2d: {  	[sflag:s0] =	ssyncadd.s32 @!p0 $0xFFFFF000  }
0x2e: {  	s19 =	simm.s32 $0x0;
	_ =	swait.ge @!p0 [sflag:s0], $0x1000  }
0x2f: {  	s20 =	simm.s32 $0x1;
	s1 =	smul.u32 $0x1800, s19;
	[sflag:s0] =	ssyncset.done @!p0 $0x0  }
0x30: {  	s23 =	simm.s32 $0x30;
	s31 =	simm.s32 $0x0;
	[sflag:s0] =	ssyncadd.s32 @!p0 $0xFFFFF000  }
0x31: {  	s8 =	simm.s32 $0x10;
	s0 =	sshra.s32 s1, $0x2;
	_ =	swait.ge [sflag:s20], $0x8000  }
0x32: {  	s3 =	sand.u32 $0x1F0, s23;
	s1 =	sadd.s32 $0x11000, s0;
	[sflag:s20] =	ssyncset.done $0x0  }
0x33: {  	s8 =	sand.u32 $0x1D0, s8;
	s21 =	sor.u32 s3, s1;
	[sflag:s20] =	ssyncadd.s32 $0xFFFF8000  }
0x34: {  	s7 =	simm.s32 $0x20;
	s10 =	sshrl.u32 s8, $0x7;
	s12 =	simm.s32 $0x20;
	v38 =	vld [tilespmem:s21+$0x0]  }
0x35: {  	s19 =	sshll.u32 s10, $0xA;
	s14 =	sand.u32 $0x70, s23;
	s28 =	sshrl.u32 s3, $0x7  }
0x36: {  	s4 =	simm.s32 $0x20;
	s5 =	sand.u32 $0x1C0, s31;
	s24 =	sshll.u32 s28, $0xA  }
0x37: {  	s15 =	simm.s32 $0x10;
	s25 =	sadd.s32 $0x0, s24;
	s22 =	sor.u32 s5, s1  }
0x38: {  	s13 =	sand.u32 $0x1E0, s7;
	s2 =	sor.u32 s14, s25;
	s25 =	sand.u32 $0x60, s12;
	v36 =	vld [tilespmem:s22+$0x0]  }
0x39: {  	s12 =	simm.s32 $0x70;
	s11 =	sadd.s32 $0x11200, s0;
	s26 =	sor.u32 s8, s1;
	v39 =	vld [tilespmem:s4+$0x10];
	[tilespmem:s2+$0x1B000] =	vst v38  }
0x3a: {  	s9 =	sor.u32 s3, s11;
	s21 =	sshrl.u32 s5, $0x7;
	v33 =	vld [tilespmem:s26+$0x0];
	[smem:$0x7EB] =	sst s10  }
0x3b: {  	s1 =	sor.u32 s13, s1;
	s17 =	sshll.u32 s21, $0xA;
	v44 =	vld [tilespmem:s9+$0x0];
	s9 =	sshrl.u32 s13, $0x7  }
0x3c: {  	s18 =	sadd.s32 $0x0, s17;
	s17 =	sand.u32 $0x40, s31;
	[smem:$0x7EC] =	sst s9  }
0x3d: {  	s7 =	smov.u32 s2;
	s0 =	sadd.s32 $0x11400, s0;
	s24 =	sor.u32 s17, s18;
	v13 =	vld [tilespmem:s1+$0x0]  }
0x3e: {  	s3 =	sor.u32 s3, s0;
	s26 =	sand.u32 $0x50, s15;
	v9 =	vld [tilespmem:s4+$0xFFFFFFE0];
	s1 =	sadd.s32 $0x0, s19;
	[tilespmem:s24+$0x1B000] =	vst v36  }
0x3f: {  	s22 =	sor.u32 s5, s11;
	v48 =	vld [tilespmem:s4+$0xFFFFFFF0];
	[smem:$0x7ED] =	sst s25;
	s30 =	sor.u32 s26, s1  }
0x40: {  	s5 =	sor.u32 s5, s0;
	s20 =	sshll.u32 s9, $0xA;
	s1 =	sor.u32 s8, s11;
	v42 =	vld [tilespmem:s22+$0x0];
	[tilespmem:s30+$0x1B000] =	vst v33  }
0x41: {  	s15 =	simm.s32 $0x60;
	s2 =	simm.s32 $0x0;
	s6 =	sadd.s32 $0x0, s20;
	v40 =	vld [tilespmem:s1+$0x0]  }
0x42: {  	s10 =	smov.u32 s7;
	s29 =	sor.u32 s25, s6;
	v47 =	vld [tilespmem:s4+$0x0];
	s4 =	smul.u32 $0x1800, s2;
	[tilespmem:s7+$0x1C000] =	vst v44  }
0x43: {  	s9 =	simm.s32 $0x50;
	s20 =	simm.s32 $0x50;
	s11 =	sor.u32 s13, s11;
	[tilespmem:s29+$0x1B000] =	vst v13  }
0x44: {  	s6 =	simm.s32 $0x70;
	s22 =	sshra.s32 s4, $0x2;
	v30 =	vld [tilespmem:s11+$0x0];
	[smem:$0x7F2] =	sst s7  }
0x45: {  	s11 =	sor.u32 s13, s0;
	s13 =	sadd.s32 $0x11000, s22;
	v49 =	vld [tilespmem:s3+$0x0];
	[tilespmem:s24+$0x1C000] =	vst v42;
	s3 =	sand.u32 $0x1F0, s6  }
0x46: {  	s7 =	simm.s32 $0x40;
	v24 =	vld [tilespmem:s5+$0x0];
	s18 =	sor.u32 s3, s13;
	[tilespmem:s30+$0x1C000] =	vst v40;
	s19 =	sshrl.u32 s3, $0x7  }
0x47: {  	s8 =	sor.u32 s8, s0;
	s6 =	sand.u32 $0x1C0, s7;
	v31 =	vld [tilespmem:s18+$0x0];
	[smem:$0x7EE] =	sst s19  }
0x48: {  	s2 =	simm.s32 $0x60;
	s4 =	sand.u32 $0x1D0, s9;
	s25 =	sor.u32 s6, s13;
	v14 =	vld [tilespmem:s8+$0x0]  }
0x49: {  	s7 =	simm.s32 $0x40;
	s1 =	sshll.u32 s19, $0xA;
	s19 =	sshrl.u32 s6, $0x7;
	v15 =	vld [tilespmem:s25+$0x0];
	[tilespmem:s29+$0x1C000] =	vst v30  }
0x4a: {  	s5 =	sand.u32 $0x1E0, s15;
	s25 =	sand.u32 $0x70, s12;
	v20 =	vld [tilespmem:s11+$0x0];
	[smem:$0x7F0] =	sst s19  }
0x4b: {  	s15 =	sadd.s32 $0x0, s1;
	s8 =	simm.s32 $0x60;
	[smem:$0x7EF] =	sst s25  }
0x4c: {  	s9 =	sor.u32 s4, s13;
	s25 =	sor.u32 s25, s15;
	s15 =	sadd.s32 $0x11200, s22;
	v27 =	vld [tilespmem:s8+$0x10]  }
0x4d: {  	s13 =	sor.u32 s5, s13;
	v16 =	vld [tilespmem:s9+$0x0];
	s1 =	sor.u32 s3, s15;
	s9 =	sshrl.u32 s4, $0x7;
	[tilespmem:s25+$0x1B000] =	vst v31  }
0x4e: {  	s18 =	sshll.u32 s19, $0xA;
	s12 =	sshrl.u32 s5, $0x7;
	v37 =	vld [tilespmem:s1+$0x0];
	[smem:$0x7F3] =	sst s9  }
0x4f: {  	s19 =	simm.s32 $0x0;
	[smem:$0x7F4] =	sst s12;
	s1 =	sand.u32 $0x40, s7  }
0x50: {  	s11 =	sadd.s32 $0x0, s18;
	s18 =	smul.u32 $0x1800, s19;
	v28 =	vld [tilespmem:s13+$0x0];
	[smem:$0x7F1] =	sst s1  }
0x51: {  	s0 =	sshll.u32 s12, $0xA;
	s12 =	sor.u32 s1, s11;
	s1 =	sand.u32 $0x50, s20;
	v52 =	vld [tilespmem:s8+$0xFFFFFFE0]  }
0x52: {  	s19 =	sshll.u32 s9, $0xA;
	s18 =	sshra.s32 s18, $0x2;
	v50 =	vld [tilespmem:s8+$0xFFFFFFF0];
	[smem:$0x7F5] =	sst s1  }
0x53: {  	s7 =	simm.s32 $0xB0;
	s9 =	sor.u32 s6, s15;
	s13 =	sadd.s32 $0x0, s19;
	[tilespmem:s12+$0x1B000] =	vst v15  }
0x54: {  	s11 =	sadd.s32 $0x11000, s18;
	s7 =	sand.u32 $0x1F0, s7;
	v17 =	vld [tilespmem:s9+$0x0];
	s9 =	sand.u32 $0x60, s2  }
0x55: {  	s1 =	sor.u32 s1, s13;
	s13 =	sor.u32 s7, s11;
	v21 =	vld [tilespmem:s8+$0x0];
	[smem:$0x7F6] =	sst s9  }
0x56: {  	v1 =	vld [tilespmem:s13+$0x0];
	_ =	sdelay $0x4  }
0x57: {  	s19 =	sadd.s32 $0x0, s0;
	[tilespmem:$0x1FF00] =	vst v1  }
0x58: {  	s2 =	sor.u32 s9, s19;
	[tilespmem:s1+$0x1B000] =	vst v16  }
0x59: {  	s20 =	simm.s32 $0xB0;
	s19 =	sor.u32 s4, s15;
	s9 =	sshrl.u32 s7, $0x7;
	[tilespmem:s2+$0x1B000] =	vst v28  }
0x5a: {  	s0 =	sor.u32 s5, s15;
	s8 =	sadd.s32 $0x11400, s22;
	v19 =	vld [tilespmem:s19+$0x0];
	[smem:$0x7F7] =	sst s9  }
0x5b: {  	s22 =	sand.u32 $0x70, s20;
	s3 =	sor.u32 s3, s8;
	v34 =	vld [tilespmem:s0+$0x0];
	[tilespmem:s25+$0x1C000] =	vst v37  }
0x5c: {  	s15 =	sshll.u32 s9, $0xA;
	s9 =	simm.s32 $0xA0;
	v41 =	vld [tilespmem:s3+$0x0];
	[smem:$0x7F8] =	sst s22  }
0x5d: {  	v0 =	vld [tilespmem:s9+$0x10];
	_ =	sdelay $0x3  }
0x5e: {  	s19 =	sadd.s32 $0x0, s15;
	[tilespmem:s12+$0x1C000] =	vst v17  }
0x5f: {  	s13 =	sadd.s32 $0x11200, s18;
	s3 =	sor.u32 s22, s19;
	[tilespmem:$0x1FFE0] =	vst v0  }
0x60: {  	s0 =	sor.u32 s7, s13;
	[tilespmem:s3+$0x1B000] =	vst v1  }
0x61: {  	v1 =	vld [tilespmem:s0+$0x0];
	_ =	sdelay $0x3  }
0x62: {  	s6 =	sor.u32 s6, s8  }
0x63: {  	v18 =	vld [tilespmem:s6+$0x0];
	[tilespmem:$0x1FF10] =	vst v1  }
0x64: {  	s4 =	sor.u32 s4, s8;
	s19 =	simm.s32 $0x80;
	[tilespmem:s1+$0x1C000] =	vst v19  }
0x65: {  	v29 =	vld [tilespmem:s4+$0x0];
	s4 =	sand.u32 $0x1C0, s19  }
0x66: {  	s6 =	sor.u32 s4, s11  }
0x67: {  	v3 =	vld [tilespmem:s6+$0x0];
	_ =	sdelay $0x2  }
0x68: {  	s5 =	sor.u32 s5, s8;
	s15 =	simm.s32 $0x90;
	[tilespmem:s2+$0x1C000] =	vst v34  }
0x69: {  	v23 =	vld [tilespmem:s5+$0x0];
	s5 =	sand.u32 $0x1D0, s15  }
0x6a: {  	s22 =	sor.u32 s5, s11;
	[tilespmem:$0x1FF50] =	vst v3  }
0x6b: {  	v4 =	vld [tilespmem:s22+$0x0];
	_ =	sdelay $0x2  }
0x6c: {  	s20 =	simm.s32 $0xA0  }
0x6d: {  	s8 =	sand.u32 $0x1E0, s20;
	s6 =	sshrl.u32 s4, $0x7  }
0x6e: {  	v0 =	vmov s23;
	s23 =	smov.u32 s1;
	s1 =	sor.u32 s8, s11;
	[smem:$0x7F9] =	sst s6;
	[tilespmem:$0x1FF60] =	vst v4  }
0x6f: {  	s11 =	sadd.s32 $0x11400, s18;
	v12 =	vld [tilespmem:s1+$0x0];
	[tilespmem:s3+$0x1C000] =	vst v1;
	s1 =	sshrl.u32 s5, $0x7  }
0x70: {  	s22 =	sor.u32 s7, s11;
	[dreg:$0x1f] =	wrdreg s1  }
0x71: {  	v1 =	vld [tilespmem:s22+$0x0];
	_ =	sdelay $0x3  }
0x72: {  	s18 =	smov.u32 s2;
	s2 =	sand.u32 $0x40, s19  }
0x73: {  	[smem:$0x7FA] =	sst s2;
	[tilespmem:$0x1FED0] =	vst v1  }
0x74: {  	v2 =	vld [tilespmem:s9+$0xFFFFFFE0];
	_ =	sdelay $0x2  }
0x75: {  	s6 =	sshll.u32 s6, $0xA  }
0x76: {  	v0 =	vshll.u32 v0, $0x4;
	s22 =	sadd.s32 $0x0, s6;
	s6 =	sand.u32 $0x50, s15  }
0x77: {  	v46 =	vor.u32 v51, v0;
	v0 =	vmov s31;
	s31 =	sor.u32 s2, s22;
	[smem:$0x7FB] =	sst s6;
	[tilespmem:$0x1FEF0] =	vst v2  }
0x78: {  	[tilespmem:s31+$0x1B000] =	vst v3;
	v3 =	vld [tilespmem:s9+$0xFFFFFFF0];
	_ =	sdelay $0x2  }
0x79: {  	s1 =	sshll.u32 s1, $0xA  }
0x7a: {  	s7 =	sadd.s32 $0x0, s1;
	v1 =	vor.u32 $0x3, v46  }
0x7b: {  	v0 =	vshll.u32 v0, $0x4;
	s22 =	simm.s32 $0x10;
	s6 =	sor.u32 s6, s7;
	s7 =	sor.u32 s4, s13;
	v2 =	vor.u32 $0x6, v46;
	[tilespmem:$0x1FF20] =	vst v3  }
0x7c: {  	v22 =	vor.u32 v51, v0;
	s2 =	sor.u32 s5, s13;
	v3 =	vmov s22;
	v35 =	vld [tilespmem:s7+$0x0];
	[tilespmem:s6+$0x1B000] =	vst v4  }
0x7d: {  	v0 =	vshll.u32 v3, $0x4;
	v3 =	vor.u32 $0x3, v22;
	[tilespmem:s10+$0x1D000] =	vst v49;
	s7 =	simm.s32 $0x20;
	v32 =	vld [tilespmem:s2+$0x0]  }
0x7e: {  	v4 =	vmov s7;
	v25 =	vor.u32 v51, v0;
	v0 =	vld.idx.msk [tilespmem:v46+s16+$0x0], $0xffff  }
0x7f: {  	v1 =	vld.idx.msk [tilespmem:v1+s16+$0x0], $0xffff;
	v4 =	vshll.u32 v4, $0x4;
	v5 =	vor.u32 $0x3, v25  }
0x80: {  	[tilespmem:s24+$0x1D000] =	vst v24;
	v2 =	vld.idx.msk [tilespmem:v2+s16+$0x0], $0xffff;
	v26 =	vor.u32 v51, v4  }
0x81: {  	v7 =	vld.idx.msk [tilespmem:v22+s16+$0x0], $0xffff;
	v4 =	vor.u32 $0x6, v22  }
0x82: {  	[tilespmem:s30+$0x1D000] =	vst v14;
	v8 =	vor.u32 $0x3, v26;
	v3 =	vld.idx.msk [tilespmem:v3+s16+$0x0], $0xffff  }
0x83: {  	v43 =	vor.u32 $0x6, v25;
	v45 =	vld.idx.msk [tilespmem:v25+s16+$0x0], $0xffff  }
0x84: {  	[tilespmem:s29+$0x1D000] =	vst v20;
	v0 =	vmul.f32 v0, v38;
	v1 =	vmul.f32 v1, v44;
	v5 =	vld.idx.msk [tilespmem:v5+s16+$0x0], $0xffff  }
0x85: {  	s22 =	sshrl.u32 s8, $0x7;
	v54 =	vld.idx.msk [tilespmem:v26+s16+$0x0], $0xffff  }
0x86: {  	s2 =	sshll.u32 s22, $0xA;
	v0 =	vadd.f32 v1, v0;
	v1 =	vmul.f32 v2, v49;
	v2 =	vld.idx.msk [tilespmem:v4+s16+$0x0], $0xffff;
	[smem:$0x7FC] =	sst s22  }
0x87: {  	s7 =	sadd.s32 $0x0, s2;
	s22 =	sand.u32 $0x60, s20;
	v8 =	vld.idx.msk [tilespmem:v8+s16+$0x0], $0xffff  }
0x88: {  	v0 =	vadd.f32 v1, v0;
	v1 =	vld.idx.msk [tilespmem:v43+s16+$0x0], $0xffff;
	[smem:$0x7FD] =	sst s22;
	s22 =	sor.u32 s22, s7;
	s7 =	simm.s32 $0xA0  }
0x89: {  	[dreg:$0x8] =	wrdreg s7  }
0x8a: {  	v6 =	vld [tilespmem:s9+$0x0];
	_ =	sdelay $0x1  }
0x8b: {  	s10 =	simm.s32 $0x0  }
0x8c: {  	s0 =	sand.u32 $0x3FFFF800, s10  }
0x8d: {  	s10 =	sshll.u32 s28, $0x9;
	s1 =	sadd.s32 $0x14000, s0  }
0x8e: {  	s28 =	sor.u32 s10, s1;
	v53 =	vor.u32 $0x6, v26;
	[tilespmem:$0x1FF40] =	vst v6  }
0x8f: {  	s9 =	sor.u32 s14, s28;
	[tilespmem:s22+$0x1B000] =	vst v12  }
0x90: {  	v4 =	vor.u32 $0x1, v46;
	[tilespmem:s9+$0x0] =	vst v0  }
0x91: {  	v55 =	vor.u32 $0x4, v46;
	s4 =	sor.u32 s4, s11;
	s14 =	sld [smem:$0x7EB];
	[tilespmem:s31+$0x1C000] =	vst v35  }
0x92: {  	v56 =	vor.u32 $0x7, v46;
	v7 =	vmul.f32 v7, v36;
	v3 =	vmul.f32 v3, v42;
	v10 =	vld [tilespmem:s4+$0x0]  }
0x93: {  	v57 =	vor.u32 $0x1, v22;
	s10 =	sor.u32 s8, s13;
	v45 =	vmul.f32 v45, v33;
	v5 =	vmul.f32 v5, v40;
	v53 =	vld.idx.msk [tilespmem:v53+s16+$0x0], $0xffff  }
0x94: {  	v58 =	vor.u32 $0x4, v22;
	v2 =	vmul.f32 v2, v24;
	v0 =	vadd.f32 v3, v7;
	v6 =	vld [tilespmem:s10+$0x0]  }
0x95: {  	v59 =	vor.u32 $0x7, v22;
	s13 =	sshll.u32 s21, $0x9;
	v5 =	vadd.f32 v5, v45;
	v8 =	vmul.f32 v8, v30;
	v4 =	vld.idx.msk [tilespmem:v4+s16+$0x0], $0xffff  }
0x96: {  	s7 =	sor.u32 s13, s1;
	v1 =	vmul.f32 v1, v14;
	v7 =	vmul.f32 v54, v13;
	v63 =	vld.idx.msk [tilespmem:v55+s16+$0x0], $0xffff;
	v0 =	vadd.f32 v2, v0  }
0x97: {  	s2 =	sor.u32 s17, s7;
	v3 =	vor.u32 $0x1, v25;
	v56 =	vld.idx.msk [tilespmem:v56+s16+$0x0], $0xffff;
	v2 =	vor.u32 $0x4, v25;
	s17 =	sshll.u32 s14, $0x9;
	[tilespmem:$0x1FEE0] =	vst v10  }
0x98: {  	v7 =	vadd.f32 v8, v7;
	s21 =	sor.u32 s17, s1;
	v8 =	vmul.f32 v53, v20;
	[tilespmem:s2+$0x0] =	vst v0;
	v0 =	vadd.f32 v1, v5  }
0x99: {  	s14 =	sor.u32 s26, s21;
	s28 =	sld [smem:$0x7EC];
	v57 =	vld.idx.msk [tilespmem:v57+s16+$0x0], $0xffff  }
0x9a: {  	v7 =	vadd.f32 v8, v7;
	v8 =	vor.u32 $0x7, v25;
	v59 =	vld.idx.msk [tilespmem:v59+s16+$0x0], $0xffff;
	[tilespmem:s14+$0x0] =	vst v0  }
0x9b: {  	v43 =	vor.u32 $0x1, v26;
	s26 =	simm.s32 $0x70;
	v0 =	vld.idx.msk [tilespmem:v58+s16+$0x0], $0xffff;
	s4 =	sld [smem:$0x7ED]  }
0x9c: {  	v1 =	vmov s26;
	v3 =	vld.idx.msk [tilespmem:v3+s16+$0x0], $0xffff;
	s0 =	sshll.u32 s28, $0x9  }
0x9d: {  	v5 =	vor.u32 $0x4, v26;
	v1 =	vshll.u32 v1, $0x4;
	v2 =	vld.idx.msk [tilespmem:v2+s16+$0x0], $0xffff;
	s0 =	sor.u32 s0, s1  }
0x9e: {  	v45 =	vor.u32 v51, v1;
	v1 =	vmul.f32 v4, v38;
	s13 =	sor.u32 s4, s0  }
0x9f: {  	v4 =	vmul.f32 v63, v44;
	v63 =	vor.u32 $0x6, v45;
	v10 =	vld.idx.msk [tilespmem:v8+s16+$0x0], $0xffff;
	[tilespmem:s13+$0x0] =	vst v7;
	v7 =	vor.u32 $0x3, v45  }
0xa0: {  	v8 =	vmul.f32 v57, v36;
	v0 =	vmul.f32 v0, v42;
	v62 =	vld.idx.msk [tilespmem:v43+s16+$0x0], $0xffff;
	v43 =	vor.u32 $0x7, v26  }
0xa1: {  	[tilespmem:s25+$0x1D000] =	vst v41;
	v1 =	vadd.f32 v4, v1;
	v4 =	vmul.f32 v56, v49;
	v3 =	vmul.f32 v3, v33  }
0xa2: {  	v5 =	vld.idx.msk [tilespmem:v5+s16+$0x0], $0xffff;
	v2 =	vmul.f32 v2, v40;
	v0 =	vadd.f32 v0, v8;
	v8 =	vmul.f32 v59, v24  }
0xa3: {  	vm0 =	veq.s32 v9, $0xFFFFFFFF;
	v9 =	vor.u32 $0x2, v46;
	v4 =	vadd.f32 v4, v1;
	v1 =	vld.idx.msk [tilespmem:v45+s16+$0x0], $0xffff  }
0xa4: {  	v2 =	vadd.f32 v2, v3;
	v0 =	vadd.f32 v8, v0;
	v8 =	vmul.f32 v10, v14;
	v11 =	vld.idx.msk [tilespmem:v7+s16+$0x0], $0xffff  }
0xa5: {  	[tilespmem:s6+$0x1C000] =	vst v32;
	v7 =	vor.u32 $0x8, v46;
	v56 =	vld.idx.msk [tilespmem:v43+s16+$0x0], $0xffff  }
0xa6: {  	[tilespmem:s9+$0x80] =	vst v4;
	v59 =	vld.idx.msk [tilespmem:v63+s16+$0x0], $0xffff;
	v63 =	vor.u32 $0x2, v22;
	v2 =	vadd.f32 v8, v2  }
0xa7: {  	v57 =	vor.u32 $0x5, v46;
	v62 =	vmul.f32 v62, v13;
	v5 =	vmul.f32 v5, v30;
	[tilespmem:s2+$0x80] =	vst v0  }
0xa8: {  	[tilespmem:s14+$0x80] =	vst v2  }
0xa9: {  	v1 =	vmul.f32 v1, v31;
	v3 =	vadd.f32 v5, v62;
	v5 =	vld.idx.msk [tilespmem:v9+s16+$0x0], $0xffff;
	s4 =	sld [smem:$0x7EE];
	v11 =	vmul.f32 v11, v37  }
0xaa: {  	s26 =	simm.s32 $0x100;
	v9 =	vor.u32 $0x2, v25;
	v0 =	vld.idx.msk [tilespmem:v7+s16+$0x0], $0xffff;
	v7 =	vmul.f32 v56, v20  }
0xab: {  	s21 =	sor.u32 s5, s11;
	s0 =	sand.u32 $0x3FFFF800, s26;
	v62 =	vor.u32 $0x1, v45;
	s5 =	sld [smem:$0x7EF];
	v1 =	vadd.f32 v11, v1;
	v11 =	vld.idx.msk [tilespmem:v63+s16+$0x0], $0xffff;
	v63 =	vmul.f32 v59, v41  }
0xac: {  	vm4 =	veq.s32 v48, $0xFFFFFFFF;
	s7 =	simm.s32 $0x40;
	s28 =	sadd.s32 $0x14000, s0;
	v10 =	vld.idx.msk [tilespmem:v57+s16+$0x0], $0xffff;
	s0 =	sshll.u32 s4, $0x9;
	v2 =	vadd.f32 v7, v3;
	v7 =	vor.u32 $0x4, v45  }
0xad: {  	vm1 =	veq.s32 v47, $0xFFFFFFFF;
	s10 =	simm.s32 $0x50;
	v58 =	vmov s7;
	s0 =	sor.u32 s0, s28;
	v1 =	vadd.f32 v63, v1  }
0xae: {  	v60 =	vmov s10;
	v47 =	vor.u32 $0x7, v45;
	v3 =	vshll.u32 v58, $0x4;
	s0 =	sor.u32 s5, s0  }
0xaf: {  	v4 =	vor.u32 $0x5, v22;
	v48 =	vor.u32 v51, v3;
	v3 =	vld.idx.msk [tilespmem:v9+s16+$0x0], $0xffff;
	[tilespmem:s0+$0x0] =	vst v1;
	v1 =	vshll.u32 v60, $0x4  }
0xb0: {  	v57 =	vor.u32 $0x5, v25;
	v5 =	vmul.f32 v5, v38;
	v38 =	vor.u32 v51, v1;
	v1 =	vld.idx.msk [tilespmem:v62+s16+$0x0], $0xffff  }
0xb1: {  	s17 =	simm.s32 $0x60;
	v8 =	vor.u32 $0x2, v26;
	v9 =	vmul.f32 v10, v44;
	v7 =	vld.idx.msk [tilespmem:v7+s16+$0x0], $0xffff  }
0xb2: {  	v61 =	vmov s17  }
0xb3: {  	v10 =	vor.u32 $0x3, v48;
	v5 =	vadd.f32 v9, v5;
	v9 =	vshll.u32 v61, $0x4;
	v47 =	vld.idx.msk [tilespmem:v47+s16+$0x0], $0xffff  }
0xb4: {  	vm5 =	veq.s32 v39, $0xFFFFFFFF;
	v4 =	vld.idx.msk [tilespmem:v4+s16+$0x0], $0xffff;
	v60 =	vor.u32 $0x6, v48;
	v39 =	vor.u32 v51, v9  }
0xb5: {  	[tilespmem:s13+$0x80] =	vst v2;
	v2 =	vld.idx.msk [tilespmem:v57+s16+$0x0], $0xffff;
	v0 =	vmul.f32 v0, v49;
	v9 =	vmul.f32 v11, v36;
	v11 =	vor.u32 $0x3, v39  }
0xb6: {  	[tilespmem:s12+$0x1D000] =	vst v18;
	v8 =	vld.idx.msk [tilespmem:v8+s16+$0x0], $0xffff;
	v1 =	vmul.f32 v1, v31;
	v7 =	vmul.f32 v7, v37  }
0xb7: {  	v57 =	vimm.f32 $1.000000000e+00;
	v0 =	vadd.f32 v0, v5;
	v5 =	vld.idx.msk [tilespmem:v48+s16+$0x0], $0xffff  }
0xb8: {  	[tilespmem:s23+$0x1D000] =	vst v29;
	v63 =	vor.u32 $0x3, v38;
	v10 =	vld.idx.msk [tilespmem:v10+s16+$0x0], $0xffff;
	v47 =	vmul.f32 v47, v41;
	v1 =	vadd.f32 v7, v1  }
0xb9: {  	[tilespmem:s18+$0x1D000] =	vst v23;
	v4 =	vmul.f32 v4, v42;
	v56 =	vsel vm5, $0x0, v57;
	v36 =	vor.u32 $0x9, v46;
	v42 =	vld.idx.msk [tilespmem:v60+s16+$0x0], $0xffff  }
0xba: {  	vm2 =	veq.s32 v50, $0xFFFFFFFF;
	[tilespmem:s9+$0x180] =	vst v56;
	v62 =	vor.u32 $0x6, v38;
	v11 =	vld.idx.msk [tilespmem:v11+s16+$0x0], $0xffff;
	v1 =	vadd.f32 v47, v1  }
0xbb: {  	v53 =	vmov s15;
	v58 =	vmovc v6;
	v4 =	vadd.f32 v4, v9;
	v3 =	vmul.f32 v3, v33;
	[tilespmem:s9+$0x100] =	vst v0  }
0xbc: {  	v6 =	vor.u32 $0x6, v39;
	v2 =	vmul.f32 v2, v40;
	v0 =	vmul.f32 v8, v13;
	v9 =	vld.idx.msk [tilespmem:v38+s16+$0x0], $0xffff;
	[tilespmem:s0+$0x80] =	vst v1  }
0xbd: {  	s7 =	sor.u32 s8, s11;
	v59 =	vor.u32 $0x2, v45;
	v49 =	vld.idx.msk [tilespmem:v63+s16+$0x0], $0xffff;
	v5 =	vmul.f32 v5, v15;
	v10 =	vmul.f32 v10, v17;
	s8 =	sld [smem:$0x7F0]  }
0xbe: {  	v8 =	vadd.f32 v2, v3;
	v3 =	vor.u32 $0x5, v45;
	v50 =	vld.idx.msk [tilespmem:v36+s16+$0x0], $0xffff;
	v7 =	vor.u32 $0x5, v26;
	[tilespmem:s22+$0x1C000] =	vst v58  }
0xbf: {  	v2 =	vld.idx.msk [tilespmem:v62+s16+$0x0], $0xffff;
	v5 =	vadd.f32 v10, v5;
	v10 =	vmul.f32 v11, v34;
	v11 =	vmul.f32 v42, v18;
	s15 =	sld [smem:$0x7F1]  }
0xc0: {  	v63 =	vld.idx.msk [tilespmem:v39+s16+$0x0], $0xffff;
	v1 =	vor.u32 $0x8, v45;
	s11 =	sshll.u32 s8, $0x9  }
0xc1: {  	s17 =	smov.u32 s12;
	v60 =	vld.idx.msk [tilespmem:v6+s16+$0x0], $0xffff;
	v5 =	vadd.f32 v11, v5;
	s12 =	sor.u32 s11, s28  }
0xc2: {  	v9 =	vmul.f32 v9, v16;
	v49 =	vmul.f32 v49, v19;
	v6 =	vld.idx.msk [tilespmem:v59+s16+$0x0], $0xffff;
	s5 =	sor.u32 s15, s12  }
0xc3: {  	v54 =	vmov s20;
	v62 =	vor.u32 $0x1, v48;
	v3 =	vld.idx.msk [tilespmem:v3+s16+$0x0], $0xffff;
	[tilespmem:s5+$0x0] =	vst v5  }
0xc4: {  	v2 =	vmul.f32 v2, v29;
	v7 =	vld.idx.msk [tilespmem:v7+s16+$0x0], $0xffff;
	v9 =	vadd.f32 v49, v9;
	v49 =	vor.u32 $0x4, v48;
	s20 =	sld [smem:$0x7F2]  }
0xc5: {  	v1 =	vld.idx.msk [tilespmem:v1+s16+$0x0], $0xffff  }
0xc6: {  	v55 =	vmov s19;
	v2 =	vadd.f32 v2, v9;
	v9 =	vor.u32 $0x7, v48  }
0xc7: {  	v43 =	vld [tilespmem:s21+$0x0];
	v61 =	vmovc v12;
	v12 =	vor.u32 $0x8, v22;
	v33 =	vmul.f32 v63, v28;
	v63 =	vmul.f32 v60, v23;
	[tilespmem:s20+$0x18000] =	vst v50  }
0xc8: {  	v56 =	vor.u32 $0x9, v45;
	v3 =	vmul.f32 v3, v37;
	v5 =	vmul.f32 v6, v31;
	v60 =	vld.idx.msk [tilespmem:v62+s16+$0x0], $0xffff;
	s21 =	sld [smem:$0x7F3]  }
0xc9: {  	s19 =	smov.u32 s22;
	v10 =	vadd.f32 v10, v33;
	v11 =	vor.u32 $0xA, v46;
	v7 =	vmul.f32 v7, v30;
	v49 =	vld.idx.msk [tilespmem:v49+s16+$0x0], $0xffff;
	s22 =	sld [smem:$0x7F4]  }
0xca: {  	v30 =	vor.u32 $0x8, v26;
	v6 =	vadd.f32 v3, v5;
	v1 =	vmul.f32 v1, v41  }
0xcb: {  	v42 =	vsel vm1, $0x0, v57;
	vm1 =	veq.s32 v27, $0xFFFFFFFF;
	v10 =	vadd.f32 v63, v10;
	v9 =	vld.idx.msk [tilespmem:v9+s16+$0x0], $0xffff;
	s26 =	sld [smem:$0x7F5]  }
0xcc: {  	s9 =	smov.u32 s6;
	v63 =	vsel vm1, $0x0, v57;
	v31 =	vor.u32 $0x1, v38;
	v1 =	vadd.f32 v1, v6;
	s4 =	sshll.u32 s21, $0x9;
	s6 =	sshll.u32 s22, $0x9  }
0xcd: {  	v12 =	vld.idx.msk [tilespmem:v12+s16+$0x0], $0xffff;
	v62 =	vor.u32 $0x4, v38;
	s4 =	sor.u32 s4, s28;
	s6 =	sor.u32 s6, s28;
	s28 =	sld [smem:$0x7F6];
	[tilespmem:s0+$0x180] =	vst v63  }
0xce: {  	v11 =	vld.idx.msk [tilespmem:v11+s16+$0x0], $0xffff;
	v13 =	vmul.f32 v60, v15;
	v49 =	vmul.f32 v49, v17;
	[tilespmem:s0+$0x100] =	vst v1;
	s10 =	sor.u32 s26, s4  }
0xcf: {  	v44 =	vsel vm0, $0x0, v57;
	vm0 =	veq.s32 v21, $0xFFFFFFFF;
	v21 =	vmovc v18;
	v30 =	vld.idx.msk [tilespmem:v30+s16+$0x0], $0xffff;
	[tilespmem:s10+$0x0] =	vst v2;
	v2 =	vor.u32 $0x7, v38  }
0xd0: {  	v9 =	vmul.f32 v9, v21;
	v13 =	vadd.f32 v49, v13;
	v41 =	vld.idx.msk [tilespmem:v56+s16+$0x0], $0xffff  }
0xd1: {  	v36 =	vor.u32 $0x8, v25;
	v31 =	vld.idx.msk [tilespmem:v31+s16+$0x0], $0xffff  }
0xd2: {  	v12 =	vmul.f32 v12, v24;
	v9 =	vadd.f32 v9, v13;
	v60 =	vld.idx.msk [tilespmem:v62+s16+$0x0], $0xffff  }
0xd3: {  	[tilespmem:s20+$0x19000] =	vst v11  }
0xd4: {  	v24 =	vor.u32 $0x1, v39;
	v12 =	vadd.f32 v12, v4;
	s4 =	sor.u32 s28, s6;
	[tilespmem:s5+$0x80] =	vst v9;
	v4 =	vld.idx.msk [tilespmem:v2+s16+$0x0], $0xffff  }
0xd5: {  	[tilespmem:s4+$0x0] =	vst v10;
	v10 =	vor.u32 $0x4, v39  }
0xd6: {  	v18 =	vld.idx.msk [tilespmem:v36+s16+$0x0], $0xffff;
	v46 =	vor.u32 $0xB, v46;
	v0 =	vadd.f32 v7, v0;
	v20 =	vmul.f32 v30, v20;
	[tilespmem:s25+$0x18000] =	vst v41  }
0xd7: {  	v1 =	vor.u32 $0x7, v39;
	v56 =	vld [tilespmem:$0x1FED0];
	v31 =	vmul.f32 v31, v16;
	v37 =	vmul.f32 v60, v19  }
0xd8: {  	v59 =	vld [tilespmem:s7+$0x0];
	v7 =	vor.u32 $0x2, v48  }
0xd9: {  	v20 =	vadd.f32 v20, v0;
	s6 =	simm.s32 $0xB0;
	v24 =	vld.idx.msk [tilespmem:v24+s16+$0x0], $0xffff;
	v0 =	vadd.f32 v37, v31;
	v4 =	vmul.f32 v4, v29  }
0xda: {  	vm3 =	veq.s32 v52, $0xFFFFFFFF;
	v52 =	vor.u32 $0x5, v48;
	v62 =	vmov s6;
	v10 =	vld.idx.msk [tilespmem:v10+s16+$0x0], $0xffff  }
0xdb: {  	v63 =	vor.u32 $0xA, v45;
	v11 =	vld.idx.msk [tilespmem:v46+s16+$0x0], $0xffff;
	v49 =	vshll.u32 v62, $0x4;
	v4 =	vadd.f32 v4, v0  }
0xdc: {  	v1 =	vld.idx.msk [tilespmem:v1+s16+$0x0], $0xffff;
	v13 =	vor.u32 v51, v49;
	[tilespmem:s3+$0x1D000] =	vst v56  }
0xdd: {  	v7 =	vld.idx.msk [tilespmem:v7+s16+$0x0], $0xffff;
	v30 =	vor.u32 $0x3, v13;
	[tilespmem:s10+$0x80] =	vst v4  }
0xde: {  	v3 =	vld [tilespmem:$0x1FEE0]  }
0xdf: {  	v46 =	vld.idx.msk [tilespmem:v52+s16+$0x0], $0xffff;
	v24 =	vmul.f32 v24, v28;
	v10 =	vmul.f32 v10, v34  }
0xe0: {  	v31 =	vld.idx.msk [tilespmem:v63+s16+$0x0], $0xffff  }
0xe1: {  	v62 =	vld.idx.msk [tilespmem:v13+s16+$0x0], $0xffff;
	v10 =	vadd.f32 v10, v24;
	v24 =	vmul.f32 v1, v23;
	v1 =	vsel vm0, $0x0, v57  }
0xe2: {  	v30 =	vld.idx.msk [tilespmem:v30+s16+$0x0], $0xffff;
	[tilespmem:$0x1FFD0] =	vst v1  }
0xe3: {  	[tilespmem:s31+$0x1D000] =	vst v3  }
0xe4: {  	v1 =	vld [tilespmem:$0x1FEF0];
	_ =	sdelay $0x1  }
0xe5: {  	v47 =	vmul.f32 v18, v14  }
0xe6: {  	v41 =	vor.u32 $0x6, v13;
	v10 =	vadd.f32 v24, v10  }
0xe7: {  	v8 =	vadd.f32 v47, v8;
	v9 =	vor.u32 $0x2, v38;
	v4 =	vshll.u32 v53, $0x4;
	v53 =	vld [tilespmem:$0x1FF00]  }
0xe8: {  	v47 =	vor.u32 $0x5, v38;
	v60 =	vshll.u32 v55, $0x4;
	vm0 =	veq.s32 v1, $0xFFFFFFFF;
	v1 =	vld [tilespmem:$0x1FF10];
	[tilespmem:s4+$0x80] =	vst v10  }
0xe9: {  	v0 =	vor.u32 v51, v60;
	v10 =	vld [tilespmem:$0x1FF20]  }
0xea: {  	v6 =	vor.u32 $0x2, v39  }
0xeb: {  	v37 =	vor.u32 $0x3, v0;
	v41 =	vld.idx.msk [tilespmem:v41+s16+$0x0], $0xffff  }
0xec: {  	v9 =	vld.idx.msk [tilespmem:v9+s16+$0x0], $0xffff  }
0xed: {  	v47 =	vld.idx.msk [tilespmem:v47+s16+$0x0], $0xffff  }
0xee: {  	v50 =	vld.idx.msk [tilespmem:v0+s16+$0x0], $0xffff;
	v60 =	vsel vm0, $0x0, v57;
	vm0 =	veq.s32 v10, $0xFFFFFFFF  }
0xef: {  	v52 =	vmov v35;
	v49 =	vor.u32 v51, v4;
	v35 =	vld.idx.msk [tilespmem:v6+s16+$0x0], $0xffff;
	[tilespmem:s9+$0x1D000] =	vst v43;
	v6 =	vsel vm0, $0x0, v57  }
0xf0: {  	v55 =	vmul.f32 v62, v53;
	s11 =	sld [smem:$0x7F7];
	v30 =	vmul.f32 v30, v1;
	v10 =	vld.idx.msk [tilespmem:v37+s16+$0x0], $0xffff;
	[tilespmem:$0x1FF30] =	vst v6  }
0xf1: {  	s7 =	simm.s32 $0x200;
	v24 =	vor.u32 $0x3, v49;
	v6 =	vld [tilespmem:$0x1FF40];
	[tilespmem:s19+$0x1D000] =	vst v59  }
0xf2: {  	s0 =	sand.u32 $0x3FFFF800, s7;
	v17 =	vmul.f32 v46, v17;
	v46 =	vmul.f32 v41, v56;
	v30 =	vadd.f32 v30, v55;
	s12 =	sld [smem:$0x7F8]  }
0xf3: {  	s8 =	sadd.s32 $0x14000, s0;
	v7 =	vmul.f32 v7, v15;
	v63 =	vshll.u32 v54, $0x4;
	v62 =	vor.u32 $0x6, v0;
	s0 =	sshll.u32 s11, $0x9  }
0xf4: {  	v4 =	vor.u32 v51, v63;
	s0 =	sor.u32 s0, s8;
	v30 =	vadd.f32 v46, v30  }
0xf5: {  	v7 =	vadd.f32 v17, v7;
	v14 =	vor.u32 $0x3, v4;
	v17 =	vld.idx.msk [tilespmem:v49+s16+$0x0], $0xffff;
	s0 =	sor.u32 s12, s0  }
0xf6: {  	v55 =	vor.u32 $0x4, v13;
	v24 =	vld.idx.msk [tilespmem:v24+s16+$0x0], $0xffff;
	[tilespmem:s0+$0x0] =	vst v30  }
0xf7: {  	vm0 =	veq.s32 v6, $0xFFFFFFFF;
	v6 =	vld [tilespmem:$0x1FF50]  }
0xf8: {  	v2 =	vmov v43;
	v37 =	vor.u32 $0x1, v13;
	v43 =	vld.idx.msk [tilespmem:v62+s16+$0x0], $0xffff  }
0xf9: {  	v63 =	vor.u32 $0x7, v13;
	v9 =	vmul.f32 v9, v16;
	v19 =	vmul.f32 v47, v19;
	v16 =	vld.idx.msk [tilespmem:v4+s16+$0x0], $0xffff  }
0xfa: {  	v5 =	vor.u32 $0x9, v22;
	v46 =	vor.u32 $0x6, v49;
	v14 =	vld.idx.msk [tilespmem:v14+s16+$0x0], $0xffff  }
0xfb: {  	v54 =	vmovc v32;
	v9 =	vadd.f32 v19, v9;
	v19 =	vor.u32 $0x6, v4;
	v10 =	vmul.f32 v10, v52;
	v41 =	vld.idx.msk [tilespmem:v55+s16+$0x0], $0xffff  }
0xfc: {  	v55 =	vld [tilespmem:$0x1FF60];
	[tilespmem:s2+$0x180] =	vst v44;
	v30 =	vmul.f32 v50, v6;
	v50 =	vmul.f32 v24, v54;
	v24 =	vmovc v6;
	v6 =	vor.u32 $0xB, v22  }
0xfd: {  	v27 =	vor.u32 $0xA, v22;
	v37 =	vld.idx.msk [tilespmem:v37+s16+$0x0], $0xffff;
	v22 =	vor.u32 $0xB, v45;
	[tilespmem:$0x1FF70] =	vst v6  }
0xfe: {  	v10 =	vadd.f32 v10, v30;
	v30 =	vor.u32 $0x5, v39;
	v32 =	vld.idx.msk [tilespmem:v63+s16+$0x0], $0xffff  }
0xff: {  	v40 =	vsel vm4, $0x0, v57;
	[tilespmem:s2+$0x100] =	vst v12;
	v12 =	vld.idx.msk [tilespmem:v46+s16+$0x0], $0xffff  }
0x100: {  	v18 =	vor.u32 $0x9, v25;
	[tilespmem:s14+$0x180] =	vst v40;
	v19 =	vld.idx.msk [tilespmem:v19+s16+$0x0], $0xffff  }
0x101: {  	v15 =	vmul.f32 v35, v28;
	v17 =	vmul.f32 v17, v55;
	[tilespmem:s25+$0x19000] =	vst v31;
	v5 =	vld.idx.msk [tilespmem:v5+s16+$0x0], $0xffff  }
0x102: {  	v35 =	vor.u32 $0xA, v25;
	v6 =	vor.u32 $0x9, v38;
	v63 =	vor.u32 $0xB, v25;
	[tilespmem:s14+$0x100] =	vst v8;
	v22 =	vld.idx.msk [tilespmem:v22+s16+$0x0], $0xffff  }
0x103: {  	v17 =	vadd.f32 v50, v17;
	v25 =	vor.u32 $0x8, v48;
	v50 =	vmul.f32 v41, v1;
	v41 =	vld.idx.msk [tilespmem:v30+s16+$0x0], $0xffff;
	[tilespmem:$0x1FF80] =	vst v6  }
0x104: {  	v6 =	vor.u32 $0xA, v48;
	[tilespmem:s20+$0x1A000] =	vst v11  }
0x105: {  	v47 =	vor.u32 $0x9, v26;
	v31 =	vmul.f32 v43, v3;
	v30 =	vmovc v3;
	v3 =	vld.idx.msk [tilespmem:v18+s16+$0x0], $0xffff;
	[tilespmem:$0x1FF90] =	vst v6;
	v6 =	vor.u32 $0x9, v39  }
0x106: {  	v62 =	vor.u32 $0xB, v26;
	v44 =	vor.u32 $0xA, v26;
	v26 =	vor.u32 $0x8, v38;
	[tilespmem:$0x1FFA0] =	vst v6  }
0x107: {  	v37 =	vmul.f32 v37, v53;
	v6 =	vor.u32 $0xA, v38;
	[tilespmem:s13+$0x180] =	vst v42  }
0x108: {  	v11 =	vld.idx.msk [tilespmem:v25+s16+$0x0], $0xffff;
	[tilespmem:$0x1FFB0] =	vst v6  }
0x109: {  	v8 =	vadd.f32 v50, v37;
	v32 =	vmul.f32 v32, v56;
	[tilespmem:s13+$0x100] =	vst v20  }
0x10a: {  	v6 =	vor.u32 $0xA, v39;
	[tilespmem:s25+$0x1A000] =	vst v22  }
0x10b: {  	v8 =	vadd.f32 v32, v8;
	v45 =	vld.idx.msk [tilespmem:v26+s16+$0x0], $0xffff;
	[tilespmem:$0x1FFC0] =	vst v6  }
0x10c: {  	[tilespmem:s24+$0x18000] =	vst v5  }
0x10d: {  	[tilespmem:s0+$0x80] =	vst v8  }
0x10e: {  	v10 =	vadd.f32 v31, v10;
	s1 =	sld [smem:$0x7F9]  }
0x10f: {  	v31 =	vmov v2;
	v12 =	vmul.f32 v12, v2;
	v2 =	vmul.f32 v11, v21;
	[tilespmem:s30+$0x18000] =	vst v3  }
0x110: {  	v36 =	vsel vm3, $0x0, v57;
	v18 =	vmul.f32 v41, v34;
	v34 =	vld.idx.msk [tilespmem:v47+s16+$0x0], $0xffff;
	s14 =	sld [smem:$0x7FA]  }
0x111: {  	v16 =	vmul.f32 v16, v61;
	v14 =	vmul.f32 v14, v58;
	v2 =	vadd.f32 v2, v7;
	s13 =	sshll.u32 s1, $0x9  }
0x112: {  	[tilespmem:s5+$0x180] =	vst v36;
	s6 =	sor.u32 s13, s8  }
0x113: {  	v14 =	vadd.f32 v14, v16;
	v16 =	vor.u32 $0x8, v39;
	[tilespmem:s5+$0x100] =	vst v2;
	s2 =	sor.u32 s14, s6  }
0x114: {  	[tilespmem:s2+$0x0] =	vst v10  }
0x115: {  	v46 =	vor.u32 $0x2, v13;
	s15 =	rddreg [dreg:$0x1f];
	[tilespmem:s29+$0x18000] =	vst v34  }
0x116: {  	v20 =	vor.u32 $0x5, v13;
	s21 =	sld [smem:$0x7FB]  }
0x117: {  	v33 =	vsel vm2, $0x0, v57;
	v19 =	vmul.f32 v19, v59;
	s20 =	sshll.u32 s15, $0x9  }
0x118: {  	v12 =	vadd.f32 v12, v17;
	v16 =	vld.idx.msk [tilespmem:v16+s16+$0x0], $0xffff;
	v11 =	vor.u32 $0x8, v13;
	[tilespmem:s10+$0x180] =	vst v33;
	s5 =	sor.u32 s20, s8  }
0x119: {  	v5 =	vadd.f32 v19, v14;
	v8 =	vor.u32 $0x4, v0;
	v19 =	vld.idx.msk [tilespmem:v27+s16+$0x0], $0xffff;
	s25 =	sld [smem:$0x7FC];
	s13 =	sor.u32 s21, s5  }
0x11a: {  	v17 =	vld.idx.msk [tilespmem:v46+s16+$0x0], $0xffff;
	v28 =	vmul.f32 v45, v29;
	[tilespmem:s13+$0x0] =	vst v12  }
0x11b: {  	v20 =	vld.idx.msk [tilespmem:v20+s16+$0x0], $0xffff;
	s28 =	sld [smem:$0x7FD]  }
0x11c: {  	v14 =	vor.u32 $0x1, v0;
	v47 =	vld.idx.msk [tilespmem:v35+s16+$0x0], $0xffff;
	v9 =	vadd.f32 v28, v9;
	s26 =	sshll.u32 s25, $0x9  }
0x11d: {  	v40 =	vor.u32 $0x4, v49;
	v50 =	vor.u32 $0x9, v48;
	v11 =	vld.idx.msk [tilespmem:v11+s16+$0x0], $0xffff;
	s5 =	sor.u32 s26, s8  }
0x11e: {  	v25 =	vor.u32 $0xB, v48;
	v2 =	vmul.f32 v16, v23;
	v10 =	vadd.f32 v18, v15;
	v48 =	vld.idx.msk [tilespmem:v8+s16+$0x0], $0xffff;
	[tilespmem:s10+$0x100] =	vst v9;
	s1 =	sor.u32 s28, s5  }
0x11f: {  	v43 =	vor.u32 $0x9, v0;
	v37 =	vor.u32 $0x5, v4;
	v3 =	vor.u32 $0x1, v49;
	v12 =	vld.idx.msk [tilespmem:v44+s16+$0x0], $0xffff;
	[tilespmem:s1+$0x0] =	vst v5  }
0x120: {  	v42 =	vor.u32 $0x1, v4;
	v8 =	vmul.f32 v20, v1;
	v9 =	vadd.f32 v2, v10;
	v1 =	vld [tilespmem:$0x1FFD0]  }
0x121: {  	v32 =	vor.u32 $0xB, v38;
	v38 =	vor.u32 $0x8, v4;
	v41 =	vor.u32 $0x9, v49;
	v14 =	vld.idx.msk [tilespmem:v14+s16+$0x0], $0xffff;
	[tilespmem:s24+$0x19000] =	vst v19  }
0x122: {  	v26 =	vor.u32 $0xB, v39;
	v22 =	vor.u32 $0x7, v4;
	v39 =	vor.u32 $0x2, v0;
	[tilespmem:s4+$0x100] =	vst v9  }
0x123: {  	v46 =	vor.u32 $0x7, v0;
	v27 =	vor.u32 $0xA, v0;
	v18 =	vor.u32 $0x7, v49;
	[tilespmem:s30+$0x19000] =	vst v47  }
0x124: {  	v7 =	vor.u32 $0x4, v4;
	v15 =	vmul.f32 v17, v53;
	v34 =	vor.u32 $0x2, v4;
	v53 =	vld.idx.msk [tilespmem:v3+s16+$0x0], $0xffff;
	[tilespmem:s29+$0x19000] =	vst v12  }
0x125: {  	v44 =	vor.u32 $0x9, v4;
	v10 =	vmul.f32 v11, v56;
	v11 =	vmul.f32 v48, v52;
	v2 =	vld.idx.msk [tilespmem:v42+s16+$0x0], $0xffff;
	[tilespmem:s4+$0x180] =	vst v1  }
0x126: {  	v56 =	vor.u32 $0xA, v4;
	v5 =	vmul.f32 v14, v24;
	v42 =	vor.u32 $0xB, v4;
	v4 =	vld [tilespmem:$0x1FFE0]  }
0x127: {  	v21 =	vor.u32 $0xA, v49;
	v36 =	vor.u32 $0x8, v0;
	v35 =	vor.u32 $0x8, v49;
	v3 =	vld.idx.msk [tilespmem:v40+s16+$0x0], $0xffff  }
0x128: {  	v29 =	vor.u32 $0x5, v0;
	v45 =	vor.u32 $0xB, v0;
	v0 =	vadd.f32 v11, v5;
	v5 =	vld.idx.msk [tilespmem:v18+s16+$0x0], $0xffff  }
0x129: {  	v28 =	vor.u32 $0x2, v49;
	v23 =	vsel vm0, $0x0, v57;
	v33 =	vor.u32 $0x5, v49;
	v1 =	vld.idx.msk [tilespmem:v7+s16+$0x0], $0xffff  }
0x12a: {  	v8 =	vadd.f32 v8, v15;
	v40 =	vor.u32 $0xB, v49;
	v9 =	vor.u32 $0x9, v13;
	v7 =	vld.idx.msk [tilespmem:v46+s16+$0x0], $0xffff  }
0x12b: {  	s22 =	simm.s32 $0xB0;
	v11 =	vmul.f32 v53, v55;
	v53 =	vimm.f32 $1.000000000e+00;
	s4 =	simm.s32 $0x8;
	vm0 =	veq.s32 v4, $0xFFFFFFFF;
	v4 =	vld.idx.msk [tilespmem:v22+s16+$0x0], $0xffff  }
.LBB2_3:
0x12c: {  	v6 =	vmov v43  }
0x12d: {  	[tilespmem:$0x1FE70] =	vst v6;
	v6 =	vld [tilespmem:$0x1FF80];
	_ =	sdelay $0x1  }
0x12e: {  	v2 =	vmul.f32 v2, v61;
	v1 =	vmul.f32 v1, v58;
	_ =	sdelay $0x1  }
0x12f: {  	v2 =	vadd.f32 v1, v2;
	v1 =	vld [tilespmem:$0x1FF70]  }
0x130: {  	v3 =	vmul.f32 v3, v54;
	v8 =	vadd.f32 v10, v8;
	v10 =	vsel vm0, $0x0, v53  }
0x131: {  	[tilespmem:s0+$0x180] =	vst v10  }
0x132: {  	v3 =	vadd.f32 v3, v11;
	[tilespmem:s0+$0x100] =	vst v8;
	v12 =	vld.idx.msk [tilespmem:v50+s16+$0x0], $0xffff;
	v5 =	vmul.f32 v5, v31;
	v15 =	vmov v25  }
0x133: {  	s4 =	sadd.s32 $0x4, s4;
	[tilespmem:$0x1FF70] =	vst v15;
	v10 =	vld.idx.msk [tilespmem:v6+s16+$0x0], $0xffff;
	v6 =	vmov v41  }
0x134: {  	s5 =	sshrl.u32 s4, $0x5;
	v8 =	vmov v26;
	v3 =	vadd.f32 v5, v3;
	[tilespmem:$0x1FF80] =	vst v6;
	v6 =	vld [tilespmem:$0x1FFA0]  }
0x135: {  	s6 =	smul.u32 $0x1800, s5;
	v9 =	vld.idx.msk [tilespmem:v9+s16+$0x0], $0xffff;
	[tilespmem:$0x1FDC0] =	vst v8  }
0x136: {  	v7 =	vmul.f32 v7, v30;
	v16 =	vld.idx.msk [tilespmem:v63+s16+$0x0], $0xffff;
	[tilespmem:s13+$0x80] =	vst v3  }
0x137: {  	s21 =	sadd.s32 $0x40, s22;
	s12 =	sshra.s32 s6, $0x2;
	v14 =	vld.idx.msk [tilespmem:v1+s16+$0x0], $0xffff;
	v1 =	vmov v32;
	[tilespmem:s17+$0x18000] =	vst v12  }
0x138: {  	[dreg:$0x14] =	wrdreg s9;
	s11 =	sand.u32 $0x1F0, s21;
	v0 =	vadd.f32 v7, v0;
	s6 =	sadd.s32 $0x11000, s12;
	v12 =	vmov v40;
	[tilespmem:$0x1FDB0] =	vst v1  }
0x139: {  	[dreg:$0x13] =	wrdreg s1;
	s22 =	sor.u32 s11, s6;
	[tilespmem:$0x1FDF0] =	vst v12  }
0x13a: {  	[dreg:$0x12] =	wrdreg s19;
	s8 =	sadd.s32 $0xFFFFFFE0, s21;
	v12 =	vld [tilespmem:s22+$0x0];
	[tilespmem:s2+$0x80] =	vst v0  }
0x13b: {  	[dreg:$0xb] =	wrdreg s2;
	s7 =	sadd.s32 $0xFFFFFFD0, s21;
	s14 =	sand.u32 $0x1D0, s8;
	[tilespmem:s3+$0x18000] =	vst v9;
	v18 =	vld.idx.msk [tilespmem:v39+s16+$0x0], $0xffff  }
0x13c: {  	s20 =	sand.u32 $0x1C0, s7;
	s25 =	sor.u32 s14, s6;
	s22 =	smov.u32 s30;
	[tilespmem:s23+$0x18000] =	vst v10;
	v11 =	vld.idx.msk [tilespmem:v6+s16+$0x0], $0xffff;
	v6 =	vmov v44  }
0x13d: {  	[dreg:$0x9] =	wrdreg s13;
	s26 =	sadd.s32 $0xFFFFFFF0, s21;
	v7 =	vor.u32 $0xA, v13;
	s10 =	sor.u32 s20, s6;
	v1 =	vmov s7;
	v20 =	vld [tilespmem:s25+$0x0];
	[tilespmem:s22+$0x1A000] =	vst v16  }
0x13e: {  	s9 =	smov.u32 s31;
	s15 =	sand.u32 $0x1E0, s26;
	s1 =	sshrl.u32 s11, $0x7;
	v1 =	vshll.u32 v1, $0x4;
	v3 =	vld [tilespmem:s10+$0x0];
	[tilespmem:s24+$0x1A000] =	vst v14  }
0x13f: {  	[dreg:$0xd] =	wrdreg s1;
	s0 =	smov.u32 s29;
	s29 =	sshll.u32 s5, $0x7;
	v5 =	vld.idx.msk [tilespmem:v62+s16+$0x0], $0xffff;
	v63 =	vor.u32 v51, v1;
	[tilespmem:$0x1FFA0] =	vst v6;
	v6 =	vmov v42  }
0x140: {  	s28 =	sshrl.u32 s20, $0x7;
	s5 =	sand.u32 $0x70, s21;
	s2 =	sshll.u32 s1, $0xA;
	[tilespmem:$0x1FEA0] =	vst v6;
	v6 =	vor.u32 $0x1, v63  }
0x141: {  	s31 =	sshrl.u32 s15, $0x7;
	v8 =	vmov s8;
	s10 =	sor.u32 s15, s6;
	s6 =	sadd.s32 s29, s2;
	[tilespmem:$0x1FDE0] =	vst v6  }
0x142: {  	[dreg:$0xf] =	wrdreg s5;
	v0 =	vshll.u32 v8, $0x4;
	v7 =	vld.idx.msk [tilespmem:v7+s16+$0x0], $0xffff;
	s19 =	sor.u32 s5, s6;
	s5 =	simm.s32 $0x1000;
	[tilespmem:s18+$0x18000] =	vst v11;
	v6 =	vor.u32 $0x4, v63  }
0x143: {  	s8 =	sand.u32 $0x50, s8;
	s13 =	sadd.s32 $0x11200, s12;
	v10 =	vor.u32 $0xB, v13;
	s25 =	rddreg [dreg:$0x8];
	v1 =	vor.u32 v51, v0;
	v11 =	vld.idx.msk [tilespmem:v29+s5+$0x0], $0xffff;
	[tilespmem:$0x1FE20] =	vst v6  }
0x144: {  	s1 =	sshll.u32 s28, $0xA;
	s6 =	sshrl.u32 s14, $0x7;
	s16 =	sadd.s32 $0x40, s25;
	v6 =	vor.u32 $0x1, v1;
	v46 =	vld [tilespmem:s10+$0x0];
	[tilespmem:s0+$0x1A000] =	vst v5  }
0x145: {  	s30 =	sor.u32 s11, s13;
	s1 =	sadd.s32 s29, s1;
	s2 =	sshll.u32 s6, $0xA;
	v5 =	vld [tilespmem:s16+$0xFFFFFFE0];
	[tilespmem:$0x1FE30] =	vst v6  }
0x146: {  	s25 =	smov.u32 s18;
	s2 =	sadd.s32 s29, s2;
	s10 =	sand.u32 $0x40, s7;
	v6 =	vld [tilespmem:s16+$0x10];
	[tilespmem:s19+$0x1B000] =	vst v12  }
0x147: {  	s18 =	smov.u32 s17;
	s17 =	sshll.u32 s31, $0xA;
	s1 =	sor.u32 s10, s1;
	v50 =	vld [tilespmem:s30+$0x0];
	[tilespmem:s3+$0x19000] =	vst v7  }
0x148: {  	v4 =	vmul.f32 v4, v59;
	s2 =	sor.u32 s8, s2;
	s17 =	sadd.s32 s29, s17;
	s7 =	sand.u32 $0x60, s26;
	[tilespmem:s1+$0x1B000] =	vst v3;
	v19 =	vld.idx.msk [tilespmem:v10+s5+$0x0], $0xffff  }
0x149: {  	v17 =	vmov s26;
	s26 =	sor.u32 s7, s17;
	v10 =	vld [tilespmem:s16+$0xFFFFFFF0];
	[tilespmem:s2+$0x1B000] =	vst v20  }
0x14a: {  	v14 =	vadd.f32 v4, v2;
	v42 =	vld [tilespmem:s16+$0x0];
	[tilespmem:s26+$0x1B000] =	vst v46  }
0x14b: {  	s22 =	smov.u32 s21;
	v2 =	vmov s21;
	s21 =	rddreg [dreg:$0x13];
	[tilespmem:$0x1FEC0] =	vst v6  }
0x14c: {  	v17 =	vshll.u32 v17, $0x4;
	v6 =	vor.u32 $0x4, v1;
	[tilespmem:s21+$0x80] =	vst v14  }
0x14d: {  	v62 =	vor.u32 v51, v17;
	[tilespmem:$0x1FE40] =	vst v6  }
0x14e: {  	s12 =	sadd.s32 $0x11400, s12;
	v6 =	vor.u32 $0x1, v62;
	[tilespmem:s19+$0x1C000] =	vst v50  }
0x14f: {  	s30 =	sor.u32 s11, s12;
	[tilespmem:$0x1FE50] =	vst v6  }
0x150: {  	v25 =	vmov v3;
	v3 =	vshll.u32 v2, $0x4;
	v6 =	vor.u32 $0x4, v62;
	v57 =	vld [tilespmem:s30+$0x0];
	[tilespmem:s3+$0x1A000] =	vst v19  }
0x151: {  	s0 =	sor.u32 s20, s13;
	v13 =	vor.u32 v51, v3;
	[tilespmem:$0x1FE60] =	vst v6;
	v6 =	vor.u32 $0x7, v63  }
0x152: {  	v32 =	vmov v31;
	[dreg:$0x8] =	wrdreg s16;
	s16 =	simm.s32 $0x1000;
	v31 =	vld [tilespmem:s0+$0x0];
	v47 =	vor.u32 $0x3, v13;
	[tilespmem:$0x1FE80] =	vst v6;
	v6 =	vor.u32 $0x7, v1  }
0x153: {  	v18 =	vmul.f32 v18, v24;
	s29 =	sor.u32 s14, s13;
	s13 =	sor.u32 s15, s13;
	v24 =	vld.idx.msk [tilespmem:v28+s16+$0x0], $0xffff;
	[tilespmem:$0x1FE90] =	vst v6;
	v6 =	vor.u32 $0x7, v62  }
0x154: {  	v15 =	vmovc v45;
	v45 =	vmul.f32 v11, v52;
	v51 =	vor.u32 $0x6, v13;
	vm0 =	veq.s32 v5, $0xFFFFFFFF;
	v11 =	vld [tilespmem:s13+$0x0];
	s3 =	smov.u32 s19;
	[tilespmem:$0x1FEB0] =	vst v6  }
0x155: {  	s20 =	sor.u32 s20, s12;
	s15 =	sor.u32 s15, s12;
	s11 =	sshll.u32 s28, $0x9;
	v49 =	vsel vm0, $0x0, v53;
	vm0 =	veq.s32 v10, $0xFFFFFFFF;
	v6 =	vld [tilespmem:s29+$0x0];
	[tilespmem:s3+$0x1D000] =	vst v57  }
0x156: {  	v17 =	vor.u32 $0x2, v1;
	s28 =	sor.u32 s14, s12;
	s12 =	sshll.u32 s31, $0x9;
	s31 =	smov.u32 s1;
	v14 =	vsel vm0, $0x0, v53;
	vm0 =	veq.s32 v42, $0xFFFFFFFF;
	v52 =	vld.idx.msk [tilespmem:v13+s16+$0x0], $0xffff  }
0x157: {  	v28 =	vmov v17;
	[tilespmem:s31+$0x1C000] =	vst v31;
	v17 =	vsel vm0, $0x0, v53;
	v53 =	vld.idx.msk [tilespmem:v47+s16+$0x0], $0xffff  }
0x158: {  	v10 =	vadd.f32 v45, v18;
	s19 =	smov.u32 s26;
	v18 =	vld [tilespmem:s20+$0x0]  }
0x159: {  	s17 =	smov.u32 s9;
	s9 =	smov.u32 s2;
	[tilespmem:s19+$0x1C000] =	vst v11;
	v51 =	vld.idx.msk [tilespmem:v51+s16+$0x0], $0xffff  }
0x15a: {  	v19 =	vld [tilespmem:s15+$0x0];
	[tilespmem:s9+$0x1C000] =	vst v6  }
0x15b: {  	[tilespmem:$0x1FEE0] =	vst v30;
	v8 =	vor.u32 $0x3, v63;
	v22 =	vor.u32 $0x5, v1;
	v47 =	vld [tilespmem:s28+$0x0]  }
0x15c: {  	v26 =	vmovc v20;
	s1 =	rddreg [dreg:$0x14];
	v20 =	vld.idx.msk [tilespmem:v33+s16+$0x0], $0xffff;
	v33 =	vmov v22;
	v22 =	vmul.f32 v52, v12;
	v52 =	vmul.f32 v53, v50  }
0x15d: {  	v30 =	vmov v61;
	v61 =	vor.u32 $0x3, v62;
	v48 =	vor.u32 $0x2, v62;
	s14 =	sshll.u32 s6, $0x9;
	s6 =	sshll.u32 s4, $0x6;
	s13 =	rddreg [dreg:$0xd];
	[tilespmem:s31+$0x1D000] =	vst v18;
	v53 =	vld.idx.msk [tilespmem:v34+s16+$0x0], $0xffff  }
0x15e: {  	s30 =	smov.u32 s23;
	s23 =	smov.u32 s1;
	s1 =	sand.u32 $0x3FFFF800, s6;
	v34 =	vmovc v48;
	v48 =	vld.idx.msk [tilespmem:v63+s16+$0x0], $0xffff;
	v51 =	vmul.f32 v51, v57;
	v22 =	vadd.f32 v52, v22;
	v52 =	vor.u32 $0x1, v13  }
0x15f: {  	[tilespmem:$0x1FDD0] =	vst v58;
	s0 =	sshll.u32 s13, $0x9;
	s1 =	sadd.s32 $0x14000, s1  }
0x160: {  	v0 =	vor.u32 $0x3, v1;
	s20 =	rddreg [dreg:$0xf];
	s0 =	sor.u32 s0, s1;
	v8 =	vld.idx.msk [tilespmem:v8+s16+$0x0], $0xffff;
	[tilespmem:s19+$0x1D000] =	vst v19;
	v22 =	vadd.f32 v51, v22  }
0x161: {  	[tilespmem:$0x1FE10] =	vst v15;
	v58 =	vor.u32 $0x6, v63;
	s0 =	sor.u32 s20, s0;
	v51 =	vld.idx.msk [tilespmem:v62+s16+$0x0], $0xffff  }
0x162: {  	v15 =	vmovc v60;
	v60 =	vor.u32 $0x6, v1;
	v20 =	vmul.f32 v20, v54;
	v54 =	vmov v6;
	v6 =	vld.idx.msk [tilespmem:v61+s16+$0x0], $0xffff;
	[tilespmem:s0+$0x0] =	vst v22  }
0x163: {  	v39 =	vor.u32 $0x2, v63;
	v9 =	vor.u32 $0x8, v1;
	[tilespmem:s9+$0x1D000] =	vst v47;
	v61 =	vmovc v46;
	v46 =	vmul.f32 v48, v25;
	v48 =	vld.idx.msk [tilespmem:v52+s16+$0x0], $0xffff  }
0x164: {  	v41 =	vor.u32 $0x9, v1;
	v40 =	vor.u32 $0xB, v1;
	v5 =	vor.u32 $0xA, v1;
	v1 =	vld.idx.msk [tilespmem:v1+s16+$0x0], $0xffff  }
0x165: {  	v43 =	vor.u32 $0x9, v63;
	v4 =	vor.u32 $0x8, v63;
	v29 =	vor.u32 $0x5, v63;
	v0 =	vld.idx.msk [tilespmem:v0+s16+$0x0], $0xffff  }
0x166: {  	v2 =	vor.u32 $0xA, v63;
	v45 =	vor.u32 $0xB, v63;
	v63 =	vor.u32 $0x4, v13;
	v52 =	vld.idx.msk [tilespmem:v58+s16+$0x0], $0xffff  }
0x167: {  	[tilespmem:$0x1FE00] =	vst v59;
	v59 =	vor.u32 $0x6, v62;
	v16 =	vor.u32 $0x5, v62;
	v44 =	vor.u32 $0x9, v62;
	v58 =	vld.idx.msk [tilespmem:v37+s16+$0x0], $0xffff  }
0x168: {  	v7 =	vor.u32 $0x8, v62;
	v3 =	vor.u32 $0xA, v62;
	s26 =	rddreg [dreg:$0xb];
	v37 =	vmovc v16;
	v16 =	vmul.f32 v48, v12;
	v48 =	vld.idx.msk [tilespmem:v36+s16+$0x0], $0xffff  }
0x169: {  	v42 =	vor.u32 $0xB, v62;
	v24 =	vmul.f32 v24, v55;
	v22 =	vmul.f32 v53, v30;
	[tilespmem:s26+$0x180] =	vst v15;
	v15 =	vld [tilespmem:$0x1FF30]  }
0x16a: {  	v62 =	vor.u32 $0x7, v13;
	v53 =	vld.idx.msk [tilespmem:v60+s16+$0x0], $0xffff;
	v1 =	vmul.f32 v1, v26;
	v0 =	vmul.f32 v0, v54  }
0x16b: {  	v20 =	vadd.f32 v20, v24;
	v24 =	vld.idx.msk [tilespmem:v63+s16+$0x0], $0xffff  }
0x16c: {  	v0 =	vadd.f32 v0, v1;
	v1 =	vmul.f32 v6, v11;
	v6 =	vld.idx.msk [tilespmem:v59+s16+$0x0], $0xffff  }
0x16d: {  	s28 =	rddreg [dreg:$0x9];
	v8 =	vmul.f32 v8, v31;
	v59 =	vmul.f32 v52, v18;
	v52 =	vld.idx.msk [tilespmem:v35+s16+$0x0], $0xffff  }
0x16e: {  	[tilespmem:s28+$0x180] =	vst v15;
	v15 =	vld [tilespmem:$0x1FF90]  }
0x16f: {  	v8 =	vadd.f32 v8, v46;
	v46 =	vld.idx.msk [tilespmem:v62+s16+$0x0], $0xffff;
	_ =	sdelay $0x2  }
0x170: {  	v24 =	vmul.f32 v24, v50;
	_ =	sdelay $0x1  }
0x171: {  	v36 =	vmovc v4;
	v35 =	vmov v9;
	v4 =	vadd.f32 v24, v16;
	v9 =	vmul.f32 v46, v57  }
0x172: {  	v24 =	vld.idx.msk [tilespmem:v38+s16+$0x0], $0xffff  }
0x173: {  	[tilespmem:s21+$0x180] =	vst v23;
	v4 =	vadd.f32 v9, v4;
	v23 =	vld.idx.msk [tilespmem:v15+s16+$0x0], $0xffff  }
0x174: {  	s15 =	sor.u32 s11, s1;
	v8 =	vadd.f32 v59, v8;
	v15 =	vld [tilespmem:$0x1FFC0]  }
0x175: {  	s10 =	sor.u32 s10, s15;
	[tilespmem:s0+$0x80] =	vst v4;
	v4 =	vld [tilespmem:$0x1FEE0]  }
0x176: {  	v51 =	vmul.f32 v51, v61;
	[tilespmem:s10+$0x0] =	vst v8;
	v8 =	vld [tilespmem:$0x1FDD0];
	_ =	sdelay $0x1  }
0x177: {  	v1 =	vadd.f32 v1, v51;
	v6 =	vmul.f32 v6, v19;
	_ =	sdelay $0x1  }
0x178: {  	v46 =	vmul.f32 v53, v47;
	v9 =	vld [tilespmem:$0x1FFB0];
	v1 =	vadd.f32 v6, v1  }
0x179: {  	s6 =	sor.u32 s14, s1;
	s1 =	sor.u32 s12, s1;
	v4 =	vmul.f32 v48, v4;
	v30 =	vmul.f32 v58, v8;
	v8 =	vmovc v21;
	v21 =	vmov v5;
	v5 =	vld [tilespmem:$0x1FE20]  }
0x17a: {  	s29 =	smov.u32 s25;
	s25 =	sor.u32 s7, s1;
	v0 =	vadd.f32 v46, v0;
	v46 =	vld.idx.msk [tilespmem:v15+s16+$0x0], $0xffff  }
0x17b: {  	v15 =	vld [tilespmem:$0x1FDE0];
	[tilespmem:s25+$0x0] =	vst v1;
	v1 =	vadd.f32 v4, v10;
	v10 =	vmovc v56;
	v56 =	vmov v3;
	v3 =	vmov v14  }
0x17c: {  	[tilespmem:$0x1FF30] =	vst v3;
	v3 =	vld [tilespmem:$0x1FE30]  }
0x17d: {  	v4 =	vld [tilespmem:$0x1FE00];
	_ =	sdelay $0x2  }
0x17e: {  	v63 =	vld [tilespmem:$0x1FDB0]  }
0x17f: {  	s8 =	sor.u32 s8, s6;
	v38 =	vmovc v7;
	v7 =	vmov v27;
	v27 =	vmov v2;
	v2 =	vmul.f32 v52, v32;
	v5 =	vld.idx.msk [tilespmem:v5+s16+$0x0], $0xffff  }
0x180: {  	s24 =	smov.u32 s18;
	v9 =	vld.idx.msk [tilespmem:v9+s16+$0x0], $0xffff;
	[tilespmem:s8+$0x0] =	vst v0;
	v6 =	vadd.f32 v30, v22;
	v4 =	vmul.f32 v24, v4  }
0x181: {  	v2 =	vadd.f32 v2, v20;
	v51 =	vld.idx.msk [tilespmem:v15+s16+$0x0], $0xffff;
	[tilespmem:s24+$0x19000] =	vst v23  }
0x182: {  	[tilespmem:s26+$0x100] =	vst v1;
	v1 =	vadd.f32 v4, v6;
	v4 =	vld.idx.msk [tilespmem:v3+s16+$0x0], $0xffff  }
0x183: {  	v16 =	vor.u32 $0x2, v13;
	v52 =	vmov v31;
	[tilespmem:s28+$0x100] =	vst v2;
	v2 =	vld [tilespmem:$0x1FE40]  }
0x184: {  	v59 =	vor.u32 $0x5, v13;
	v58 =	vmov v11;
	v11 =	vmul.f32 v5, v52;
	v5 =	vld [tilespmem:$0x1FE80]  }
0x185: {  	v62 =	vld [tilespmem:$0x1FDC0];
	[tilespmem:$0x1FF90] =	vst v7;
	v7 =	vor.u32 $0x8, v13  }
0x186: {  	[tilespmem:s21+$0x100] =	vst v1;
	v1 =	vld [tilespmem:$0x1FE50]  }
0x187: {  	v32 =	vld [tilespmem:$0x1FDF0]  }
0x188: {  	v0 =	vld.idx.msk [tilespmem:v16+s16+$0x0], $0xffff  }
0x189: {  	[tilespmem:$0x1FFB0] =	vst v8;
	v8 =	vld.idx.msk [tilespmem:v59+s16+$0x0], $0xffff  }
0x18a: {  	[tilespmem:$0x1FFC0] =	vst v10;
	v10 =	vld.idx.msk [tilespmem:v7+s16+$0x0], $0xffff  }
0x18b: {  	v3 =	vld.idx.msk [tilespmem:v2+s16+$0x0], $0xffff  }
0x18c: {  	v7 =	vld.idx.msk [tilespmem:v5+s16+$0x0], $0xffff  }
0x18d: {  	v0 =	vmul.f32 v0, v12;
	v24 =	vmov v25;
	v5 =	vld [tilespmem:$0x1FE90]  }
0x18e: {  	v8 =	vmul.f32 v8, v50;
	v6 =	vmul.f32 v51, v24;
	v2 =	vld.idx.msk [tilespmem:v1+s16+$0x0], $0xffff  }
0x18f: {  	v1 =	vld [tilespmem:$0x1FE60]  }
0x190: {  	v8 =	vadd.f32 v8, v0;
	v0 =	vadd.f32 v11, v6;
	v11 =	vmul.f32 v4, v26;
	v4 =	vld [tilespmem:$0x1FEB0]  }
0x191: {  	v50 =	vld [tilespmem:$0x1FE70]  }
0x192: {  	v25 =	vld [tilespmem:$0x1FE10]  }
0x193: {  	p0 =	slt.u32 s4, $0x7C;
	v6 =	vld [tilespmem:$0x1FEC0]  }
.Ltmp0:
0x194: {  	v51 =	vld [tilespmem:$0x1FFF0];
	(pc) =	sbr.rel @p0 .LBB2_3-.Ltmp0, $4  }
0x195: {  	v55 =	vmov v26;
	v26 =	vld [tilespmem:$0x1FEA0];
	[tilespmem:s30+$0x19000] =	vst v9  }
0x196: {  	s5 =	rddreg [dreg:$0x12];
	v5 =	vld.idx.msk [tilespmem:v5+s16+$0x0], $0xffff  }
0x197: {  	s18 =	smov.u32 s5;
	v60 =	vmovc v49;
	v53 =	vimm.f32 $1.000000000e+00;
	v31 =	vmov v47;
	v59 =	vmov v19;
	v1 =	vld.idx.msk [tilespmem:v1+s16+$0x0], $0xffff;
	[tilespmem:s29+$0x19000] =	vst v46  }
0x198: {  	s13 =	smov.u32 s8;
	s2 =	smov.u32 s10;
	s1 =	smov.u32 s25;
	v30 =	vmovc v18;
	v10 =	vmul.f32 v10, v57;
	v23 =	vmovc v17;
	v9 =	vor.u32 $0x9, v13;
	vm0 =	veq.s32 v6, $0xFFFFFFFF;
	v4 =	vld.idx.msk [tilespmem:v4+s16+$0x0], $0xffff  }
0x199: {  	_ = 	snop  }
0x19a: {  	v3 =	vmul.f32 v3, v54  }
0x19b: {  	v6 =	vadd.f32 v10, v8;
	v8 =	vsel vm0, $0x0, v53  }
0x19c: {  	[tilespmem:s0+$0x180] =	vst v8;
	v3 =	vadd.f32 v3, v11;
	v5 =	vmul.f32 v5, v31  }
0x19d: {  	v8 =	vld.idx.msk [tilespmem:v50+s16+$0x0], $0xffff;
	[tilespmem:s0+$0x100] =	vst v6;
	v6 =	vmul.f32 v7, v30  }
0x19e: {  	v2 =	vmul.f32 v2, v61;
	v1 =	vmul.f32 v1, v58;
	v10 =	vld [tilespmem:$0x1FF80];
	v3 =	vadd.f32 v5, v3  }
0x19f: {  	v0 =	vadd.f32 v6, v0;
	v6 =	vld [tilespmem:$0x1FFA0]  }
0x1a0: {  	v1 =	vadd.f32 v1, v2;
	v2 =	vld [tilespmem:$0x1FF70];
	[tilespmem:s13+$0x80] =	vst v3  }
0x1a1: {  	v7 =	vld.idx.msk [tilespmem:v9+s16+$0x0], $0xffff;
	[tilespmem:s2+$0x80] =	vst v0  }
0x1a2: {  	v9 =	vor.u32 $0xA, v13;
	[tilespmem:s17+$0x18000] =	vst v8;
	v8 =	vld.idx.msk [tilespmem:v35+s16+$0x0], $0xffff  }
0x1a3: {  	v0 =	vmul.f32 v4, v59;
	v4 =	vld.idx.msk [tilespmem:v39+s16+$0x0], $0xffff  }
0x1a4: {  	v3 =	vld.idx.msk [tilespmem:v29+s16+$0x0], $0xffff  }
0x1a5: {  	v11 =	vld.idx.msk [tilespmem:v36+s16+$0x0], $0xffff  }
0x1a6: {  	[tilespmem:s3+$0x18000] =	vst v7;
	v0 =	vadd.f32 v0, v1;
	v1 =	vld.idx.msk [tilespmem:v28+s16+$0x0], $0xffff  }
0x1a7: {  	v5 =	vld.idx.msk [tilespmem:v9+s16+$0x0], $0xffff  }
0x1a8: {  	[tilespmem:s1+$0x80] =	vst v0;
	v0 =	vld.idx.msk [tilespmem:v33+s16+$0x0], $0xffff  }
0x1a9: {  	v10 =	vld.idx.msk [tilespmem:v10+s16+$0x0], $0xffff  }
0x1aa: {  	v6 =	vld.idx.msk [tilespmem:v6+s16+$0x0], $0xffff  }
0x1ab: {  	v7 =	vld.idx.msk [tilespmem:v34+s16+$0x0], $0xffff  }
0x1ac: {  	[tilespmem:s2+$0x180] =	vst v60;
	v2 =	vld.idx.msk [tilespmem:v2+s16+$0x0], $0xffff;
	v4 =	vmul.f32 v4, v24;
	v3 =	vmul.f32 v3, v52  }
0x1ad: {  	v9 =	vld.idx.msk [tilespmem:v37+s16+$0x0], $0xffff;
	v1 =	vmul.f32 v1, v55;
	[tilespmem:s3+$0x19000] =	vst v5  }
0x1ae: {  	v3 =	vadd.f32 v3, v4;
	v5 =	vmul.f32 v11, v30;
	v0 =	vmul.f32 v0, v54;
	[tilespmem:s23+$0x18000] =	vst v10  }
0x1af: {  	v10 =	vld.idx.msk [tilespmem:v38+s16+$0x0], $0xffff;
	[tilespmem:s18+$0x18000] =	vst v6;
	v6 =	vor.u32 $0xB, v13  }
0x1b0: {  	v3 =	vadd.f32 v5, v3;
	v5 =	vld.idx.msk [tilespmem:v62+s16+$0x0], $0xffff;
	v0 =	vadd.f32 v0, v1;
	v1 =	vmul.f32 v8, v31  }
0x1b1: {  	[tilespmem:s24+$0x1A000] =	vst v2;
	v2 =	vmul.f32 v7, v61;
	v7 =	vld.idx.msk [tilespmem:v63+s16+$0x0], $0xffff  }
0x1b2: {  	v4 =	vmul.f32 v9, v58;
	v8 =	vld [tilespmem:$0x1FF30];
	[tilespmem:s1+$0x180] =	vst v23;
	v0 =	vadd.f32 v1, v0  }
0x1b3: {  	[tilespmem:s2+$0x100] =	vst v3  }
0x1b4: {  	v2 =	vadd.f32 v4, v2;
	v4 =	vmul.f32 v10, v59;
	[tilespmem:s13+$0x100] =	vst v0;
	v1 =	vld.idx.msk [tilespmem:v6+s16+$0x0], $0xffff  }
0x1b5: {  	[tilespmem:s29+$0x1A000] =	vst v5  }
0x1b6: {  	[tilespmem:s30+$0x1A000] =	vst v7;
	v2 =	vadd.f32 v4, v2  }
0x1b7: {  	[tilespmem:s13+$0x180] =	vst v8  }
0x1b8: {  	v0 =	vld.idx.msk [tilespmem:v43+s16+$0x0], $0xffff;
	[tilespmem:s1+$0x100] =	vst v2  }
0x1b9: {  	v4 =	vld [tilespmem:$0x1FF90];
	[tilespmem:s3+$0x1A000] =	vst v1  }
0x1ba: {  	v1 =	vld [tilespmem:$0x1FFB0];
	_ =	sdelay $0x1  }
0x1bb: {  	v2 =	vld.idx.msk [tilespmem:v41+s16+$0x0], $0xffff  }
0x1bc: {  	v5 =	vld [tilespmem:$0x1FFC0];
	_ =	sdelay $0x1  }
0x1bd: {  	v3 =	vld.idx.msk [tilespmem:v44+s16+$0x0], $0xffff;
	[tilespmem:s31+$0x18000] =	vst v0  }
0x1be: {  	v0 =	vld.idx.msk [tilespmem:v27+s16+$0x0], $0xffff  }
0x1bf: {  	v4 =	vld.idx.msk [tilespmem:v4+s16+$0x0], $0xffff  }
0x1c0: {  	[tilespmem:s9+$0x18000] =	vst v2;
	v1 =	vld.idx.msk [tilespmem:v1+s16+$0x0], $0xffff  }
0x1c1: {  	v2 =	vld.idx.msk [tilespmem:v21+s16+$0x0], $0xffff  }
0x1c2: {  	[tilespmem:s19+$0x18000] =	vst v3  }
0x1c3: {  	[tilespmem:s31+$0x19000] =	vst v0;
	v5 =	vld.idx.msk [tilespmem:v5+s16+$0x0], $0xffff  }
0x1c4: {  	v3 =	vld.idx.msk [tilespmem:v56+s16+$0x0], $0xffff;
	[tilespmem:s17+$0x19000] =	vst v4  }
0x1c5: {  	[tilespmem:s23+$0x19000] =	vst v1;
	v1 =	vld.idx.msk [tilespmem:v25+s16+$0x0], $0xffff  }
0x1c6: {  	v0 =	vld.idx.msk [tilespmem:v45+s16+$0x0], $0xffff;
	[tilespmem:s9+$0x19000] =	vst v2  }
0x1c7: {  	v2 =	vld.idx.msk [tilespmem:v40+s16+$0x0], $0xffff  }
0x1c8: {  	[tilespmem:s18+$0x19000] =	vst v5;
	v4 =	vld.idx.msk [tilespmem:v32+s16+$0x0], $0xffff  }
0x1c9: {  	[tilespmem:s19+$0x19000] =	vst v3;
	v5 =	vld.idx.msk [tilespmem:v26+s16+$0x0], $0xffff  }
0x1ca: {  	[tilespmem:s17+$0x1A000] =	vst v1;
	v1 =	vld.idx.msk [tilespmem:v42+s16+$0x0], $0xffff  }
0x1cb: {  	[tilespmem:s31+$0x1A000] =	vst v0  }
0x1cc: {  	[tilespmem:s9+$0x1A000] =	vst v2  }
0x1cd: {  	s8 =	simm.s32 $0x4;
	[tilespmem:s23+$0x1A000] =	vst v4  }
0x1ce: {  	s0 =	smul.u32 $0x1800, s8;
	[tilespmem:s18+$0x1A000] =	vst v5  }
0x1cf: {  	s12 =	simm.s32 $0x800;
	s9 =	simm.s32 $0x2;
	[tilespmem:s19+$0x1A000] =	vst v1  }
0x1d0: {  	s8 =	simm.s32 $0x830;
	s0 =	sshra.s32 s0, $0x2;
	_ =	swait.ge [sflag:s9], $0x8000  }
0x1d1: {  	s4 =	sand.u32 $0x1F0, s8;
	s10 =	sadd.s32 $0x11000, s0;
	[sflag:s9] =	ssyncset.done $0x0  }
0x1d2: {  	s7 =	simm.s32 $0x810;
	s11 =	sor.u32 s4, s10;
	[sflag:s9] =	ssyncadd.s32 $0xFFFF8000  }
0x1d3: {  	s14 =	simm.s32 $0x800;
	s5 =	sand.u32 $0x1C0, s12;
	s22 =	sshrl.u32 s4, $0x7;
	v38 =	vld [tilespmem:s11+$0x0]  }
0x1d4: {  	s20 =	sand.u32 $0x70, s8;
	s6 =	sshll.u32 s22, $0xA;
	s13 =	simm.s32 $0x820  }
0x1d5: {  	s15 =	sor.u32 s5, s10;
	s13 =	sand.u32 $0x1E0, s13;
	s17 =	sadd.s32 $0x200, s6  }
0x1d6: {  	s1 =	sor.u32 s13, s10;
	s2 =	sor.u32 s20, s17;
	s9 =	sand.u32 $0x1D0, s7;
	v36 =	vld [tilespmem:s15+$0x0]  }
0x1d7: {  	s23 =	sshrl.u32 s5, $0x7;
	s19 =	sadd.s32 $0x11200, s0;
	s18 =	sor.u32 s9, s10;
	v39 =	vld [tilespmem:s8+$0x0]  }
0x1d8: {  	s24 =	sshll.u32 s23, $0xA;
	s21 =	sor.u32 s4, s19;
	s10 =	sshrl.u32 s13, $0x7;
	v33 =	vld [tilespmem:s18+$0x0];
	[tilespmem:s2+$0x1B000] =	vst v38  }
0x1d9: {  	s25 =	sadd.s32 $0x200, s24;
	v44 =	vld [tilespmem:s21+$0x0];
	[smem:$0x7D8] =	sst s10;
	s21 =	sand.u32 $0x40, s14  }
0x1da: {  	s11 =	simm.s32 $0x820;
	s28 =	sshrl.u32 s9, $0x7;
	v12 =	vld [tilespmem:s1+$0x0];
	s1 =	sor.u32 s21, s25  }
0x1db: {  	s12 =	simm.s32 $0x810;
	s26 =	sshll.u32 s28, $0xA;
	s14 =	sand.u32 $0x60, s11;
	v9 =	vld [tilespmem:s8+$0xFFFFFFD0];
	[tilespmem:s1+$0x1B000] =	vst v36  }
0x1dc: {  	s25 =	sand.u32 $0x50, s12;
	s12 =	sor.u32 s5, s19;
	v48 =	vld [tilespmem:s8+$0xFFFFFFE0];
	[smem:$0x7D9] =	sst s14  }
0x1dd: {  	s15 =	sshll.u32 s10, $0xA;
	s10 =	sadd.s32 $0x200, s26;
	v43 =	vld [tilespmem:s12+$0x0]  }
0x1de: {  	s17 =	simm.s32 $0x4;
	s15 =	sadd.s32 $0x200, s15;
	s31 =	sor.u32 s25, s10  }
0x1df: {  	s3 =	smov.u32 s2;
	s2 =	sor.u32 s14, s15;
	s15 =	sor.u32 s9, s19;
	[tilespmem:s31+$0x1B000] =	vst v33  }
0x1e0: {  	s24 =	smul.u32 $0x1800, s17;
	s17 =	simm.s32 $0x840;
	v40 =	vld [tilespmem:s15+$0x0];
	[tilespmem:s3+$0x1C000] =	vst v44  }
0x1e1: {  	s18 =	sadd.s32 $0x11400, s0;
	s11 =	simm.s32 $0x870;
	s19 =	sor.u32 s13, s19;
	v47 =	vld [tilespmem:s8+$0xFFFFFFF0];
	[tilespmem:s2+$0x1B000] =	vst v12  }
0x1e2: {  	s26 =	sor.u32 s4, s18;
	s4 =	sshra.s32 s24, $0x2;
	s7 =	sand.u32 $0x1F0, s11;
	v27 =	vld [tilespmem:s19+$0x0];
	[tilespmem:s1+$0x1C000] =	vst v43  }
0x1e3: {  	s5 =	sor.u32 s5, s18;
	s15 =	sshrl.u32 s7, $0x7;
	v49 =	vld [tilespmem:s26+$0x0];
	[smem:$0x7E4] =	sst s1  }
0x1e4: {  	s10 =	sor.u32 s13, s18;
	s13 =	sadd.s32 $0x11000, s4;
	[smem:$0x7DA] =	sst s15  }
0x1e5: {  	s9 =	sor.u32 s9, s18;
	s24 =	sand.u32 $0x70, s11;
	s18 =	sor.u32 s7, s13;
	v26 =	vld [tilespmem:s5+$0x0];
	[tilespmem:s31+$0x1C000] =	vst v40  }
0x1e6: {  	v28 =	vld [tilespmem:s18+$0x0];
	s5 =	sand.u32 $0x1C0, s17;
	[smem:$0x7DB] =	sst s24  }
0x1e7: {  	s12 =	sshrl.u32 s5, $0x7;
	[tilespmem:s2+$0x1C000] =	vst v27  }
0x1e8: {  	v15 =	vld [tilespmem:s9+$0x0];
	[smem:$0x7DC] =	sst s12  }
0x1e9: {  	v0 =	vld [tilespmem:s11+$0x0]  }
0x1ea: {  	s14 =	smov.u32 s3;
	s3 =	smov.u32 s1;
	s19 =	sshll.u32 s15, $0xA  }
0x1eb: {  	s26 =	simm.s32 $0x850;
	s1 =	simm.s32 $0x840;
	s15 =	sadd.s32 $0x200, s19  }
0x1ec: {  	s19 =	simm.s32 $0x860;
	s18 =	simm.s32 $0x4;
	s1 =	sand.u32 $0x40, s1  }
0x1ed: {  	s24 =	sor.u32 s24, s15;
	s15 =	sor.u32 s5, s13;
	s17 =	sshll.u32 s12, $0xA;
	v21 =	vld [tilespmem:s10+$0x0]  }
0x1ee: {  	s9 =	smul.u32 $0x1800, s18;
	s18 =	sadd.s32 $0x11200, s4;
	v13 =	vld [tilespmem:s15+$0x0];
	s15 =	sand.u32 $0x1D0, s26;
	[tilespmem:$0x1FC90] =	vst v0  }
0x1ef: {  	s6 =	sadd.s32 $0x200, s17;
	s17 =	sand.u32 $0x1E0, s19;
	s26 =	sor.u32 s15, s13;
	[tilespmem:s24+$0x1B000] =	vst v28  }
0x1f0: {  	s0 =	sor.u32 s7, s18;
	s19 =	sor.u32 s5, s18;
	v17 =	vld [tilespmem:s26+$0x0];
	[smem:$0x7DD] =	sst s1  }
0x1f1: {  	s30 =	sor.u32 s1, s6;
	s6 =	sshra.s32 s9, $0x2;
	s1 =	sshrl.u32 s15, $0x7;
	v37 =	vld [tilespmem:s0+$0x0]  }
0x1f2: {  	s10 =	simm.s32 $0x8B0;
	s13 =	sor.u32 s17, s13;
	v50 =	vld [tilespmem:s11+$0xFFFFFFD0];
	[smem:$0x7DE] =	sst s1  }
0x1f3: {  	s0 =	sand.u32 $0x1F0, s10;
	s10 =	sshrl.u32 s17, $0x7;
	v18 =	vld [tilespmem:s13+$0x0];
	[tilespmem:s30+$0x1B000] =	vst v13;
	s13 =	sadd.s32 $0x11000, s6  }
0x1f4: {  	s9 =	sshll.u32 s1, $0xA;
	v14 =	vld [tilespmem:s19+$0x0];
	[smem:$0x7DF] =	sst s10;
	s1 =	sor.u32 s0, s13  }
0x1f5: {  	v1 =	vld [tilespmem:s1+$0x0];
	_ =	sdelay $0x1  }
0x1f6: {  	s12 =	simm.s32 $0x850  }
0x1f7: {  	s12 =	sand.u32 $0x50, s12  }
0x1f8: {  	s26 =	simm.s32 $0x860;
	s9 =	sadd.s32 $0x200, s9;
	s10 =	sshll.u32 s10, $0xA  }
0x1f9: {  	[smem:$0x7E0] =	sst s12;
	s19 =	sadd.s32 $0x200, s10;
	s10 =	sand.u32 $0x60, s26;
	[tilespmem:$0x1FCC0] =	vst v1  }
0x1fa: {  	s29 =	sor.u32 s12, s9;
	v34 =	vld [tilespmem:s11+$0xFFFFFFE0];
	[smem:$0x7E1] =	sst s10  }
0x1fb: {  	s1 =	sor.u32 s10, s19;
	[tilespmem:s29+$0x1B000] =	vst v17  }
0x1fc: {  	s12 =	sor.u32 s15, s18;
	s26 =	sshrl.u32 s0, $0x7;
	v52 =	vld [tilespmem:s11+$0xFFFFFFF0];
	[tilespmem:s1+$0x1B000] =	vst v18  }
0x1fd: {  	s19 =	sor.u32 s17, s18;
	v20 =	vld [tilespmem:s12+$0x0];
	[smem:$0x7E2] =	sst s26  }
0x1fe: {  	s9 =	sadd.s32 $0x11400, s4;
	v30 =	vld [tilespmem:s19+$0x0];
	s19 =	simm.s32 $0x8B0  }
0x1ff: {  	s7 =	sor.u32 s7, s9;
	s12 =	sshll.u32 s26, $0xA;
	[tilespmem:s24+$0x1C000] =	vst v37;
	s26 =	sand.u32 $0x70, s19  }
0x200: {  	v41 =	vld [tilespmem:s7+$0x0];
	[smem:$0x7E3] =	sst s26  }
0x201: {  	v0 =	vld [tilespmem:s19+$0x0];
	_ =	sdelay $0x3  }
0x202: {  	s18 =	sadd.s32 $0x200, s12;
	[tilespmem:s30+$0x1C000] =	vst v14  }
0x203: {  	s4 =	sadd.s32 $0x11200, s6;
	s18 =	sor.u32 s26, s18;
	[tilespmem:$0x1FDA0] =	vst v0  }
0x204: {  	s7 =	sor.u32 s0, s4;
	[tilespmem:s18+$0x1B000] =	vst v1  }
0x205: {  	v1 =	vld [tilespmem:s7+$0x0];
	_ =	sdelay $0x2  }
0x206: {  	s5 =	sor.u32 s5, s9;
	s12 =	simm.s32 $0x880  }
0x207: {  	v31 =	vld [tilespmem:s5+$0x0];
	s5 =	sand.u32 $0x1C0, s12  }
0x208: {  	s10 =	sor.u32 s15, s9;
	s15 =	sor.u32 s17, s9;
	s17 =	sor.u32 s5, s13;
	[tilespmem:$0x1FCD0] =	vst v1  }
0x209: {  	v4 =	vld [tilespmem:s17+$0x0];
	_ =	sdelay $0x2  }
0x20a: {  	s26 =	simm.s32 $0x890;
	[tilespmem:s29+$0x1C000] =	vst v20  }
0x20b: {  	s7 =	sand.u32 $0x1D0, s26;
	[tilespmem:s1+$0x1C000] =	vst v30;
	v32 =	vld [tilespmem:s10+$0x0]  }
0x20c: {  	v35 =	vld [tilespmem:s15+$0x0];
	s10 =	sor.u32 s7, s13;
	[tilespmem:$0x1FD00] =	vst v4  }
0x20d: {  	v5 =	vld [tilespmem:s10+$0x0];
	_ =	sdelay $0x3  }
0x20e: {  	s19 =	simm.s32 $0x8A0;
	s15 =	sshrl.u32 s5, $0x7  }
0x20f: {  	s9 =	sand.u32 $0x1E0, s19;
	[smem:$0x7E5] =	sst s15;
	[tilespmem:$0x1FD30] =	vst v5  }
0x210: {  	v0 =	vmov s8;
	s8 =	sadd.s32 $0x11400, s6;
	s17 =	sshrl.u32 s7, $0x7;
	s13 =	sor.u32 s9, s13;
	[tilespmem:s18+$0x1C000] =	vst v1  }
0x211: {  	s0 =	sor.u32 s0, s8;
	v6 =	vld [tilespmem:s13+$0x0];
	[smem:$0x7E7] =	sst s17  }
0x212: {  	v1 =	vld [tilespmem:s0+$0x0];
	_ =	sdelay $0x2  }
0x213: {  	s12 =	simm.s32 $0x880  }
0x214: {  	s10 =	smov.u32 s2;
	s13 =	sand.u32 $0x40, s12  }
0x215: {  	v0 =	vshll.u32 v0, $0x4;
	s2 =	sshll.u32 s17, $0xA;
	s17 =	simm.s32 $0x8B0;
	[smem:$0x7E6] =	sst s13;
	[tilespmem:$0x1FCA0] =	vst v1  }
0x216: {  	v11 =	vor.u32 v51, v0;
	v0 =	vld [tilespmem:s17+$0xFFFFFFD0];
	_ =	sdelay $0x3  }
0x217: {  	s12 =	sand.u32 $0x50, s26  }
0x218: {  	[smem:$0x7E8] =	sst s12;
	[tilespmem:$0x1FCB0] =	vst v0  }
0x219: {  	v0 =	vld [tilespmem:s17+$0xFFFFFFE0]  }
0x21a: {  	s6 =	sshll.u32 s15, $0xA  }
0x21b: {  	s0 =	sadd.s32 $0x200, s6  }
0x21c: {  	s6 =	sadd.s32 $0x200, s2;
	s2 =	sor.u32 s13, s0  }
0x21d: {  	[tilespmem:s2+$0x1B000] =	vst v4  }
0x21e: {  	s13 =	sor.u32 s5, s4;
	[tilespmem:$0x1FCE0] =	vst v0  }
0x21f: {  	v0 =	vld [tilespmem:s13+$0x0];
	_ =	sdelay $0x3  }
0x220: {  	s15 =	simm.s32 $0x800  }
0x221: {  	v1 =	vmov s15;
	s15 =	sor.u32 s12, s6;
	[tilespmem:$0x1FD10] =	vst v0  }
0x222: {  	s13 =	sor.u32 s7, s4;
	[tilespmem:s15+$0x1B000] =	vst v5  }
0x223: {  	v19 =	vld [tilespmem:s13+$0x0];
	_ =	sdelay $0x2  }
0x224: {  	v2 =	vor.u32 $0x3, v11  }
0x225: {  	v3 =	vor.u32 $0x6, v11;
	v1 =	vshll.u32 v1, $0x4;
	s17 =	simm.s32 $0x810  }
0x226: {  	v22 =	vor.u32 v51, v1;
	v4 =	vmov s17;
	[tilespmem:$0x1FD20] =	vst v19  }
0x227: {  	s17 =	smov.u32 s14;
	v1 =	vshll.u32 v4, $0x4;
	v4 =	vor.u32 $0x3, v22;
	[tilespmem:s14+$0x1D000] =	vst v49;
	s14 =	simm.s32 $0x820  }
0x228: {  	v23 =	vor.u32 v51, v1;
	v5 =	vmov s14;
	v1 =	vld.idx.msk [tilespmem:v11+s16+$0x0], $0xffff  }
0x229: {  	v7 =	vor.u32 $0x3, v23;
	v2 =	vld.idx.msk [tilespmem:v2+s16+$0x0], $0xffff;
	v5 =	vshll.u32 v5, $0x4  }
0x22a: {  	[tilespmem:s3+$0x1D000] =	vst v26;
	v3 =	vld.idx.msk [tilespmem:v3+s16+$0x0], $0xffff;
	v16 =	vor.u32 v51, v5  }
0x22b: {  	v8 =	vld.idx.msk [tilespmem:v22+s16+$0x0], $0xffff;
	v5 =	vor.u32 $0x6, v22  }
0x22c: {  	[tilespmem:s31+$0x1D000] =	vst v15;
	v4 =	vld.idx.msk [tilespmem:v4+s16+$0x0], $0xffff;
	v59 =	vor.u32 $0x3, v16  }
0x22d: {  	v45 =	vor.u32 $0x6, v23;
	v46 =	vld.idx.msk [tilespmem:v23+s16+$0x0], $0xffff  }
0x22e: {  	[tilespmem:s10+$0x1D000] =	vst v21;
	v7 =	vld.idx.msk [tilespmem:v7+s16+$0x0], $0xffff;
	v1 =	vmul.f32 v1, v38;
	v2 =	vmul.f32 v2, v44  }
0x22f: {  	s6 =	sshrl.u32 s9, $0x7;
	v61 =	vld.idx.msk [tilespmem:v16+s16+$0x0], $0xffff  }
0x230: {  	s3 =	simm.s32 $0x2000;
	v1 =	vadd.f32 v2, v1;
	v2 =	vmul.f32 v3, v49;
	v3 =	vld.idx.msk [tilespmem:v5+s16+$0x0], $0xffff;
	[smem:$0x7E9] =	sst s6  }
0x231: {  	s0 =	sand.u32 $0x3FFFF800, s3;
	s3 =	sand.u32 $0x60, s19;
	v62 =	vld.idx.msk [tilespmem:v59+s16+$0x0], $0xffff  }
0x232: {  	s12 =	simm.s32 $0x8B0;
	v1 =	vadd.f32 v2, v1;
	v2 =	vld.idx.msk [tilespmem:v45+s16+$0x0], $0xffff;
	[smem:$0x7EA] =	sst s3  }
0x233: {  	v10 =	vld [tilespmem:s12+$0xFFFFFFF0];
	_ =	sdelay $0x1  }
0x234: {  	v60 =	vor.u32 $0x6, v16  }
0x235: {  	s13 =	sshll.u32 s6, $0xA  }
0x236: {  	s14 =	sshll.u32 s22, $0x9;
	s0 =	sadd.s32 $0x14000, s0;
	v5 =	vor.u32 $0x1, v11;
	s6 =	sadd.s32 $0x200, s13  }
0x237: {  	v63 =	vor.u32 $0x4, v11;
	s22 =	smov.u32 s1;
	v8 =	vmul.f32 v8, v36;
	v4 =	vmul.f32 v4, v43;
	s13 =	sor.u32 s14, s0;
	s1 =	sor.u32 s3, s6;
	[tilespmem:$0x1FCF0] =	vst v10  }
0x238: {  	v42 =	vor.u32 $0x7, v11;
	v46 =	vmul.f32 v46, v33;
	v7 =	vmul.f32 v7, v40;
	s14 =	sor.u32 s20, s13;
	[tilespmem:s1+$0x1B000] =	vst v6  }
0x239: {  	v57 =	vor.u32 $0x1, v22;
	s4 =	sor.u32 s9, s4;
	v3 =	vmul.f32 v3, v26;
	v53 =	vld.idx.msk [tilespmem:v60+s16+$0x0], $0xffff;
	[tilespmem:s14+$0x0] =	vst v1;
	v1 =	vadd.f32 v4, v8  }
0x23a: {  	v54 =	vor.u32 $0x7, v22;
	v7 =	vadd.f32 v7, v46;
	s6 =	sshll.u32 s23, $0x9;
	v25 =	vld [tilespmem:s4+$0x0]  }
0x23b: {  	v2 =	vmul.f32 v2, v15;
	v60 =	vor.u32 $0x4, v22;
	v5 =	vld.idx.msk [tilespmem:v5+s16+$0x0], $0xffff;
	s4 =	sor.u32 s6, s0;
	v1 =	vadd.f32 v3, v1  }
0x23c: {  	s20 =	sshll.u32 s28, $0x9;
	s13 =	smov.u32 s1;
	v4 =	vor.u32 $0x1, v23;
	v8 =	vmul.f32 v61, v12;
	[tilespmem:s2+$0x1C000] =	vst v0;
	v61 =	vld.idx.msk [tilespmem:v63+s16+$0x0], $0xffff;
	s1 =	sor.u32 s21, s4  }
0x23d: {  	v62 =	vmul.f32 v62, v27;
	v56 =	vld.idx.msk [tilespmem:v42+s16+$0x0], $0xffff;
	v3 =	vor.u32 $0x4, v23;
	s4 =	sor.u32 s20, s0;
	[tilespmem:s1+$0x0] =	vst v1;
	v1 =	vadd.f32 v2, v7  }
0x23e: {  	s23 =	smov.u32 s2;
	s20 =	sor.u32 s25, s4;
	s2 =	sld [smem:$0x7D8];
	v57 =	vld.idx.msk [tilespmem:v57+s16+$0x0], $0xffff  }
0x23f: {  	v58 =	vor.u32 $0x7, v23;
	v8 =	vadd.f32 v62, v8;
	v2 =	vmov s11;
	v62 =	vld.idx.msk [tilespmem:v54+s16+$0x0], $0xffff;
	[tilespmem:s20+$0x0] =	vst v1  }
0x240: {  	v63 =	vmul.f32 v53, v21;
	v2 =	vshll.u32 v2, $0x4;
	v1 =	vld.idx.msk [tilespmem:v60+s16+$0x0], $0xffff;
	s25 =	sld [smem:$0x7D9]  }
0x241: {  	v55 =	vor.u32 $0x1, v16;
	v7 =	vor.u32 $0x4, v16;
	v45 =	vor.u32 v51, v2;
	v4 =	vld.idx.msk [tilespmem:v4+s16+$0x0], $0xffff;
	s21 =	sshll.u32 s2, $0x9  }
0x242: {  	v2 =	vmul.f32 v5, v38;
	v5 =	vmul.f32 v61, v44;
	v8 =	vadd.f32 v63, v8;
	v3 =	vld.idx.msk [tilespmem:v3+s16+$0x0], $0xffff;
	s0 =	sor.u32 s21, s0  }
0x243: {  	vm0 =	veq.s32 v9, $0xFFFFFFFF;
	s2 =	sor.u32 s25, s0  }
0x244: {  	v10 =	vld.idx.msk [tilespmem:v58+s16+$0x0], $0xffff;
	v2 =	vadd.f32 v5, v2;
	v5 =	vmul.f32 v56, v49;
	[tilespmem:s2+$0x0] =	vst v8;
	v8 =	vor.u32 $0x3, v45  }
0x245: {  	v56 =	vor.u32 $0x7, v16;
	v9 =	vmul.f32 v57, v36;
	v1 =	vmul.f32 v1, v43  }
0x246: {  	v63 =	vor.u32 $0x6, v45;
	[tilespmem:s24+$0x1D000] =	vst v41;
	v2 =	vadd.f32 v5, v2;
	v61 =	vld.idx.msk [tilespmem:v55+s16+$0x0], $0xffff;
	v4 =	vmul.f32 v4, v33  }
0x247: {  	v7 =	vld.idx.msk [tilespmem:v7+s16+$0x0], $0xffff;
	v3 =	vmul.f32 v3, v40;
	v1 =	vadd.f32 v1, v9;
	v9 =	vmul.f32 v62, v26  }
0x248: {  	v57 =	vor.u32 $0x2, v11;
	v5 =	vor.u32 $0x8, v11;
	v0 =	vld.idx.msk [tilespmem:v45+s16+$0x0], $0xffff;
	[tilespmem:s14+$0x80] =	vst v2  }
0x249: {  	v2 =	vadd.f32 v3, v4;
	v1 =	vadd.f32 v9, v1;
	v9 =	vmul.f32 v10, v15;
	v8 =	vld.idx.msk [tilespmem:v8+s16+$0x0], $0xffff  }
0x24a: {  	v58 =	vor.u32 $0x5, v11;
	v56 =	vld.idx.msk [tilespmem:v56+s16+$0x0], $0xffff  }
0x24b: {  	s5 =	sor.u32 s5, s8;
	[tilespmem:s15+$0x1C000] =	vst v19;
	v19 =	vor.u32 $0x2, v22;
	v62 =	vld.idx.msk [tilespmem:v63+s16+$0x0], $0xffff;
	v2 =	vadd.f32 v9, v2  }
0x24c: {  	v42 =	vld [tilespmem:s5+$0x0];
	v61 =	vmul.f32 v61, v12;
	v7 =	vmul.f32 v7, v27;
	[tilespmem:s1+$0x80] =	vst v1  }
0x24d: {  	v4 =	vor.u32 $0x5, v22;
	v10 =	vor.u32 $0x2, v23;
	v1 =	vld.idx.msk [tilespmem:v5+s16+$0x0], $0xffff;
	[tilespmem:s20+$0x80] =	vst v2  }
0x24e: {  	v0 =	vmul.f32 v0, v28;
	v3 =	vadd.f32 v7, v61;
	v7 =	vld.idx.msk [tilespmem:v57+s16+$0x0], $0xffff;
	s21 =	sld [smem:$0x7DA];
	v8 =	vmul.f32 v8, v37  }
0x24f: {  	vm4 =	veq.s32 v48, $0xFFFFFFFF;
	s6 =	sor.u32 s7, s8;
	s7 =	simm.s32 $0x2100;
	v5 =	vmul.f32 v56, v21;
	v57 =	vld.idx.msk [tilespmem:v58+s16+$0x0], $0xffff;
	v58 =	vor.u32 $0x5, v23  }
0x250: {  	s28 =	simm.s32 $0x840;
	s0 =	sand.u32 $0x3FFFF800, s7;
	v56 =	vmul.f32 v62, v41;
	s25 =	sld [smem:$0x7DB];
	v0 =	vadd.f32 v8, v0;
	v8 =	vld.idx.msk [tilespmem:v19+s16+$0x0], $0xffff;
	v19 =	vor.u32 $0x1, v45  }
0x251: {  	v46 =	vmov s28;
	s11 =	sadd.s32 $0x14000, s0;
	v55 =	vld [tilespmem:s6+$0x0];
	v2 =	vadd.f32 v5, v3;
	v5 =	vor.u32 $0x4, v45;
	s0 =	sshll.u32 s21, $0x9  }
0x252: {  	s3 =	simm.s32 $0x850;
	v9 =	vor.u32 $0x2, v16;
	v4 =	vld.idx.msk [tilespmem:v4+s16+$0x0], $0xffff;
	v3 =	vshll.u32 v46, $0x4;
	s0 =	sor.u32 s0, s11;
	v0 =	vadd.f32 v56, v0  }
0x253: {  	v59 =	vmov s3;
	v48 =	vor.u32 v51, v3;
	v3 =	vld.idx.msk [tilespmem:v10+s16+$0x0], $0xffff;
	[tilespmem:s2+$0x80] =	vst v2;
	v7 =	vmul.f32 v7, v38;
	s0 =	sor.u32 s25, s0  }
0x254: {  	s4 =	simm.s32 $0x860;
	v10 =	vmul.f32 v57, v44;
	v2 =	vld.idx.msk [tilespmem:v58+s16+$0x0], $0xffff;
	[tilespmem:s0+$0x0] =	vst v0;
	v0 =	vshll.u32 v59, $0x4;
	v59 =	vor.u32 $0x7, v45  }
0x255: {  	v60 =	vmov s4;
	v58 =	vor.u32 $0x3, v48;
	v38 =	vor.u32 v51, v0;
	v0 =	vld.idx.msk [tilespmem:v19+s16+$0x0], $0xffff  }
0x256: {  	v1 =	vmul.f32 v1, v49;
	v57 =	vor.u32 $0x6, v48;
	v7 =	vadd.f32 v10, v7;
	v5 =	vld.idx.msk [tilespmem:v5+s16+$0x0], $0xffff  }
0x257: {  	v24 =	vimm.f32 $1.000000000e+00;
	[tilespmem:s30+$0x1D000] =	vst v31;
	v9 =	vld.idx.msk [tilespmem:v9+s16+$0x0], $0xffff;
	v56 =	vor.u32 $0x9, v11;
	v10 =	vshll.u32 v60, $0x4  }
0x258: {  	vm5 =	veq.s32 v39, $0xFFFFFFFF;
	v39 =	vor.u32 v51, v10;
	v1 =	vadd.f32 v1, v7;
	v7 =	vld.idx.msk [tilespmem:v48+s16+$0x0], $0xffff  }
0x259: {  	vm1 =	veq.s32 v47, $0xFFFFFFFF;
	v60 =	vsel vm5, $0x0, v24;
	v47 =	vld.idx.msk [tilespmem:v59+s16+$0x0], $0xffff  }
0x25a: {  	vm3 =	veq.s32 v50, $0xFFFFFFFF;
	v4 =	vmul.f32 v4, v43;
	[tilespmem:s14+$0x180] =	vst v60;
	v63 =	vor.u32 $0x3, v38;
	v19 =	vld.idx.msk [tilespmem:v58+s16+$0x0], $0xffff  }
0x25b: {  	v10 =	vor.u32 $0x3, v39;
	v46 =	vld.idx.msk [tilespmem:v57+s16+$0x0], $0xffff;
	[tilespmem:s14+$0x100] =	vst v1;
	v0 =	vmul.f32 v0, v28;
	v5 =	vmul.f32 v5, v37  }
0x25c: {  	[tilespmem:s22+$0x1D000] =	vst v35;
	v3 =	vmul.f32 v3, v33;
	v8 =	vmul.f32 v8, v36;
	v58 =	vor.u32 $0x6, v38;
	v50 =	vld.idx.msk [tilespmem:v56+s16+$0x0], $0xffff  }
0x25d: {  	[tilespmem:s29+$0x1D000] =	vst v32;
	v2 =	vmul.f32 v2, v40;
	v59 =	vld.idx.msk [tilespmem:v39+s16+$0x0], $0xffff;
	v0 =	vadd.f32 v5, v0;
	v5 =	vor.u32 $0x5, v16  }
0x25e: {  	v62 =	vor.u32 $0x2, v45;
	v4 =	vadd.f32 v4, v8;
	v8 =	vld.idx.msk [tilespmem:v38+s16+$0x0], $0xffff;
	v47 =	vmul.f32 v47, v41  }
0x25f: {  	v1 =	vmul.f32 v9, v12;
	v9 =	vadd.f32 v2, v3;
	v3 =	vor.u32 $0x5, v45;
	v49 =	vld.idx.msk [tilespmem:v63+s16+$0x0], $0xffff  }
0x260: {  	v61 =	vmov v6;
	v6 =	vor.u32 $0x6, v39;
	v10 =	vld.idx.msk [tilespmem:v10+s16+$0x0], $0xffff;
	v0 =	vadd.f32 v47, v0  }
0x261: {  	v12 =	vor.u32 $0x8, v22;
	v2 =	vld.idx.msk [tilespmem:v58+s16+$0x0], $0xffff  }
0x262: {  	v7 =	vmul.f32 v7, v13;
	v5 =	vld.idx.msk [tilespmem:v5+s16+$0x0], $0xffff;
	[tilespmem:s0+$0x80] =	vst v0  }
0x263: {  	v36 =	vmul.f32 v19, v14;
	v63 =	vmul.f32 v46, v31;
	v0 =	vor.u32 $0x8, v45;
	v46 =	vld.idx.msk [tilespmem:v62+s16+$0x0], $0xffff;
	s28 =	sld [smem:$0x7DC]  }
0x264: {  	v8 =	vmul.f32 v8, v17;
	v47 =	vor.u32 $0x8, v23;
	v49 =	vmul.f32 v49, v20;
	v3 =	vld.idx.msk [tilespmem:v3+s16+$0x0], $0xffff;
	[tilespmem:s13+$0x1C000] =	vst v25  }
0x265: {  	v53 =	vmov s26;
	v43 =	vld.idx.msk [tilespmem:v6+s16+$0x0], $0xffff;
	v6 =	vor.u32 $0x1, v48;
	v7 =	vadd.f32 v36, v7;
	s7 =	sld [smem:$0x7DD]  }
0x266: {  	s26 =	sor.u32 s9, s8;
	v12 =	vld.idx.msk [tilespmem:v12+s16+$0x0], $0xffff;
	v33 =	vmul.f32 v59, v18;
	v2 =	vmul.f32 v2, v32;
	v8 =	vadd.f32 v49, v8;
	s3 =	sshll.u32 s28, $0x9  }
0x267: {  	v10 =	vmul.f32 v10, v30;
	v7 =	vadd.f32 v63, v7;
	v49 =	vor.u32 $0x4, v48;
	v56 =	vld [tilespmem:s26+$0x0];
	s6 =	sor.u32 s3, s11  }
0x268: {  	v19 =	vor.u32 $0xA, v11;
	v2 =	vadd.f32 v2, v8;
	[tilespmem:s17+$0x18000] =	vst v50;
	v8 =	vmul.f32 v5, v27;
	v0 =	vld.idx.msk [tilespmem:v0+s16+$0x0], $0xffff;
	s8 =	sor.u32 s7, s6  }
0x269: {  	v5 =	vor.u32 $0x7, v48;
	v27 =	vld.idx.msk [tilespmem:v47+s16+$0x0], $0xffff;
	v28 =	vmul.f32 v46, v28;
	v3 =	vmul.f32 v3, v37;
	[tilespmem:s8+$0x0] =	vst v7  }
0x26a: {  	v44 =	vsel vm0, $0x0, v24;
	vm0 =	veq.s32 v52, $0xFFFFFFFF;
	v59 =	vld.idx.msk [tilespmem:v6+s16+$0x0], $0xffff;
	s21 =	sld [smem:$0x7DE]  }
0x26b: {  	s5 =	simm.s32 $0x880;
	v52 =	vmul.f32 v43, v35;
	v10 =	vadd.f32 v10, v33;
	v28 =	vadd.f32 v3, v28;
	v3 =	vld [tilespmem:$0x1FC90]  }
0x26c: {  	v29 =	vmov s5;
	v49 =	vld.idx.msk [tilespmem:v49+s16+$0x0], $0xffff;
	s26 =	sld [smem:$0x7E0]  }
0x26d: {  	v50 =	vld.idx.msk [tilespmem:v19+s16+$0x0], $0xffff;
	v7 =	vadd.f32 v52, v10;
	v10 =	vor.u32 $0x8, v16;
	s25 =	sld [smem:$0x7DF];
	v0 =	vmul.f32 v0, v41;
	s5 =	sshll.u32 s21, $0x9  }
0x26e: {  	v57 =	vsel vm1, $0x0, v24;
	v58 =	vor.u32 $0x1, v38;
	v19 =	vor.u32 $0x9, v45;
	v63 =	vld.idx.msk [tilespmem:v5+s16+$0x0], $0xffff;
	s5 =	sor.u32 s5, s11  }
0x26f: {  	v12 =	vmul.f32 v12, v26;
	v26 =	vor.u32 $0x1, v39;
	s28 =	sld [smem:$0x7E1];
	v0 =	vadd.f32 v0, v28;
	s4 =	sor.u32 s26, s5  }
0x270: {  	v62 =	vor.u32 $0x4, v38;
	v27 =	vmul.f32 v27, v15;
	s6 =	sshll.u32 s25, $0x9;
	vm1 =	veq.s32 v3, $0xFFFFFFFF;
	[tilespmem:s4+$0x0] =	vst v2  }
0x271: {  	s6 =	sor.u32 s6, s11;
	v15 =	vmul.f32 v59, v13;
	v49 =	vmul.f32 v49, v14;
	v6 =	vsel vm1, $0x0, v24;
	[tilespmem:s0+$0x100] =	vst v0  }
0x272: {  	v10 =	vld.idx.msk [tilespmem:v10+s16+$0x0], $0xffff;
	s7 =	sor.u32 s28, s6;
	v2 =	vor.u32 $0x7, v38;
	[tilespmem:s0+$0x180] =	vst v6  }
0x273: {  	[tilespmem:s7+$0x0] =	vst v7;
	v7 =	vor.u32 $0x4, v39;
	v52 =	vmul.f32 v63, v31;
	v15 =	vadd.f32 v49, v15;
	v41 =	vld.idx.msk [tilespmem:v19+s16+$0x0], $0xffff  }
0x274: {  	vm2 =	veq.s32 v34, $0xFFFFFFFF;
	v28 =	vld.idx.msk [tilespmem:v58+s16+$0x0], $0xffff  }
0x275: {  	v54 =	vmov s19;
	s19 =	smov.u32 s17;
	v11 =	vor.u32 $0xB, v11;
	v34 =	vld.idx.msk [tilespmem:v62+s16+$0x0], $0xffff;
	v46 =	vadd.f32 v52, v15  }
0x276: {  	[tilespmem:s19+$0x19000] =	vst v50;
	v0 =	vor.u32 $0x7, v39;
	v26 =	vld.idx.msk [tilespmem:v26+s16+$0x0], $0xffff  }
0x277: {  	s12 =	simm.s32 $0x8B0;
	v12 =	vadd.f32 v12, v4;
	v1 =	vadd.f32 v8, v1;
	v8 =	vor.u32 $0x2, v48;
	v4 =	vld.idx.msk [tilespmem:v2+s16+$0x0], $0xffff;
	[tilespmem:s8+$0x80] =	vst v46  }
0x278: {  	v9 =	vadd.f32 v27, v9;
	v27 =	vor.u32 $0x5, v48;
	v58 =	vmov s12;
	v7 =	vld.idx.msk [tilespmem:v7+s16+$0x0], $0xffff;
	[tilespmem:s24+$0x18000] =	vst v41  }
0x279: {  	v60 =	vmov v25;
	v59 =	vor.u32 $0xA, v45;
	v47 =	vshll.u32 v58, $0x4;
	v25 =	vld [tilespmem:$0x1FCA0]  }
0x27a: {  	v11 =	vld.idx.msk [tilespmem:v11+s16+$0x0], $0xffff;
	v15 =	vor.u32 v51, v47;
	v10 =	vmul.f32 v10, v21  }
0x27b: {  	v21 =	vor.u32 $0x3, v15;
	v0 =	vld.idx.msk [tilespmem:v0+s16+$0x0], $0xffff;
	v28 =	vmul.f32 v28, v17;
	v37 =	vmul.f32 v34, v20  }
0x27c: {  	v62 =	vor.u32 $0x2, v38;
	v63 =	vor.u32 $0x6, v15;
	v8 =	vld.idx.msk [tilespmem:v8+s16+$0x0], $0xffff  }
0x27d: {  	v10 =	vadd.f32 v10, v1;
	v27 =	vld.idx.msk [tilespmem:v27+s16+$0x0], $0xffff;
	v1 =	vadd.f32 v37, v28;
	v4 =	vmul.f32 v4, v32  }
0x27e: {  	v34 =	vor.u32 $0x5, v38;
	v26 =	vmul.f32 v26, v18;
	v37 =	vld.idx.msk [tilespmem:v59+s16+$0x0], $0xffff;
	v7 =	vmul.f32 v7, v30;
	[tilespmem:s18+$0x1D000] =	vst v25  }
0x27f: {  	v4 =	vadd.f32 v4, v1;
	v58 =	vld.idx.msk [tilespmem:v15+s16+$0x0], $0xffff  }
0x280: {  	v7 =	vadd.f32 v7, v26;
	v26 =	vmul.f32 v0, v35;
	v21 =	vld.idx.msk [tilespmem:v21+s16+$0x0], $0xffff  }
0x281: {  	v28 =	vshll.u32 v29, $0x4;
	[tilespmem:s4+$0x80] =	vst v4;
	v41 =	vld.idx.msk [tilespmem:v63+s16+$0x0], $0xffff  }
0x282: {  	v1 =	vor.u32 v51, v28;
	v7 =	vadd.f32 v26, v7;
	v26 =	vld.idx.msk [tilespmem:v62+s16+$0x0], $0xffff  }
0x283: {  	v6 =	vor.u32 $0x2, v39;
	[tilespmem:s23+$0x1D000] =	vst v42;
	v47 =	vld.idx.msk [tilespmem:v34+s16+$0x0], $0xffff  }
0x284: {  	v28 =	vor.u32 $0x3, v1;
	v0 =	vld [tilespmem:$0x1FCB0]  }
0x285: {  	v4 =	vshll.u32 v53, $0x4;
	v53 =	vld [tilespmem:$0x1FCC0]  }
0x286: {  	v43 =	vld [tilespmem:$0x1FCD0]  }
0x287: {  	[tilespmem:s7+$0x80] =	vst v7;
	v63 =	vld.idx.msk [tilespmem:v1+s16+$0x0], $0xffff  }
0x288: {  	v14 =	vmul.f32 v27, v14;
	v27 =	vld.idx.msk [tilespmem:v6+s16+$0x0], $0xffff  }
0x289: {  	v19 =	vsel vm0, $0x0, v24;
	v49 =	vor.u32 v51, v4;
	v7 =	vld.idx.msk [tilespmem:v28+s16+$0x0], $0xffff;
	[dreg:$0x7] =	wrdreg s15  }
0x28a: {  	v59 =	vshll.u32 v54, $0x4;
	v46 =	vor.u32 $0x3, v49;
	vm0 =	veq.s32 v0, $0xFFFFFFFF;
	v0 =	vld [tilespmem:$0x1FCE0];
	[tilespmem:s15+$0x1D000] =	vst v55  }
0x28b: {  	v4 =	vor.u32 v51, v59;
	v62 =	vmul.f32 v58, v53;
	v21 =	vmul.f32 v21, v43;
	s14 =	sld [smem:$0x7E2]  }
0x28c: {  	s11 =	simm.s32 $0x2200;
	v8 =	vmul.f32 v8, v13;
	v13 =	vor.u32 $0x3, v4;
	v6 =	vld [tilespmem:$0x1FCF0];
	[tilespmem:s13+$0x1D000] =	vst v56  }
0x28d: {  	s0 =	sand.u32 $0x3FFFF800, s11;
	v28 =	vmul.f32 v41, v25;
	v21 =	vadd.f32 v21, v62;
	s15 =	sld [smem:$0x7E3]  }
0x28e: {  	s12 =	sadd.s32 $0x14000, s0;
	v8 =	vadd.f32 v14, v8;
	v41 =	vor.u32 $0x6, v1;
	v14 =	vld.idx.msk [tilespmem:v49+s16+$0x0], $0xffff;
	s0 =	sshll.u32 s14, $0x9  }
0x28f: {  	v52 =	vmov v42;
	v42 =	vld.idx.msk [tilespmem:v46+s16+$0x0], $0xffff;
	v21 =	vadd.f32 v28, v21;
	s0 =	sor.u32 s0, s12  }
0x290: {  	v46 =	vld.idx.msk [tilespmem:v4+s16+$0x0], $0xffff;
	s0 =	sor.u32 s15, s0  }
0x291: {  	v29 =	vor.u32 $0x1, v15;
	v13 =	vld.idx.msk [tilespmem:v13+s16+$0x0], $0xffff;
	[tilespmem:s0+$0x0] =	vst v21  }
0x292: {  	v59 =	vsel vm0, $0x0, v24;
	vm0 =	veq.s32 v0, $0xFFFFFFFF;
	v0 =	vmov v25;
	v25 =	vld [tilespmem:$0x1FD00]  }
0x293: {  	v34 =	vor.u32 $0x4, v15;
	v41 =	vld.idx.msk [tilespmem:v41+s16+$0x0], $0xffff  }
0x294: {  	v28 =	vmov v60;
	v60 =	vld [tilespmem:$0x1FD10]  }
0x295: {  	v17 =	vmul.f32 v26, v17;
	v26 =	vor.u32 $0x7, v15;
	v18 =	vmul.f32 v27, v18;
	v27 =	vld [tilespmem:$0x1FD20]  }
0x296: {  	v5 =	vor.u32 $0x9, v22;
	v2 =	vor.u32 $0xA, v22;
	v20 =	vmul.f32 v47, v20;
	v29 =	vld.idx.msk [tilespmem:v29+s16+$0x0], $0xffff  }
0x297: {  	v22 =	vor.u32 $0xB, v22;
	v54 =	vor.u32 $0x6, v49;
	v21 =	vmul.f32 v63, v25;
	v63 =	vld [tilespmem:$0x1FD30];
	[tilespmem:s1+$0x180] =	vst v44  }
0x298: {  	v17 =	vadd.f32 v20, v17;
	v34 =	vld.idx.msk [tilespmem:v34+s16+$0x0], $0xffff;
	[tilespmem:$0x1FD40] =	vst v22  }
0x299: {  	v20 =	vor.u32 $0x6, v4;
	v7 =	vmul.f32 v7, v60;
	[tilespmem:s1+$0x100] =	vst v12;
	v12 =	vor.u32 $0xB, v23  }
0x29a: {  	v22 =	vor.u32 $0xB, v45;
	v62 =	vld.idx.msk [tilespmem:v26+s16+$0x0], $0xffff;
	[tilespmem:$0x1FD50] =	vst v12;
	v12 =	vor.u32 $0xB, v16  }
0x29b: {  	v40 =	vsel vm4, $0x0, v24;
	v7 =	vadd.f32 v7, v21;
	v21 =	vor.u32 $0x5, v39;
	[tilespmem:$0x1FD60] =	vst v12  }
0x29c: {  	v50 =	vor.u32 $0x9, v16;
	v3 =	vor.u32 $0x9, v23;
	v44 =	vor.u32 $0xA, v16;
	v12 =	vld.idx.msk [tilespmem:v54+s16+$0x0], $0xffff  }
0x29d: {  	v29 =	vmul.f32 v29, v53;
	v34 =	vmul.f32 v34, v43;
	v16 =	vor.u32 $0x8, v48;
	v5 =	vld.idx.msk [tilespmem:v5+s16+$0x0], $0xffff;
	[tilespmem:s20+$0x180] =	vst v40  }
0x29e: {  	v20 =	vld.idx.msk [tilespmem:v20+s16+$0x0], $0xffff;
	[tilespmem:s24+$0x19000] =	vst v37  }
0x29f: {  	[tilespmem:s20+$0x100] =	vst v9;
	v9 =	vadd.f32 v34, v29;
	v22 =	vld.idx.msk [tilespmem:v22+s16+$0x0], $0xffff;
	v29 =	vmul.f32 v62, v0  }
0x2a0: {  	[tilespmem:s19+$0x1A000] =	vst v11;
	v21 =	vld.idx.msk [tilespmem:v21+s16+$0x0], $0xffff  }
0x2a1: {  	v47 =	vor.u32 $0x8, v38;
	[tilespmem:s2+$0x180] =	vst v57;
	v3 =	vld.idx.msk [tilespmem:v3+s16+$0x0], $0xffff;
	v9 =	vadd.f32 v29, v9;
	v29 =	vor.u32 $0xA, v38  }
0x2a2: {  	v11 =	vld.idx.msk [tilespmem:v16+s16+$0x0], $0xffff;
	[tilespmem:$0x1FD70] =	vst v29  }
0x2a3: {  	[tilespmem:s2+$0x100] =	vst v10  }
0x2a4: {  	[tilespmem:s24+$0x1A000] =	vst v22  }
0x2a5: {  	v10 =	vmul.f32 v21, v30;
	v21 =	vor.u32 $0xA, v39;
	s1 =	sld [smem:$0x7E4]  }
0x2a6: {  	v47 =	vld.idx.msk [tilespmem:v47+s16+$0x0], $0xffff;
	[tilespmem:$0x1FD80] =	vst v21  }
0x2a7: {  	v58 =	vsel vm0, $0x0, v24;
	vm0 =	veq.s32 v6, $0xFFFFFFFF;
	[tilespmem:s0+$0x80] =	vst v9  }
0x2a8: {  	v6 =	vor.u32 $0xA, v23;
	v13 =	vmul.f32 v13, v28;
	v23 =	vmul.f32 v46, v61;
	[tilespmem:s1+$0x18000] =	vst v5  }
0x2a9: {  	v42 =	vmul.f32 v42, v27;
	v46 =	vor.u32 $0x8, v39;
	v14 =	vmul.f32 v14, v63;
	s2 =	sld [smem:$0x7E5]  }
0x2aa: {  	v13 =	vadd.f32 v13, v23;
	v23 =	vmul.f32 v41, v52;
	v11 =	vmul.f32 v11, v31;
	[tilespmem:s31+$0x18000] =	vst v3  }
0x2ab: {  	v14 =	vadd.f32 v42, v14;
	v16 =	vor.u32 $0x5, v15;
	v12 =	vmul.f32 v12, v55;
	s20 =	sld [smem:$0x7E6]  }
0x2ac: {  	v33 =	vsel vm3, $0x0, v24;
	v7 =	vadd.f32 v23, v7;
	v21 =	vld.idx.msk [tilespmem:v50+s16+$0x0], $0xffff;
	v8 =	vadd.f32 v11, v8;
	s19 =	sshll.u32 s2, $0x9  }
0x2ad: {  	v20 =	vmul.f32 v20, v56;
	v12 =	vadd.f32 v12, v14;
	v14 =	vor.u32 $0x2, v15;
	[tilespmem:s8+$0x180] =	vst v33;
	s6 =	sor.u32 s19, s12  }
0x2ae: {  	[tilespmem:s8+$0x100] =	vst v8;
	s3 =	sor.u32 s20, s6  }
0x2af: {  	v5 =	vadd.f32 v20, v13;
	v13 =	vor.u32 $0x1, v1;
	v20 =	vld.idx.msk [tilespmem:v46+s16+$0x0], $0xffff;
	[tilespmem:s3+$0x0] =	vst v7  }
0x2b0: {  	v16 =	vld.idx.msk [tilespmem:v16+s16+$0x0], $0xffff;
	s21 =	sld [smem:$0x7E7]  }
0x2b1: {  	v2 =	vld.idx.msk [tilespmem:v2+s16+$0x0], $0xffff;
	[tilespmem:s10+$0x18000] =	vst v21  }
0x2b2: {  	v14 =	vld.idx.msk [tilespmem:v14+s16+$0x0], $0xffff;
	s25 =	sld [smem:$0x7E8]  }
0x2b3: {  	v36 =	vsel vm2, $0x0, v24;
	v24 =	vsel vm0, $0x0, v24;
	v46 =	vld.idx.msk [tilespmem:v6+s16+$0x0], $0xffff;
	v6 =	vor.u32 $0x2, v49;
	s24 =	sshll.u32 s21, $0x9  }
0x2b4: {  	v45 =	vor.u32 $0xB, v1;
	v26 =	vmovc v53;
	v53 =	vor.u32 $0x9, v48;
	v31 =	vmul.f32 v47, v32;
	v13 =	vld.idx.msk [tilespmem:v13+s16+$0x0], $0xffff;
	[tilespmem:$0x1FD90] =	vst v6;
	s6 =	sor.u32 s24, s12  }
0x2b5: {  	v37 =	vor.u32 $0x8, v15;
	v10 =	vadd.f32 v10, v18;
	v8 =	vmul.f32 v20, v35;
	[tilespmem:s4+$0x180] =	vst v36;
	s2 =	sor.u32 s25, s6  }
0x2b6: {  	v41 =	vor.u32 $0x9, v49;
	v9 =	vor.u32 $0x4, v1;
	v17 =	vadd.f32 v31, v17;
	s26 =	sld [smem:$0x7E9];
	[tilespmem:s2+$0x0] =	vst v12  }
0x2b7: {  	v54 =	vor.u32 $0x9, v38;
	v3 =	vor.u32 $0x1, v49;
	v21 =	vadd.f32 v8, v10;
	s28 =	sld [smem:$0x7EA];
	[tilespmem:s7+$0x180] =	vst v19  }
0x2b8: {  	v57 =	vor.u32 $0xB, v38;
	v42 =	vor.u32 $0x1, v4;
	v12 =	vmul.f32 v16, v43;
	v16 =	vld.idx.msk [tilespmem:v44+s16+$0x0], $0xffff;
	[tilespmem:s4+$0x100] =	vst v17  }
0x2b9: {  	v40 =	vor.u32 $0x4, v49;
	v34 =	vor.u32 $0x5, v49;
	v62 =	vor.u32 $0x9, v39;
	s6 =	sshll.u32 s26, $0x9;
	[tilespmem:s7+$0x100] =	vst v21  }
0x2ba: {  	v23 =	vmovc v60;
	v60 =	vor.u32 $0xA, v48;
	v38 =	vor.u32 $0x8, v4;
	v11 =	vor.u32 $0x4, v4;
	v20 =	vld.idx.msk [tilespmem:v37+s16+$0x0], $0xffff;
	s5 =	sor.u32 s6, s12;
	s6 =	smov.u32 s1;
	[tilespmem:s31+$0x19000] =	vst v46  }
0x2bb: {  	v29 =	vor.u32 $0xB, v48;
	v48 =	vor.u32 $0xB, v39;
	v7 =	vor.u32 $0x7, v1;
	v9 =	vld.idx.msk [tilespmem:v9+s16+$0x0], $0xffff;
	[tilespmem:s6+$0x19000] =	vst v2;
	s1 =	sor.u32 s28, s5  }
0x2bc: {  	v39 =	vor.u32 $0x2, v1;
	v30 =	vor.u32 $0xA, v1;
	v18 =	vor.u32 $0x7, v49;
	v22 =	vld.idx.msk [tilespmem:v3+s16+$0x0], $0xffff;
	[tilespmem:s1+$0x0] =	vst v5  }
0x2bd: {  	v50 =	vor.u32 $0x7, v4;
	v32 =	vor.u32 $0xA, v4;
	v33 =	vor.u32 $0x5, v1;
	[tilespmem:s10+$0x19000] =	vst v16;
	v2 =	vld.idx.msk [tilespmem:v42+s16+$0x0], $0xffff  }
0x2be: {  	v31 =	vor.u32 $0x2, v4;
	v37 =	vor.u32 $0x8, v1;
	v43 =	vor.u32 $0x9, v1;
	v1 =	vld [tilespmem:$0x1FDA0]  }
0x2bf: {  	v35 =	vor.u32 $0x8, v49;
	v14 =	vmul.f32 v14, v26;
	v10 =	vmul.f32 v20, v0;
	v0 =	vld.idx.msk [tilespmem:v11+s16+$0x0], $0xffff  }
0x2c0: {  	v36 =	vor.u32 $0x5, v4;
	v7 =	vld.idx.msk [tilespmem:v7+s16+$0x0], $0xffff;
	v9 =	vmul.f32 v9, v23;
	v5 =	vmul.f32 v13, v25  }
0x2c1: {  	v44 =	vor.u32 $0x9, v4;
	v3 =	vld.idx.msk [tilespmem:v40+s16+$0x0], $0xffff;
	v40 =	vor.u32 $0xB, v49;
	v8 =	vadd.f32 v12, v14  }
0x2c2: {  	v14 =	vor.u32 $0xA, v49;
	v42 =	vor.u32 $0xB, v4;
	v4 =	vadd.f32 v9, v5;
	v5 =	vld.idx.msk [tilespmem:v18+s16+$0x0], $0xffff  }
0x2c3: {  	s17 =	simm.s32 $0x8B0;
	s11 =	simm.s32 $0x8B0;
	v26 =	vmovc v63;
	s4 =	simm.s32 $0x88;
	v11 =	vmul.f32 v22, v63;
	v9 =	vor.u32 $0x9, v15;
	vm0 =	veq.s32 v1, $0xFFFFFFFF;
	v1 =	vld.idx.msk [tilespmem:v50+s16+$0x0], $0xffff  }
.LBB2_5:
0x2c4: {  	v2 =	vmul.f32 v2, v61;
	v0 =	vmul.f32 v0, v28;
	_ =	sdelay $0x1  }
0x2c5: {  	v2 =	vadd.f32 v0, v2;
	v0 =	vld [tilespmem:$0x1FD40]  }
0x2c6: {  	v47 =	vimm.f32 $1.000000000e+00  }
0x2c7: {  	[tilespmem:$0x1FBC0] =	vst v14;
	v8 =	vadd.f32 v10, v8;
	v6 =	vmov v43;
	v10 =	vsel vm0, $0x0, v47  }
0x2c8: {  	v3 =	vmul.f32 v3, v27;
	[tilespmem:s0+$0x180] =	vst v10  }
0x2c9: {  	[tilespmem:s0+$0x100] =	vst v8  }
0x2ca: {  	[tilespmem:$0x1FC60] =	vst v6;
	v3 =	vadd.f32 v3, v11;
	v6 =	vmov v41;
	v9 =	vld.idx.msk [tilespmem:v9+s16+$0x0], $0xffff;
	v5 =	vmul.f32 v5, v55  }
0x2cb: {  	v12 =	vld.idx.msk [tilespmem:v53+s16+$0x0], $0xffff;
	[tilespmem:$0x1FC20] =	vst v6;
	v13 =	vmov v29  }
0x2cc: {  	s4 =	sadd.s32 $0x4, s4;
	v7 =	vmul.f32 v7, v52;
	v8 =	vmov v48;
	[tilespmem:$0x1FD40] =	vst v13;
	v3 =	vadd.f32 v5, v3;
	v5 =	vld [tilespmem:$0x1FD60]  }
0x2cd: {  	s5 =	sshrl.u32 s4, $0x5;
	v6 =	vmov v44;
	[tilespmem:$0x1FD60] =	vst v8;
	v14 =	vld.idx.msk [tilespmem:v0+s16+$0x0], $0xffff;
	v0 =	vmov v45  }
0x2ce: {  	s21 =	smul.u32 $0x1800, s5;
	[tilespmem:$0x1FB50] =	vst v0;
	v0 =	vadd.f32 v7, v4;
	v4 =	vmul.f32 v1, v56;
	v1 =	vld [tilespmem:$0x1FD50]  }
0x2cf: {  	[tilespmem:$0x1FB60] =	vst v6  }
0x2d0: {  	[dreg:$0x11] =	wrdreg s23;
	v11 =	vld.idx.msk [tilespmem:v62+s16+$0x0], $0xffff;
	s15 =	sshra.s32 s21, $0x2;
	s21 =	sadd.s32 $0x40, s17;
	v6 =	vmov v42;
	[tilespmem:s30+$0x18000] =	vst v12  }
0x2d1: {  	s23 =	smov.u32 s6;
	s6 =	sadd.s32 $0x11000, s15;
	s14 =	sand.u32 $0x1F0, s21;
	v12 =	vmov v40;
	[tilespmem:$0x1FBB0] =	vst v6  }
0x2d2: {  	s24 =	sor.u32 s14, s6;
	[tilespmem:$0x1FC50] =	vst v12  }
0x2d3: {  	[dreg:$0x15] =	wrdreg s13;
	v12 =	vld [tilespmem:s24+$0x0];
	[tilespmem:s18+$0x18000] =	vst v9  }
0x2d4: {  	[dreg:$0xc] =	wrdreg s3;
	v10 =	vld.idx.msk [tilespmem:v54+s16+$0x0], $0xffff;
	[tilespmem:s3+$0x80] =	vst v0  }
0x2d5: {  	[dreg:$0xa] =	wrdreg s2;
	s7 =	sadd.s32 $0xFFFFFFD0, s21;
	v5 =	vld.idx.msk [tilespmem:v5+s16+$0x0], $0xffff;
	[tilespmem:s22+$0x18000] =	vst v11  }
0x2d6: {  	s11 =	sadd.s32 $0x40, s11;
	s26 =	sadd.s32 $0xFFFFFFF0, s21;
	s25 =	sand.u32 $0x1C0, s7;
	v16 =	vld.idx.msk [tilespmem:v1+s16+$0x0], $0xffff;
	v1 =	vmov v57;
	[tilespmem:s2+$0x80] =	vst v3  }
0x2d7: {  	s0 =	smov.u32 s31;
	s20 =	sand.u32 $0x1E0, s26;
	s12 =	sor.u32 s25, s6;
	v18 =	vld.idx.msk [tilespmem:v39+s16+$0x0], $0xffff;
	[tilespmem:$0x1FD50] =	vst v1;
	v1 =	vmov s7  }
0x2d8: {  	s17 =	smov.u32 s10;
	s10 =	smov.u32 s30;
	v7 =	vor.u32 $0xA, v15;
	v3 =	vld [tilespmem:s12+$0x0];
	s12 =	sor.u32 s20, s6;
	[tilespmem:s23+$0x1A000] =	vst v14;
	v1 =	vshll.u32 v1, $0x4  }
0x2d9: {  	s8 =	sadd.s32 $0xFFFFFFE0, s21;
	s9 =	sand.u32 $0x70, s21;
	s13 =	sadd.s32 $0x11200, s15;
	[tilespmem:s29+$0x18000] =	vst v10;
	v46 =	vld [tilespmem:s12+$0x0];
	v1 =	vor.u32 v51, v1  }
0x2da: {  	s19 =	sand.u32 $0x1D0, s8;
	s28 =	sshrl.u32 s14, $0x7;
	s31 =	sshrl.u32 s20, $0x7;
	[tilespmem:s17+$0x1A000] =	vst v5;
	v6 =	vor.u32 $0x1, v1  }
0x2db: {  	v8 =	vmov s8;
	s30 =	sshll.u32 s5, $0x7;
	s24 =	sor.u32 s19, s6;
	s3 =	sshll.u32 s31, $0xA;
	[tilespmem:$0x1FBA0] =	vst v6  }
0x2dc: {  	v0 =	vshll.u32 v8, $0x4;
	s3 =	sadd.s32 s30, s3;
	s12 =	sand.u32 $0x40, s7;
	s7 =	sand.u32 $0x60, s26;
	v21 =	vld [tilespmem:s24+$0x0];
	v6 =	vor.u32 $0x4, v1;
	[tilespmem:s0+$0x1A000] =	vst v16  }
0x2dd: {  	v17 =	vmov s26;
	[dreg:$0x10] =	wrdreg s9;
	s5 =	sshll.u32 s28, $0xA;
	v63 =	vor.u32 v51, v0;
	v7 =	vld.idx.msk [tilespmem:v7+s16+$0x0], $0xffff;
	s26 =	sor.u32 s7, s3;
	[tilespmem:$0x1FBD0] =	vst v6  }
0x2de: {  	[dreg:$0xe] =	wrdreg s28;
	s28 =	sshrl.u32 s25, $0x7;
	s6 =	sadd.s32 s30, s5;
	v42 =	vld [tilespmem:s11+$0xFFFFFFF0];
	v6 =	vor.u32 $0x1, v63;
	[tilespmem:s26+$0x1B000] =	vst v46  }
0x2df: {  	s5 =	smov.u32 s1;
	s2 =	sshll.u32 s28, $0xA;
	v14 =	vadd.f32 v4, v2;
	s24 =	sor.u32 s9, s6;
	[tilespmem:$0x1FBE0] =	vst v6  }
0x2e0: {  	s1 =	sor.u32 s14, s13;
	s2 =	sadd.s32 s30, s2;
	s6 =	sshrl.u32 s19, $0x7;
	v6 =	vld [tilespmem:s11+$0x0];
	[tilespmem:s24+$0x1B000] =	vst v12  }
0x2e1: {  	v10 =	vor.u32 $0xB, v15;
	v11 =	vld.idx.msk [tilespmem:v33+s16+$0x0], $0xffff;
	s9 =	smov.u32 s22;
	s22 =	smov.u32 s29;
	s29 =	sshll.u32 s6, $0xA;
	[tilespmem:s5+$0x80] =	vst v14  }
0x2e2: {  	s8 =	sand.u32 $0x50, s8;
	s23 =	sadd.s32 s30, s29;
	v50 =	vld [tilespmem:s1+$0x0];
	s1 =	sor.u32 s12, s2;
	[tilespmem:s18+$0x19000] =	vst v7  }
0x2e3: {  	v5 =	vld [tilespmem:s11+$0xFFFFFFD0];
	s2 =	sor.u32 s8, s23;
	[tilespmem:s1+$0x1B000] =	vst v3  }
0x2e4: {  	v20 =	vld [tilespmem:s11+$0xFFFFFFE0];
	[tilespmem:s2+$0x1B000] =	vst v21  }
0x2e5: {  	v17 =	vshll.u32 v17, $0x4;
	v2 =	vmov s21;
	[tilespmem:$0x1FC80] =	vst v6;
	v6 =	vor.u32 $0x4, v63  }
0x2e6: {  	v13 =	vmovc v28;
	v62 =	vor.u32 v51, v17;
	v28 =	vmov v3;
	v10 =	vld.idx.msk [tilespmem:v10+s16+$0x0], $0xffff;
	v3 =	vshll.u32 v2, $0x4;
	[tilespmem:$0x1FBF0] =	vst v6  }
0x2e7: {  	v15 =	vor.u32 v51, v3;
	v51 =	vld [tilespmem:$0x1FD90];
	v6 =	vor.u32 $0x1, v62;
	[tilespmem:s24+$0x1C000] =	vst v50  }
0x2e8: {  	s15 =	sadd.s32 $0x11400, s15;
	[tilespmem:$0x1FC00] =	vst v6;
	v6 =	vor.u32 $0x4, v62  }
0x2e9: {  	s30 =	sor.u32 s14, s15;
	[tilespmem:$0x1FC10] =	vst v6;
	v6 =	vor.u32 $0x7, v1  }
0x2ea: {  	v57 =	vld [tilespmem:s30+$0x0];
	[tilespmem:$0x1FC30] =	vst v6;
	v6 =	vor.u32 $0x7, v63  }
0x2eb: {  	s29 =	sor.u32 s19, s13;
	[tilespmem:$0x1FC40] =	vst v6;
	v6 =	vor.u32 $0x7, v62  }
0x2ec: {  	s0 =	sor.u32 s25, s13;
	s13 =	sor.u32 s20, s13;
	v49 =	vor.u32 $0x3, v15;
	[tilespmem:$0x1FC70] =	vst v6;
	v6 =	vld [tilespmem:s29+$0x0]  }
0x2ed: {  	vm0 =	veq.s32 v5, $0xFFFFFFFF;
	v45 =	vmul.f32 v11, v23;
	v11 =	vld [tilespmem:s13+$0x0]  }
0x2ee: {  	v23 =	vsel vm0, $0x0, v47;
	v54 =	vld [tilespmem:s0+$0x0];
	vm0 =	veq.s32 v20, $0xFFFFFFFF;
	v20 =	vor.u32 $0x6, v15;
	[tilespmem:s18+$0x1A000] =	vst v10;
	s18 =	smov.u32 s24  }
0x2ef: {  	v51 =	vld.idx.msk [tilespmem:v51+s16+$0x0], $0xffff;
	[tilespmem:s18+$0x1D000] =	vst v57  }
0x2f0: {  	v18 =	vmul.f32 v18, v25;
	s3 =	smov.u32 s2;
	v25 =	vld.idx.msk [tilespmem:v15+s16+$0x0], $0xffff  }
0x2f1: {  	s14 =	sshll.u32 s28, $0x9;
	s28 =	sor.u32 s19, s15;
	s23 =	rddreg [dreg:$0x11];
	v49 =	vld.idx.msk [tilespmem:v49+s16+$0x0], $0xffff;
	[tilespmem:s3+$0x1C000] =	vst v6  }
0x2f2: {  	[tilespmem:$0x1FB80] =	vst v60;
	v17 =	vor.u32 $0x2, v63;
	v14 =	vadd.f32 v45, v18;
	s30 =	smov.u32 s23;
	s23 =	smov.u32 s1;
	v18 =	vld [tilespmem:s28+$0x0]  }
0x2f3: {  	v19 =	vmovc v56;
	v56 =	vmov v55;
	v55 =	vmov v52;
	v53 =	vmov v17;
	s25 =	sor.u32 s25, s15;
	s13 =	smov.u32 s26;
	[tilespmem:s23+$0x1C000] =	vst v54;
	v52 =	vld.idx.msk [tilespmem:v20+s16+$0x0], $0xffff  }
0x2f4: {  	v0 =	vor.u32 $0x3, v63;
	s20 =	sor.u32 s20, s15;
	[tilespmem:s13+$0x1C000] =	vst v11;
	v17 =	vld [tilespmem:s25+$0x0]  }
0x2f5: {  	v22 =	vor.u32 $0x5, v63;
	[tilespmem:$0x1FD90] =	vst v53;
	v20 =	vld [tilespmem:s20+$0x0]  }
0x2f6: {  	s17 =	smov.u32 s21;
	v53 =	vmovc v21;
	v21 =	vld.idx.msk [tilespmem:v34+s16+$0x0], $0xffff;
	v34 =	vmov v22;
	v22 =	vmul.f32 v25, v12;
	v25 =	vmul.f32 v49, v50  }
0x2f7: {  	v29 =	vmovc v61;
	v61 =	vor.u32 $0x3, v62;
	v48 =	vor.u32 $0x2, v62;
	v60 =	vor.u32 $0x6, v63;
	s21 =	smov.u32 s5;
	s19 =	sshll.u32 s6, $0x9;
	s6 =	smov.u32 s10;
	v49 =	vld.idx.msk [tilespmem:v31+s16+$0x0], $0xffff;
	[tilespmem:s3+$0x1D000] =	vst v18  }
0x2f8: {  	[tilespmem:$0x1FB70] =	vst v58;
	v58 =	vor.u32 $0x6, v1;
	s10 =	smov.u32 s9;
	s9 =	rddreg [dreg:$0xe];
	s5 =	sshll.u32 s4, $0x6;
	v22 =	vadd.f32 v25, v22;
	v25 =	vmul.f32 v52, v57;
	v52 =	vld.idx.msk [tilespmem:v63+s16+$0x0], $0xffff  }
0x2f9: {  	v9 =	vor.u32 $0x8, v63;
	v41 =	vor.u32 $0x9, v63;
	s0 =	rddreg [dreg:$0x7];
	s1 =	sand.u32 $0x3FFFF800, s5;
	v31 =	vmovc v48;
	v48 =	vor.u32 $0x1, v15;
	v0 =	vld.idx.msk [tilespmem:v0+s16+$0x0], $0xffff  }
0x2fa: {  	v40 =	vor.u32 $0xB, v63;
	v5 =	vor.u32 $0xA, v63;
	s1 =	sadd.s32 $0x14000, s1;
	s29 =	smov.u32 s0;
	s0 =	sshll.u32 s9, $0x9;
	[tilespmem:s13+$0x1D000] =	vst v20;
	v63 =	vor.u32 $0x4, v15  }
0x2fb: {  	s24 =	rddreg [dreg:$0x10];
	s0 =	sor.u32 s0, s1;
	v22 =	vadd.f32 v25, v22;
	v25 =	vld.idx.msk [tilespmem:v62+s16+$0x0], $0xffff  }
0x2fc: {  	s0 =	sor.u32 s24, s0;
	[tilespmem:s23+$0x1D000] =	vst v17;
	v21 =	vmul.f32 v21, v27;
	v27 =	vmov v6;
	v6 =	vld.idx.msk [tilespmem:v61+s16+$0x0], $0xffff  }
0x2fd: {  	[tilespmem:s0+$0x0] =	vst v22;
	v22 =	vmul.f32 v49, v29;
	v49 =	vld.idx.msk [tilespmem:v58+s16+$0x0], $0xffff  }
0x2fe: {  	v61 =	vmov v46;
	v46 =	vld.idx.msk [tilespmem:v48+s16+$0x0], $0xffff;
	v58 =	vmul.f32 v52, v53;
	v0 =	vmul.f32 v0, v27  }
0x2ff: {  	v48 =	vld.idx.msk [tilespmem:v63+s16+$0x0], $0xffff  }
0x300: {  	v0 =	vadd.f32 v0, v58;
	v58 =	vld.idx.msk [tilespmem:v36+s16+$0x0], $0xffff  }
0x301: {  	v25 =	vmul.f32 v25, v61;
	v6 =	vmul.f32 v6, v11;
	_ =	sdelay $0x1  }
0x302: {  	[tilespmem:$0x1FB90] =	vst v30;
	v30 =	vmovc v59;
	v8 =	vor.u32 $0x3, v1;
	v16 =	vor.u32 $0x5, v62;
	v52 =	vld.idx.msk [tilespmem:v60+s16+$0x0], $0xffff;
	v6 =	vadd.f32 v6, v25  }
0x303: {  	v59 =	vor.u32 $0x6, v62;
	v36 =	vmovc v16;
	v16 =	vmul.f32 v46, v12;
	v46 =	vld.idx.msk [tilespmem:v37+s16+$0x0], $0xffff;
	v25 =	vmul.f32 v48, v50  }
0x304: {  	v4 =	vor.u32 $0x8, v1;
	v51 =	vmul.f32 v51, v26;
	v26 =	vmul.f32 v58, v13;
	v13 =	vld [tilespmem:$0x1FD80]  }
0x305: {  	v39 =	vor.u32 $0x2, v1;
	v33 =	vor.u32 $0x5, v1;
	v37 =	vmovc v4;
	v4 =	vadd.f32 v25, v16;
	v16 =	vld [tilespmem:$0x1FB70]  }
0x306: {  	v43 =	vor.u32 $0x9, v1;
	v45 =	vor.u32 $0xB, v1;
	v2 =	vor.u32 $0xA, v1;
	v1 =	vld.idx.msk [tilespmem:v1+s16+$0x0], $0xffff  }
0x307: {  	v8 =	vld.idx.msk [tilespmem:v8+s16+$0x0], $0xffff  }
0x308: {  	v63 =	vld.idx.msk [tilespmem:v59+s16+$0x0], $0xffff  }
0x309: {  	s28 =	rddreg [dreg:$0xa];
	v60 =	vmul.f32 v49, v17;
	v49 =	vld.idx.msk [tilespmem:v35+s16+$0x0], $0xffff  }
0x30a: {  	v44 =	vor.u32 $0x9, v62;
	v7 =	vor.u32 $0x8, v62;
	v59 =	vmovc v23;
	v23 =	vmul.f32 v52, v18;
	[tilespmem:s28+$0x180] =	vst v16;
	v16 =	vld.idx.msk [tilespmem:v38+s16+$0x0], $0xffff  }
0x30b: {  	v3 =	vor.u32 $0xA, v62;
	v10 =	vsel vm0, $0x0, v47;
	vm0 =	veq.s32 v42, $0xFFFFFFFF;
	[tilespmem:s21+$0x180] =	vst v24;
	v24 =	vld [tilespmem:$0x1FB80]  }
0x30c: {  	v42 =	vor.u32 $0xB, v62;
	v62 =	vor.u32 $0x7, v15;
	v0 =	vadd.f32 v23, v0;
	v23 =	vld.idx.msk [tilespmem:v13+s16+$0x0], $0xffff  }
0x30d: {  	v13 =	vld [tilespmem:$0x1FBA0]  }
0x30e: {  	v1 =	vmul.f32 v1, v28;
	v8 =	vmul.f32 v8, v54;
	_ =	sdelay $0x1  }
0x30f: {  	v1 =	vadd.f32 v8, v1  }
0x310: {  	v8 =	vld.idx.msk [tilespmem:v62+s16+$0x0], $0xffff  }
0x311: {  	s26 =	rddreg [dreg:$0xc];
	s14 =	sor.u32 s14, s1;
	v1 =	vadd.f32 v60, v1  }
0x312: {  	s12 =	sor.u32 s12, s14;
	[tilespmem:s26+$0x180] =	vst v30;
	v38 =	vmov v7;
	v7 =	vld [tilespmem:$0x1FB90]  }
0x313: {  	v24 =	vld.idx.msk [tilespmem:v24+s16+$0x0], $0xffff;
	[tilespmem:s12+$0x0] =	vst v1  }
0x314: {  	v48 =	vmul.f32 v63, v20;
	v63 =	vld.idx.msk [tilespmem:v13+s16+$0x0], $0xffff  }
0x315: {  	v8 =	vmul.f32 v8, v57;
	v13 =	vld [tilespmem:$0x1FBC0];
	_ =	sdelay $0x1  }
0x316: {  	v4 =	vadd.f32 v8, v4;
	v8 =	vld [tilespmem:$0x1FD70];
	_ =	sdelay $0x2  }
0x317: {  	v60 =	vmovc v7;
	v7 =	vmov v13;
	v13 =	vmov v32;
	v32 =	vmov v3;
	v3 =	vld [tilespmem:$0x1FBE0];
	_ =	sdelay $0x1  }
0x318: {  	v25 =	vor.u32 $0x5, v15  }
0x319: {  	s20 =	sor.u32 s19, s1  }
0x31a: {  	s15 =	sshll.u32 s31, $0x9;
	s8 =	sor.u32 s8, s20;
	v21 =	vadd.f32 v21, v51  }
0x31b: {  	s1 =	sor.u32 s15, s1;
	v6 =	vadd.f32 v48, v6;
	v8 =	vld.idx.msk [tilespmem:v8+s16+$0x0], $0xffff;
	[tilespmem:s8+$0x0] =	vst v0;
	v0 =	vmul.f32 v49, v56  }
0x31c: {  	s25 =	sor.u32 s7, s1;
	[tilespmem:s0+$0x80] =	vst v4  }
0x31d: {  	[tilespmem:s25+$0x0] =	vst v6;
	v6 =	vld.idx.msk [tilespmem:v25+s16+$0x0], $0xffff;
	v0 =	vadd.f32 v0, v21  }
0x31e: {  	v25 =	vmov v28;
	v28 =	vmov v11;
	v11 =	vld.idx.msk [tilespmem:v3+s16+$0x0], $0xffff  }
0x31f: {  	[tilespmem:s28+$0x100] =	vst v0;
	v0 =	vld [tilespmem:$0x1FBF0];
	_ =	sdelay $0x7  }
0x320: {  	v3 =	vld.idx.msk [tilespmem:v0+s16+$0x0], $0xffff  }
0x321: {  	v0 =	vld [tilespmem:$0x1FC00];
	_ =	sdelay $0x1  }
0x322: {  	v30 =	vmov v2  }
0x323: {  	v2 =	vadd.f32 v26, v22;
	v4 =	vmul.f32 v46, v55;
	[tilespmem:$0x1FD70] =	vst v7;
	v7 =	vmul.f32 v16, v19;
	_ =	sdelay $0x1  }
0x324: {  	v4 =	vadd.f32 v4, v14;
	v14 =	vmov v5;
	v5 =	vld [tilespmem:$0x1FBD0];
	v2 =	vadd.f32 v7, v2;
	_ =	sdelay $0x1  }
0x325: {  	v35 =	vmov v9;
	v9 =	vor.u32 $0x2, v15;
	[tilespmem:s21+$0x100] =	vst v2  }
0x326: {  	v2 =	vld.idx.msk [tilespmem:v0+s16+$0x0], $0xffff  }
0x327: {  	v0 =	vld [tilespmem:$0x1FC10];
	_ =	sdelay $0x2  }
0x328: {  	v9 =	vld.idx.msk [tilespmem:v9+s16+$0x0], $0xffff  }
0x329: {  	v5 =	vld.idx.msk [tilespmem:v5+s16+$0x0], $0xffff;
	_ =	sdelay $0x1  }
0x32a: {  	v1 =	vor.u32 $0x8, v15;
	_ =	sdelay $0x1  }
0x32b: {  	s31 =	smov.u32 s22;
	v0 =	vld.idx.msk [tilespmem:v0+s16+$0x0], $0xffff;
	[tilespmem:s10+$0x19000] =	vst v23;
	v23 =	vmov v54  }
0x32c: {  	[tilespmem:s31+$0x19000] =	vst v8;
	v8 =	vmul.f32 v9, v12;
	v12 =	vmul.f32 v5, v23;
	v5 =	vld [tilespmem:$0x1FC30];
	_ =	sdelay $0x1  }
0x32d: {  	v1 =	vld.idx.msk [tilespmem:v1+s16+$0x0], $0xffff;
	_ =	sdelay $0x2  }
0x32e: {  	v29 =	vld [tilespmem:$0x1FB50]  }
0x32f: {  	v51 =	vld [tilespmem:$0x1FFF0];
	[tilespmem:s6+$0x19000] =	vst v24  }
0x330: {  	v58 =	vmov v10;
	[tilespmem:s26+$0x100] =	vst v4;
	v10 =	vmul.f32 v1, v57;
	v1 =	vld [tilespmem:$0x1FC70]  }
0x331: {  	v7 =	vld.idx.msk [tilespmem:v5+s16+$0x0], $0xffff  }
0x332: {  	v5 =	vld [tilespmem:$0x1FC40]  }
0x333: {  	v62 =	vld [tilespmem:$0x1FB60];
	v6 =	vmul.f32 v6, v50  }
0x334: {  	v48 =	vld [tilespmem:$0x1FBB0]  }
0x335: {  	p0 =	slt.u32 s4, $0xFC;
	v8 =	vadd.f32 v6, v8;
	v6 =	vld [tilespmem:$0x1FC80]  }
.Ltmp1:
0x336: {  	v57 =	vld [tilespmem:$0x1FC50];
	(pc) =	sbr.rel @p0 .LBB2_5-.Ltmp1, $4  }
0x337: {  	v26 =	vmov v53;
	v11 =	vmul.f32 v11, v53;
	v53 =	vld [tilespmem:$0x1FC60]  }
0x338: {  	s2 =	rddreg [dreg:$0x15];
	v4 =	vmul.f32 v63, v25;
	v54 =	vld [tilespmem:$0x1FC20]  }
0x339: {  	s22 =	smov.u32 s2;
	[dreg:$0x7] =	wrdreg s3;
	v47 =	vsel vm0, $0x0, v47;
	v52 =	vmovc v17;
	v55 =	vmov v18;
	v56 =	vmov v20;
	v1 =	vld.idx.msk [tilespmem:v1+s16+$0x0], $0xffff  }
0x33a: {  	s2 =	smov.u32 s8;
	s1 =	smov.u32 s25;
	s3 =	smov.u32 s12;
	v24 =	vmovc v47;
	[tilespmem:$0x1FD80] =	vst v13;
	v9 =	vor.u32 $0x9, v15;
	vm0 =	veq.s32 v6, $0xFFFFFFFF;
	v4 =	vadd.f32 v12, v4;
	v5 =	vld.idx.msk [tilespmem:v5+s16+$0x0], $0xffff  }
0x33b: {  	v50 =	vimm.f32 $1.000000000e+00  }
0x33c: {  	v6 =	vadd.f32 v10, v8;
	v8 =	vsel vm0, $0x0, v50  }
0x33d: {  	[tilespmem:s0+$0x180] =	vst v8  }
0x33e: {  	[tilespmem:s0+$0x100] =	vst v6  }
0x33f: {  	v6 =	vld.idx.msk [tilespmem:v9+s16+$0x0], $0xffff  }
0x340: {  	v63 =	vor.u32 $0xA, v15;
	_ =	sdelay $0x2  }
0x341: {  	v3 =	vmul.f32 v3, v27;
	v47 =	vld.idx.msk [tilespmem:v62+s16+$0x0], $0xffff  }
0x342: {  	v7 =	vmul.f32 v7, v52;
	v46 =	vld.idx.msk [tilespmem:v54+s16+$0x0], $0xffff;
	[tilespmem:s18+$0x18000] =	vst v6  }
0x343: {  	v3 =	vadd.f32 v3, v11;
	v5 =	vmul.f32 v5, v55;
	v6 =	vld.idx.msk [tilespmem:v63+s16+$0x0], $0xffff  }
0x344: {  	v4 =	vadd.f32 v7, v4;
	v12 =	vld [tilespmem:$0x1FD40]  }
0x345: {  	v13 =	vor.u32 $0xB, v15;
	v3 =	vadd.f32 v5, v3;
	v15 =	vld [tilespmem:$0x1FD50]  }
0x346: {  	v16 =	vld [tilespmem:$0x1FD60];
	[tilespmem:s3+$0x80] =	vst v4  }
0x347: {  	v2 =	vmul.f32 v2, v61;
	v0 =	vmul.f32 v0, v28;
	[tilespmem:s2+$0x80] =	vst v3;
	v4 =	vld.idx.msk [tilespmem:v39+s16+$0x0], $0xffff  }
0x348: {  	v17 =	vld.idx.msk [tilespmem:v33+s16+$0x0], $0xffff;
	[tilespmem:s18+$0x19000] =	vst v6  }
0x349: {  	v0 =	vadd.f32 v0, v2;
	v1 =	vmul.f32 v1, v56;
	v19 =	vld [tilespmem:$0x1FD90]  }
0x34a: {  	v20 =	vld.idx.msk [tilespmem:v34+s16+$0x0], $0xffff  }
0x34b: {  	v0 =	vadd.f32 v1, v0;
	v21 =	vld.idx.msk [tilespmem:v37+s16+$0x0], $0xffff  }
0x34c: {  	v33 =	vld.idx.msk [tilespmem:v35+s16+$0x0], $0xffff  }
0x34d: {  	v18 =	vld.idx.msk [tilespmem:v13+s16+$0x0], $0xffff;
	[tilespmem:s1+$0x80] =	vst v0  }
0x34e: {  	v22 =	vld.idx.msk [tilespmem:v31+s16+$0x0], $0xffff  }
0x34f: {  	v31 =	vld.idx.msk [tilespmem:v36+s16+$0x0], $0xffff  }
0x350: {  	v4 =	vmul.f32 v4, v25;
	v2 =	vmul.f32 v17, v23;
	v34 =	vld.idx.msk [tilespmem:v38+s16+$0x0], $0xffff  }
0x351: {  	[tilespmem:s3+$0x180] =	vst v59;
	v1 =	vld.idx.msk [tilespmem:v19+s16+$0x0], $0xffff  }
0x352: {  	v0 =	vmul.f32 v21, v52;
	[tilespmem:s29+$0x18000] =	vst v46;
	v38 =	vld.idx.msk [tilespmem:v53+s16+$0x0], $0xffff;
	v2 =	vadd.f32 v2, v4  }
0x353: {  	[tilespmem:s22+$0x18000] =	vst v47;
	v8 =	vld.idx.msk [tilespmem:v12+s16+$0x0], $0xffff  }
0x354: {  	[tilespmem:s1+$0x180] =	vst v24;
	v9 =	vld.idx.msk [tilespmem:v15+s16+$0x0], $0xffff;
	v0 =	vadd.f32 v0, v2  }
0x355: {  	v10 =	vld.idx.msk [tilespmem:v16+s16+$0x0], $0xffff;
	[tilespmem:s18+$0x1A000] =	vst v18  }
0x356: {  	v5 =	vmul.f32 v20, v27;
	[tilespmem:s3+$0x100] =	vst v0;
	v1 =	vmul.f32 v1, v26  }
0x357: {  	v35 =	vmul.f32 v22, v61;
	v36 =	vmul.f32 v31, v28;
	[tilespmem:s30+$0x18000] =	vst v38  }
0x358: {  	v37 =	vmul.f32 v33, v55;
	[tilespmem:s6+$0x1A000] =	vst v8;
	v1 =	vadd.f32 v5, v1  }
0x359: {  	v39 =	vmul.f32 v34, v56;
	[tilespmem:s31+$0x1A000] =	vst v9;
	v2 =	vadd.f32 v36, v35  }
0x35a: {  	[tilespmem:s10+$0x1A000] =	vst v10;
	v1 =	vadd.f32 v37, v1  }
0x35b: {  	[tilespmem:s2+$0x180] =	vst v58;
	v2 =	vadd.f32 v39, v2  }
0x35c: {  	v49 =	vld.idx.msk [tilespmem:v43+s16+$0x0], $0xffff;
	[tilespmem:s2+$0x100] =	vst v1  }
0x35d: {  	[tilespmem:s1+$0x100] =	vst v2;
	v50 =	vld.idx.msk [tilespmem:v41+s16+$0x0], $0xffff  }
0x35e: {  	v1 =	vld [tilespmem:$0x1FD70]  }
0x35f: {  	v54 =	vld [tilespmem:$0x1FD80];
	_ =	sdelay $0x2  }
0x360: {  	v52 =	vld.idx.msk [tilespmem:v44+s16+$0x0], $0xffff;
	[tilespmem:s23+$0x18000] =	vst v49  }
0x361: {  	v53 =	vld.idx.msk [tilespmem:v60+s16+$0x0], $0xffff;
	s0 =	rddreg [dreg:$0x7]  }
0x362: {  	v55 =	vld.idx.msk [tilespmem:v30+s16+$0x0], $0xffff;
	[tilespmem:s0+$0x18000] =	vst v50  }
0x363: {  	v56 =	vld.idx.msk [tilespmem:v14+s16+$0x0], $0xffff  }
0x364: {  	v1 =	vld.idx.msk [tilespmem:v1+s16+$0x0], $0xffff  }
0x365: {  	[tilespmem:s13+$0x18000] =	vst v52;
	v5 =	vld.idx.msk [tilespmem:v54+s16+$0x0], $0xffff  }
0x366: {  	[tilespmem:s30+$0x19000] =	vst v53;
	v58 =	vld.idx.msk [tilespmem:v32+s16+$0x0], $0xffff  }
0x367: {  	v59 =	vld.idx.msk [tilespmem:v29+s16+$0x0], $0xffff;
	[tilespmem:s23+$0x19000] =	vst v55  }
0x368: {  	v61 =	vld.idx.msk [tilespmem:v45+s16+$0x0], $0xffff;
	[tilespmem:s0+$0x19000] =	vst v56  }
0x369: {  	v62 =	vld.idx.msk [tilespmem:v40+s16+$0x0], $0xffff;
	[tilespmem:s29+$0x19000] =	vst v1  }
0x36a: {  	[tilespmem:s22+$0x19000] =	vst v5;
	v60 =	vld.idx.msk [tilespmem:v57+s16+$0x0], $0xffff  }
0x36b: {  	[tilespmem:s13+$0x19000] =	vst v58;
	v5 =	vld.idx.msk [tilespmem:v48+s16+$0x0], $0xffff  }
0x36c: {  	[tilespmem:s30+$0x1A000] =	vst v59;
	v63 =	vld.idx.msk [tilespmem:v42+s16+$0x0], $0xffff  }
0x36d: {  	[tilespmem:s23+$0x1A000] =	vst v61  }
0x36e: {  	[tilespmem:s0+$0x1A000] =	vst v62  }
0x36f: {  	[tilespmem:s29+$0x1A000] =	vst v60  }
0x370: {  	s15 =	rddreg [dreg:$0x3];
	[tilespmem:s22+$0x1A000] =	vst v5  }
0x371: {  	s5 =	simm.s32 $0x0;
	s17 =	simm.s32 $0x14000;
	s1 =	rddreg [dreg:$0x1e];
	[tilespmem:s13+$0x1A000] =	vst v63  }
0x372: {  	s14 =	sand.u32 $0x3F000, s1;
	s1 =	sshrl.u32 s1, $0x1;
	s2 =	rddreg [dreg:$0x17]  }
0x373: {  	s19 =	rddreg [dreg:$0x4];
	s2 =	sor.u32 s2, s14;
	s1 =	sadd.s32 s15, s1  }
0x374: {  	[hbm4b:s1+s5] =	stream.linear.scatter [tilespmem:s17], [sflag:$0x3], $0x4000, $0x38;
	[tilespmem:$0x1E000] =	vst v63  }
0x375: {  	s4 =	simm.s32 $0x18000;
	s21 =	rddreg [dreg:$0x5];
	s18 =	sshrl.u32 s2, $0x3  }
0x376: {  	s24 =	simm.s32 $0x19000;
	s20 =	rddreg [dreg:$0x19];
	s2 =	sadd.s32 s19, s18  }
0x377: {  	[hbm4b:s2+s5] =	stream.linear.scatter [tilespmem:s4], [sflag:$0x3], $0x1000, $0x38;
	[tilespmem:$0x1E000] =	vst v63  }
0x378: {  	s26 =	simm.s32 $0x1C000;
	s22 =	simm.s32 $0x1B000;
	s2 =	sor.u32 s20, s14  }
0x379: {  	s31 =	rddreg [dreg:$0x1d];
	s1 =	sadd.s32 s21, s18;
	s23 =	sshrl.u32 s2, $0x3  }
0x37a: {  	[hbm4b:s1+s5] =	stream.linear.scatter [tilespmem:s22], [sflag:$0x3], $0x1000, $0x38;
	[tilespmem:$0x1E000] =	vst v63  }
0x37b: {  	s25 =	rddreg [dreg:$0x1a];
	s6 =	sadd.s32 $0x1, s31;
	s2 =	sadd.s32 s19, s23  }
0x37c: {  	[hbm4b:s2+s5] =	stream.linear.scatter [tilespmem:s24], [sflag:$0x3], $0x1000, $0x38;
	[tilespmem:$0x1E000] =	vst v63  }
0x37d: {  	s0 =	sor.u32 s25, s14;
	p0 =	sne.s32 s6, $0x8;
	s1 =	sadd.s32 s21, s23  }
0x37e: {  	[hbm4b:s1+s5] =	stream.linear.scatter [tilespmem:s26], [sflag:$0x3], $0x1000, $0x38;
	[tilespmem:$0x1E000] =	vst v63  }
.Ltmp2:
0x37f: {  	s0 =	sshrl.u32 s0, $0x3;
	(pc) =	sbr.rel @p0 .LBB2_2-.Ltmp2, $4  }
0x380: {  	s29 =	simm.s32 $0x1A000;
	s28 =	sadd.s32 s19, s0  }
0x381: {  	[hbm4b:s28+s5] =	stream.linear.scatter [tilespmem:s29], [sflag:$0x3], $0x1000, $0x38;
	[tilespmem:$0x1E000] =	vst v63  }
0x382: {  	s30 =	simm.s32 $0x1D000;
	s0 =	sadd.s32 s21, s0  }
0x383: {  	[hbm4b:s0+s5] =	stream.linear.scatter [tilespmem:s30], [sflag:$0x3], $0x1000, $0x38;
	[tilespmem:$0x1E000] =	vst v63  }
0x384: {  	s1 =	simm.s32 $0x3  }
0x385: {  	_ =	swait.ge [sflag:s1], $0x4000  }
0x386: {  	[sflag:s1] =	ssyncset.done $0x0  }
0x387: {  	[sflag:s1] =	ssyncadd.s32 $0xFFFFC000  }
0x388: {  	_ =	swait.ge [sflag:s1], $0x1000  }
0x389: {  	[sflag:s1] =	ssyncset.done $0x0  }
0x38a: {  	[sflag:s1] =	ssyncadd.s32 $0xFFFFF000  }
0x38b: {  	_ =	swait.ge [sflag:s1], $0x1000  }
0x38c: {  	[sflag:s1] =	ssyncset.done $0x0  }
0x38d: {  	[sflag:s1] =	ssyncadd.s32 $0xFFFFF000  }
0x38e: {  	_ =	swait.ge [sflag:s1], $0x1000  }
0x38f: {  	[sflag:s1] =	ssyncset.done $0x0  }
0x390: {  	[sflag:s1] =	ssyncadd.s32 $0xFFFFF000  }
0x391: {  	_ =	swait.ge [sflag:s1], $0x1000  }
0x392: {  	[sflag:s1] =	ssyncset.done $0x0  }
0x393: {  	[sflag:s1] =	ssyncadd.s32 $0xFFFFF000  }
0x394: {  	_ =	swait.ge [sflag:s1], $0x1000  }
0x395: {  	[sflag:s1] =	ssyncset.done $0x0  }
0x396: {  	[sflag:s1] =	ssyncadd.s32 $0xFFFFF000  }
0x397: {  	_ =	swait.ge [sflag:s1], $0x1000  }
0x398: {  	s2 =	rddreg [dreg:$0x1c]  }
0x399: {  	s0 =	rddreg [dreg:$0x1b];
	s2 =	sadd.s32 $0x1, s2  }
0x39a: {  	p0 =	sne.s32 s2, s0  }
.Ltmp3:
0x39b: {  	_ = 	snop;
	(pc) =	sbr.rel @p0 .LBB2_1-.Ltmp3, $3  }
0x39c: {  	_ =	sdelay $0x1  }
0x39d: {  	[sflag:s1] =	ssyncset.done $0x0  }
0x39e: {  	[sflag:s1] =	ssyncadd.s32 $0xFFFFF000  }
0x39f: {  	_ =	sfence.sel $0x180000  }
0x3a0: {  	[bflag:$0x0] =	sbarrier.arrive $0xFFFF  }
0x3a1: {  	_ =	strace $0x9000004D  }
0x3a2: {  	s0 =	stileid.u32;
	[bflag:$0x2] =	sbarrier.arrive $0xFFFF  }
0x3a3: {  	p0 =	sne.s32 s0, $0x0;
	s0 =	rddreg [dreg:$0x6]  }
0x3a4: {  	s0 =	sadd.s32 @!p0 $0x100000, s0  }
0x3a5: {  	[sflag:s0] =	ssyncadd.tile.s32 @!p0 $0x1;
	_ =	shalt  }
.Lfunc_end2:
_tile_overlayer_lowered:
.L_overlay_start_2:
0x3a6: {  	(tag) =	ssettag $0x2  }
0x3a7: {  	s0 =	rddreg [dreg:$0x0];
	s2 =	stileid.u32  }
0x3a8: {  	s1 =	rddreg [dreg:$0x1];
	p0 =	sne.s32 s2, $0x0  }
0x3a9: {  	s3 =	rddreg [dreg:$0x2];
	[bflag:$0x3] =	sbarrier.arrive $0xFFFF;
	s2 =	simm.s32 @!p0 $0x1C04  }
0x3aa: {  	[timem:s3], [sflag:s2] =	dma.local @!p0 [hbm:s0], s1  }
0x3ab: {  	s0 =	simm.s32 @!p0 $0x4  }
0x3ac: {  	_ =	swait.ge @!p0 [sflag:s0], s1  }
0x3ad: {  	s1 =	ssub.s32 @!p0 $0x0, s1;
	[sflag:s0] =	ssyncset.done @!p0 $0x0  }
0x3ae: {  	[sflag:s0] =	ssyncadd.s32 @!p0 s1  }
0x3af: {  	[bflag:$0x3] =	sbarrier.arrive $0xFFFF  }
0x3b0: {  	_ =	shalt  }

// kernel: kernel.5.cloned.1.call-start
scs
__scs_entry_jumppad:
0x0: {  	(pc) =	sbr.rel $0x88, $3  }
0x1: {  	(tag) =	ssettag $0x0;
	lr =	simm.s32 $0x1  }
0x2: {  	[smem:$0x3F9D] =	sst lr;
	_ =	strace $0xD0000000  }
0x3: {  	_ = 	snop  }
0x4: {  	_ = 	snop  }
0x5: {  	_ = 	snop  }
0x6: {  	_ = 	snop  }
0x7: {  	_ = 	snop  }
__scs_overlays_trampoline_lowered:
0x8: {  	[smem:$0x3FAC] =	sst s0  }
0x9: {  	[smem:$0x3FAD] =	sst s1  }
0xa: {  	[smem:$0x3FAE] =	sst s2  }
0xb: {  	[smem:$0x3FAF] =	sst s3  }
0xc: {  	[smem:$0x3FB0] =	sst s4  }
0xd: {  	[smem:$0x3FB1] =	sst s5  }
0xe: {  	[smem:$0x3FB2] =	sst s6  }
0xf: {  	[smem:$0x3FB3] =	sst s7  }
0x10: {  	[smem:$0x3FB4] =	sst s8  }
0x11: {  	[smem:$0x3FB5] =	sst s9;
	s0 =	simm.s32 @!p0 $0x0  }
0x12: {  	s1 =	sld [smem:$0x3F9B];
	s0 =	simm.s32 @p0 $0x1  }
0x13: {  	[smem:$0x3FB6] =	sst s0;
	s0 =	simm.s32 @!p1 $0x0  }
0x14: {  	s2 =	sld [smem:$0x3F9A];
	s0 =	simm.s32 @p1 $0x1  }
0x15: {  	[smem:$0x3FB7] =	sst s0;
	s0 =	simm.s32 @!p2 $0x0  }
0x16: {  	s3 =	sld [smem:$0x3FDB];
	s0 =	simm.s32 @p2 $0x1  }
0x17: {  	s4 =	simm.s32 $0x1BF5;
	[smem:$0x3FB9] =	sst s0  }
0x18: {  	s0 =	sld [smem:$0x3F9C];
	_ =	swait.ge [sflag:s4], $0x0  }
0x19: {  	s7 =	sld [smem:$0x3F9D]  }
0x1a: {  	s8 =	sadd.s32 $0xFFFFE003, lr  }
0x1b: {  	s9 =	sadd.s32 $0xFFFFFEF7, lr;
	s5 =	simm.s32 $0xFFFFFFFF;
	p2 =	slt.u32 s8, $0xFFFFF086  }
0x1c: {  	p1 =	slt.u32 s9, $0xF7A;
	s5 =	simm.s32 @!p2 $0x0  }
0x1d: {  	s5 =	simm.s32 @p1 $0x1;
	p0 =	seq.s32 s7, s2  }
0x1e: {  	s7 =	smul.u32 @!p0 $0xF7A, s2;
	p2 =	seq.s32 @!p0 s5, $0x0  }
0x1f: {  	s9 =	smul.u32 $0xF7A, s1;
	s8 =	simm.s32 @!p0 $0x1BF5;
	p2 =	por !p2, p0  }
0x20: {  	[sflag:s8] =	ssyncset.s32 @!p0 $0xFFFFF086;
	s6 =	sadd.s32 @!p0 s3, s7;
	s7 =	simm.s32 @!p0 $0x108  }
0x21: {  	s3 =	sadd.s32 s3, s9;
	s6 =	sadd.s32 @!p0 $0x88, s6;
	s7 =	simm.s32 @p2 $0x1082  }
0x22: {  	[simem:s7], [sflag:s8] =	dma.local @!p0 [hbm:s6], $0xF7A  }
0x23: {  	s9 =	sor.u32 $0xD0000000, s2;
	s6 =	simm.s32 $0x108;
	_ =	swait.ge @!p0 [sflag:s8], $0x0  }
0x24: {  	s3 =	sadd.s32 $0x88, s3;
	s6 =	simm.s32 @!p1 $0x1082;
	[sflag:s4] =	ssyncset.s32 $0xFFFFF086  }
0x25: {  	[simem:s6], [sflag:s4] =	dma.local [hbm:s3], $0xF7A  }
0x26: {  	[smem:$0x3F9D] =	sst s1;
	(tag) =	ssettag s2;
	_ =	strace s9  }
0x27: {  	s1 =	sld [smem:$0x3FAD]  }
0x28: {  	s2 =	sld [smem:$0x3FAE]  }
0x29: {  	s4 =	sld [smem:$0x3FB0]  }
0x2a: {  	p0 =	seq.s32 s5, $0x0;
	s5 =	sld [smem:$0x3FB1]  }
0x2b: {  	s6 =	sld [smem:$0x3FB2]  }
0x2c: {  	s7 =	sld [smem:$0x3FB3]  }
0x2d: {  	s3 =	simm.s32 $0x108;
	s8 =	sld [smem:$0x3FB4]  }
0x2e: {  	s3 =	simm.s32 @!p0 $0x1082;
	s9 =	sld [smem:$0x3FB5]  }
0x2f: {  	lr =	sadd.s32 s0, s3;
	s0 =	sld [smem:$0x3FAC]  }
0x30: {  	s3 =	sld [smem:$0x3FAF]  }
0x31: {  	[smem:$0x3FB8] =	sst s10  }
0x32: {  	s10 =	sld [smem:$0x3FB6];
	_ =	sdelay $0x3  }
0x33: {  	p0 =	seq.s32 s10, $0x1;
	s10 =	sld [smem:$0x3FB8];
	_ =	sdelay $0x3  }
0x34: {  	[smem:$0x3FB8] =	sst s10  }
0x35: {  	s10 =	sld [smem:$0x3FB7];
	_ =	sdelay $0x3  }
0x36: {  	p1 =	seq.s32 s10, $0x1;
	s10 =	sld [smem:$0x3FB8];
	_ =	sdelay $0x3  }
0x37: {  	[smem:$0x3FB8] =	sst s10  }
0x38: {  	s10 =	sld [smem:$0x3FB9]  }
0x39: {  	_ = 	snop;
	(pc) =	sbr.ind lr, $3  }
0x3a: {  	_ = 	snop  }
0x3b: {  	_ = 	snop  }
0x3c: {  	p2 =	seq.s32 s10, $0x1;
	s10 =	sld [smem:$0x3FB8]  }
0x3d: {  	_ =	shalt  }
0x3e: {  	_ =	shalt  }
0x3f: {  	_ =	shalt  }
0x40: {  	_ =	shalt  }
0x41: {  	_ =	shalt  }
0x42: {  	_ =	shalt  }
0x43: {  	_ =	shalt  }
0x44: {  	_ =	shalt  }
0x45: {  	_ =	shalt  }
0x46: {  	_ =	shalt  }
0x47: {  	_ =	shalt  }
0x48: {  	_ =	shalt  }
0x49: {  	_ =	shalt  }
0x4a: {  	_ =	shalt  }
0x4b: {  	_ =	shalt  }
0x4c: {  	_ =	shalt  }
0x4d: {  	_ =	shalt  }
0x4e: {  	_ =	shalt  }
0x4f: {  	_ =	shalt  }
0x50: {  	_ =	shalt  }
0x51: {  	_ =	shalt  }
0x52: {  	_ =	shalt  }
0x53: {  	_ =	shalt  }
0x54: {  	_ =	shalt  }
0x55: {  	_ =	shalt  }
0x56: {  	_ =	shalt  }
0x57: {  	_ =	shalt  }
0x58: {  	_ =	shalt  }
0x59: {  	_ =	shalt  }
0x5a: {  	_ =	shalt  }
0x5b: {  	_ =	shalt  }
0x5c: {  	_ =	shalt  }
0x5d: {  	_ =	shalt  }
0x5e: {  	_ =	shalt  }
0x5f: {  	_ =	shalt  }
0x60: {  	_ =	shalt  }
0x61: {  	_ =	shalt  }
0x62: {  	_ =	shalt  }
0x63: {  	_ =	shalt  }
0x64: {  	_ =	shalt  }
0x65: {  	_ =	shalt  }
0x66: {  	_ =	shalt  }
0x67: {  	_ =	shalt  }
0x68: {  	_ =	shalt  }
0x69: {  	_ =	shalt  }
0x6a: {  	_ =	shalt  }
0x6b: {  	_ =	shalt  }
0x6c: {  	_ =	shalt  }
0x6d: {  	_ =	shalt  }
0x6e: {  	_ =	shalt  }
0x6f: {  	_ =	shalt  }
0x70: {  	_ =	shalt  }
0x71: {  	_ =	shalt  }
0x72: {  	_ =	shalt  }
0x73: {  	_ =	shalt  }
0x74: {  	_ =	shalt  }
0x75: {  	_ =	shalt  }
0x76: {  	_ =	shalt  }
0x77: {  	_ =	shalt  }
0x78: {  	_ =	shalt  }
0x79: {  	_ =	shalt  }
0x7a: {  	_ =	shalt  }
0x7b: {  	_ =	shalt  }
0x7c: {  	_ =	shalt  }
0x7d: {  	_ =	shalt  }
0x7e: {  	_ =	shalt  }
0x7f: {  	_ =	shalt  }
0x80: {  	_ =	shalt  }
0x81: {  	_ =	shalt  }
0x82: {  	_ =	shalt  }
0x83: {  	_ =	shalt  }
0x84: {  	_ =	shalt  }
0x85: {  	_ =	shalt  }
0x86: {  	_ =	shalt  }
0x87: {  	_ =	shalt  }
.Lfunc_end0:
.L_simem_size_0:
called_computation_lowered:
.L_overlay_start_0:
0x88: {  	s2 =	sld [smem:$0x3FD9]  }
0x89: {  	s3 =	sld [smem:$0x3FFE];
	_ =	sdelay $0x1  }
0x8a: {  	s1 =	srdreg.scid  }
0x8b: {  	s0 =	sand.u32 $0x1, s1  }
0x8c: {  	s15 =	sshll.u32 s0, $0xA;
	s2 =	sadd.s32 s3, s2  }
0x8d: {  	s2 =	sadd.s32 s2, s15  }
0x8e: {  	[smem:$0x3FC4] =	sst s2  }
0x8f: {  	_ = 	snop  }
0x90: {  	s2 =	sld [smem:$0x3FD0];
	_ =	sdelay $0x2  }
0x91: {  	s16 =	simm.s32 $0xA;
	s4 =	simm.s32 $0x10  }
0x92: {  	[smem:s4], [sflag:s16] =	dma.local [hbm:s2], $0x1  }
0x93: {  	_ =	swait.eq [sflag:s16], $0x1  }
0x94: {  	[sflag:s16] =	ssyncset.done $0x0  }
0x95: {  	s17 =	sld [smem:$0x10];
	[sflag:s16] =	ssyncadd.s32 $0xFFFFFFFF  }
0x96: {  	s18 =	sld [smem:$0x12];
	(tm) =	ssettm $0x1  }
0x97: {  	s19 =	sld [smem:$0x3FFB];
	_ =	sdelay $0x3  }
0x98: {  	_ =	strace s19  }
0x99: {  	s4 =	sld [smem:$0x3FFC];
	_ =	sdelay $0x3  }
0x9a: {  	_ =	strace s4  }
0x9b: {  	s4 =	sld [smem:$0x3FFD];
	_ =	sdelay $0x3  }
0x9c: {  	_ =	strace s4  }
0x9d: {  	_ =	strace $0x8FFFFFFF  }
0x9e: {  	s20 =	sld [smem:$0x3FDB];
	_ =	sdelay $0x1  }
0x9f: {  	s5 =	simm.s32 $_scs_section_size  }
0xa0: {  	s6 =	simm.s32 $_size__tile_overlayer_lowered;
	s7 =	simm.s32 $_tile_overlayer_lowered  }
0xa1: {  	s23 =	simm.s32 $0x1BFF;
	s22 =	sshll.u32 s7, $0x1;
	s4 =	sadd.s32 s5, s20  }
0xa2: {  	s8 =	simm.s32 $0x0;
	s21 =	sshll.u32 s6, $0x1;
	s6 =	sadd.s32 s22, s4  }
0xa3: {  	[timem:s8], [sflag:s23] =	dma.local [hbm:s6], s21  }
0xa4: {  	_ =	swait.ge [sflag:s23], s21  }
0xa5: {  	s5 =	ssub.s32 $0x0, s21;
	[sflag:s23] =	ssyncset.done $0x0  }
0xa6: {  	[sflag:s23] =	ssyncadd.s32 s5;
	_ =	sdelay $0x1  }
0xa7: {  	s24 =	simm.s32 $0x1B8B  }
0xa8: {  	_ =	swait.ge [sflag:s24], $0x1  }
0xa9: {  	[sflag:s24] =	ssyncset.done $0x0  }
0xaa: {  	s25 =	simm.s32 $0x1B8E;
	[sflag:s24] =	ssyncadd.s32 $0xFFFFFFFF  }
0xab: {  	s26 =	simm.s32 $execute0_lowered;
	[smem:$0x3FD2] =	sst s25  }
0xac: {  	s5 =	sshll.u32 s26, $0x1;
	_ =	strace $0x80000046;
	[dreg:$0x1] =	wrdreg $0xFFFFFFFF  }
0xad: {  	s28 =	simm.s32 $_size_execute0_lowered;
	s4 =	sadd.s32 s4, s5;
	[dreg:$0x0] =	wrdreg $0x0  }
0xae: {  	s5 =	sshll.u32 s28, $0x1;
	[dreg:$0x2] =	wrdreg s4  }
0xaf: {  	[dreg:$0x3] =	wrdreg s5  }
0xb0: {  	[dreg:$0x4] =	wrdreg $0xC0  }
0xb1: {  	_ =	task [dreg:s8], $0x5FFFF  }
0xb2: {  	[dreg:$0x1] =	wrdreg $0xFFFFFFFF  }
0xb3: {  	[dreg:$0x0] =	wrdreg $0x60  }
0xb4: {  	[dreg:$0x2] =	wrdreg s17  }
0xb5: {  	[dreg:$0x3] =	wrdreg s18  }
0xb6: {  	[dreg:$0x4] =	wrdreg $0x9  }
0xb7: {  	_ =	task.clear_ibuf [dreg:s8], $0x5FFFF;
	_ =	strace $0x90000046  }
0xb8: {  	s29 =	simm.s32 $0x9;
	_ =	strace $0x80000048  }
0xb9: {  	_ =	swait.ge [sflag:s29], $0x1  }
0xba: {  	[sflag:s29] =	ssyncadd.s32 $0xFFFFFFFF  }
0xbb: {  	_ =	strace $0x90000048  }
0xbc: {  	_ =	sfence  }
0xbd: {  	s30 =	sld [smem:$0x0];
	_ =	sdelay $0x2  }
0xbe: {  	s31 =	sshll.u32 s1, $0xD;
	s1 =	sshrl.u32 s1, $0x2  }
0xbf: {  	s3 =	sand.u32 $0x4000, s31;
	s1 =	sadd.s32 s1, s30  }
0xc0: {  	s0 =	sor.u32 s3, s0;
	s1 =	sshll.u32 s1, $0x11  }
0xc1: {  	s0 =	sor.u32 s1, s0  }
0xc2: {  	s0 =	sadd.s32 $0x8F2B, s0  }
0xc3: {  	[sflag:s0] =	ssyncadd.remote.s32 $0x1  }
0xc4: {  	_ =	sfence.sel $0xFFFF  }
0xc5: {  	[dreg:$0x0] =	wrdreg $0xFFFFFFFF;
	(pc) =	sbr.abs _section_cstart, $3  }
0xc6: {  	[dreg:$0x1] =	wrdreg $0xFFFFFFFF  }
0xc7: {  	_ =	task.clear_ibuf [dreg:s8], $0x2FFFF;
	_ =	strace $0x9FFFFFFF  }
0xc8: {  	(tm) =	ssettm $0x7FFFFFFF  }
0xc9: {  	_ =	shalt  }
tec
execute0_lowered:
.L_overlay_start_1:
0x0: {  	(tag) =	ssettag $0x1  }
0x1: {  	s1 =	srdreg.scid;
	s0 =	stileid.u32  }
0x2: {  	s3 =	rddreg [dreg:$0x0];
	s5 =	sand.u32 $0x1, s1;
	s2 =	sshll.u32 s0, $0x1  }
0x3: {  	s4 =	rddreg [dreg:$0x1];
	s6 =	sor.u32 s5, s2  }
0x4: {  	s2 =	simm.s32 $0x0;
	s5 =	ssub.s32 $0x2, s5;
	s7 =	smul.u32 $0x24C, s6  }
0x5: {  	[smem:$0x7FF] =	sst s2;
	s8 =	sshrl.u32 s5, $0x1;
	s6 =	smul.u32 $0x620, s6  }
0x6: {  	s1 =	rddreg [dreg:$0x2];
	_ =	strace $0x80000047;
	s5 =	ssub.s32 s5, s8  }
0x7: {  	s8 =	simm.s32 $0x0;
	s3 =	sadd.s32 s3, s7;
	s4 =	sadd.s32 s4, s6  }
0x8: {  	v0 =	vlaneseq.u32;
	s5 =	smax.u32 s5, $0x1;
	s6 =	simm.s32 $0x1;
	s7 =	simm.s32 $0x1260  }
.LBB2_1:
0x9: {  	s10 =	simm.s32 $0x20  }
0xa: {  	s9 =	simm.s32 $0x30;
	v2 =	vor.u32 s10, v0  }
0xb: {  	s25 =	simm.s32 $0x0;
	v1 =	vor.u32 s9, v0;
	v6 =	vmul.u32 $0x3, v2  }
0xc: {  	s26 =	simm.s32 $0x10;
	v4 =	vor.u32 s25, v0;
	v3 =	vmul.u32 $0x3, v1  }
0xd: {  	[tilespmem:s2], [sflag:$0x1] =	stream.linear.gather [hbm4b:s3+s2], $0x1260, $0x38;
	v5 =	vor.u32 s26, v0;
	v7 =	vmul.u32 $0x3, v4;
	[tilespmem:$0x4360] =	vst v63  }
0xe: {  	_ =	swait.ge [sflag:s6], $0x1260;
	v8 =	vmul.u32 $0x3, v5  }
0xf: {  	[sflag:s6] =	ssyncset.done $0x0  }
0x10: {  	s28 =	simm.s32 $0x70;
	s29 =	simm.s32 $0x60;
	[sflag:s6] =	ssyncadd.s32 $0xFFFFEDA0  }
0x11: {  	v20 =	vor.u32 s28, v0;
	v32 =	vor.u32 s29, v0;
	v31 =	vshll.u32 v2, $0x3;
	v15 =	vld.idx.msk [tilespmem:v6+s2+$0x0], $0xffff  }
0x12: {  	s31 =	simm.s32 $0x50;
	v10 =	vshll.u32 v5, $0x3;
	v11 =	vshll.u32 v1, $0x3;
	v18 =	vadd.s32 $0x1, v6;
	v5 =	vld.idx.msk [tilespmem:v3+s2+$0x0], $0xffff  }
0x13: {  	v21 =	vor.u32 s31, v0;
	v9 =	vshll.u32 v4, $0x3;
	v14 =	vadd.s32 $0x1, v3;
	v17 =	vld.idx.msk [tilespmem:v7+s2+$0x0], $0xffff  }
0x14: {  	s30 =	simm.s32 $0x40;
	v12 =	vadd.s32 $0x1, v8;
	v16 =	vadd.s32 $0x1, v7;
	v4 =	vadd.s32 $0x2, v7;
	v19 =	vld.idx.msk [tilespmem:v8+s2+$0x0], $0xffff  }
0x15: {  	v1 =	vadd.s32 $0x2, v8;
	v7 =	vmul.u32 $0x3, v20;
	v8 =	vor.u32 s30, v0  }
0x16: {  	v33 =	vmul.u32 $0x3, v21;
	v30 =	vor.u32 $0x1, v9;
	v29 =	vmul.u32 $0x3, v8;
	[tilespmem:v31+s7+$0x0] =	vst.idx.msk $0xffff, v15  }
0x17: {  	v2 =	vor.u32 $0x1, v10;
	v35 =	vor.u32 $0x1, v31;
	[tilespmem:v11+s7+$0x0] =	vst.idx.msk $0xffff, v5;
	v5 =	vmul.u32 $0x3, v32;
	v34 =	vld.idx.msk [tilespmem:v18+s2+$0x0], $0xffff  }
0x18: {  	v27 =	vor.u32 $0x1, v11;
	v13 =	vadd.s32 $0x2, v3;
	v20 =	vshll.u32 v20, $0x3;
	[tilespmem:v9+s7+$0x0] =	vst.idx.msk $0xffff, v17;
	v28 =	vld.idx.msk [tilespmem:v14+s2+$0x0], $0xffff  }
0x19: {  	v37 =	vadd.s32 $0x2, v6;
	v3 =	vor.u32 $0x2, v11;
	v6 =	vor.u32 $0x1, v20;
	[tilespmem:v10+s7+$0x0] =	vst.idx.msk $0xffff, v19;
	v36 =	vld.idx.msk [tilespmem:v16+s2+$0x0], $0xffff  }
0x1a: {  	v23 =	vadd.s32 $0x2, v29;
	v15 =	vshll.u32 v8, $0x3;
	v17 =	vshll.u32 v21, $0x3;
	v25 =	vld.idx.msk [tilespmem:v12+s2+$0x0], $0xffff  }
0x1b: {  	v19 =	vadd.s32 $0x1, v7;
	v21 =	vadd.s32 $0x2, v33;
	v8 =	vor.u32 $0x2, v20;
	v24 =	vld.idx.msk [tilespmem:v7+s2+$0x0], $0xffff  }
0x1c: {  	v31 =	vor.u32 $0x2, v31;
	v14 =	vor.u32 $0x2, v9;
	v18 =	vadd.s32 $0x1, v29;
	v29 =	vld.idx.msk [tilespmem:v29+s2+$0x0], $0xffff;
	[tilespmem:v35+s7+$0x0] =	vst.idx.msk $0xffff, v34  }
0x1d: {  	v9 =	vor.u32 $0x2, v10;
	v16 =	vadd.s32 $0x1, v33;
	v10 =	vor.u32 $0x1, v15;
	v26 =	vld.idx.msk [tilespmem:v5+s2+$0x0], $0xffff;
	[tilespmem:v27+s7+$0x0] =	vst.idx.msk $0xffff, v28  }
0x1e: {  	v22 =	vor.u32 $0x1, v17;
	v27 =	vshll.u32 v32, $0x3;
	v32 =	vadd.s32 $0x1, v5;
	[tilespmem:v30+s7+$0x0] =	vst.idx.msk $0xffff, v36;
	v30 =	vld.idx.msk [tilespmem:v33+s2+$0x0], $0xffff  }
0x1f: {  	s11 =	simm.s32 $0xB0;
	s10 =	simm.s32 $0x4;
	v7 =	vadd.s32 $0x2, v7;
	v11 =	vor.u32 $0x2, v15;
	v12 =	vor.u32 $0x2, v17;
	v28 =	vld.idx.msk [tilespmem:v37+s2+$0x0], $0xffff  }
.LBB2_2:
0x20: {  	s9 =	sadd.s32 $0xFFFFFFE0, s11;
	s12 =	sadd.s32 $0xFFFFFFF0, s11;
	v33 =	vor.u32 s11, v0;
	s10 =	sadd.s32 $0x4, s10;
	v34 =	vld.idx.msk [tilespmem:v4+s2+$0x0], $0xffff;
	[tilespmem:v2+s7+$0x0] =	vst.idx.msk $0xffff, v25;
	v2 =	vmovc v22;
	v4 =	vmov v23;
	v35 =	vmov v27  }
0x21: {  	s13 =	sadd.s32 $0xFFFFFFD0, s11;
	v22 =	vor.u32 s9, v0;
	v36 =	vor.u32 s12, v0;
	v37 =	vmul.u32 $0x3, v33;
	p0 =	slt.u32 s10, $0x5C;
	[tilespmem:v20+s7+$0x0] =	vst.idx.msk $0xffff, v24;
	v38 =	vld.idx.msk [tilespmem:v1+s2+$0x0], $0xffff;
	v1 =	vmovc v21  }
0x22: {  	v20 =	vor.u32 s13, v0;
	v39 =	vmul.u32 $0x3, v22;
	v40 =	vmul.u32 $0x3, v36;
	[tilespmem:v27+s7+$0x0] =	vst.idx.msk $0xffff, v26;
	v27 =	vld.idx.msk [tilespmem:v19+s2+$0x0], $0xffff  }
0x23: {  	v41 =	vmul.u32 $0x3, v20;
	v21 =	vshll.u32 v22, $0x3;
	[tilespmem:v15+s7+$0x0] =	vst.idx.msk $0xffff, v29;
	v15 =	vshll.u32 v20, $0x3;
	v32 =	vld.idx.msk [tilespmem:v32+s2+$0x0], $0xffff  }
0x24: {  	v42 =	vor.u32 $0x1, v35;
	s9 =	simm.s32 $0x600;
	v20 =	vshll.u32 v33, $0x3;
	v26 =	vadd.s32 $0x1, v39;
	v33 =	vld.idx.msk [tilespmem:v18+s2+$0x0], $0xffff;
	[tilespmem:v31+s7+$0x0] =	vst.idx.msk $0xffff, v28  }
0x25: {  	v19 =	vadd.s32 $0x1, v37;
	v18 =	vadd.s32 $0x1, v41;
	v28 =	vadd.s32 $0x2, v5;
	v5 =	vmovc v40;
	[tilespmem:v17+s7+$0x0] =	vst.idx.msk $0xffff, v30;
	v43 =	vld.idx.msk [tilespmem:v13+s2+$0x0], $0xffff  }
0x26: {  	v22 =	vor.u32 $0x1, v21;
	v30 =	vor.u32 $0x1, v15;
	v13 =	vor.u32 $0x1, v20;
	v17 =	vmovc v21;
	v25 =	vld.idx.msk [tilespmem:v16+s2+$0x0], $0xffff;
	[tilespmem:v14+s7+$0x0] =	vst.idx.msk $0xffff, v34  }
.Ltmp0:
0x27: {  	v23 =	vadd.s32 $0x2, v41;
	v31 =	vadd.s32 $0x2, v37;
	v21 =	vadd.s32 $0x2, v39;
	v16 =	vmovc v26;
	v24 =	vld.idx.msk [tilespmem:v37+s2+$0x0], $0xffff;
	[tilespmem:v9+s7+$0x0] =	vst.idx.msk $0xffff, v38;
	(pc) =	sbr.rel @p0 .LBB2_2-.Ltmp0, $4  }
0x28: {  	v34 =	vor.u32 $0x2, v17;
	v38 =	vor.u32 $0x2, v15;
	v37 =	vor.u32 $0x2, v20;
	v26 =	vld.idx.msk [tilespmem:v40+s2+$0x0], $0xffff;
	[tilespmem:v6+s7+$0x0] =	vst.idx.msk $0xffff, v27;
	v6 =	vmovc v13  }
0x29: {  	v14 =	vmovc v11;
	v27 =	vshll.u32 v36, $0x3;
	v13 =	vmov v7;
	v7 =	vmov v31;
	v29 =	vld.idx.msk [tilespmem:v41+s2+$0x0], $0xffff;
	[tilespmem:v42+s7+$0x0] =	vst.idx.msk $0xffff, v32  }
0x2a: {  	v9 =	vmovc v12;
	v11 =	vmov v38;
	v32 =	vadd.s32 $0x1, v5;
	[tilespmem:v10+s7+$0x0] =	vst.idx.msk $0xffff, v33;
	v28 =	vld.idx.msk [tilespmem:v28+s2+$0x0], $0xffff;
	v10 =	vmov v30  }
0x2b: {  	s11 =	sadd.s32 $0x40, s11;
	v12 =	vmovc v34;
	v31 =	vor.u32 $0x2, v35;
	v30 =	vld.idx.msk [tilespmem:v39+s2+$0x0], $0xffff;
	[tilespmem:v3+s7+$0x0] =	vst.idx.msk $0xffff, v43;
	v3 =	vmov v8;
	v8 =	vmov v37  }
0x2c: {  	_ =	sdelay $0x3  }
0x2d: {  	[tilespmem:v2+s7+$0x0] =	vst.idx.msk $0xffff, v25  }
0x2e: {  	v2 =	vld.idx.msk [tilespmem:v4+s2+$0x0], $0xffff;
	[tilespmem:v20+s7+$0x0] =	vst.idx.msk $0xffff, v24  }
0x2f: {  	v61 =	vld.idx.msk [tilespmem:v19+s2+$0x0], $0xffff  }
0x30: {  	[tilespmem:v27+s7+$0x0] =	vst.idx.msk $0xffff, v26;
	v1 =	vld.idx.msk [tilespmem:v1+s2+$0x0], $0xffff  }
0x31: {  	v60 =	vor.u32 $0x1, v27;
	[tilespmem:v15+s7+$0x0] =	vst.idx.msk $0xffff, v29;
	v59 =	vld.idx.msk [tilespmem:v32+s2+$0x0], $0xffff  }
0x32: {  	v5 =	vadd.s32 $0x2, v5;
	v18 =	vld.idx.msk [tilespmem:v18+s2+$0x0], $0xffff;
	[tilespmem:v17+s7+$0x0] =	vst.idx.msk $0xffff, v30  }
0x33: {  	v16 =	vld.idx.msk [tilespmem:v16+s2+$0x0], $0xffff;
	[tilespmem:v14+s7+$0x0] =	vst.idx.msk $0xffff, v2  }
0x34: {  	[tilespmem:v6+s7+$0x0] =	vst.idx.msk $0xffff, v61  }
0x35: {  	v2 =	vld.idx.msk [tilespmem:v13+s2+$0x0], $0xffff;
	[tilespmem:v9+s7+$0x0] =	vst.idx.msk $0xffff, v1  }
0x36: {  	[tilespmem:v60+s7+$0x0] =	vst.idx.msk $0xffff, v59;
	v1 =	vld.idx.msk [tilespmem:v7+s2+$0x0], $0xffff  }
0x37: {  	v62 =	vor.u32 $0x2, v27;
	[tilespmem:v10+s7+$0x0] =	vst.idx.msk $0xffff, v18;
	v4 =	vld.idx.msk [tilespmem:v5+s2+$0x0], $0xffff  }
0x38: {  	v10 =	vld.idx.msk [tilespmem:v23+s2+$0x0], $0xffff;
	[tilespmem:v22+s7+$0x0] =	vst.idx.msk $0xffff, v16  }
0x39: {  	[tilespmem:v31+s7+$0x0] =	vst.idx.msk $0xffff, v28;
	v63 =	vld.idx.msk [tilespmem:v21+s2+$0x0], $0xffff  }
0x3a: {  	[tilespmem:v3+s7+$0x0] =	vst.idx.msk $0xffff, v2  }
0x3b: {  	[tilespmem:v8+s7+$0x0] =	vst.idx.msk $0xffff, v1  }
0x3c: {  	[tilespmem:v62+s7+$0x0] =	vst.idx.msk $0xffff, v4  }
0x3d: {  	[tilespmem:v11+s7+$0x0] =	vst.idx.msk $0xffff, v10  }
0x3e: {  	[tilespmem:v12+s7+$0x0] =	vst.idx.msk $0xffff, v63  }
.LBB2_4:
0x3f: {  	v1 =	vor.u32 s9, v0  }
0x40: {  	v2 =	vmul.u32 $0x3, v1;
	_ =	sdelay $0x5  }
0x41: {  	v1 =	vshll.u32 v1, $0x3;
	v3 =	vld.idx.msk [tilespmem:v2+s2+$0x0], $0xffff  }
0x42: {  	v4 =	vadd.s32 $0x1, v2;
	_ =	sdelay $0x3  }
0x43: {  	[tilespmem:v1+s7+$0x0] =	vst.idx.msk $0xffff, v3  }
0x44: {  	v63 =	vor.u32 $0x1, v1;
	v3 =	vld.idx.msk [tilespmem:v4+s2+$0x0], $0xffff  }
0x45: {  	v2 =	vadd.s32 $0x2, v2;
	_ =	sdelay $0x3  }
0x46: {  	[tilespmem:v63+s7+$0x0] =	vst.idx.msk $0xffff, v3  }
0x47: {  	p0 =	sne.s32 s9, $0x610;
	v1 =	vor.u32 $0x2, v1;
	v2 =	vld.idx.msk [tilespmem:v2+s2+$0x0], $0xffff  }
.Ltmp1:
0x48: {  	_ = 	snop;
	(pc) =	sbr.rel @p0 .LBB2_4-.Ltmp1, $2  }
0x49: {  	_ =	sdelay $0x2  }
0x4a: {  	s9 =	sadd.s32 $0x10, s9;
	[tilespmem:v1+s7+$0x0] =	vst.idx.msk $0xffff, v2  }
0x4b: {  	s8 =	sadd.s32 $0x1, s8  }
0x4c: {  	p0 =	sne.s32 s8, s5  }
.Ltmp2:
0x4d: {  	_ = 	snop;
	(pc) =	sbr.rel @p0 .LBB2_1-.Ltmp2, $4  }
0x4e: {  	[hbm4b:s4+s2] =	stream.linear.scatter [tilespmem:s7], [sflag:$0x1], $0x3100, $0x38;
	[tilespmem:$0x4360] =	vst v63  }
0x4f: {  	_ =	swait.ge [sflag:s6], $0x3100  }
0x50: {  	[sflag:s6] =	ssyncset.done $0x0  }
0x51: {  	[sflag:s6] =	ssyncadd.s32 $0xFFFFCF00  }
0x52: {  	_ =	sfence.sel $0x180000  }
0x53: {  	[bflag:$0x0] =	sbarrier.arrive $0xFFFF  }
0x54: {  	p0 =	sne.s32 s0, $0x0;
	_ =	strace $0x90000047  }
0x55: {  	s0 =	sadd.s32 @!p0 $0x100000, s1;
	[bflag:$0x2] =	sbarrier.arrive $0xFFFF  }
0x56: {  	[sflag:s0] =	ssyncadd.tile.s32 @!p0 $0x1;
	_ =	shalt  }
.Lfunc_end2:
_tile_overlayer_lowered:
.L_overlay_start_2:
0x57: {  	(tag) =	ssettag $0x2  }
0x58: {  	s0 =	rddreg [dreg:$0x0];
	s2 =	stileid.u32  }
0x59: {  	s1 =	rddreg [dreg:$0x1];
	p0 =	sne.s32 s2, $0x0  }
0x5a: {  	s3 =	rddreg [dreg:$0x2];
	[bflag:$0x3] =	sbarrier.arrive $0xFFFF;
	s2 =	simm.s32 @!p0 $0x1C01  }
0x5b: {  	[timem:s3], [sflag:s2] =	dma.local @!p0 [hbm:s0], s1  }
0x5c: {  	s0 =	simm.s32 @!p0 $0x1  }
0x5d: {  	_ =	swait.ge @!p0 [sflag:s0], s1  }
0x5e: {  	s1 =	ssub.s32 @!p0 $0x0, s1;
	[sflag:s0] =	ssyncset.done @!p0 $0x0  }
0x5f: {  	[sflag:s0] =	ssyncadd.s32 @!p0 s1  }
0x60: {  	[bflag:$0x3] =	sbarrier.arrive $0xFFFF  }
0x61: {  	_ =	shalt  }

// kernel: kernel.8.cloned.1.call-start
scs
__scs_entry_jumppad:
0x0: {  	(pc) =	sbr.rel $0x88, $3  }
0x1: {  	(tag) =	ssettag $0x0;
	lr =	simm.s32 $0x1  }
0x2: {  	[smem:$0x3F9D] =	sst lr;
	_ =	strace $0xD0000000  }
0x3: {  	_ = 	snop  }
0x4: {  	_ = 	snop  }
0x5: {  	_ = 	snop  }
0x6: {  	_ = 	snop  }
0x7: {  	_ = 	snop  }
__scs_overlays_trampoline_lowered:
0x8: {  	[smem:$0x3FAC] =	sst s0  }
0x9: {  	[smem:$0x3FAD] =	sst s1  }
0xa: {  	[smem:$0x3FAE] =	sst s2  }
0xb: {  	[smem:$0x3FAF] =	sst s3  }
0xc: {  	[smem:$0x3FB0] =	sst s4  }
0xd: {  	[smem:$0x3FB1] =	sst s5  }
0xe: {  	[smem:$0x3FB2] =	sst s6  }
0xf: {  	[smem:$0x3FB3] =	sst s7  }
0x10: {  	[smem:$0x3FB4] =	sst s8  }
0x11: {  	[smem:$0x3FB5] =	sst s9;
	s0 =	simm.s32 @!p0 $0x0  }
0x12: {  	s1 =	sld [smem:$0x3F9B];
	s0 =	simm.s32 @p0 $0x1  }
0x13: {  	[smem:$0x3FB6] =	sst s0;
	s0 =	simm.s32 @!p1 $0x0  }
0x14: {  	s2 =	sld [smem:$0x3F9A];
	s0 =	simm.s32 @p1 $0x1  }
0x15: {  	[smem:$0x3FB7] =	sst s0;
	s0 =	simm.s32 @!p2 $0x0  }
0x16: {  	s3 =	sld [smem:$0x3FDB];
	s0 =	simm.s32 @p2 $0x1  }
0x17: {  	s4 =	simm.s32 $0x1BF5;
	[smem:$0x3FB9] =	sst s0  }
0x18: {  	s0 =	sld [smem:$0x3F9C];
	_ =	swait.ge [sflag:s4], $0x0  }
0x19: {  	s7 =	sld [smem:$0x3F9D]  }
0x1a: {  	s8 =	sadd.s32 $0xFFFFE003, lr  }
0x1b: {  	s9 =	sadd.s32 $0xFFFFFEF7, lr;
	s5 =	simm.s32 $0xFFFFFFFF;
	p2 =	slt.u32 s8, $0xFFFFF086  }
0x1c: {  	p1 =	slt.u32 s9, $0xF7A;
	s5 =	simm.s32 @!p2 $0x0  }
0x1d: {  	s5 =	simm.s32 @p1 $0x1;
	p0 =	seq.s32 s7, s2  }
0x1e: {  	s7 =	smul.u32 @!p0 $0xF7A, s2;
	p2 =	seq.s32 @!p0 s5, $0x0  }
0x1f: {  	s9 =	smul.u32 $0xF7A, s1;
	s8 =	simm.s32 @!p0 $0x1BF5;
	p2 =	por !p2, p0  }
0x20: {  	[sflag:s8] =	ssyncset.s32 @!p0 $0xFFFFF086;
	s6 =	sadd.s32 @!p0 s3, s7;
	s7 =	simm.s32 @!p0 $0x108  }
0x21: {  	s3 =	sadd.s32 s3, s9;
	s6 =	sadd.s32 @!p0 $0x88, s6;
	s7 =	simm.s32 @p2 $0x1082  }
0x22: {  	[simem:s7], [sflag:s8] =	dma.local @!p0 [hbm:s6], $0xF7A  }
0x23: {  	s9 =	sor.u32 $0xD0000000, s2;
	s6 =	simm.s32 $0x108;
	_ =	swait.ge @!p0 [sflag:s8], $0x0  }
0x24: {  	s3 =	sadd.s32 $0x88, s3;
	s6 =	simm.s32 @!p1 $0x1082;
	[sflag:s4] =	ssyncset.s32 $0xFFFFF086  }
0x25: {  	[simem:s6], [sflag:s4] =	dma.local [hbm:s3], $0xF7A  }
0x26: {  	[smem:$0x3F9D] =	sst s1;
	(tag) =	ssettag s2;
	_ =	strace s9  }
0x27: {  	s1 =	sld [smem:$0x3FAD]  }
0x28: {  	s2 =	sld [smem:$0x3FAE]  }
0x29: {  	s4 =	sld [smem:$0x3FB0]  }
0x2a: {  	p0 =	seq.s32 s5, $0x0;
	s5 =	sld [smem:$0x3FB1]  }
0x2b: {  	s6 =	sld [smem:$0x3FB2]  }
0x2c: {  	s7 =	sld [smem:$0x3FB3]  }
0x2d: {  	s3 =	simm.s32 $0x108;
	s8 =	sld [smem:$0x3FB4]  }
0x2e: {  	s3 =	simm.s32 @!p0 $0x1082;
	s9 =	sld [smem:$0x3FB5]  }
0x2f: {  	lr =	sadd.s32 s0, s3;
	s0 =	sld [smem:$0x3FAC]  }
0x30: {  	s3 =	sld [smem:$0x3FAF]  }
0x31: {  	[smem:$0x3FB8] =	sst s10  }
0x32: {  	s10 =	sld [smem:$0x3FB6];
	_ =	sdelay $0x3  }
0x33: {  	p0 =	seq.s32 s10, $0x1;
	s10 =	sld [smem:$0x3FB8];
	_ =	sdelay $0x3  }
0x34: {  	[smem:$0x3FB8] =	sst s10  }
0x35: {  	s10 =	sld [smem:$0x3FB7];
	_ =	sdelay $0x3  }
0x36: {  	p1 =	seq.s32 s10, $0x1;
	s10 =	sld [smem:$0x3FB8];
	_ =	sdelay $0x3  }
0x37: {  	[smem:$0x3FB8] =	sst s10  }
0x38: {  	s10 =	sld [smem:$0x3FB9]  }
0x39: {  	_ = 	snop;
	(pc) =	sbr.ind lr, $3  }
0x3a: {  	_ = 	snop  }
0x3b: {  	_ = 	snop  }
0x3c: {  	p2 =	seq.s32 s10, $0x1;
	s10 =	sld [smem:$0x3FB8]  }
0x3d: {  	_ =	shalt  }
0x3e: {  	_ =	shalt  }
0x3f: {  	_ =	shalt  }
0x40: {  	_ =	shalt  }
0x41: {  	_ =	shalt  }
0x42: {  	_ =	shalt  }
0x43: {  	_ =	shalt  }
0x44: {  	_ =	shalt  }
0x45: {  	_ =	shalt  }
0x46: {  	_ =	shalt  }
0x47: {  	_ =	shalt  }
0x48: {  	_ =	shalt  }
0x49: {  	_ =	shalt  }
0x4a: {  	_ =	shalt  }
0x4b: {  	_ =	shalt  }
0x4c: {  	_ =	shalt  }
0x4d: {  	_ =	shalt  }
0x4e: {  	_ =	shalt  }
0x4f: {  	_ =	shalt  }
0x50: {  	_ =	shalt  }
0x51: {  	_ =	shalt  }
0x52: {  	_ =	shalt  }
0x53: {  	_ =	shalt  }
0x54: {  	_ =	shalt  }
0x55: {  	_ =	shalt  }
0x56: {  	_ =	shalt  }
0x57: {  	_ =	shalt  }
0x58: {  	_ =	shalt  }
0x59: {  	_ =	shalt  }
0x5a: {  	_ =	shalt  }
0x5b: {  	_ =	shalt  }
0x5c: {  	_ =	shalt  }
0x5d: {  	_ =	shalt  }
0x5e: {  	_ =	shalt  }
0x5f: {  	_ =	shalt  }
0x60: {  	_ =	shalt  }
0x61: {  	_ =	shalt  }
0x62: {  	_ =	shalt  }
0x63: {  	_ =	shalt  }
0x64: {  	_ =	shalt  }
0x65: {  	_ =	shalt  }
0x66: {  	_ =	shalt  }
0x67: {  	_ =	shalt  }
0x68: {  	_ =	shalt  }
0x69: {  	_ =	shalt  }
0x6a: {  	_ =	shalt  }
0x6b: {  	_ =	shalt  }
0x6c: {  	_ =	shalt  }
0x6d: {  	_ =	shalt  }
0x6e: {  	_ =	shalt  }
0x6f: {  	_ =	shalt  }
0x70: {  	_ =	shalt  }
0x71: {  	_ =	shalt  }
0x72: {  	_ =	shalt  }
0x73: {  	_ =	shalt  }
0x74: {  	_ =	shalt  }
0x75: {  	_ =	shalt  }
0x76: {  	_ =	shalt  }
0x77: {  	_ =	shalt  }
0x78: {  	_ =	shalt  }
0x79: {  	_ =	shalt  }
0x7a: {  	_ =	shalt  }
0x7b: {  	_ =	shalt  }
0x7c: {  	_ =	shalt  }
0x7d: {  	_ =	shalt  }
0x7e: {  	_ =	shalt  }
0x7f: {  	_ =	shalt  }
0x80: {  	_ =	shalt  }
0x81: {  	_ =	shalt  }
0x82: {  	_ =	shalt  }
0x83: {  	_ =	shalt  }
0x84: {  	_ =	shalt  }
0x85: {  	_ =	shalt  }
0x86: {  	_ =	shalt  }
0x87: {  	_ =	shalt  }
.Lfunc_end0:
.L_simem_size_0:
called_computation.1_lowered:
.L_overlay_start_0:
0x88: {  	s2 =	sld [smem:$0x3FD9]  }
0x89: {  	s3 =	sld [smem:$0x3FFE];
	_ =	sdelay $0x1  }
0x8a: {  	s1 =	srdreg.scid  }
0x8b: {  	s0 =	sand.u32 $0x1, s1  }
0x8c: {  	s14 =	sshll.u32 s0, $0xA;
	s2 =	sadd.s32 s3, s2  }
0x8d: {  	s2 =	sadd.s32 s2, s14  }
0x8e: {  	[smem:$0x3FC4] =	sst s2  }
0x8f: {  	_ = 	snop  }
0x90: {  	s2 =	sld [smem:$0x3FD0];
	_ =	sdelay $0x2  }
0x91: {  	s15 =	simm.s32 $0xA;
	s4 =	simm.s32 $0x10  }
0x92: {  	[smem:s4], [sflag:s15] =	dma.local [hbm:s2], $0x1  }
0x93: {  	_ =	swait.eq [sflag:s15], $0x1  }
0x94: {  	[sflag:s15] =	ssyncset.done $0x0  }
0x95: {  	s16 =	sld [smem:$0x11];
	[sflag:s15] =	ssyncadd.s32 $0xFFFFFFFF  }
0x96: {  	s17 =	sld [smem:$0x12];
	(tm) =	ssettm $0x1  }
0x97: {  	s18 =	sld [smem:$0x3FFB];
	_ =	sdelay $0x3  }
0x98: {  	_ =	strace s18  }
0x99: {  	s4 =	sld [smem:$0x3FFC];
	_ =	sdelay $0x3  }
0x9a: {  	_ =	strace s4  }
0x9b: {  	s4 =	sld [smem:$0x3FFD];
	_ =	sdelay $0x3  }
0x9c: {  	_ =	strace s4  }
0x9d: {  	_ =	strace $0x8FFFFFFF  }
0x9e: {  	s19 =	sld [smem:$0x3FDB];
	_ =	sdelay $0x1  }
0x9f: {  	s5 =	simm.s32 $_scs_section_size  }
0xa0: {  	s6 =	simm.s32 $_size__tile_overlayer_lowered;
	s7 =	simm.s32 $_tile_overlayer_lowered  }
0xa1: {  	s22 =	simm.s32 $0x1BFF;
	s21 =	sshll.u32 s7, $0x1;
	s4 =	sadd.s32 s5, s19  }
0xa2: {  	s8 =	simm.s32 $0x0;
	s20 =	sshll.u32 s6, $0x1;
	s6 =	sadd.s32 s21, s4  }
0xa3: {  	[timem:s8], [sflag:s22] =	dma.local [hbm:s6], s20  }
0xa4: {  	_ =	swait.ge [sflag:s22], s20  }
0xa5: {  	s5 =	ssub.s32 $0x0, s20;
	[sflag:s22] =	ssyncset.done $0x0  }
0xa6: {  	[sflag:s22] =	ssyncadd.s32 s5;
	_ =	sdelay $0x1  }
0xa7: {  	s23 =	simm.s32 $0x1B8B  }
0xa8: {  	_ =	swait.ge [sflag:s23], $0x1  }
0xa9: {  	[sflag:s23] =	ssyncset.done $0x0  }
0xaa: {  	s25 =	simm.s32 $0x1B8E;
	s24 =	sld [smem:$0x3FFE];
	[sflag:s23] =	ssyncadd.s32 $0xFFFFFFFF  }
0xab: {  	s26 =	simm.s32 $execute0_lowered;
	[smem:$0x3FD2] =	sst s25  }
0xac: {  	s6 =	sshll.u32 s26, $0x1;
	_ =	strace $0x80000049;
	[dreg:$0x1] =	wrdreg $0xFFFFFFFF  }
0xad: {  	s28 =	simm.s32 $_size_execute0_lowered;
	s4 =	sadd.s32 s4, s6;
	[dreg:$0x0] =	wrdreg $0x0  }
0xae: {  	s6 =	sshll.u32 s28, $0x1;
	[dreg:$0x2] =	wrdreg s4  }
0xaf: {  	[dreg:$0x3] =	wrdreg s6  }
0xb0: {  	[dreg:$0x4] =	wrdreg $0xC0  }
0xb1: {  	_ =	task [dreg:s8], $0x5FFFF  }
0xb2: {  	[dreg:$0x1] =	wrdreg $0xFFFFFFFF  }
0xb3: {  	[dreg:$0x0] =	wrdreg $0x60  }
0xb4: {  	[dreg:$0x2] =	wrdreg s16  }
0xb5: {  	[dreg:$0x3] =	wrdreg s17  }
0xb6: {  	[dreg:$0x4] =	wrdreg s24  }
0xb7: {  	[dreg:$0x5] =	wrdreg $0x9  }
0xb8: {  	_ =	task.clear_ibuf [dreg:s8], $0x6FFFF;
	_ =	strace $0x90000049  }
0xb9: {  	s29 =	simm.s32 $0x9;
	_ =	strace $0x8000004B  }
0xba: {  	_ =	swait.ge [sflag:s29], $0x1  }
0xbb: {  	[sflag:s29] =	ssyncadd.s32 $0xFFFFFFFF  }
0xbc: {  	_ =	strace $0x9000004B  }
0xbd: {  	_ =	sfence  }
0xbe: {  	s30 =	sld [smem:$0x0];
	_ =	sdelay $0x2  }
0xbf: {  	s31 =	sshll.u32 s1, $0xD;
	s1 =	sshrl.u32 s1, $0x2  }
0xc0: {  	s3 =	sand.u32 $0x4000, s31;
	s1 =	sadd.s32 s1, s30  }
0xc1: {  	s0 =	sor.u32 s3, s0;
	s1 =	sshll.u32 s1, $0x11  }
0xc2: {  	s0 =	sor.u32 s1, s0  }
0xc3: {  	s0 =	sadd.s32 $0x8F2B, s0  }
0xc4: {  	[sflag:s0] =	ssyncadd.remote.s32 $0x1  }
0xc5: {  	_ =	sfence.sel $0xFFFF  }
0xc6: {  	[dreg:$0x0] =	wrdreg $0xFFFFFFFF;
	(pc) =	sbr.abs _section_cstart, $3  }
0xc7: {  	[dreg:$0x1] =	wrdreg $0xFFFFFFFF  }
0xc8: {  	_ =	task.clear_ibuf [dreg:s8], $0x2FFFF;
	_ =	strace $0x9FFFFFFF  }
0xc9: {  	(tm) =	ssettm $0x7FFFFFFF  }
tec
execute0_lowered:
.L_overlay_start_1:
0x0: {  	(tag) =	ssettag $0x1  }
0x1: {  	s4 =	rddreg [dreg:$0x0]  }
0x2: {  	s2 =	rddreg [dreg:$0x1];
	s1 =	srdreg.scid;
	v4 =	vlaneseq.u32;
	v3 =	vimm.s32 $0x74163052  }
0x3: {  	s0 =	stileid.u32;
	s5 =	rddreg [dreg:$0x2];
	s3 =	simm.s32 $0x0;
	v0 =	vmul.u32 $0x3, v4;
	v7 =	vunpack.c.l.s4.s8 v3;
	v3 =	vmul.u32 $0x10, v4  }
0x4: {  	v1 =	vimm.s32 $0x52741630;
	s6 =	sand.u32 $0x1, s1;
	s7 =	sshll.u32 s0, $0x1;
	[smem:$0x7FF] =	sst s3  }
0x5: {  	v2 =	vimm.s32 $0x63052741;
	s1 =	rddreg [dreg:$0x3];
	v1 =	vunpack.c.l.s4.s8 v1;
	s7 =	sor.u32 s6, s7;
	_ =	strace $0x8000004A;
	[tilespmem:$0x1FF90] =	vst v3;
	v60 =	vadd.s32 $0x1261, v0  }
0x6: {  	s11 =	simm.s32 $0x14AC0;
	v2 =	vunpack.c.l.s4.s8 v2;
	s6 =	ssub.s32 $0x2, s6;
	s8 =	smul.u32 $0xC400, s7;
	v63 =	vadd.s32 $0x1260, v0;
	v0 =	vadd.s32 $0x1262, v0;
	[tilespmem:$0x1FFB0] =	vst v60  }
0x7: {  	s12 =	simm.s32 $0x0;
	s9 =	smul.u32 $0x498, s7;
	s10 =	sshrl.u32 s6, $0x1;
	v1 =	vunpack.c.0.s8.s32 v1;
	[tilespmem:$0x1FFC0] =	vst v0  }
0x8: {  	s5 =	sadd.s32 $0x1200, s5;
	s7 =	smul.u32 $0x1880, s7;
	v61 =	vunpack.c.0.s8.s32 v2;
	s10 =	ssub.s32 s6, s10;
	[tilespmem:$0x1FFD0] =	vst v63  }
0x9: {  	v62 =	vunpack.c.0.s8.s32 v7;
	s8 =	sshrl.u32 s8, $0x3;
	s4 =	sadd.s32 s4, s9;
	s9 =	simm.s32 $0x24C0;
	[tilespmem:$0x1FFA0] =	vst v1  }
0xa: {  	[tilespmem:$0x1FFE0] =	vst v61;
	s31 =	sadd.s32 s5, s8;
	s5 =	sadd.s32 s5, s7;
	s7 =	smax.u32 s10, $0x1  }
0xb: {  	[tilespmem:$0x1FFF0] =	vst v62;
	s8 =	simm.s32 $0x2;
	s10 =	simm.s32 $0x1;
	s6 =	sadd.s32 $0xC40, s31  }
.LBB2_1:
0xc: {  	[tilespmem:s3], [sflag:$0x2] =	stream.linear.gather [hbm4b:s4+s3], $0x24C0, $0x38;
	[tilespmem:$0x1ACC0] =	vst v63  }
0xd: {  	s13 =	simm.s32 $0x0  }
0xe: {  	s14 =	simm.s32 $0x10;
	_ =	swait.ge [sflag:s8], $0x24C0;
	v0 =	vor.u32 s13, v4  }
0xf: {  	v1 =	vor.u32 s14, v4;
	[sflag:s8] =	ssyncset.done $0x0;
	v2 =	vmul.u32 $0x18, v0  }
0x10: {  	v8 =	vmul.u32 $0x18, v1;
	[sflag:s8] =	ssyncadd.s32 $0xFFFFDB40  }
0x11: {  	[tilespmem:s9], [sflag:$0x1] =	stream.indirect.gather [hbm4b:s2+s9], $0x8, s3, s9, $0xb8;
	[tilespmem:$0x1ACC0] =	vst v63  }
0x12: {  	_ =	swait.ge [sflag:s10], $0x12600  }
0x13: {  	[sflag:s10] =	ssyncset.done $0x0  }
0x14: {  	[sflag:s10] =	ssyncadd.s32 $0xFFFEDA00  }
0x15: {  	v31 =	vshll.u32 v0, $0x4;
	v9 =	vld.idx.msk [tilespmem:v2+s9+$0x0], $0xffff  }
0x16: {  	v11 =	vshll.u32 v1, $0x4;
	v12 =	vor.u32 $0x1, v2;
	v10 =	vld.idx.msk [tilespmem:v8+s9+$0x0], $0xffff  }
0x17: {  	v13 =	vor.u32 $0x1, v8;
	_ =	sdelay $0x2  }
0x18: {  	[tilespmem:v31+s11+$0x0] =	vst.idx.msk $0xffff, v9  }
0x19: {  	[tilespmem:v11+s11+$0x0] =	vst.idx.msk $0xffff, v10;
	v10 =	vor.u32 $0x1, v31;
	v9 =	vld.idx.msk [tilespmem:v12+s9+$0x0], $0xffff  }
0x1a: {  	v2 =	vor.u32 $0x2, v2;
	v12 =	vor.u32 $0x1, v11;
	v13 =	vld.idx.msk [tilespmem:v13+s9+$0x0], $0xffff  }
0x1b: {  	v8 =	vor.u32 $0x2, v8;
	_ =	sdelay $0x2  }
0x1c: {  	[tilespmem:v10+s11+$0x0] =	vst.idx.msk $0xffff, v9  }
0x1d: {  	s25 =	simm.s32 $0x30;
	v0 =	vmul.u32 $0x3, v0;
	[tilespmem:v12+s11+$0x0] =	vst.idx.msk $0xffff, v13;
	v9 =	vor.u32 $0x2, v31;
	v2 =	vld.idx.msk [tilespmem:v2+s9+$0x0], $0xffff  }
0x1e: {  	s26 =	simm.s32 $0x20;
	v1 =	vmul.u32 $0x3, v1;
	v10 =	vor.u32 $0x2, v11;
	v13 =	vor.u32 s25, v4;
	v8 =	vld.idx.msk [tilespmem:v8+s9+$0x0], $0xffff  }
0x1f: {  	v14 =	vor.u32 s26, v4;
	v15 =	vmul.u32 $0x18, v13  }
0x20: {  	v16 =	vmul.u32 $0x18, v14;
	_ =	sdelay $0x1  }
0x21: {  	[tilespmem:v9+s11+$0x0] =	vst.idx.msk $0xffff, v2  }
0x22: {  	[tilespmem:v10+s11+$0x0] =	vst.idx.msk $0xffff, v8;
	v9 =	vor.u32 $0x9, v31;
	v10 =	vadd.s32 $0x1, v0;
	v2 =	vld.idx.msk [tilespmem:v0+s3+$0x0], $0xffff  }
0x23: {  	v18 =	vor.u32 $0x9, v11;
	v17 =	vadd.s32 $0x1, v1;
	v19 =	vld.idx.msk [tilespmem:v1+s3+$0x0], $0xffff;
	v20 =	vshll.u32 v10, $0x3  }
0x24: {  	v21 =	vshll.u32 v17, $0x3;
	v12 =	vshll.u32 v13, $0x4;
	v22 =	vld.idx.msk [tilespmem:v15+s9+$0x0], $0xffff  }
0x25: {  	v24 =	vld.idx.msk [tilespmem:v16+s9+$0x0], $0xffff;
	v23 =	vor.u32 $0x1, v15;
	v8 =	vshll.u32 v14, $0x4  }
0x26: {  	v25 =	vor.u32 $0x1, v16  }
0x27: {  	[tilespmem:v9+s11+$0x0] =	vst.idx.msk $0xffff, v2  }
0x28: {  	[tilespmem:v18+s11+$0x0] =	vst.idx.msk $0xffff, v19;
	v9 =	vor.u32 $0x3, v31;
	v2 =	vld.idx.msk [tilespmem:v20+s9+$0x0], $0xffff  }
0x29: {  	v18 =	vor.u32 $0x3, v11;
	[tilespmem:v12+s11+$0x0] =	vst.idx.msk $0xffff, v22;
	v22 =	vor.u32 $0x1, v20;
	v19 =	vld.idx.msk [tilespmem:v21+s9+$0x0], $0xffff  }
0x2a: {  	v26 =	vor.u32 $0x1, v21;
	v27 =	vor.u32 $0x1, v12;
	[tilespmem:v8+s11+$0x0] =	vst.idx.msk $0xffff, v24;
	v23 =	vld.idx.msk [tilespmem:v23+s9+$0x0], $0xffff  }
0x2b: {  	v15 =	vor.u32 $0x2, v15;
	v24 =	vld.idx.msk [tilespmem:v25+s9+$0x0], $0xffff;
	v25 =	vor.u32 $0x1, v8  }
0x2c: {  	v16 =	vor.u32 $0x2, v16  }
0x2d: {  	[tilespmem:v9+s11+$0x0] =	vst.idx.msk $0xffff, v2  }
0x2e: {  	[tilespmem:v18+s11+$0x0] =	vst.idx.msk $0xffff, v19;
	v9 =	vor.u32 $0x4, v31;
	v2 =	vld.idx.msk [tilespmem:v22+s9+$0x0], $0xffff  }
0x2f: {  	v20 =	vor.u32 $0x2, v20;
	v19 =	vor.u32 $0x4, v11;
	[tilespmem:v27+s11+$0x0] =	vst.idx.msk $0xffff, v23;
	v22 =	vld.idx.msk [tilespmem:v26+s9+$0x0], $0xffff  }
0x30: {  	v13 =	vmul.u32 $0x3, v13;
	v21 =	vor.u32 $0x2, v21;
	[tilespmem:v25+s11+$0x0] =	vst.idx.msk $0xffff, v24;
	v23 =	vor.u32 $0x2, v12;
	v15 =	vld.idx.msk [tilespmem:v15+s9+$0x0], $0xffff  }
0x31: {  	s28 =	simm.s32 $0x50;
	v16 =	vld.idx.msk [tilespmem:v16+s9+$0x0], $0xffff;
	v18 =	vmul.u32 $0x3, v14;
	v14 =	vor.u32 $0x2, v8  }
0x32: {  	s29 =	simm.s32 $0x40;
	v24 =	vor.u32 s28, v4  }
0x33: {  	v25 =	vor.u32 s29, v4;
	v26 =	vmul.u32 $0x18, v24;
	[tilespmem:v9+s11+$0x0] =	vst.idx.msk $0xffff, v2  }
0x34: {  	v2 =	vmul.u32 $0x18, v25;
	[tilespmem:v19+s11+$0x0] =	vst.idx.msk $0xffff, v22;
	v9 =	vld.idx.msk [tilespmem:v20+s9+$0x0], $0xffff;
	v20 =	vor.u32 $0x5, v31  }
0x35: {  	v22 =	vor.u32 $0x5, v11;
	[tilespmem:v23+s11+$0x0] =	vst.idx.msk $0xffff, v15;
	v21 =	vld.idx.msk [tilespmem:v21+s9+$0x0], $0xffff  }
0x36: {  	[tilespmem:v14+s11+$0x0] =	vst.idx.msk $0xffff, v16;
	v15 =	vor.u32 $0x9, v12;
	v14 =	vld.idx.msk [tilespmem:v13+s3+$0x0], $0xffff;
	_ =	sdelay $0x1  }
0x37: {  	v27 =	vor.u32 $0x9, v8;
	v19 =	vadd.s32 $0x1, v13;
	v23 =	vld.idx.msk [tilespmem:v18+s3+$0x0], $0xffff  }
0x38: {  	v34 =	vshll.u32 v24, $0x4;
	v30 =	vadd.s32 $0x1, v18;
	v16 =	vshll.u32 v19, $0x3;
	v28 =	vld.idx.msk [tilespmem:v26+s9+$0x0], $0xffff;
	[tilespmem:v20+s11+$0x0] =	vst.idx.msk $0xffff, v9  }
0x39: {  	v29 =	vshll.u32 v30, $0x3;
	v33 =	vld.idx.msk [tilespmem:v2+s9+$0x0], $0xffff;
	[tilespmem:v22+s11+$0x0] =	vst.idx.msk $0xffff, v21  }
0x3a: {  	v3 =	vadd.s32 $0x2, v1;
	v9 =	vshll.u32 v25, $0x4;
	[tilespmem:v15+s11+$0x0] =	vst.idx.msk $0xffff, v14;
	v20 =	vld.idx.msk [tilespmem:v10+s3+$0x0], $0xffff  }
0x3b: {  	v35 =	vshll.u32 v3, $0x3;
	v32 =	vor.u32 $0x1, v26;
	v22 =	vor.u32 $0xA, v31;
	v14 =	vld.idx.msk [tilespmem:v17+s3+$0x0], $0xffff;
	[tilespmem:$0x1FF00] =	vst v3  }
0x3c: {  	v0 =	vadd.s32 $0x2, v0;
	v1 =	vor.u32 $0xA, v11;
	v21 =	vor.u32 $0x1, v2;
	[tilespmem:v27+s11+$0x0] =	vst.idx.msk $0xffff, v23  }
0x3d: {  	v37 =	vor.u32 $0x3, v12;
	v17 =	vshll.u32 v0, $0x3;
	v3 =	vor.u32 $0x8, v11;
	v23 =	vld.idx.msk [tilespmem:v16+s9+$0x0], $0xffff;
	[tilespmem:v34+s11+$0x0] =	vst.idx.msk $0xffff, v28  }
0x3e: {  	v28 =	vor.u32 $0x3, v8;
	v39 =	vld.idx.msk [tilespmem:v29+s9+$0x0], $0xffff;
	[tilespmem:$0x1FF10] =	vst v3  }
0x3f: {  	v38 =	vor.u32 $0x1, v16;
	[tilespmem:v9+s11+$0x0] =	vst.idx.msk $0xffff, v33  }
0x40: {  	v40 =	vor.u32 $0x1, v34;
	v41 =	vor.u32 $0x1, v29;
	v32 =	vld.idx.msk [tilespmem:v32+s9+$0x0], $0xffff;
	[tilespmem:v22+s11+$0x0] =	vst.idx.msk $0xffff, v20  }
0x41: {  	v21 =	vld.idx.msk [tilespmem:v21+s9+$0x0], $0xffff;
	v20 =	vor.u32 $0x1, v9;
	[tilespmem:v1+s11+$0x0] =	vst.idx.msk $0xffff, v14  }
0x42: {  	v26 =	vor.u32 $0x2, v26;
	v1 =	vor.u32 $0x2, v2;
	v2 =	vor.u32 $0x6, v31;
	v43 =	vld.idx.msk [tilespmem:v17+s9+$0x0], $0xffff;
	[tilespmem:v37+s11+$0x0] =	vst.idx.msk $0xffff, v23  }
0x43: {  	v36 =	vor.u32 $0x6, v11;
	v3 =	vadd.s32 $0x2, v13;
	v23 =	vld.idx.msk [tilespmem:v35+s9+$0x0], $0xffff;
	[tilespmem:v28+s11+$0x0] =	vst.idx.msk $0xffff, v39  }
0x44: {  	v44 =	vor.u32 $0x4, v12;
	v61 =	vor.u32 $0x1, v17;
	v13 =	vld.idx.msk [tilespmem:v38+s9+$0x0], $0xffff;
	[tilespmem:$0x1FF20] =	vst v3  }
0x45: {  	v62 =	vor.u32 $0x4, v8;
	v27 =	vor.u32 $0x1, v35;
	v28 =	vld.idx.msk [tilespmem:v41+s9+$0x0], $0xffff;
	[tilespmem:v40+s11+$0x0] =	vst.idx.msk $0xffff, v32  }
0x46: {  	v16 =	vor.u32 $0x2, v16;
	[tilespmem:v20+s11+$0x0] =	vst.idx.msk $0xffff, v21  }
0x47: {  	v46 =	vor.u32 $0x2, v34;
	v20 =	vld.idx.msk [tilespmem:v26+s9+$0x0], $0xffff;
	[tilespmem:v2+s11+$0x0] =	vst.idx.msk $0xffff, v43  }
0x48: {  	v26 =	vor.u32 $0x2, v29;
	v1 =	vld.idx.msk [tilespmem:v1+s9+$0x0], $0xffff;
	[tilespmem:v36+s11+$0x0] =	vst.idx.msk $0xffff, v23  }
0x49: {  	s30 =	simm.s32 $0x70;
	v63 =	vmul.u32 $0x3, v24;
	v54 =	vshll.u32 v3, $0x3;
	v41 =	vmul.u32 $0x3, v25;
	v25 =	vld.idx.msk [tilespmem:v61+s9+$0x0], $0xffff;
	[tilespmem:v44+s11+$0x0] =	vst.idx.msk $0xffff, v13  }
0x4a: {  	s31 =	simm.s32 $0x60;
	v3 =	vor.u32 $0x2, v54;
	v2 =	vor.u32 $0x2, v9;
	v43 =	vor.u32 s30, v4;
	v27 =	vld.idx.msk [tilespmem:v27+s9+$0x0], $0xffff;
	[tilespmem:v62+s11+$0x0] =	vst.idx.msk $0xffff, v28  }
0x4b: {  	v7 =	vor.u32 s31, v4;
	v23 =	vor.u32 $0x7, v31;
	v44 =	vmul.u32 $0x18, v43;
	v47 =	vld.idx.msk [tilespmem:v16+s9+$0x0], $0xffff;
	[tilespmem:$0x1FF30] =	vst v3  }
0x4c: {  	v49 =	vmul.u32 $0x18, v7;
	v42 =	vor.u32 $0x7, v11;
	v3 =	vor.u32 $0xB, v12;
	[tilespmem:v46+s11+$0x0] =	vst.idx.msk $0xffff, v20  }
0x4d: {  	v45 =	vor.u32 $0x5, v12;
	v36 =	vadd.s32 $0x1, v63;
	v26 =	vld.idx.msk [tilespmem:v26+s9+$0x0], $0xffff;
	[tilespmem:$0x1FF40] =	vst v3  }
0x4e: {  	v17 =	vor.u32 $0x2, v17;
	v20 =	vor.u32 $0x5, v8;
	[tilespmem:$0x1FF50] =	vst v36  }
0x4f: {  	v53 =	vor.u32 $0x8, v31;
	v58 =	vor.u32 $0xB, v31;
	v46 =	vor.u32 $0x9, v34;
	[tilespmem:v2+s11+$0x0] =	vst.idx.msk $0xffff, v1;
	v1 =	vld.idx.msk [tilespmem:v63+s3+$0x0], $0xffff  }
0x50: {  	v5 =	vor.u32 $0x2, v35;
	v6 =	vor.u32 $0x6, v12;
	[tilespmem:v23+s11+$0x0] =	vst.idx.msk $0xffff, v25;
	v23 =	vor.u32 $0x9, v9;
	v50 =	vld.idx.msk [tilespmem:v41+s3+$0x0], $0xffff  }
0x51: {  	v24 =	vor.u32 $0x8, v12;
	v10 =	vor.u32 $0xA, v12;
	v48 =	vshll.u32 v36, $0x3;
	[tilespmem:v42+s11+$0x0] =	vst.idx.msk $0xffff, v27;
	v38 =	vld.idx.msk [tilespmem:v44+s9+$0x0], $0xffff  }
0x52: {  	v15 =	vor.u32 $0x1, v54;
	v22 =	vor.u32 $0xB, v11;
	v11 =	vor.u32 $0x3, v34;
	v51 =	vld.idx.msk [tilespmem:v49+s9+$0x0], $0xffff;
	[tilespmem:v45+s11+$0x0] =	vst.idx.msk $0xffff, v47  }
0x53: {  	v37 =	vor.u32 $0x7, v12;
	v32 =	vor.u32 $0x5, v34;
	v29 =	vadd.s32 $0x1, v41;
	v52 =	vld.idx.msk [tilespmem:v17+s9+$0x0], $0xffff;
	[tilespmem:v20+s11+$0x0] =	vst.idx.msk $0xffff, v26  }
0x54: {  	v21 =	vadd.s32 $0x2, v63;
	v59 =	vshll.u32 v29, $0x3;
	v62 =	vshll.u32 v43, $0x4;
	v56 =	vld.idx.msk [tilespmem:v30+s3+$0x0], $0xffff;
	[tilespmem:v46+s11+$0x0] =	vst.idx.msk $0xffff, v1  }
0x55: {  	v28 =	vshll.u32 v21, $0x3;
	v55 =	vor.u32 $0x1, v44;
	v3 =	vadd.s32 $0x2, v18;
	v46 =	vld.idx.msk [tilespmem:v19+s3+$0x0], $0xffff;
	[tilespmem:v23+s11+$0x0] =	vst.idx.msk $0xffff, v50  }
0x56: {  	v47 =	vshll.u32 v3, $0x3;
	v17 =	vshll.u32 v7, $0x4;
	v60 =	vld.idx.msk [tilespmem:v48+s9+$0x0], $0xffff;
	[tilespmem:$0x1FF60] =	vst v3;
	v3 =	vor.u32 $0x8, v34  }
0x57: {  	v2 =	vor.u32 $0x1, v49;
	v1 =	vor.u32 $0xA, v8;
	[tilespmem:$0x1FF70] =	vst v3;
	v3 =	vor.u32 $0x2, v28  }
0x58: {  	v4 =	vor.u32 $0x1, v48;
	v35 =	vor.u32 $0x2, v48;
	v36 =	vor.u32 $0x4, v34;
	[tilespmem:$0x1FF80] =	vst v3  }
0x59: {  	v27 =	vor.u32 $0xA, v34;
	v25 =	vor.u32 $0x6, v34;
	v45 =	vmul.u32 $0x3, v43;
	v61 =	vld.idx.msk [tilespmem:v59+s9+$0x0], $0xffff;
	[tilespmem:v53+s11+$0x0] =	vst.idx.msk $0xffff, v52  }
0x5a: {  	v26 =	vor.u32 $0x7, v34;
	v19 =	vor.u32 $0xB, v34;
	v34 =	vor.u32 $0x3, v9;
	[tilespmem:v62+s11+$0x0] =	vst.idx.msk $0xffff, v38;
	v39 =	vld.idx.msk [tilespmem:v0+s3+$0x0], $0xffff  }
0x5b: {  	v63 =	vor.u32 $0x1, v62;
	v43 =	vor.u32 $0x1, v59;
	v57 =	vor.u32 $0x1, v47;
	[tilespmem:v17+s11+$0x0] =	vst.idx.msk $0xffff, v51;
	v40 =	vld.idx.msk [tilespmem:v55+s9+$0x0], $0xffff  }
0x5c: {  	v42 =	vadd.s32 $0x1, v45;
	v31 =	vadd.s32 $0x2, v45;
	v30 =	vor.u32 $0x1, v28;
	[tilespmem:v1+s11+$0x0] =	vst.idx.msk $0xffff, v56;
	v33 =	vld.idx.msk [tilespmem:v2+s9+$0x0], $0xffff  }
0x5d: {  	v50 =	vor.u32 $0x2, v62;
	v3 =	vor.u32 $0x2, v44;
	[tilespmem:v10+s11+$0x0] =	vst.idx.msk $0xffff, v46;
	v0 =	vor.u32 $0x1, v17;
	v38 =	vld.idx.msk [tilespmem:v47+s9+$0x0], $0xffff  }
0x5e: {  	v48 =	vor.u32 $0x3, v62;
	v51 =	vor.u32 $0x2, v49;
	v1 =	vor.u32 $0x6, v8;
	[tilespmem:v11+s11+$0x0] =	vst.idx.msk $0xffff, v60;
	v2 =	vld.idx.msk [tilespmem:v54+s9+$0x0], $0xffff  }
0x5f: {  	v44 =	vshll.u32 v31, $0x3;
	v53 =	vor.u32 $0x9, v62;
	v52 =	vshll.u32 v42, $0x3;
	v60 =	vld.idx.msk [tilespmem:v4+s9+$0x0], $0xffff;
	[tilespmem:v34+s11+$0x0] =	vst.idx.msk $0xffff, v61  }
0x60: {  	v56 =	vor.u32 $0x4, v62;
	v46 =	vor.u32 $0x5, v62;
	v49 =	vor.u32 $0x1, v52;
	v61 =	vld.idx.msk [tilespmem:v43+s9+$0x0], $0xffff;
	[tilespmem:v58+s11+$0x0] =	vst.idx.msk $0xffff, v39  }
0x61: {  	v55 =	vor.u32 $0x2, v52;
	v54 =	vor.u32 $0x1, v44;
	v34 =	vor.u32 $0xB, v62;
	[tilespmem:v63+s11+$0x0] =	vst.idx.msk $0xffff, v40;
	v58 =	vld.idx.msk [tilespmem:v5+s9+$0x0], $0xffff  }
0x62: {  	v43 =	vor.u32 $0xA, v62;
	v40 =	vor.u32 $0x6, v62;
	[tilespmem:v0+s11+$0x0] =	vst.idx.msk $0xffff, v33;
	v33 =	vor.u32 $0x8, v62;
	v0 =	vld.idx.msk [tilespmem:v3+s9+$0x0], $0xffff  }
0x63: {  	v39 =	vor.u32 $0x7, v62;
	[tilespmem:v1+s11+$0x0] =	vst.idx.msk $0xffff, v38;
	v38 =	vor.u32 $0x2, v44;
	v62 =	vor.u32 $0x4, v9;
	v1 =	vld.idx.msk [tilespmem:v51+s9+$0x0], $0xffff  }
0x64: {  	s13 =	simm.s32 $0x6;
	s14 =	simm.s32 $0x90;
	[tilespmem:v6+s11+$0x0] =	vst.idx.msk $0xffff, v2;
	v63 =	vor.u32 $0x2, v59;
	v2 =	vor.u32 $0x2, v17;
	v51 =	vmul.u32 $0x3, v7;
	v59 =	vld.idx.msk [tilespmem:v57+s9+$0x0], $0xffff  }
.LBB2_2:
0x65: {  	s15 =	sadd.s32 $0xFFFFFFF0, s14;
	v5 =	vlaneseq.u32  }
0x66: {  	v3 =	vor.u32 s14, v5;
	v57 =	vor.u32 s15, v5;
	v5 =	vld [tilespmem:$0x1FF10]  }
0x67: {  	v6 =	vmov v30  }
0x68: {  	[tilespmem:$0x1FEF0] =	vst v6;
	v6 =	vld [tilespmem:$0x1FF00];
	_ =	sdelay $0x2  }
0x69: {  	v7 =	vld [tilespmem:$0x1FF20];
	[tilespmem:v62+s11+$0x0] =	vst.idx.msk $0xffff, v61  }
0x6a: {  	[tilespmem:v36+s11+$0x0] =	vst.idx.msk $0xffff, v60;
	v60 =	vor.u32 $0x7, v8;
	v63 =	vld.idx.msk [tilespmem:v63+s9+$0x0], $0xffff  }
0x6b: {  	v36 =	vmov v56;
	v47 =	vor.u32 $0x2, v47;
	v56 =	vmul.u32 $0x18, v3;
	[tilespmem:v2+s11+$0x0] =	vst.idx.msk $0xffff, v1;
	v4 =	vld.idx.msk [tilespmem:v15+s9+$0x0], $0xffff  }
0x6c: {  	v61 =	vld.idx.msk [tilespmem:v35+s9+$0x0], $0xffff;
	v62 =	vmul.u32 $0x18, v57;
	[tilespmem:v5+s11+$0x0] =	vst.idx.msk $0xffff, v58  }
0x6d: {  	v12 =	vld.idx.msk [tilespmem:v51+s3+$0x0], $0xffff;
	[tilespmem:v50+s11+$0x0] =	vst.idx.msk $0xffff, v0;
	v0 =	vor.u32 $0x5, v9  }
0x6e: {  	v30 =	vmov v54;
	v54 =	vld.idx.msk [tilespmem:v6+s3+$0x0], $0xffff  }
0x6f: {  	[tilespmem:v60+s11+$0x0] =	vst.idx.msk $0xffff, v59;
	v1 =	vld.idx.msk [tilespmem:v45+s3+$0x0], $0xffff  }
0x70: {  	v60 =	vor.u32 $0x9, v17;
	v14 =	vld.idx.msk [tilespmem:v47+s9+$0x0], $0xffff;
	[tilespmem:v37+s11+$0x0] =	vst.idx.msk $0xffff, v4  }
0x71: {  	v4 =	vld.idx.msk [tilespmem:v56+s9+$0x0], $0xffff;
	[tilespmem:v32+s11+$0x0] =	vst.idx.msk $0xffff, v61  }
0x72: {  	v61 =	vld.idx.msk [tilespmem:v62+s9+$0x0], $0xffff;
	[tilespmem:v0+s11+$0x0] =	vst.idx.msk $0xffff, v63  }
0x73: {  	v18 =	vld [tilespmem:$0x1FF50];
	[tilespmem:v22+s11+$0x0] =	vst.idx.msk $0xffff, v54  }
0x74: {  	v13 =	vmov v21;
	v21 =	vld.idx.msk [tilespmem:v29+s3+$0x0], $0xffff;
	[tilespmem:v53+s11+$0x0] =	vst.idx.msk $0xffff, v1  }
0x75: {  	v35 =	vmov v55;
	v55 =	vmul.u32 $0x3, v3;
	v3 =	vshll.u32 v3, $0x4;
	[tilespmem:v60+s11+$0x0] =	vst.idx.msk $0xffff, v12;
	v12 =	vld.idx.msk [tilespmem:v52+s9+$0x0], $0xffff  }
0x76: {  	[tilespmem:$0x1FF20] =	vst v13;
	v13 =	vadd.s32 $0x1, v51;
	v2 =	vor.u32 $0x9, v3;
	v11 =	vor.u32 $0x3, v3;
	v52 =	vld [tilespmem:$0x1FF60]  }
0x77: {  	v15 =	vshll.u32 v13, $0x3;
	v58 =	vor.u32 $0x1, v56;
	v37 =	vor.u32 $0x8, v8  }
0x78: {  	v5 =	vor.u32 $0x1, v3;
	v50 =	vor.u32 $0x2, v3;
	v6 =	vmovc v7;
	v7 =	vadd.s32 $0x1, v55  }
0x79: {  	[tilespmem:$0x1FF00] =	vst v6;
	v6 =	vor.u32 $0x2, v56;
	v10 =	vshll.u32 v7, $0x3;
	v56 =	vor.u32 $0x4, v3;
	v0 =	vmovc v24  }
0x7a: {  	v32 =	vmovc v46;
	v46 =	vor.u32 $0x5, v3;
	v59 =	vor.u32 $0x1, v10;
	[tilespmem:$0x1FF10] =	vst v0;
	v0 =	vshll.u32 v57, $0x4  }
0x7b: {  	v45 =	vmovc v55;
	v55 =	vor.u32 $0x2, v10;
	v63 =	vor.u32 $0xA, v3;
	v24 =	vmovc v19;
	v19 =	vor.u32 $0x7, v3  }
0x7c: {  	v29 =	vmovc v13;
	v13 =	vor.u32 $0x1, v62;
	v22 =	vadd.s32 $0x2, v41;
	v1 =	vor.u32 $0xA, v9;
	v60 =	vld.idx.msk [tilespmem:v15+s9+$0x0], $0xffff;
	[tilespmem:v37+s11+$0x0] =	vst.idx.msk $0xffff, v14  }
0x7d: {  	v47 =	vshll.u32 v22, $0x3;
	v53 =	vmovc v2;
	v2 =	vor.u32 $0xB, v3;
	v41 =	vld.idx.msk [tilespmem:v18+s3+$0x0], $0xffff;
	v18 =	vmov v42;
	[tilespmem:v3+s11+$0x0] =	vst.idx.msk $0xffff, v4  }
0x7e: {  	v42 =	vmovc v7;
	v7 =	vor.u32 $0x8, v3;
	[tilespmem:$0x1FF50] =	vst v18;
	v18 =	vor.u32 $0x6, v3;
	v3 =	vor.u32 $0x3, v17;
	v4 =	vld.idx.msk [tilespmem:v52+s3+$0x0], $0xffff;
	v52 =	vmovc v10  }
0x7f: {  	v10 =	vmovc v22;
	[tilespmem:v0+s11+$0x0] =	vst.idx.msk $0xffff, v61;
	v22 =	vor.u32 $0xB, v8;
	v8 =	vmovc v9;
	v9 =	vmov v17;
	v17 =	vmov v0;
	v0 =	vld [tilespmem:$0x1FF70];
	_ =	sdelay $0x1  }
0x80: {  	[tilespmem:$0x1FF60] =	vst v10;
	v10 =	vld.idx.msk [tilespmem:v58+s9+$0x0], $0xffff  }
0x81: {  	v13 =	vld.idx.msk [tilespmem:v13+s9+$0x0], $0xffff;
	[tilespmem:v1+s11+$0x0] =	vst.idx.msk $0xffff, v21  }
0x82: {  	v14 =	vor.u32 $0x1, v15;
	[tilespmem:v27+s11+$0x0] =	vst.idx.msk $0xffff, v41;
	v27 =	vmov v43;
	v43 =	vmov v63;
	v63 =	vld [tilespmem:$0x1FF40]  }
0x83: {  	[tilespmem:v48+s11+$0x0] =	vst.idx.msk $0xffff, v12;
	v58 =	vmov v0;
	v0 =	vmov v33;
	v33 =	vmov v7;
	v7 =	vld.idx.msk [tilespmem:v47+s9+$0x0], $0xffff  }
0x84: {  	[tilespmem:v3+s11+$0x0] =	vst.idx.msk $0xffff, v60;
	v60 =	vld.idx.msk [tilespmem:v49+s9+$0x0], $0xffff  }
0x85: {  	v41 =	vmov v24;
	[tilespmem:$0x1FF70] =	vst v0;
	v0 =	vor.u32 $0x1, v17;
	v24 =	vmov v58;
	v58 =	vld [tilespmem:$0x1FF30]  }
0x86: {  	v1 =	vor.u32 $0x2, v62;
	v12 =	vor.u32 $0x6, v8;
	[tilespmem:$0x1FF40] =	vst v41;
	v49 =	vmov v59;
	v59 =	vld [tilespmem:$0x1FF80]  }
0x87: {  	s13 =	sadd.s32 $0x2, s13;
	v23 =	vmov v31;
	v31 =	vadd.s32 $0x2, v45;
	v3 =	vor.u32 $0x1, v47;
	v61 =	vld.idx.msk [tilespmem:v14+s9+$0x0], $0xffff;
	[tilespmem:v22+s11+$0x0] =	vst.idx.msk $0xffff, v4  }
0x88: {  	p0 =	slt.u32 s13, $0x60;
	v16 =	vshll.u32 v31, $0x3;
	v21 =	vld.idx.msk [tilespmem:v28+s9+$0x0], $0xffff;
	v22 =	vmov v63;
	[tilespmem:v5+s11+$0x0] =	vst.idx.msk $0xffff, v10;
	v63 =	vmov v38  }
.Ltmp0:
0x89: {  	v20 =	vor.u32 $0x2, v16;
	v54 =	vor.u32 $0x1, v16;
	[tilespmem:$0x1FF80] =	vst v63;
	v63 =	vor.u32 $0x2, v15;
	v15 =	vld [tilespmem:$0x1FEF0];
	(pc) =	sbr.rel @p0 .LBB2_2-.Ltmp0, $4  }
0x8a: {  	v37 =	vmovc v26;
	v26 =	vmov v39;
	v39 =	vmov v19;
	v19 =	vmov v34;
	[tilespmem:v0+s11+$0x0] =	vst.idx.msk $0xffff, v13;
	v0 =	vld.idx.msk [tilespmem:v6+s9+$0x0], $0xffff  }
0x8b: {  	v34 =	vmovc v2;
	v62 =	vor.u32 $0x4, v9;
	v2 =	vor.u32 $0x2, v17;
	v5 =	vmov v59;
	v1 =	vld.idx.msk [tilespmem:v1+s9+$0x0], $0xffff;
	[tilespmem:v12+s11+$0x0] =	vst.idx.msk $0xffff, v7  }
0x8c: {  	v48 =	vmovc v11;
	v28 =	vmovc v44;
	v44 =	vmov v16;
	v41 =	vmov v51;
	v51 =	vmul.u32 $0x3, v57;
	[tilespmem:$0x1FF30] =	vst v5;
	v59 =	vld.idx.msk [tilespmem:v3+s9+$0x0], $0xffff  }
0x8d: {  	s14 =	sadd.s32 $0x20, s14;
	v38 =	vmovc v20;
	v58 =	vld.idx.msk [tilespmem:v58+s9+$0x0], $0xffff;
	[tilespmem:v25+s11+$0x0] =	vst.idx.msk $0xffff, v21;
	v21 =	vmov v23;
	v25 =	vmov v40;
	v40 =	vmov v18  }
0x8e: {  	_ =	sdelay $0x3  }
0x8f: {  	[tilespmem:v50+s11+$0x0] =	vst.idx.msk $0xffff, v0  }
0x90: {  	[tilespmem:v2+s11+$0x0] =	vst.idx.msk $0xffff, v1;
	v3 =	vld.idx.msk [tilespmem:v45+s3+$0x0], $0xffff  }
0x91: {  	v57 =	vor.u32 $0x9, v17;
	v50 =	vadd.s32 $0x1, v51;
	v0 =	vld.idx.msk [tilespmem:v51+s3+$0x0], $0xffff  }
0x92: {  	v4 =	vshll.u32 v50, $0x3;
	_ =	sdelay $0x2  }
0x93: {  	[tilespmem:v53+s11+$0x0] =	vst.idx.msk $0xffff, v3  }
0x94: {  	[tilespmem:v57+s11+$0x0] =	vst.idx.msk $0xffff, v0;
	v3 =	vld.idx.msk [tilespmem:v52+s9+$0x0], $0xffff  }
0x95: {  	v53 =	vor.u32 $0x3, v17;
	v0 =	vld.idx.msk [tilespmem:v4+s9+$0x0], $0xffff  }
0x96: {  	v5 =	vor.u32 $0x1, v4  }
0x97: {  	[tilespmem:v62+s11+$0x0] =	vst.idx.msk $0xffff, v61  }
0x98: {  	[tilespmem:v36+s11+$0x0] =	vst.idx.msk $0xffff, v60;
	v6 =	vor.u32 $0x5, v9;
	v62 =	vld.idx.msk [tilespmem:v63+s9+$0x0], $0xffff  }
0x99: {  	v7 =	vld.idx.msk [tilespmem:v35+s9+$0x0], $0xffff;
	[tilespmem:v48+s11+$0x0] =	vst.idx.msk $0xffff, v3  }
0x9a: {  	[tilespmem:v53+s11+$0x0] =	vst.idx.msk $0xffff, v0;
	v3 =	vld.idx.msk [tilespmem:v49+s9+$0x0], $0xffff  }
0x9b: {  	v57 =	vor.u32 $0x4, v17;
	v0 =	vld.idx.msk [tilespmem:v5+s9+$0x0], $0xffff;
	_ =	sdelay $0x1  }
0x9c: {  	[tilespmem:v6+s11+$0x0] =	vst.idx.msk $0xffff, v62;
	v4 =	vor.u32 $0x2, v4  }
0x9d: {  	[tilespmem:v32+s11+$0x0] =	vst.idx.msk $0xffff, v7  }
0x9e: {  	[tilespmem:v56+s11+$0x0] =	vst.idx.msk $0xffff, v3  }
0x9f: {  	[tilespmem:v57+s11+$0x0] =	vst.idx.msk $0xffff, v0;
	v3 =	vld.idx.msk [tilespmem:v55+s9+$0x0], $0xffff  }
0xa0: {  	v7 =	vld [tilespmem:$0x1FF50]  }
0xa1: {  	v63 =	vor.u32 $0x5, v17;
	v0 =	vld.idx.msk [tilespmem:v4+s9+$0x0], $0xffff;
	_ =	sdelay $0x3  }
0xa2: {  	v36 =	vor.u32 $0xA, v9;
	v35 =	vld.idx.msk [tilespmem:v29+s3+$0x0], $0xffff;
	[tilespmem:v46+s11+$0x0] =	vst.idx.msk $0xffff, v3  }
0xa3: {  	[tilespmem:v63+s11+$0x0] =	vst.idx.msk $0xffff, v0;
	v3 =	vld.idx.msk [tilespmem:v42+s3+$0x0], $0xffff  }
0xa4: {  	v45 =	vor.u32 $0xA, v17;
	v0 =	vld.idx.msk [tilespmem:v50+s3+$0x0], $0xffff  }
0xa5: {  	v7 =	vld.idx.msk [tilespmem:v7+s3+$0x0], $0xffff;
	_ =	sdelay $0x1  }
0xa6: {  	[tilespmem:v36+s11+$0x0] =	vst.idx.msk $0xffff, v35  }
0xa7: {  	[tilespmem:v43+s11+$0x0] =	vst.idx.msk $0xffff, v3  }
0xa8: {  	[tilespmem:v45+s11+$0x0] =	vst.idx.msk $0xffff, v0  }
0xa9: {  	[tilespmem:v27+s11+$0x0] =	vst.idx.msk $0xffff, v7  }
0xaa: {  	v3 =	vld [tilespmem:$0x1FF10];
	_ =	sdelay $0x1  }
0xab: {  	v12 =	vor.u32 $0x7, v8;
	_ =	sdelay $0x3  }
0xac: {  	v6 =	vadd.s32 $0x2, v41  }
0xad: {  	v10 =	vshll.u32 v6, $0x3;
	[tilespmem:v12+s11+$0x0] =	vst.idx.msk $0xffff, v59  }
0xae: {  	v46 =	vadd.s32 $0x2, v51;
	[tilespmem:v3+s11+$0x0] =	vst.idx.msk $0xffff, v58  }
0xaf: {  	v11 =	vshll.u32 v46, $0x3;
	v16 =	vld [tilespmem:$0x1FF00];
	_ =	sdelay $0x2  }
0xb0: {  	v48 =	vor.u32 $0x6, v9;
	v4 =	vld.idx.msk [tilespmem:v10+s9+$0x0], $0xffff  }
0xb1: {  	v7 =	vld.idx.msk [tilespmem:v28+s9+$0x0], $0xffff  }
0xb2: {  	v49 =	vor.u32 $0x6, v17;
	v0 =	vld.idx.msk [tilespmem:v11+s9+$0x0], $0xffff  }
0xb3: {  	v50 =	vld.idx.msk [tilespmem:v44+s9+$0x0], $0xffff  }
0xb4: {  	v15 =	vld.idx.msk [tilespmem:v15+s9+$0x0], $0xffff;
	v13 =	vor.u32 $0x1, v10  }
0xb5: {  	v14 =	vor.u32 $0x1, v11;
	[tilespmem:v48+s11+$0x0] =	vst.idx.msk $0xffff, v4;
	v16 =	vld.idx.msk [tilespmem:v16+s3+$0x0], $0xffff  }
0xb6: {  	[tilespmem:v25+s11+$0x0] =	vst.idx.msk $0xffff, v7  }
0xb7: {  	[tilespmem:v49+s11+$0x0] =	vst.idx.msk $0xffff, v0  }
0xb8: {  	[tilespmem:v40+s11+$0x0] =	vst.idx.msk $0xffff, v50  }
0xb9: {  	[tilespmem:v37+s11+$0x0] =	vst.idx.msk $0xffff, v15;
	v4 =	vld.idx.msk [tilespmem:v13+s9+$0x0], $0xffff  }
0xba: {  	v12 =	vor.u32 $0x2, v47;
	v0 =	vld.idx.msk [tilespmem:v14+s9+$0x0], $0xffff;
	[tilespmem:v22+s11+$0x0] =	vst.idx.msk $0xffff, v16  }
0xbb: {  	v51 =	vor.u32 $0x7, v9;
	v14 =	vld [tilespmem:$0x1FF30]  }
0xbc: {  	v7 =	vld.idx.msk [tilespmem:v30+s9+$0x0], $0xffff  }
0xbd: {  	v52 =	vor.u32 $0x7, v17  }
0xbe: {  	v3 =	vld.idx.msk [tilespmem:v54+s9+$0x0], $0xffff  }
0xbf: {  	v10 =	vor.u32 $0x2, v10;
	v12 =	vld.idx.msk [tilespmem:v12+s9+$0x0], $0xffff;
	v13 =	vor.u32 $0x8, v8  }
0xc0: {  	[tilespmem:v51+s11+$0x0] =	vst.idx.msk $0xffff, v4  }
0xc1: {  	[tilespmem:v26+s11+$0x0] =	vst.idx.msk $0xffff, v7  }
0xc2: {  	v7 =	vld [tilespmem:$0x1FF80];
	[tilespmem:v52+s11+$0x0] =	vst.idx.msk $0xffff, v0  }
0xc3: {  	v11 =	vor.u32 $0x2, v11;
	[tilespmem:v39+s11+$0x0] =	vst.idx.msk $0xffff, v3;
	v14 =	vld.idx.msk [tilespmem:v14+s9+$0x0], $0xffff  }
0xc4: {  	v53 =	vor.u32 $0x8, v9;
	v4 =	vld.idx.msk [tilespmem:v10+s9+$0x0], $0xffff;
	[tilespmem:v13+s11+$0x0] =	vst.idx.msk $0xffff, v12  }
0xc5: {  	v10 =	vld [tilespmem:$0x1FF60];
	_ =	sdelay $0x2  }
0xc6: {  	v0 =	vld.idx.msk [tilespmem:v11+s9+$0x0], $0xffff;
	[tilespmem:v24+s11+$0x0] =	vst.idx.msk $0xffff, v14  }
0xc7: {  	v11 =	vld [tilespmem:$0x1FF20];
	[tilespmem:v53+s11+$0x0] =	vst.idx.msk $0xffff, v4  }
0xc8: {  	v4 =	vld.idx.msk [tilespmem:v6+s3+$0x0], $0xffff  }
0xc9: {  	v54 =	vor.u32 $0x8, v17;
	v6 =	vld [tilespmem:$0x1FF70]  }
0xca: {  	v3 =	vld.idx.msk [tilespmem:v38+s9+$0x0], $0xffff  }
0xcb: {  	v8 =	vor.u32 $0xB, v8;
	v10 =	vld.idx.msk [tilespmem:v10+s3+$0x0], $0xffff  }
0xcc: {  	v7 =	vld.idx.msk [tilespmem:v7+s9+$0x0], $0xffff;
	_ =	sdelay $0x1  }
0xcd: {  	[tilespmem:v54+s11+$0x0] =	vst.idx.msk $0xffff, v0  }
0xce: {  	[tilespmem:v33+s11+$0x0] =	vst.idx.msk $0xffff, v3  }
0xcf: {  	[tilespmem:v8+s11+$0x0] =	vst.idx.msk $0xffff, v10  }
0xd0: {  	[tilespmem:v6+s11+$0x0] =	vst.idx.msk $0xffff, v7  }
0xd1: {  	v55 =	vor.u32 $0xB, v9;
	v3 =	vld [tilespmem:$0x1FF40]  }
0xd2: {  	v56 =	vor.u32 $0xB, v17;
	v0 =	vld.idx.msk [tilespmem:v46+s3+$0x0], $0xffff  }
0xd3: {  	v6 =	vld.idx.msk [tilespmem:v21+s3+$0x0], $0xffff  }
0xd4: {  	v11 =	vld.idx.msk [tilespmem:v11+s3+$0x0], $0xffff;
	_ =	sdelay $0x1  }
0xd5: {  	[tilespmem:v55+s11+$0x0] =	vst.idx.msk $0xffff, v4  }
0xd6: {  	[tilespmem:v56+s11+$0x0] =	vst.idx.msk $0xffff, v0  }
0xd7: {  	v57 =	vld.idx.msk [tilespmem:v31+s3+$0x0], $0xffff;
	[tilespmem:v19+s11+$0x0] =	vst.idx.msk $0xffff, v6  }
0xd8: {  	[tilespmem:v3+s11+$0x0] =	vst.idx.msk $0xffff, v11  }
0xd9: {  	v63 =	vld [tilespmem:$0x1FFD0]  }
0xda: {  	s13 =	simm.s32 $0x0  }
0xdb: {  	s14 =	simm.s32 $0x10;
	v58 =	vmov s13  }
0xdc: {  	v59 =	vmov s14;
	v32 =	vmul.u32 $0x3, v58;
	[tilespmem:v34+s11+$0x0] =	vst.idx.msk $0xffff, v57  }
0xdd: {  	v6 =	vmul.u32 $0x3, v59;
	[hbm4b:s5+s3] =	stream.linear.scatter [tilespmem:s11], [sflag:$0x2], $0x6200, $0x38;
	[tilespmem:$0x1ACC0] =	vst v63  }
0xde: {  	_ =	swait.ge [sflag:s8], $0x6200;
	v33 =	vadd.s32 v63, v32  }
0xdf: {  	v60 =	vld [tilespmem:$0x1FF90];
	v35 =	vadd.s32 v63, v6;
	v40 =	vshll.u32 v33, $0x3  }
0xe0: {  	v7 =	vshll.u32 v35, $0x3;
	_ =	sdelay $0x1  }
0xe1: {  	[sflag:s8] =	ssyncset.done $0x0  }
0xe2: {  	v3 =	vshll.u32 v58, $0x4;
	[sflag:s8] =	ssyncadd.s32 $0xFFFF9E00  }
0xe3: {  	v4 =	vshll.u32 v59, $0x4;
	v29 =	vor.u32 v60, v3;
	v8 =	vld.idx.msk [tilespmem:v40+s9+$0x0], $0xffff  }
0xe4: {  	v42 =	vor.u32 $0x1, v40;
	v36 =	vor.u32 v60, v4;
	v41 =	vld.idx.msk [tilespmem:v7+s9+$0x0], $0xffff  }
0xe5: {  	v9 =	vor.u32 $0x1, v7;
	_ =	sdelay $0x2  }
0xe6: {  	[tilespmem:v29+s11+$0x0] =	vst.idx.msk $0xffff, v8  }
0xe7: {  	v44 =	vor.u32 $0x1, v29;
	[tilespmem:v36+s11+$0x0] =	vst.idx.msk $0xffff, v41;
	v43 =	vld.idx.msk [tilespmem:v42+s9+$0x0], $0xffff  }
0xe8: {  	v8 =	vld.idx.msk [tilespmem:v9+s9+$0x0], $0xffff;
	v9 =	vor.u32 $0x1, v36;
	_ =	sdelay $0x3  }
0xe9: {  	s25 =	simm.s32 $0x30;
	v2 =	vor.u32 $0x2, v40;
	[tilespmem:v44+s11+$0x0] =	vst.idx.msk $0xffff, v43  }
0xea: {  	v10 =	vmov s25;
	v7 =	vor.u32 $0x2, v7;
	[tilespmem:v9+s11+$0x0] =	vst.idx.msk $0xffff, v8  }
0xeb: {  	v11 =	vmul.u32 $0x3, v10;
	v28 =	vld [tilespmem:$0x1FFA0];
	_ =	sdelay $0x1  }
0xec: {  	v12 =	vadd.s32 v63, v11  }
0xed: {  	s26 =	simm.s32 $0x20;
	v46 =	vshll.u32 v12, $0x3;
	v2 =	vld.idx.msk [tilespmem:v2+s9+$0x0], $0xffff  }
0xee: {  	v45 =	vmov s26;
	v0 =	vand.u32 $0x3FF8, v33;
	v8 =	vor.u32 $0x2, v29;
	v7 =	vld.idx.msk [tilespmem:v7+s9+$0x0], $0xffff  }
0xef: {  	v1 =	vand.u32 $0x7FFFFFF8, v35;
	v9 =	vor.u32 $0x2, v36;
	v56 =	vld [tilespmem:$0x1FFB0];
	v0 =	vor.u32 v28, v0  }
0xf0: {  	v13 =	vmul.u32 $0x3, v45;
	v1 =	vor.u32 v28, v1;
	_ =	sdelay $0x1  }
0xf1: {  	v10 =	vshll.u32 v10, $0x4;
	v16 =	vadd.s32 v63, v13;
	v47 =	vld.idx.msk [tilespmem:v46+s9+$0x0], $0xffff  }
0xf2: {  	v18 =	vshll.u32 v16, $0x3;
	v19 =	vor.u32 $0x9, v36;
	v57 =	vld [tilespmem:$0x1FFC0];
	[tilespmem:v8+s11+$0x0] =	vst.idx.msk $0xffff, v2;
	v8 =	vor.u32 v60, v10  }
0xf3: {  	v15 =	vadd.s32 v56, v32;
	[tilespmem:v9+s11+$0x0] =	vst.idx.msk $0xffff, v7;
	v7 =	vor.u32 $0x9, v29;
	v10 =	vor.u32 $0x1, v46;
	v0 =	vld.idx.msk [tilespmem:v0+s3+$0x0], $0xffff  }
0xf4: {  	v14 =	vadd.s32 v56, v6;
	v20 =	vand.u32 $0x3FF8, v15;
	v15 =	vshll.u32 v15, $0x3;
	v1 =	vld.idx.msk [tilespmem:v1+s3+$0x0], $0xffff  }
0xf5: {  	v17 =	vand.u32 $0x7FFFFFF8, v14;
	v14 =	vshll.u32 v14, $0x3  }
0xf6: {  	v3 =	vshll.u32 v45, $0x4  }
0xf7: {  	v21 =	vld.idx.msk [tilespmem:v18+s9+$0x0], $0xffff;
	v9 =	vor.u32 v60, v3;
	v25 =	vadd.s32 v56, v13;
	[tilespmem:v8+s11+$0x0] =	vst.idx.msk $0xffff, v47  }
0xf8: {  	v26 =	vor.u32 $0x1, v18;
	v41 =	vadd.s32 v57, v13;
	v49 =	vor.u32 $0x1, v8;
	v48 =	vld.idx.msk [tilespmem:v10+s9+$0x0], $0xffff;
	[tilespmem:v7+s11+$0x0] =	vst.idx.msk $0xffff, v0  }
0xf9: {  	v4 =	vor.u32 $0x2, v46;
	v44 =	vadd.s32 v57, v11;
	[tilespmem:v19+s11+$0x0] =	vst.idx.msk $0xffff, v1;
	v7 =	vor.u32 $0x3, v29;
	v50 =	vld.idx.msk [tilespmem:v15+s9+$0x0], $0xffff  }
0xfa: {  	v30 =	vor.u32 $0x1, v15;
	v10 =	vmovc v28;
	v28 =	vor.u32 $0x3, v36;
	v19 =	vand.u32 $0x7FFFFFF8, v44;
	v13 =	vld.idx.msk [tilespmem:v14+s9+$0x0], $0xffff  }
0xfb: {  	v31 =	vor.u32 $0x1, v14;
	[tilespmem:$0x1FEE0] =	vst v19  }
0xfc: {  	[tilespmem:v9+s11+$0x0] =	vst.idx.msk $0xffff, v21  }
0xfd: {  	s28 =	simm.s32 $0x50;
	v12 =	vand.u32 $0x7FFFFFF8, v12;
	v18 =	vor.u32 $0x2, v18;
	v51 =	vor.u32 $0x1, v9;
	[tilespmem:v49+s11+$0x0] =	vst.idx.msk $0xffff, v48;
	v26 =	vld.idx.msk [tilespmem:v26+s9+$0x0], $0xffff  }
0xfe: {  	v59 =	vor.u32 $0x2, v8;
	v12 =	vor.u32 v10, v12;
	v21 =	vmov s28;
	v58 =	vld.idx.msk [tilespmem:v4+s9+$0x0], $0xffff;
	[tilespmem:v7+s11+$0x0] =	vst.idx.msk $0xffff, v50  }
0xff: {  	s29 =	simm.s32 $0x40;
	v55 =	vshll.u32 v21, $0x4;
	v52 =	vmul.u32 $0x3, v21;
	v21 =	vor.u32 $0x4, v29;
	[tilespmem:v28+s11+$0x0] =	vst.idx.msk $0xffff, v13;
	v13 =	vld.idx.msk [tilespmem:v30+s9+$0x0], $0xffff  }
0x100: {  	v54 =	vmov s29;
	v15 =	vor.u32 $0x2, v15;
	v30 =	vor.u32 $0x4, v36;
	v31 =	vld.idx.msk [tilespmem:v31+s9+$0x0], $0xffff  }
0x101: {  	v7 =	vmul.u32 $0x3, v54  }
0x102: {  	v61 =	vor.u32 $0x2, v9;
	v14 =	vor.u32 $0x2, v14;
	v28 =	vadd.s32 v63, v52;
	[tilespmem:v51+s11+$0x0] =	vst.idx.msk $0xffff, v26  }
0x103: {  	v37 =	vshll.u32 v28, $0x3;
	v40 =	vand.u32 $0x7FFFFFF8, v28;
	v34 =	vadd.s32 v63, v7;
	[tilespmem:v59+s11+$0x0] =	vst.idx.msk $0xffff, v58;
	v28 =	vld.idx.msk [tilespmem:v18+s9+$0x0], $0xffff  }
0x104: {  	v16 =	vand.u32 $0x3FF8, v16;
	v26 =	vshll.u32 v34, $0x3;
	v1 =	vld.idx.msk [tilespmem:v12+s3+$0x0], $0xffff;
	[tilespmem:v21+s11+$0x0] =	vst.idx.msk $0xffff, v13  }
0x105: {  	v62 =	vor.u32 v10, v16;
	[tilespmem:v30+s11+$0x0] =	vst.idx.msk $0xffff, v31;
	v30 =	vld.idx.msk [tilespmem:v15+s9+$0x0], $0xffff  }
0x106: {  	v53 =	vshll.u32 v54, $0x4;
	v3 =	vadd.s32 v56, v11;
	v48 =	vor.u32 $0x9, v8;
	v58 =	vld [tilespmem:$0x1FFE0]  }
0x107: {  	v38 =	vadd.s32 v56, v7;
	v16 =	vadd.s32 v57, v7;
	v31 =	vor.u32 $0x5, v29;
	v7 =	vld.idx.msk [tilespmem:v14+s9+$0x0], $0xffff  }
0x108: {  	v22 =	vand.u32 $0x7FFFFFF8, v3;
	v3 =	vshll.u32 v3, $0x3;
	v12 =	vor.u32 v60, v55;
	[tilespmem:v61+s11+$0x0] =	vst.idx.msk $0xffff, v28;
	v28 =	vld.idx.msk [tilespmem:v37+s9+$0x0], $0xffff  }
0x109: {  	v59 =	vor.u32 $0x1, v37;
	v13 =	vor.u32 v60, v53;
	v61 =	vld.idx.msk [tilespmem:v26+s9+$0x0], $0xffff  }
0x10a: {  	v49 =	vor.u32 $0x5, v36;
	v54 =	vld.idx.msk [tilespmem:v62+s3+$0x0], $0xffff;
	v62 =	vor.u32 $0x1, v26  }
0x10b: {  	v33 =	vand.u32 $0x3FF8, v25;
	v55 =	vor.u32 $0x9, v9;
	[tilespmem:v48+s11+$0x0] =	vst.idx.msk $0xffff, v1;
	v50 =	vor.u32 v58, v20  }
0x10c: {  	v25 =	vshll.u32 v25, $0x3;
	v43 =	vadd.s32 v56, v52;
	v53 =	vor.u32 $0x3, v8;
	[tilespmem:v31+s11+$0x0] =	vst.idx.msk $0xffff, v30  }
0x10d: {  	v51 =	vor.u32 v58, v17;
	v17 =	vadd.s32 v57, v52;
	v52 =	vld.idx.msk [tilespmem:v3+s9+$0x0], $0xffff;
	[tilespmem:v12+s11+$0x0] =	vst.idx.msk $0xffff, v28  }
0x10e: {  	v42 =	vand.u32 $0x3FF8, v34;
	v34 =	vor.u32 $0x1, v12;
	[tilespmem:v13+s11+$0x0] =	vst.idx.msk $0xffff, v61;
	v28 =	vld.idx.msk [tilespmem:v59+s9+$0x0], $0xffff  }
0x10f: {  	v23 =	vor.u32 $0xA, v29;
	[tilespmem:v49+s11+$0x0] =	vst.idx.msk $0xffff, v7;
	v1 =	vld.idx.msk [tilespmem:v62+s9+$0x0], $0xffff;
	v62 =	vor.u32 $0x1, v13  }
0x110: {  	v45 =	vor.u32 $0x6, v29;
	v5 =	vadd.s32 v57, v32;
	v7 =	vor.u32 $0x1, v3;
	[tilespmem:v55+s11+$0x0] =	vst.idx.msk $0xffff, v54;
	v31 =	vld.idx.msk [tilespmem:v50+s3+$0x0], $0xffff  }
0x111: {  	v6 =	vadd.s32 v57, v6;
	v35 =	vor.u32 $0x3, v9;
	v37 =	vor.u32 $0x2, v37;
	v47 =	vld.idx.msk [tilespmem:v25+s9+$0x0], $0xffff  }
0x112: {  	v24 =	vand.u32 $0x3FF8, v5;
	v27 =	vand.u32 $0x7FFFFFF8, v6;
	v46 =	vor.u32 $0x1, v25;
	[tilespmem:v53+s11+$0x0] =	vst.idx.msk $0xffff, v52  }
0x113: {  	v11 =	vand.u32 $0x3FF8, v41;
	v5 =	vshll.u32 v5, $0x3;
	v30 =	vor.u32 $0xA, v36;
	v39 =	vld.idx.msk [tilespmem:v51+s3+$0x0], $0xffff;
	[tilespmem:v34+s11+$0x0] =	vst.idx.msk $0xffff, v28  }
0x114: {  	v6 =	vshll.u32 v6, $0x3;
	v19 =	vor.u32 $0xA, v9;
	v40 =	vor.u32 v10, v40;
	[tilespmem:v62+s11+$0x0] =	vst.idx.msk $0xffff, v1  }
0x115: {  	s31 =	simm.s32 $0x60;
	v18 =	vand.u32 $0x7FFFFFF8, v43;
	v61 =	vor.u32 $0x4, v8;
	v7 =	vld.idx.msk [tilespmem:v7+s9+$0x0], $0xffff;
	[tilespmem:v23+s11+$0x0] =	vst.idx.msk $0xffff, v31;
	v23 =	vor.u32 $0x2, v26  }
0x116: {  	v4 =	vor.u32 v10, v42;
	v55 =	vmov s31;
	v1 =	vor.u32 $0x2, v12;
	[tilespmem:v35+s11+$0x0] =	vst.idx.msk $0xffff, v47;
	v47 =	vld.idx.msk [tilespmem:v37+s9+$0x0], $0xffff  }
0x117: {  	v59 =	vmul.u32 $0x3, v55;
	v52 =	vshll.u32 v55, $0x4;
	v55 =	vor.u32 $0x4, v9;
	v2 =	vld.idx.msk [tilespmem:v46+s9+$0x0], $0xffff  }
0x118: {  	v21 =	vand.u32 $0x3FF8, v38;
	v14 =	vand.u32 $0x3FF8, v16;
	v3 =	vor.u32 $0x2, v3;
	[tilespmem:v30+s11+$0x0] =	vst.idx.msk $0xffff, v39;
	v31 =	vld.idx.msk [tilespmem:v5+s9+$0x0], $0xffff  }
0x119: {  	s30 =	simm.s32 $0x70;
	v53 =	vor.u32 $0x6, v36;
	v62 =	vor.u32 $0x2, v25;
	v30 =	vadd.s32 v63, v59;
	v51 =	vld.idx.msk [tilespmem:v6+s9+$0x0], $0xffff  }
0x11a: {  	v54 =	vmov s30;
	v39 =	vshll.u32 v30, $0x3;
	[tilespmem:v61+s11+$0x0] =	vst.idx.msk $0xffff, v7;
	v7 =	vor.u32 $0x2, v13;
	v46 =	vld.idx.msk [tilespmem:v23+s9+$0x0], $0xffff  }
0x11b: {  	v48 =	vor.u32 $0x1, v5;
	v20 =	vor.u32 $0xA, v13;
	v49 =	vmul.u32 $0x3, v54;
	[tilespmem:v1+s11+$0x0] =	vst.idx.msk $0xffff, v47  }
0x11c: {  	v15 =	vand.u32 $0x7FFFFFF8, v17;
	v0 =	vshll.u32 v54, $0x4;
	v54 =	vor.u32 $0x1, v6;
	[tilespmem:v55+s11+$0x0] =	vst.idx.msk $0xffff, v2  }
0x11d: {  	v34 =	vadd.s32 v56, v49;
	v26 =	vadd.s32 v63, v49;
	v3 =	vld.idx.msk [tilespmem:v3+s9+$0x0], $0xffff;
	[tilespmem:v45+s11+$0x0] =	vst.idx.msk $0xffff, v31  }
0x11e: {  	v35 =	vadd.s32 v56, v59;
	v25 =	vand.u32 $0x7FFFFFF8, v34;
	v32 =	vshll.u32 v26, $0x3;
	v50 =	vld.idx.msk [tilespmem:v62+s9+$0x0], $0xffff;
	[tilespmem:v53+s11+$0x0] =	vst.idx.msk $0xffff, v51  }
0x11f: {  	v28 =	vand.u32 $0x7FFFFFF8, v26;
	v37 =	vand.u32 $0x3FF8, v30;
	v61 =	vor.u32 $0x5, v8;
	v51 =	vld.idx.msk [tilespmem:v39+s9+$0x0], $0xffff;
	[tilespmem:v7+s11+$0x0] =	vst.idx.msk $0xffff, v46  }
0x120: {  	v30 =	vadd.s32 v57, v59;
	v26 =	vand.u32 $0x3FF8, v35;
	v5 =	vor.u32 $0x2, v5;
	v62 =	vld [tilespmem:$0x1FFF0]  }
0x121: {  	v6 =	vor.u32 $0x2, v6;
	v1 =	vor.u32 $0x7, v29;
	v47 =	vor.u32 v58, v22;
	v56 =	vld.idx.msk [tilespmem:v48+s9+$0x0], $0xffff  }
0x122: {  	v2 =	vor.u32 $0x7, v36;
	v23 =	vand.u32 $0x3FF8, v30;
	v31 =	vadd.s32 v57, v49;
	v49 =	vld.idx.msk [tilespmem:v54+s9+$0x0], $0xffff  }
0x123: {  	v45 =	vshll.u32 v43, $0x3;
	v57 =	vor.u32 $0x5, v9;
	v54 =	vld.idx.msk [tilespmem:v40+s3+$0x0], $0xffff;
	v7 =	vor.u32 $0x9, v12  }
0x124: {  	v59 =	vld.idx.msk [tilespmem:v32+s9+$0x0], $0xffff;
	v43 =	vshll.u32 v38, $0x3;
	v22 =	vand.u32 $0x7FFFFFF8, v31;
	[tilespmem:v61+s11+$0x0] =	vst.idx.msk $0xffff, v3;
	v3 =	vor.u32 $0x9, v13  }
0x125: {  	v4 =	vld.idx.msk [tilespmem:v4+s3+$0x0], $0xffff;
	v42 =	vor.u32 v62, v24;
	v40 =	vor.u32 v62, v27;
	v62 =	vor.u32 v58, v33  }
0x126: {  	v48 =	vor.u32 $0x1, v45;
	v61 =	vor.u32 $0x1, v39;
	[tilespmem:v1+s11+$0x0] =	vst.idx.msk $0xffff, v56;
	v46 =	vld.idx.msk [tilespmem:v47+s3+$0x0], $0xffff;
	v56 =	vor.u32 $0x8, v29  }
0x127: {  	[tilespmem:v2+s11+$0x0] =	vst.idx.msk $0xffff, v49;
	v49 =	vor.u32 $0xA, v8;
	v53 =	vld.idx.msk [tilespmem:v5+s9+$0x0], $0xffff;
	v27 =	vor.u32 v60, v0;
	v33 =	vor.u32 $0xB, v36  }
0x128: {  	v55 =	vld.idx.msk [tilespmem:v6+s9+$0x0], $0xffff;
	[tilespmem:v7+s11+$0x0] =	vst.idx.msk $0xffff, v54;
	v24 =	vor.u32 v60, v52;
	v60 =	vor.u32 $0x1, v32;
	v52 =	vor.u32 $0x8, v36  }
0x129: {  	[tilespmem:v57+s11+$0x0] =	vst.idx.msk $0xffff, v50;
	v57 =	vld.idx.msk [tilespmem:v45+s9+$0x0], $0xffff;
	v36 =	vshll.u32 v44, $0x3;
	v44 =	vor.u32 $0xB, v29;
	v58 =	vor.u32 $0x3, v12  }
0x12a: {  	s14 =	simm.s32 $0x90;
	s13 =	simm.s32 $0x6;
	[tilespmem:v3+s11+$0x0] =	vst.idx.msk $0xffff, v4;
	v29 =	vshll.u32 v41, $0x3;
	v41 =	vor.u32 $0x6, v9;
	v38 =	vor.u32 $0xA, v24;
	v54 =	vld.idx.msk [tilespmem:v62+s3+$0x0], $0xffff  }
.LBB2_4:
0x12b: {  	_ =	sdelay $0x1  }
0x12c: {  	v6 =	vld [tilespmem:$0x1FEE0]  }
0x12d: {  	v1 =	vld.idx.msk [tilespmem:v43+s9+$0x0], $0xffff;
	[tilespmem:v24+s11+$0x0] =	vst.idx.msk $0xffff, v51  }
0x12e: {  	[tilespmem:v27+s11+$0x0] =	vst.idx.msk $0xffff, v59  }
0x12f: {  	v51 =	vld.idx.msk [tilespmem:v61+s9+$0x0], $0xffff;
	[tilespmem:v56+s11+$0x0] =	vst.idx.msk $0xffff, v53  }
0x130: {  	v4 =	vmov v14;
	v14 =	vmov v23;
	v23 =	vld.idx.msk [tilespmem:v60+s9+$0x0], $0xffff;
	[tilespmem:v52+s11+$0x0] =	vst.idx.msk $0xffff, v55  }
0x131: {  	s15 =	sadd.s32 $0xFFFFFFF0, s14;
	v42 =	vld.idx.msk [tilespmem:v42+s3+$0x0], $0xffff;
	[tilespmem:v19+s11+$0x0] =	vst.idx.msk $0xffff, v54;
	v5 =	vmov v6;
	v6 =	vmov v15  }
0x132: {  	v15 =	vmov v22;
	v22 =	vor.u32 $0x3, v13;
	[tilespmem:$0x1FEE0] =	vst v6;
	v6 =	vmov s15  }
0x133: {  	[tilespmem:v58+s11+$0x0] =	vst.idx.msk $0xffff, v57;
	v59 =	vld.idx.msk [tilespmem:v29+s9+$0x0], $0xffff;
	v60 =	vshll.u32 v6, $0x4;
	v6 =	vmul.u32 $0x3, v6  }
0x134: {  	v0 =	vmov s14;
	v58 =	vor.u32 $0x1, v24;
	v40 =	vld.idx.msk [tilespmem:v40+s3+$0x0], $0xffff  }
0x135: {  	v2 =	vor.u32 $0x1, v43;
	v47 =	vmovc v30;
	v62 =	vmovc v8;
	v53 =	vor.u32 $0x1, v27;
	v48 =	vld.idx.msk [tilespmem:v48+s9+$0x0], $0xffff;
	v30 =	vadd.s32 v63, v6  }
0x136: {  	v8 =	vmovc v12;
	v12 =	vmovc v27;
	v19 =	vor.u32 $0x2, v39;
	[tilespmem:v49+s11+$0x0] =	vst.idx.msk $0xffff, v46;
	v55 =	vshll.u32 v30, $0x3;
	v27 =	vand.u32 $0x3FF8, v30;
	v30 =	vld [tilespmem:$0x1FFB0]  }
0x137: {  	v7 =	vshll.u32 v0, $0x4;
	v0 =	vmul.u32 $0x3, v0;
	[tilespmem:v22+s11+$0x0] =	vst.idx.msk $0xffff, v1;
	v22 =	vld [tilespmem:$0x1FFC0]  }
0x138: {  	v3 =	vor.u32 $0x1, v29;
	v50 =	vmovc v17;
	v56 =	vor.u32 $0x4, v8;
	v52 =	vor.u32 $0x2, v32;
	[tilespmem:v44+s11+$0x0] =	vst.idx.msk $0xffff, v42  }
0x139: {  	v17 =	vmov v31;
	v31 =	vadd.s32 v63, v0;
	v1 =	vor.u32 $0x2, v45;
	v45 =	vld.idx.msk [tilespmem:v36+s9+$0x0], $0xffff;
	[tilespmem:v58+s11+$0x0] =	vst.idx.msk $0xffff, v51  }
0x13a: {  	v32 =	vshll.u32 v31, $0x3;
	v44 =	vmov v9;
	v9 =	vmov v13;
	v2 =	vld.idx.msk [tilespmem:v2+s9+$0x0], $0xffff  }
0x13b: {  	[tilespmem:v53+s11+$0x0] =	vst.idx.msk $0xffff, v23;
	v39 =	vmov v55;
	v58 =	vor.u32 $0x4, v9;
	v53 =	vld.idx.msk [tilespmem:v19+s9+$0x0], $0xffff;
	v54 =	vadd.s32 v30, v0  }
0x13c: {  	[tilespmem:v41+s11+$0x0] =	vst.idx.msk $0xffff, v59;
	v59 =	vld [tilespmem:$0x1FFF0];
	v49 =	vadd.s32 v30, v6;
	v30 =	vadd.s32 v22, v6;
	v6 =	vor.u32 $0x6, v62  }
0x13d: {  	v57 =	vand.u32 $0x7FFFFFF8, v31;
	v31 =	vadd.s32 v22, v0;
	v0 =	vld.idx.msk [tilespmem:v52+s9+$0x0], $0xffff;
	[tilespmem:v56+s11+$0x0] =	vst.idx.msk $0xffff, v48;
	v48 =	vor.u32 $0x2, v24  }
0x13e: {  	v61 =	vor.u32 $0x2, v12;
	v3 =	vld.idx.msk [tilespmem:v3+s9+$0x0], $0xffff  }
0x13f: {  	v55 =	vor.u32 v10, v28;
	v28 =	vmov v57;
	v57 =	vor.u32 $0x2, v43;
	v1 =	vld.idx.msk [tilespmem:v1+s9+$0x0], $0xffff;
	[tilespmem:v33+s11+$0x0] =	vst.idx.msk $0xffff, v40  }
0x140: {  	v13 =	vmov v24;
	v24 =	vor.u32 v10, v37;
	v51 =	vld.idx.msk [tilespmem:v39+s9+$0x0], $0xffff;
	[tilespmem:v58+s11+$0x0] =	vst.idx.msk $0xffff, v2  }
0x141: {  	v52 =	vor.u32 $0x1, v36;
	[tilespmem:v6+s11+$0x0] =	vst.idx.msk $0xffff, v45  }
0x142: {  	v41 =	vor.u32 $0x5, v8;
	[tilespmem:v48+s11+$0x0] =	vst.idx.msk $0xffff, v53  }
0x143: {  	[tilespmem:v61+s11+$0x0] =	vst.idx.msk $0xffff, v0;
	v61 =	vld [tilespmem:$0x1FFE0]  }
0x144: {  	v58 =	vld.idx.msk [tilespmem:v57+s9+$0x0], $0xffff  }
0x145: {  	v37 =	vmovc v27;
	v27 =	vor.u32 $0x7, v44;
	v42 =	vor.u32 v59, v11;
	v11 =	vmov v4;
	v4 =	vld.idx.msk [tilespmem:v24+s3+$0x0], $0xffff  }
0x146: {  	v10 =	vor.u32 $0x5, v9;
	v6 =	vld.idx.msk [tilespmem:v52+s9+$0x0], $0xffff;
	v52 =	vor.u32 $0x2, v29  }
0x147: {  	v19 =	vmovc v20;
	v20 =	vmov v38;
	v38 =	vor.u32 $0x7, v62;
	v55 =	vld.idx.msk [tilespmem:v55+s3+$0x0], $0xffff;
	[tilespmem:v41+s11+$0x0] =	vst.idx.msk $0xffff, v1;
	v1 =	vor.u32 $0x9, v13  }
0x148: {  	v63 =	vand.u32 $0x3FF8, v49;
	v40 =	vor.u32 v59, v5;
	v59 =	vld.idx.msk [tilespmem:v32+s9+$0x0], $0xffff;
	v0 =	vor.u32 v61, v18  }
0x149: {  	v29 =	vor.u32 $0x2, v36;
	v36 =	vor.u32 $0x9, v12;
	v5 =	vor.u32 v61, v21;
	v61 =	vld [tilespmem:$0x1FF90]  }
0x14a: {  	s13 =	sadd.s32 $0x2, s13;
	v43 =	vshll.u32 v35, $0x3;
	v56 =	vor.u32 $0x8, v44;
	v44 =	vor.u32 $0xB, v44;
	[tilespmem:v27+s11+$0x0] =	vst.idx.msk $0xffff, v3;
	v21 =	vmovc v26;
	v26 =	vmovc v63;
	v63 =	vld [tilespmem:$0x1FFD0]  }
0x14b: {  	p0 =	slt.u32 s13, $0x60;
	v46 =	vand.u32 $0x7FFFFFF8, v54;
	v23 =	vand.u32 $0x3FF8, v30;
	v45 =	vshll.u32 v34, $0x3;
	v53 =	vld.idx.msk [tilespmem:v52+s9+$0x0], $0xffff;
	[tilespmem:v10+s11+$0x0] =	vst.idx.msk $0xffff, v58  }
.Ltmp1:
0x14c: {  	v22 =	vand.u32 $0x7FFFFFF8, v31;
	v33 =	vor.u32 $0xB, v62;
	v35 =	vmovc v49;
	v49 =	vor.u32 $0xA, v8;
	v34 =	vmovc v54;
	v10 =	vld [tilespmem:$0x1FFA0];
	[tilespmem:v1+s11+$0x0] =	vst.idx.msk $0xffff, v4;
	(pc) =	sbr.rel @p0 .LBB2_4-.Ltmp1, $4  }
0x14d: {  	v48 =	vor.u32 $0x1, v45;
	v41 =	vor.u32 $0x6, v9;
	v18 =	vmovc v25;
	v25 =	vmov v46;
	v46 =	vld.idx.msk [tilespmem:v0+s3+$0x0], $0xffff;
	[tilespmem:v38+s11+$0x0] =	vst.idx.msk $0xffff, v6  }
0x14e: {  	v52 =	vor.u32 $0x8, v62;
	v58 =	vor.u32 $0x3, v12;
	v27 =	vor.u32 v61, v7;
	v54 =	vld.idx.msk [tilespmem:v5+s3+$0x0], $0xffff;
	[tilespmem:v36+s11+$0x0] =	vst.idx.msk $0xffff, v55  }
0x14f: {  	v24 =	vor.u32 v61, v60;
	v60 =	vor.u32 $0x1, v32;
	v61 =	vor.u32 $0x1, v39;
	v55 =	vld.idx.msk [tilespmem:v29+s9+$0x0], $0xffff  }
0x150: {  	s14 =	sadd.s32 $0x20, s14;
	v38 =	vor.u32 $0xA, v24;
	v36 =	vshll.u32 v50, $0x3;
	v57 =	vld.idx.msk [tilespmem:v45+s9+$0x0], $0xffff;
	v29 =	vshll.u32 v16, $0x3;
	v16 =	vmovc v47  }
0x151: {  	_ =	sdelay $0x3  }
0x152: {  	[tilespmem:v24+s11+$0x0] =	vst.idx.msk $0xffff, v51  }
0x153: {  	[tilespmem:v27+s11+$0x0] =	vst.idx.msk $0xffff, v59;
	v1 =	vor.u32 $0x1, v24;
	v0 =	vld.idx.msk [tilespmem:v61+s9+$0x0], $0xffff  }
0x154: {  	v3 =	vor.u32 $0x1, v27;
	v4 =	vor.u32 $0x2, v39;
	v2 =	vld.idx.msk [tilespmem:v60+s9+$0x0], $0xffff  }
0x155: {  	v5 =	vor.u32 $0x2, v32;
	_ =	sdelay $0x2  }
0x156: {  	[tilespmem:v1+s11+$0x0] =	vst.idx.msk $0xffff, v0  }
0x157: {  	v51 =	vor.u32 $0x2, v24;
	[tilespmem:v3+s11+$0x0] =	vst.idx.msk $0xffff, v2;
	v0 =	vld.idx.msk [tilespmem:v4+s9+$0x0], $0xffff  }
0x158: {  	v3 =	vor.u32 $0x2, v27;
	v2 =	vld.idx.msk [tilespmem:v5+s9+$0x0], $0xffff;
	v4 =	vor.u32 v10, v37  }
0x159: {  	v5 =	vor.u32 v10, v28;
	_ =	sdelay $0x1  }
0x15a: {  	v6 =	vld.idx.msk [tilespmem:v43+s9+$0x0], $0xffff;
	v7 =	vor.u32 $0x3, v13  }
0x15b: {  	v60 =	vor.u32 $0x1, v43;
	[tilespmem:v51+s11+$0x0] =	vst.idx.msk $0xffff, v0  }
0x15c: {  	v59 =	vor.u32 $0x9, v24;
	[tilespmem:v3+s11+$0x0] =	vst.idx.msk $0xffff, v2;
	v0 =	vld.idx.msk [tilespmem:v4+s3+$0x0], $0xffff  }
0x15d: {  	v3 =	vor.u32 $0x9, v27;
	v2 =	vld.idx.msk [tilespmem:v5+s3+$0x0], $0xffff;
	v4 =	vshll.u32 v35, $0x3  }
0x15e: {  	v5 =	vshll.u32 v34, $0x3  }
0x15f: {  	[tilespmem:v7+s11+$0x0] =	vst.idx.msk $0xffff, v6  }
0x160: {  	[tilespmem:v58+s11+$0x0] =	vst.idx.msk $0xffff, v57;
	v7 =	vor.u32 $0x4, v13;
	v6 =	vld.idx.msk [tilespmem:v60+s9+$0x0], $0xffff  }
0x161: {  	v39 =	vld.idx.msk [tilespmem:v48+s9+$0x0], $0xffff;
	v37 =	vor.u32 $0x4, v12;
	[tilespmem:v59+s11+$0x0] =	vst.idx.msk $0xffff, v0  }
0x162: {  	v61 =	vor.u32 $0x3, v24;
	[tilespmem:v3+s11+$0x0] =	vst.idx.msk $0xffff, v2;
	v0 =	vld.idx.msk [tilespmem:v4+s9+$0x0], $0xffff  }
0x163: {  	[tilespmem:v56+s11+$0x0] =	vst.idx.msk $0xffff, v53;
	v62 =	vor.u32 $0x1, v4;
	v3 =	vor.u32 $0x3, v27;
	v2 =	vld.idx.msk [tilespmem:v5+s9+$0x0], $0xffff  }
0x164: {  	[tilespmem:v52+s11+$0x0] =	vst.idx.msk $0xffff, v55  }
0x165: {  	[tilespmem:v7+s11+$0x0] =	vst.idx.msk $0xffff, v6;
	v63 =	vor.u32 $0x1, v5  }
0x166: {  	v47 =	vor.u32 $0x2, v43;
	[tilespmem:v37+s11+$0x0] =	vst.idx.msk $0xffff, v39  }
0x167: {  	[tilespmem:v61+s11+$0x0] =	vst.idx.msk $0xffff, v0  }
0x168: {  	v48 =	vor.u32 $0x2, v45;
	[tilespmem:v3+s11+$0x0] =	vst.idx.msk $0xffff, v2;
	v1 =	vld.idx.msk [tilespmem:v62+s9+$0x0], $0xffff  }
0x169: {  	v50 =	vor.u32 $0x4, v24;
	v53 =	vld [tilespmem:$0x1FFE0]  }
0x16a: {  	v4 =	vor.u32 $0x2, v4;
	v3 =	vor.u32 $0x4, v27;
	v51 =	vld.idx.msk [tilespmem:v63+s9+$0x0], $0xffff  }
0x16b: {  	v7 =	vor.u32 $0x5, v13;
	v6 =	vld.idx.msk [tilespmem:v47+s9+$0x0], $0xffff;
	v5 =	vor.u32 $0x2, v5  }
0x16c: {  	v57 =	vld.idx.msk [tilespmem:v42+s3+$0x0], $0xffff;
	[tilespmem:v19+s11+$0x0] =	vst.idx.msk $0xffff, v54  }
0x16d: {  	v52 =	vor.u32 $0x5, v12;
	v0 =	vld.idx.msk [tilespmem:v48+s9+$0x0], $0xffff;
	[tilespmem:v49+s11+$0x0] =	vst.idx.msk $0xffff, v46  }
0x16e: {  	v62 =	vld.idx.msk [tilespmem:v40+s3+$0x0], $0xffff;
	v21 =	vor.u32 v53, v21;
	[tilespmem:v50+s11+$0x0] =	vst.idx.msk $0xffff, v1  }
0x16f: {  	v55 =	vor.u32 v53, v18;
	[tilespmem:v3+s11+$0x0] =	vst.idx.msk $0xffff, v51;
	v3 =	vor.u32 $0x5, v24;
	v2 =	vld.idx.msk [tilespmem:v4+s9+$0x0], $0xffff  }
0x170: {  	[tilespmem:v7+s11+$0x0] =	vst.idx.msk $0xffff, v6;
	v56 =	vor.u32 v53, v26;
	v4 =	vld.idx.msk [tilespmem:v5+s9+$0x0], $0xffff;
	v5 =	vor.u32 $0x5, v27  }
0x171: {  	[tilespmem:v44+s11+$0x0] =	vst.idx.msk $0xffff, v57;
	v58 =	vld.idx.msk [tilespmem:v29+s9+$0x0], $0xffff;
	v25 =	vor.u32 v53, v25  }
0x172: {  	v37 =	vor.u32 $0x6, v8;
	v34 =	vor.u32 $0x1, v29;
	v35 =	vld.idx.msk [tilespmem:v36+s9+$0x0], $0xffff;
	[tilespmem:v52+s11+$0x0] =	vst.idx.msk $0xffff, v0  }
0x173: {  	v39 =	vor.u32 $0x1, v36;
	[tilespmem:v33+s11+$0x0] =	vst.idx.msk $0xffff, v62;
	v59 =	vld.idx.msk [tilespmem:v21+s3+$0x0], $0xffff  }
0x174: {  	v6 =	vor.u32 $0xA, v12;
	v7 =	vshll.u32 v16, $0x3;
	v1 =	vld.idx.msk [tilespmem:v55+s3+$0x0], $0xffff;
	[tilespmem:v3+s11+$0x0] =	vst.idx.msk $0xffff, v2  }
0x175: {  	v60 =	vshll.u32 v17, $0x3;
	[tilespmem:v5+s11+$0x0] =	vst.idx.msk $0xffff, v4;
	v3 =	vld.idx.msk [tilespmem:v56+s3+$0x0], $0xffff  }
0x176: {  	v61 =	vshll.u32 v30, $0x3;
	[tilespmem:v41+s11+$0x0] =	vst.idx.msk $0xffff, v58;
	v5 =	vor.u32 $0xA, v27;
	v4 =	vld.idx.msk [tilespmem:v25+s3+$0x0], $0xffff  }
0x177: {  	v63 =	vshll.u32 v31, $0x3;
	v46 =	vor.u32 $0x7, v9;
	[tilespmem:v37+s11+$0x0] =	vst.idx.msk $0xffff, v35;
	v18 =	vld.idx.msk [tilespmem:v34+s9+$0x0], $0xffff  }
0x178: {  	v48 =	vor.u32 $0x7, v8;
	v0 =	vld.idx.msk [tilespmem:v39+s9+$0x0], $0xffff;
	[tilespmem:v20+s11+$0x0] =	vst.idx.msk $0xffff, v59  }
0x179: {  	v40 =	vor.u32 $0x6, v13;
	[tilespmem:v6+s11+$0x0] =	vst.idx.msk $0xffff, v1;
	v41 =	vld.idx.msk [tilespmem:v7+s9+$0x0], $0xffff  }
0x17a: {  	v43 =	vor.u32 $0x6, v12;
	v6 =	vld.idx.msk [tilespmem:v60+s9+$0x0], $0xffff;
	[tilespmem:v38+s11+$0x0] =	vst.idx.msk $0xffff, v3  }
0x17b: {  	v44 =	vor.u32 $0x6, v24;
	v42 =	vor.u32 $0x1, v7;
	[tilespmem:v5+s11+$0x0] =	vst.idx.msk $0xffff, v4;
	v30 =	vld.idx.msk [tilespmem:v61+s9+$0x0], $0xffff  }
0x17c: {  	v45 =	vor.u32 $0x6, v27;
	[tilespmem:v46+s11+$0x0] =	vst.idx.msk $0xffff, v18;
	v3 =	vor.u32 $0x1, v60;
	v5 =	vld.idx.msk [tilespmem:v63+s9+$0x0], $0xffff  }
0x17d: {  	[tilespmem:v48+s11+$0x0] =	vst.idx.msk $0xffff, v0  }
0x17e: {  	v4 =	vor.u32 $0x1, v61;
	[tilespmem:v40+s11+$0x0] =	vst.idx.msk $0xffff, v41  }
0x17f: {  	v47 =	vor.u32 $0x1, v63;
	[tilespmem:v43+s11+$0x0] =	vst.idx.msk $0xffff, v6  }
0x180: {  	v49 =	vor.u32 $0x2, v29;
	v51 =	vor.u32 $0x7, v13;
	v1 =	vld.idx.msk [tilespmem:v42+s9+$0x0], $0xffff;
	[tilespmem:v44+s11+$0x0] =	vst.idx.msk $0xffff, v30  }
0x181: {  	v3 =	vld.idx.msk [tilespmem:v3+s9+$0x0], $0xffff;
	[tilespmem:v45+s11+$0x0] =	vst.idx.msk $0xffff, v5  }
0x182: {  	v7 =	vor.u32 $0x2, v7;
	v6 =	vor.u32 $0x7, v12;
	v21 =	vld [tilespmem:$0x1FFF0]  }
0x183: {  	v52 =	vor.u32 $0x7, v24;
	v2 =	vor.u32 $0x2, v60;
	v4 =	vld.idx.msk [tilespmem:v4+s9+$0x0], $0xffff  }
0x184: {  	v10 =	vor.u32 $0x2, v61;
	v53 =	vor.u32 $0x7, v27;
	v5 =	vld.idx.msk [tilespmem:v47+s9+$0x0], $0xffff  }
0x185: {  	v17 =	vor.u32 $0x2, v63;
	v18 =	vld.idx.msk [tilespmem:v49+s9+$0x0], $0xffff;
	[tilespmem:v51+s11+$0x0] =	vst.idx.msk $0xffff, v1  }
0x186: {  	v54 =	vor.u32 $0x8, v9;
	v50 =	vor.u32 $0x2, v36;
	v1 =	vld [tilespmem:$0x1FEE0]  }
0x187: {  	v7 =	vld.idx.msk [tilespmem:v7+s9+$0x0], $0xffff;
	[tilespmem:v6+s11+$0x0] =	vst.idx.msk $0xffff, v3;
	v3 =	vor.u32 $0x8, v13;
	v11 =	vor.u32 v21, v11  }
0x188: {  	v56 =	vor.u32 $0x8, v12;
	v6 =	vor.u32 v21, v14;
	v2 =	vld.idx.msk [tilespmem:v2+s9+$0x0], $0xffff;
	[tilespmem:v52+s11+$0x0] =	vst.idx.msk $0xffff, v4  }
0x189: {  	v4 =	vor.u32 v21, v15;
	[tilespmem:v53+s11+$0x0] =	vst.idx.msk $0xffff, v5;
	v5 =	vor.u32 $0x8, v24;
	v10 =	vld.idx.msk [tilespmem:v10+s9+$0x0], $0xffff  }
0x18a: {  	v58 =	vor.u32 $0x8, v27;
	v57 =	vor.u32 v21, v23;
	v16 =	vld.idx.msk [tilespmem:v17+s9+$0x0], $0xffff  }
0x18b: {  	v55 =	vor.u32 $0x8, v8;
	v20 =	vld.idx.msk [tilespmem:v50+s9+$0x0], $0xffff;
	[tilespmem:v54+s11+$0x0] =	vst.idx.msk $0xffff, v18;
	v60 =	vor.u32 v21, v22  }
0x18c: {  	v59 =	vor.u32 $0xB, v9;
	v1 =	vor.u32 v21, v1;
	[tilespmem:v3+s11+$0x0] =	vst.idx.msk $0xffff, v7;
	v11 =	vld.idx.msk [tilespmem:v11+s3+$0x0], $0xffff  }
0x18d: {  	v3 =	vor.u32 $0xB, v13;
	v6 =	vld.idx.msk [tilespmem:v6+s3+$0x0], $0xffff;
	[tilespmem:v56+s11+$0x0] =	vst.idx.msk $0xffff, v2  }
0x18e: {  	v62 =	vor.u32 $0xB, v12;
	v4 =	vld.idx.msk [tilespmem:v4+s3+$0x0], $0xffff;
	[tilespmem:v5+s11+$0x0] =	vst.idx.msk $0xffff, v10  }
0x18f: {  	v5 =	vor.u32 $0xB, v24;
	[tilespmem:v58+s11+$0x0] =	vst.idx.msk $0xffff, v16;
	v0 =	vld.idx.msk [tilespmem:v57+s3+$0x0], $0xffff  }
0x190: {  	[tilespmem:v55+s11+$0x0] =	vst.idx.msk $0xffff, v20;
	v7 =	vor.u32 $0xB, v27;
	v63 =	vld.idx.msk [tilespmem:v60+s3+$0x0], $0xffff  }
0x191: {  	v61 =	vor.u32 $0xB, v8;
	v1 =	vld.idx.msk [tilespmem:v1+s3+$0x0], $0xffff;
	[tilespmem:v59+s11+$0x0] =	vst.idx.msk $0xffff, v11  }
0x192: {  	[tilespmem:v3+s11+$0x0] =	vst.idx.msk $0xffff, v6  }
0x193: {  	[tilespmem:v62+s11+$0x0] =	vst.idx.msk $0xffff, v4  }
0x194: {  	s12 =	sadd.s32 $0x1, s12;
	[tilespmem:v5+s11+$0x0] =	vst.idx.msk $0xffff, v0  }
0x195: {  	p0 =	sne.s32 s12, s7;
	[tilespmem:v7+s11+$0x0] =	vst.idx.msk $0xffff, v63  }
.Ltmp2:
0x196: {  	[tilespmem:v61+s11+$0x0] =	vst.idx.msk $0xffff, v1;
	(pc) =	sbr.rel @p0 .LBB2_1-.Ltmp2, $4  }
0x197: {  	[hbm4b:s6+s3] =	stream.linear.scatter [tilespmem:s11], [sflag:$0x2], $0x6200, $0x38;
	[tilespmem:$0x1ACC0] =	vst v63  }
0x198: {  	_ =	swait.ge [sflag:s8], $0x6200  }
0x199: {  	[sflag:s8] =	ssyncset.done $0x0  }
0x19a: {  	v4 =	vlaneseq.u32;
	[sflag:s8] =	ssyncadd.s32 $0xFFFF9E00  }
0x19b: {  	_ =	sfence.sel $0x180000  }
0x19c: {  	[bflag:$0x0] =	sbarrier.arrive $0xFFFF  }
0x19d: {  	p0 =	sne.s32 s0, $0x0;
	_ =	strace $0x9000004A  }
0x19e: {  	s0 =	sadd.s32 @!p0 $0x100000, s1;
	[bflag:$0x2] =	sbarrier.arrive $0xFFFF  }
0x19f: {  	[sflag:s0] =	ssyncadd.tile.s32 @!p0 $0x1;
	_ =	shalt  }
.Lfunc_end2:
_tile_overlayer_lowered:
.L_overlay_start_2:
0x1a0: {  	(tag) =	ssettag $0x2  }
0x1a1: {  	s0 =	rddreg [dreg:$0x0];
	s2 =	stileid.u32  }
0x1a2: {  	s1 =	rddreg [dreg:$0x1];
	p0 =	sne.s32 s2, $0x0  }
0x1a3: {  	s3 =	rddreg [dreg:$0x2];
	[bflag:$0x3] =	sbarrier.arrive $0xFFFF;
	s2 =	simm.s32 @!p0 $0x1C02  }
0x1a4: {  	[timem:s3], [sflag:s2] =	dma.local @!p0 [hbm:s0], s1  }
0x1a5: {  	s0 =	simm.s32 @!p0 $0x2  }
0x1a6: {  	_ =	swait.ge @!p0 [sflag:s0], s1  }
0x1a7: {  	s1 =	ssub.s32 @!p0 $0x0, s1;
	[sflag:s0] =	ssyncset.done @!p0 $0x0  }
0x1a8: {  	[sflag:s0] =	ssyncadd.s32 @!p0 s1  }
0x1a9: {  	[bflag:$0x3] =	sbarrier.arrive $0xFFFF  }
0x1aa: {  	_ =	shalt  }

</sc_bundles>
